<compile_context>
chip_gen: v7x
topology: tpu7x:2x2x1
jax: 0.10.2.dev20260603
libtpu: 0.0.44.dev20260713+nightly
codegen_flags: <defaults>
</compile_context>

<pallas_src>
import functools

import jax
import jax.numpy as jnp
from jax import lax
from jax.experimental import pallas as pl
from jax.experimental.pallas import tpu as pltpu
from jax.experimental.pallas import tpu_sc as plsc

N_TRACKS_C = 1000000
D_MODEL_C = 64
BATCH_C = 16384

NUM_CORES = 2
NUM_SUBCORES = 16
LANES = 16
NUM_WORKERS = NUM_CORES * NUM_SUBCORES
B_PER_W = BATCH_C // NUM_WORKERS
GROUPS = B_PER_W // LANES


def _body(users_hbm, tracks_hbm, first_hbm, ub0_hbm, ub1_hbm, table_hbm,
          out_hbm,
          uidx_v, tidx_v, fidx_v, t_blk, f_blk, ub0_v, ub1_v, out_v,
          sem_t, sem_f, sem_t2, sem_f2, sem_u0, sem_u1):
    wid = lax.axis_index("s") * NUM_CORES + lax.axis_index("c")
    base = wid * B_PER_W

    pltpu.sync_copy(tracks_hbm.at[pl.ds(base, B_PER_W)], tidx_v)
    pltpu.sync_copy(first_hbm.at[pl.ds(base, B_PER_W)], fidx_v)
    pltpu.sync_copy(users_hbm.at[pl.ds(base, B_PER_W)], uidx_v)

    c0 = pltpu.async_copy(ub0_hbm.at[uidx_v], ub0_v, sem_u0)
    c1 = pltpu.async_copy(ub1_hbm.at[uidx_v], ub1_v, sem_u1)

    iota = lax.iota(jnp.int32, LANES)
    c0.wait()
    c1.wait()

    sem_tp = [sem_t, sem_t2]
    sem_fp = [sem_f, sem_f2]

    def issue(g, p):
        gsl = pl.ds(g * LANES, LANES)
        tv = tidx_v[gsl]
        fv = fidx_v[gsl]
        for j in range(LANES):
            trow = pl.multiple_of((tv[j] >> 3) * 8, 8)
            frow = pl.multiple_of((fv[j] >> 3) * 8, 8)
            pltpu.async_copy(
                table_hbm.at[pl.ds(trow, 8), :],
                t_blk.at[p, pl.ds(j * 8, 8), :], sem_tp[p])
            pltpu.async_copy(
                table_hbm.at[pl.ds(frow, 8), :],
                f_blk.at[p, pl.ds(j * 8, 8), :], sem_fp[p])

    def drain_compute(g, p):
        pltpu.make_async_copy(
            table_hbm.at[pl.ds(0, LANES * 8), :],
            t_blk.at[p], sem_tp[p]).wait()
        pltpu.make_async_copy(
            table_hbm.at[pl.ds(0, LANES * 8), :],
            f_blk.at[p], sem_fp[p]).wait()
        gsl = pl.ds(g * LANES, LANES)
        tsub = (tidx_v[gsl] & 7) + iota * 8
        fsub = (fidx_v[gsl] & 7) + iota * 8
        t_b = t_blk.at[p]
        f_b = f_blk.at[p]

        def d_body(dd, acc):
            for k in range(4):
                dv = jnp.full((LANES,), dd * 4 + k, jnp.int32)
                fvv = plsc.load_gather(f_b, [fsub, dv])
                tvv = plsc.load_gather(t_b, [tsub, dv])
                acc = acc + fvv * tvv
            return acc

        acc = lax.fori_loop(0, D_MODEL_C // 4, d_body,
                            jnp.zeros((LANES,), jnp.float32))
        b0 = ub0_v[gsl]
        b1 = ub1_v[gsl]
        x = (acc - b0) * b1
        y = 1.0 / (1.0 + jnp.exp(-x))
        out_v[gsl] = y

    issue(0, 0)
    issue(1, 1)

    def pipe_body(h, carry):
        g = h * 2
        drain_compute(g, 0)

        @pl.when(g + 2 < GROUPS)
        def _():
            issue(g + 2, 0)

        drain_compute(g + 1, 1)

        @pl.when(g + 3 < GROUPS)
        def _():
            issue(g + 3, 1)

        return carry

    lax.fori_loop(0, GROUPS // 2, pipe_body, 0)
    pltpu.sync_copy(out_v, out_hbm.at[pl.ds(base, B_PER_W)])


@jax.jit
def _run(users, tracks, first_tracks, ub0, ub1, tracks_table):
    mesh = plsc.VectorSubcoreMesh(core_axis_name="c", subcore_axis_name="s")
    f = functools.partial(
        pl.kernel,
        out_type=jax.ShapeDtypeStruct((BATCH_C,), jnp.float32),
        mesh=mesh,
        compiler_params=pltpu.CompilerParams(
            needs_layout_passes=False, use_tc_tiling_on_sc=True),
        scratch_types=[
            pltpu.VMEM((B_PER_W,), jnp.int32),
            pltpu.VMEM((B_PER_W,), jnp.int32),
            pltpu.VMEM((B_PER_W,), jnp.int32),
            pltpu.VMEM((2, LANES * 8, D_MODEL_C), jnp.float32),
            pltpu.VMEM((2, LANES * 8, D_MODEL_C), jnp.float32),
            pltpu.VMEM((B_PER_W,), jnp.float32),
            pltpu.VMEM((B_PER_W,), jnp.float32),
            pltpu.VMEM((B_PER_W,), jnp.float32),
            pltpu.SemaphoreType.DMA,
            pltpu.SemaphoreType.DMA,
            pltpu.SemaphoreType.DMA,
            pltpu.SemaphoreType.DMA,
            pltpu.SemaphoreType.DMA,
            pltpu.SemaphoreType.DMA,
        ],
    )(_body)
    return f(users, tracks, first_tracks, ub0, ub1, tracks_table)


def kernel(users, tracks, first_tracks, user_bias, tracks_table):
    users = users.astype(jnp.int32)
    tracks = tracks.astype(jnp.int32)
    first_tracks = first_tracks.astype(jnp.int32)
    ub0 = user_bias[0]
    ub1 = user_bias[1]
    return _run(users, tracks, first_tracks, ub0, ub1, tracks_table)

# --- scband reference (transcript-rebuilt; emitter-appended) ---
"""Pipeline reference for scband-recommender-55207509623026 (READ-ONLY COPY).

The authoritative reference and input builder live on the scoring server;
editing this copy changes nothing except your own understanding.
"""

import jax, jax.numpy as jnp
import numpy as np

N_TRACKS = 1000000
N_USERS = 100000
D_MODEL = 64
BATCH = 16384

def setup_inputs(seed: int = 0) -> dict:
    key = jax.random.key(seed)
    k1, k2, k3, k4 = jax.random.split(key, 4)
    users = jax.random.randint(k1, (BATCH,), 0, N_USERS, dtype=jnp.int64) if jax.config.jax_enable_x64 else jax.random.randint(k1, (BATCH,), 0, N_USERS, dtype=jnp.int32)
    tracks = jax.random.randint(k2, (BATCH,), 0, N_TRACKS, dtype=jnp.int32)
    first_tracks = jax.random.randint(k3, (BATCH,), 0, N_TRACKS, dtype=jnp.int32)
    # Parameters: user_bias initialized as zeros with row 1 set to ones (matching torch init);
    # track embedding table ~ N(0,1) (nn.Embedding default init).
    user_bias = jnp.concatenate([jnp.zeros((1, N_USERS), dtype=jnp.float32), jnp.ones((1, N_USERS), dtype=jnp.float32)], axis=0)
    tracks_table = jax.random.normal(k4, (N_TRACKS, D_MODEL), dtype=jnp.float32)
    return {"users": users, "tracks": tracks, "first_tracks": first_tracks, "user_bias": user_bias, "tracks_table": tracks_table}

def reference(users, tracks, first_tracks, user_bias, tracks_table):
    first_track_embs = jnp.take(tracks_table, first_tracks, axis=0)
    track_embs = jnp.take(tracks_table, tracks, axis=0)
    x1 = jnp.sum(first_track_embs * track_embs, axis=1)
    ub = jnp.take(user_bias, users, axis=1)
    x2 = (x1 - ub[0]) * ub[1]
    x3 = jax.nn.sigmoid(x2)
    return x3

if __name__ == "__main__":
    import jax
    _d = setup_inputs()
    print(jax.jit(kernel)(*tuple(_d.values())))

</pallas_src>

<mosaic_0001>
#map = affine_map<(d0, d1) -> (0)>
#map1 = affine_map<(d0, d1) -> (0, 0)>
module attributes {stable_mosaic.version = 14 : i64} {
  func.func @_body(%arg0: i32, %arg1: i32, %arg2: memref<16384xi32, #tpu.memory_space<hbm>>, %arg3: memref<16384xi32, #tpu.memory_space<hbm>>, %arg4: memref<16384xi32, #tpu.memory_space<hbm>>, %arg5: memref<100000xf32, #tpu.memory_space<hbm>>, %arg6: memref<100000xf32, #tpu.memory_space<hbm>>, %arg7: memref<1000000x64xf32, #tpu.memory_space<hbm>>, %arg8: memref<16384xf32, #tpu.memory_space<hbm>>, %arg9: memref<512xi32, #tpu.memory_space<vmem>>, %arg10: memref<512xi32, #tpu.memory_space<vmem>>, %arg11: memref<512xi32, #tpu.memory_space<vmem>>, %arg12: memref<2x128x64xf32, #tpu.memory_space<vmem>>, %arg13: memref<2x128x64xf32, #tpu.memory_space<vmem>>, %arg14: memref<512xf32, #tpu.memory_space<vmem>>, %arg15: memref<512xf32, #tpu.memory_space<vmem>>, %arg16: memref<512xf32, #tpu.memory_space<vmem>>, %arg17: memref<!tpu.dma_semaphore, #tpu.memory_space<semaphore_mem>>, %arg18: memref<!tpu.dma_semaphore, #tpu.memory_space<semaphore_mem>>, %arg19: memref<!tpu.dma_semaphore, #tpu.memory_space<semaphore_mem>>, %arg20: memref<!tpu.dma_semaphore, #tpu.memory_space<semaphore_mem>>, %arg21: memref<!tpu.dma_semaphore, #tpu.memory_space<semaphore_mem>>, %arg22: memref<!tpu.dma_semaphore, #tpu.memory_space<semaphore_mem>>) attributes {dimension_semantics = [#tpu.dimension_semantics<core_parallel>, #tpu.dimension_semantics<subcore_parallel>], iteration_bounds = array<i64: 2, 16>, scalar_prefetch = 0 : i64, scratch_operands = 14 : i64, tpu.core_type = #tpu.core_type<sc_vector_subcore>, window_params = [{transform_indices = #map}, {transform_indices = #map}, {transform_indices = #map}, {transform_indices = #map}, {transform_indices = #map}, {transform_indices = #map1}, {transform_indices = #map}]} {
    %mul3A = arith.constant 2 : i32
    %mul3A_0 = arith.muli %arg1, %mul3A : i32
    %add3A = arith.addi %mul3A_0, %arg0 : i32
    %mul3A_1 = arith.constant 512 : i32
    %mul3A_2 = arith.muli %add3A, %mul3A_1 : i32
    "tpu.region"() ({
      %run_scoped3A = tpu.sem_alloc : memref<!tpu.dma_semaphore, #tpu.memory_space<semaphore_mem>>
      %dma_start3A_1297 = tpu.memref_slice %arg3[%mul3A_2] : memref<16384xi32, #tpu.memory_space<hbm>> -> memref<512xi32, #tpu.memory_space<hbm>>
      %dma_start3A_1298 = tpu.memref_slice %arg3[%mul3A_2] : memref<16384xi32, #tpu.memory_space<hbm>> -> memref<512xi32, #tpu.memory_space<hbm>>
      tpu.enqueue_dma source(%dma_start3A_1298 : memref<512xi32, #tpu.memory_space<hbm>>) target(%arg10 : memref<512xi32, #tpu.memory_space<vmem>>) target_semaphore(%run_scoped3A : memref<!tpu.dma_semaphore, #tpu.memory_space<semaphore_mem>>)
      %dma_wait3A_1299 = tpu.memref_slice %arg3[%mul3A_2] : memref<16384xi32, #tpu.memory_space<hbm>> -> memref<512xi32, #tpu.memory_space<hbm>>
      %dma_wait3A_1300 = tpu.memref_slice %arg3[%mul3A_2] : memref<16384xi32, #tpu.memory_space<hbm>> -> memref<512xi32, #tpu.memory_space<hbm>>
      tpu.wait_dma2 semaphore(%run_scoped3A : memref<!tpu.dma_semaphore, #tpu.memory_space<semaphore_mem>>) src(%dma_wait3A_1300 : memref<512xi32, #tpu.memory_space<hbm>>) dst(%arg10 : memref<512xi32, #tpu.memory_space<vmem>>)
      tpu.yield
    }) : () -> ()
    "tpu.region"() ({
      %run_scoped3A = tpu.sem_alloc : memref<!tpu.dma_semaphore, #tpu.memory_space<semaphore_mem>>
      %dma_start3A_1297 = tpu.memref_slice %arg4[%mul3A_2] : memref<16384xi32, #tpu.memory_space<hbm>> -> memref<512xi32, #tpu.memory_space<hbm>>
      %dma_start3A_1298 = tpu.memref_slice %arg4[%mul3A_2] : memref<16384xi32, #tpu.memory_space<hbm>> -> memref<512xi32, #tpu.memory_space<hbm>>
      tpu.enqueue_dma source(%dma_start3A_1298 : memref<512xi32, #tpu.memory_space<hbm>>) target(%arg11 : memref<512xi32, #tpu.memory_space<vmem>>) target_semaphore(%run_scoped3A : memref<!tpu.dma_semaphore, #tpu.memory_space<semaphore_mem>>)
      %dma_wait3A_1299 = tpu.memref_slice %arg4[%mul3A_2] : memref<16384xi32, #tpu.memory_space<hbm>> -> memref<512xi32, #tpu.memory_space<hbm>>
      %dma_wait3A_1300 = tpu.memref_slice %arg4[%mul3A_2] : memref<16384xi32, #tpu.memory_space<hbm>> -> memref<512xi32, #tpu.memory_space<hbm>>
      tpu.wait_dma2 semaphore(%run_scoped3A : memref<!tpu.dma_semaphore, #tpu.memory_space<semaphore_mem>>) src(%dma_wait3A_1300 : memref<512xi32, #tpu.memory_space<hbm>>) dst(%arg11 : memref<512xi32, #tpu.memory_space<vmem>>)
      tpu.yield
    }) : () -> ()
    "tpu.region"() ({
      %run_scoped3A = tpu.sem_alloc : memref<!tpu.dma_semaphore, #tpu.memory_space<semaphore_mem>>
      %dma_start3A_1297 = tpu.memref_slice %arg2[%mul3A_2] : memref<16384xi32, #tpu.memory_space<hbm>> -> memref<512xi32, #tpu.memory_space<hbm>>
      %dma_start3A_1298 = tpu.memref_slice %arg2[%mul3A_2] : memref<16384xi32, #tpu.memory_space<hbm>> -> memref<512xi32, #tpu.memory_space<hbm>>
      tpu.enqueue_dma source(%dma_start3A_1298 : memref<512xi32, #tpu.memory_space<hbm>>) target(%arg9 : memref<512xi32, #tpu.memory_space<vmem>>) target_semaphore(%run_scoped3A : memref<!tpu.dma_semaphore, #tpu.memory_space<semaphore_mem>>)
      %dma_wait3A_1299 = tpu.memref_slice %arg2[%mul3A_2] : memref<16384xi32, #tpu.memory_space<hbm>> -> memref<512xi32, #tpu.memory_space<hbm>>
      %dma_wait3A_1300 = tpu.memref_slice %arg2[%mul3A_2] : memref<16384xi32, #tpu.memory_space<hbm>> -> memref<512xi32, #tpu.memory_space<hbm>>
      tpu.wait_dma2 semaphore(%run_scoped3A : memref<!tpu.dma_semaphore, #tpu.memory_space<semaphore_mem>>) src(%dma_wait3A_1300 : memref<512xi32, #tpu.memory_space<hbm>>) dst(%arg9 : memref<512xi32, #tpu.memory_space<vmem>>)
      tpu.yield
    }) : () -> ()
    %dma_start3A = arith.constant 0 : i32
    %dma_start3A_3 = tpu.memref_slice %arg5[%dma_start3A] : memref<100000xf32, #tpu.memory_space<hbm>> -> memref<100000xf32, #tpu.memory_space<hbm>>
    tpu.enqueue_indirect_dma source(%dma_start3A_3 : memref<100000xf32, #tpu.memory_space<hbm>>) target(%arg14 : memref<512xf32, #tpu.memory_space<vmem>>) offsets(%arg9 : memref<512xi32, #tpu.memory_space<vmem>>) semaphore(%arg21 : memref<!tpu.dma_semaphore, #tpu.memory_space<semaphore_mem>>)
    %dma_start3A_4 = arith.constant 0 : i32
    %dma_start3A_5 = tpu.memref_slice %arg6[%dma_start3A_4] : memref<100000xf32, #tpu.memory_space<hbm>> -> memref<100000xf32, #tpu.memory_space<hbm>>
    tpu.enqueue_indirect_dma source(%dma_start3A_5 : memref<100000xf32, #tpu.memory_space<hbm>>) target(%arg15 : memref<512xf32, #tpu.memory_space<vmem>>) offsets(%arg9 : memref<512xi32, #tpu.memory_space<vmem>>) semaphore(%arg22 : memref<!tpu.dma_semaphore, #tpu.memory_space<semaphore_mem>>)
    %iota3A = tpu.iota {dimensions = array<i32: 0>} : vector<16xi32>
    %dma_wait3A = arith.constant 0 : i32
    %dma_wait3A_6 = tpu.memref_slice %arg5[%dma_wait3A] : memref<100000xf32, #tpu.memory_space<hbm>> -> memref<100000xf32, #tpu.memory_space<hbm>>
    tpu.wait_indirect_dma semaphore(%arg21 : memref<!tpu.dma_semaphore, #tpu.memory_space<semaphore_mem>>) src(%dma_wait3A_6 : memref<100000xf32, #tpu.memory_space<hbm>>) dst(%arg14 : memref<512xf32, #tpu.memory_space<vmem>>)
    %dma_wait3A_7 = arith.constant 0 : i32
    %dma_wait3A_8 = tpu.memref_slice %arg6[%dma_wait3A_7] : memref<100000xf32, #tpu.memory_space<hbm>> -> memref<100000xf32, #tpu.memory_space<hbm>>
    tpu.wait_indirect_dma semaphore(%arg22 : memref<!tpu.dma_semaphore, #tpu.memory_space<semaphore_mem>>) src(%dma_wait3A_8 : memref<100000xf32, #tpu.memory_space<hbm>>) dst(%arg15 : memref<512xf32, #tpu.memory_space<vmem>>)
    %get3A = arith.constant 0 : index
    %get3A_9 = tpu.vector_load %arg10[%get3A] {strides = array<i32>} : memref<512xi32, #tpu.memory_space<vmem>>, vector<16xi32>,
    %get3A_10 = arith.constant 0 : index
    %get3A_11 = tpu.vector_load %arg11[%get3A_10] {strides = array<i32>} : memref<512xi32, #tpu.memory_space<vmem>>, vector<16xi32>,
    %slice3A = vector.extract_strided_slice %get3A_9 {offsets = [0], sizes = [1], strides = [1]} : vector<16xi32> to vector<1xi32>
    %squeeze3A = vector.extract %slice3A[0] : i32 from vector<1xi32>
    %shift_right_arithmetic3A = arith.constant 3 : i32
    %shift_right_arithmetic3A_12 = arith.shrsi %squeeze3A, %shift_right_arithmetic3A : i32
    %mul3A_13 = arith.constant 8 : i32
    %mul3A_14 = arith.muli %shift_right_arithmetic3A_12, %mul3A_13 : i32
    %multiple_of3A = tpu.assume_multiple %mul3A_14, 8 : i32
    %slice3A_15 = vector.extract_strided_slice %get3A_11 {offsets = [0], sizes = [1], strides = [1]} : vector<16xi32> to vector<1xi32>
    %squeeze3A_16 = vector.extract %slice3A_15[0] : i32 from vector<1xi32>
    %shift_right_arithmetic3A_17 = arith.constant 3 : i32
    %shift_right_arithmetic3A_18 = arith.shrsi %squeeze3A_16, %shift_right_arithmetic3A_17 : i32
    %mul3A_19 = arith.constant 8 : i32
    %mul3A_20 = arith.muli %shift_right_arithmetic3A_18, %mul3A_19 : i32
    %multiple_of3A_21 = tpu.assume_multiple %mul3A_20, 8 : i32
    %dma_start3A_22 = arith.constant 0 : i32
    %dma_start3A_23 = arith.constant 0 : i32
    %dma_start3A_24 = arith.constant 0 : i32
    %dma_start3A_25 = tpu.memref_slice %arg12[%dma_start3A_22, %dma_start3A_23, %dma_start3A_24] : memref<2x128x64xf32, #tpu.memory_space<vmem>> -> memref<1x8x64xf32, #tpu.memory_space<vmem>>
    %dma_start3A_26 = tpu.memref_squeeze %dma_start3A_25 : memref<1x8x64xf32, #tpu.memory_space<vmem>> -> memref<8x64xf32, #tpu.memory_space<vmem>>
    %dma_start3A_27 = arith.constant 0 : i32
    %dma_start3A_28 = tpu.memref_slice %arg7[%multiple_of3A, %dma_start3A_27] : memref<1000000x64xf32, #tpu.memory_space<hbm>> -> memref<8x64xf32, #tpu.memory_space<hbm>>
    %dma_start3A_29 = arith.constant 0 : i32
    %dma_start3A_30 = arith.constant 0 : i32
    %dma_start3A_31 = tpu.memref_slice %arg12[%dma_start3A_22, %dma_start3A_29, %dma_start3A_30] : memref<2x128x64xf32, #tpu.memory_space<vmem>> -> memref<1x8x64xf32, #tpu.memory_space<vmem>>
    %dma_start3A_32 = tpu.memref_squeeze %dma_start3A_31 : memref<1x8x64xf32, #tpu.memory_space<vmem>> -> memref<8x64xf32, #tpu.memory_space<vmem>>
    %dma_start3A_33 = arith.constant 0 : i32
    %dma_start3A_34 = tpu.memref_slice %arg7[%multiple_of3A, %dma_start3A_33] : memref<1000000x64xf32, #tpu.memory_space<hbm>> -> memref<8x64xf32, #tpu.memory_space<hbm>>
    tpu.enqueue_dma source(%dma_start3A_34 : memref<8x64xf32, #tpu.memory_space<hbm>>) target(%dma_start3A_32 : memref<8x64xf32, #tpu.memory_space<vmem>>) target_semaphore(%arg17 : memref<!tpu.dma_semaphore, #tpu.memory_space<semaphore_mem>>)
    %dma_start3A_35 = arith.constant 0 : i32
    %dma_start3A_36 = arith.constant 0 : i32
    %dma_start3A_37 = arith.constant 0 : i32
    %dma_start3A_38 = tpu.memref_slice %arg13[%dma_start3A_35, %dma_start3A_36, %dma_start3A_37] : memref<2x128x64xf32, #tpu.memory_space<vmem>> -> memref<1x8x64xf32, #tpu.memory_space<vmem>>
    %dma_start3A_39 = tpu.memref_squeeze %dma_start3A_38 : memref<1x8x64xf32, #tpu.memory_space<vmem>> -> memref<8x64xf32, #tpu.memory_space<vmem>>
    %dma_start3A_40 = arith.constant 0 : i32
    %dma_start3A_41 = tpu.memref_slice %arg7[%multiple_of3A_21, %dma_start3A_40] : memref<1000000x64xf32, #tpu.memory_space<hbm>> -> memref<8x64xf32, #tpu.memory_space<hbm>>
    %dma_start3A_42 = arith.constant 0 : i32
    %dma_start3A_43 = arith.constant 0 : i32
    %dma_start3A_44 = tpu.memref_slice %arg13[%dma_start3A_35, %dma_start3A_42, %dma_start3A_43] : memref<2x128x64xf32, #tpu.memory_space<vmem>> -> memref<1x8x64xf32, #tpu.memory_space<vmem>>
    %dma_start3A_45 = tpu.memref_squeeze %dma_start3A_44 : memref<1x8x64xf32, #tpu.memory_space<vmem>> -> memref<8x64xf32, #tpu.memory_space<vmem>>
    %dma_start3A_46 = arith.constant 0 : i32
    %dma_start3A_47 = tpu.memref_slice %arg7[%multiple_of3A_21, %dma_start3A_46] : memref<1000000x64xf32, #tpu.memory_space<hbm>> -> memref<8x64xf32, #tpu.memory_space<hbm>>
    tpu.enqueue_dma source(%dma_start3A_47 : memref<8x64xf32, #tpu.memory_space<hbm>>) target(%dma_start3A_45 : memref<8x64xf32, #tpu.memory_space<vmem>>) target_semaphore(%arg18 : memref<!tpu.dma_semaphore, #tpu.memory_space<semaphore_mem>>)
    %slice3A_48 = vector.extract_strided_slice %get3A_9 {offsets = [1], sizes = [1], strides = [1]} : vector<16xi32> to vector<1xi32>
    %squeeze3A_49 = vector.extract %slice3A_48[0] : i32 from vector<1xi32>
    %shift_right_arithmetic3A_50 = arith.constant 3 : i32
    %shift_right_arithmetic3A_51 = arith.shrsi %squeeze3A_49, %shift_right_arithmetic3A_50 : i32
    %mul3A_52 = arith.constant 8 : i32
    %mul3A_53 = arith.muli %shift_right_arithmetic3A_51, %mul3A_52 : i32
    %multiple_of3A_54 = tpu.assume_multiple %mul3A_53, 8 : i32
    %slice3A_55 = vector.extract_strided_slice %get3A_11 {offsets = [1], sizes = [1], strides = [1]} : vector<16xi32> to vector<1xi32>
    %squeeze3A_56 = vector.extract %slice3A_55[0] : i32 from vector<1xi32>
    %shift_right_arithmetic3A_57 = arith.constant 3 : i32
    %shift_right_arithmetic3A_58 = arith.shrsi %squeeze3A_56, %shift_right_arithmetic3A_57 : i32
    %mul3A_59 = arith.constant 8 : i32
    %mul3A_60 = arith.muli %shift_right_arithmetic3A_58, %mul3A_59 : i32
    %multiple_of3A_61 = tpu.assume_multiple %mul3A_60, 8 : i32
    %dma_start3A_62 = arith.constant 0 : i32
    %dma_start3A_63 = arith.constant 8 : i32
    %dma_start3A_64 = arith.constant 0 : i32
    %dma_start3A_65 = tpu.memref_slice %arg12[%dma_start3A_62, %dma_start3A_63, %dma_start3A_64] : memref<2x128x64xf32, #tpu.memory_space<vmem>> -> memref<1x8x64xf32, #tpu.memory_space<vmem>>
    %dma_start3A_66 = tpu.memref_squeeze %dma_start3A_65 : memref<1x8x64xf32, #tpu.memory_space<vmem>> -> memref<8x64xf32, #tpu.memory_space<vmem>>
    %dma_start3A_67 = arith.constant 0 : i32
    %dma_start3A_68 = tpu.memref_slice %arg7[%multiple_of3A_54, %dma_start3A_67] : memref<1000000x64xf32, #tpu.memory_space<hbm>> -> memref<8x64xf32, #tpu.memory_space<hbm>>
    %dma_start3A_69 = arith.constant 8 : i32
    %dma_start3A_70 = arith.constant 0 : i32
    %dma_start3A_71 = tpu.memref_slice %arg12[%dma_start3A_62, %dma_start3A_69, %dma_start3A_70] : memref<2x128x64xf32, #tpu.memory_space<vmem>> -> memref<1x8x64xf32, #tpu.memory_space<vmem>>
    %dma_start3A_72 = tpu.memref_squeeze %dma_start3A_71 : memref<1x8x64xf32, #tpu.memory_space<vmem>> -> memref<8x64xf32, #tpu.memory_space<vmem>>
    %dma_start3A_73 = arith.constant 0 : i32
    %dma_start3A_74 = tpu.memref_slice %arg7[%multiple_of3A_54, %dma_start3A_73] : memref<1000000x64xf32, #tpu.memory_space<hbm>> -> memref<8x64xf32, #tpu.memory_space<hbm>>
    tpu.enqueue_dma source(%dma_start3A_74 : memref<8x64xf32, #tpu.memory_space<hbm>>) target(%dma_start3A_72 : memref<8x64xf32, #tpu.memory_space<vmem>>) target_semaphore(%arg17 : memref<!tpu.dma_semaphore, #tpu.memory_space<semaphore_mem>>)
    %dma_start3A_75 = arith.constant 0 : i32
    %dma_start3A_76 = arith.constant 8 : i32
    %dma_start3A_77 = arith.constant 0 : i32
    %dma_start3A_78 = tpu.memref_slice %arg13[%dma_start3A_75, %dma_start3A_76, %dma_start3A_77] : memref<2x128x64xf32, #tpu.memory_space<vmem>> -> memref<1x8x64xf32, #tpu.memory_space<vmem>>
    %dma_start3A_79 = tpu.memref_squeeze %dma_start3A_78 : memref<1x8x64xf32, #tpu.memory_space<vmem>> -> memref<8x64xf32, #tpu.memory_space<vmem>>
    %dma_start3A_80 = arith.constant 0 : i32
    %dma_start3A_81 = tpu.memref_slice %arg7[%multiple_of3A_61, %dma_start3A_80] : memref<1000000x64xf32, #tpu.memory_space<hbm>> -> memref<8x64xf32, #tpu.memory_space<hbm>>
    %dma_start3A_82 = arith.constant 8 : i32
    %dma_start3A_83 = arith.constant 0 : i32
    %dma_start3A_84 = tpu.memref_slice %arg13[%dma_start3A_75, %dma_start3A_82, %dma_start3A_83] : memref<2x128x64xf32, #tpu.memory_space<vmem>> -> memref<1x8x64xf32, #tpu.memory_space<vmem>>
    %dma_start3A_85 = tpu.memref_squeeze %dma_start3A_84 : memref<1x8x64xf32, #tpu.memory_space<vmem>> -> memref<8x64xf32, #tpu.memory_space<vmem>>
    %dma_start3A_86 = arith.constant 0 : i32
    %dma_start3A_87 = tpu.memref_slice %arg7[%multiple_of3A_61, %dma_start3A_86] : memref<1000000x64xf32, #tpu.memory_space<hbm>> -> memref<8x64xf32, #tpu.memory_space<hbm>>
    tpu.enqueue_dma source(%dma_start3A_87 : memref<8x64xf32, #tpu.memory_space<hbm>>) target(%dma_start3A_85 : memref<8x64xf32, #tpu.memory_space<vmem>>) target_semaphore(%arg18 : memref<!tpu.dma_semaphore, #tpu.memory_space<semaphore_mem>>)
    %slice3A_88 = vector.extract_strided_slice %get3A_9 {offsets = [2], sizes = [1], strides = [1]} : vector<16xi32> to vector<1xi32>
    %squeeze3A_89 = vector.extract %slice3A_88[0] : i32 from vector<1xi32>
    %shift_right_arithmetic3A_90 = arith.constant 3 : i32
    %shift_right_arithmetic3A_91 = arith.shrsi %squeeze3A_89, %shift_right_arithmetic3A_90 : i32
    %mul3A_92 = arith.constant 8 : i32
    %mul3A_93 = arith.muli %shift_right_arithmetic3A_91, %mul3A_92 : i32
    %multiple_of3A_94 = tpu.assume_multiple %mul3A_93, 8 : i32
    %slice3A_95 = vector.extract_strided_slice %get3A_11 {offsets = [2], sizes = [1], strides = [1]} : vector<16xi32> to vector<1xi32>
    %squeeze3A_96 = vector.extract %slice3A_95[0] : i32 from vector<1xi32>
    %shift_right_arithmetic3A_97 = arith.constant 3 : i32
    %shift_right_arithmetic3A_98 = arith.shrsi %squeeze3A_96, %shift_right_arithmetic3A_97 : i32
    %mul3A_99 = arith.constant 8 : i32
    %mul3A_100 = arith.muli %shift_right_arithmetic3A_98, %mul3A_99 : i32
    %multiple_of3A_101 = tpu.assume_multiple %mul3A_100, 8 : i32
    %dma_start3A_102 = arith.constant 0 : i32
    %dma_start3A_103 = arith.constant 16 : i32
    %dma_start3A_104 = arith.constant 0 : i32
    %dma_start3A_105 = tpu.memref_slice %arg12[%dma_start3A_102, %dma_start3A_103, %dma_start3A_104] : memref<2x128x64xf32, #tpu.memory_space<vmem>> -> memref<1x8x64xf32, #tpu.memory_space<vmem>>
    %dma_start3A_106 = tpu.memref_squeeze %dma_start3A_105 : memref<1x8x64xf32, #tpu.memory_space<vmem>> -> memref<8x64xf32, #tpu.memory_space<vmem>>
    %dma_start3A_107 = arith.constant 0 : i32
    %dma_start3A_108 = tpu.memref_slice %arg7[%multiple_of3A_94, %dma_start3A_107] : memref<1000000x64xf32, #tpu.memory_space<hbm>> -> memref<8x64xf32, #tpu.memory_space<hbm>>
    %dma_start3A_109 = arith.constant 16 : i32
    %dma_start3A_110 = arith.constant 0 : i32
    %dma_start3A_111 = tpu.memref_slice %arg12[%dma_start3A_102, %dma_start3A_109, %dma_start3A_110] : memref<2x128x64xf32, #tpu.memory_space<vmem>> -> memref<1x8x64xf32, #tpu.memory_space<vmem>>
    %dma_start3A_112 = tpu.memref_squeeze %dma_start3A_111 : memref<1x8x64xf32, #tpu.memory_space<vmem>> -> memref<8x64xf32, #tpu.memory_space<vmem>>
    %dma_start3A_113 = arith.constant 0 : i32
    %dma_start3A_114 = tpu.memref_slice %arg7[%multiple_of3A_94, %dma_start3A_113] : memref<1000000x64xf32, #tpu.memory_space<hbm>> -> memref<8x64xf32, #tpu.memory_space<hbm>>
    tpu.enqueue_dma source(%dma_start3A_114 : memref<8x64xf32, #tpu.memory_space<hbm>>) target(%dma_start3A_112 : memref<8x64xf32, #tpu.memory_space<vmem>>) target_semaphore(%arg17 : memref<!tpu.dma_semaphore, #tpu.memory_space<semaphore_mem>>)
    %dma_start3A_115 = arith.constant 0 : i32
    %dma_start3A_116 = arith.constant 16 : i32
    %dma_start3A_117 = arith.constant 0 : i32
    %dma_start3A_118 = tpu.memref_slice %arg13[%dma_start3A_115, %dma_start3A_116, %dma_start3A_117] : memref<2x128x64xf32, #tpu.memory_space<vmem>> -> memref<1x8x64xf32, #tpu.memory_space<vmem>>
    %dma_start3A_119 = tpu.memref_squeeze %dma_start3A_118 : memref<1x8x64xf32, #tpu.memory_space<vmem>> -> memref<8x64xf32, #tpu.memory_space<vmem>>
    %dma_start3A_120 = arith.constant 0 : i32
    %dma_start3A_121 = tpu.memref_slice %arg7[%multiple_of3A_101, %dma_start3A_120] : memref<1000000x64xf32, #tpu.memory_space<hbm>> -> memref<8x64xf32, #tpu.memory_space<hbm>>
    %dma_start3A_122 = arith.constant 16 : i32
    %dma_start3A_123 = arith.constant 0 : i32
    %dma_start3A_124 = tpu.memref_slice %arg13[%dma_start3A_115, %dma_start3A_122, %dma_start3A_123] : memref<2x128x64xf32, #tpu.memory_space<vmem>> -> memref<1x8x64xf32, #tpu.memory_space<vmem>>
    %dma_start3A_125 = tpu.memref_squeeze %dma_start3A_124 : memref<1x8x64xf32, #tpu.memory_space<vmem>> -> memref<8x64xf32, #tpu.memory_space<vmem>>
    %dma_start3A_126 = arith.constant 0 : i32
    %dma_start3A_127 = tpu.memref_slice %arg7[%multiple_of3A_101, %dma_start3A_126] : memref<1000000x64xf32, #tpu.memory_space<hbm>> -> memref<8x64xf32, #tpu.memory_space<hbm>>
    tpu.enqueue_dma source(%dma_start3A_127 : memref<8x64xf32, #tpu.memory_space<hbm>>) target(%dma_start3A_125 : memref<8x64xf32, #tpu.memory_space<vmem>>) target_semaphore(%arg18 : memref<!tpu.dma_semaphore, #tpu.memory_space<semaphore_mem>>)
    %slice3A_128 = vector.extract_strided_slice %get3A_9 {offsets = [3], sizes = [1], strides = [1]} : vector<16xi32> to vector<1xi32>
    %squeeze3A_129 = vector.extract %slice3A_128[0] : i32 from vector<1xi32>
    %shift_right_arithmetic3A_130 = arith.constant 3 : i32
    %shift_right_arithmetic3A_131 = arith.shrsi %squeeze3A_129, %shift_right_arithmetic3A_130 : i32
    %mul3A_132 = arith.constant 8 : i32
    %mul3A_133 = arith.muli %shift_right_arithmetic3A_131, %mul3A_132 : i32
    %multiple_of3A_134 = tpu.assume_multiple %mul3A_133, 8 : i32
    %slice3A_135 = vector.extract_strided_slice %get3A_11 {offsets = [3], sizes = [1], strides = [1]} : vector<16xi32> to vector<1xi32>
    %squeeze3A_136 = vector.extract %slice3A_135[0] : i32 from vector<1xi32>
    %shift_right_arithmetic3A_137 = arith.constant 3 : i32
    %shift_right_arithmetic3A_138 = arith.shrsi %squeeze3A_136, %shift_right_arithmetic3A_137 : i32
    %mul3A_139 = arith.constant 8 : i32
    %mul3A_140 = arith.muli %shift_right_arithmetic3A_138, %mul3A_139 : i32
    %multiple_of3A_141 = tpu.assume_multiple %mul3A_140, 8 : i32
    %dma_start3A_142 = arith.constant 0 : i32
    %dma_start3A_143 = arith.constant 24 : i32
    %dma_start3A_144 = arith.constant 0 : i32
    %dma_start3A_145 = tpu.memref_slice %arg12[%dma_start3A_142, %dma_start3A_143, %dma_start3A_144] : memref<2x128x64xf32, #tpu.memory_space<vmem>> -> memref<1x8x64xf32, #tpu.memory_space<vmem>>
    %dma_start3A_146 = tpu.memref_squeeze %dma_start3A_145 : memref<1x8x64xf32, #tpu.memory_space<vmem>> -> memref<8x64xf32, #tpu.memory_space<vmem>>
    %dma_start3A_147 = arith.constant 0 : i32
    %dma_start3A_148 = tpu.memref_slice %arg7[%multiple_of3A_134, %dma_start3A_147] : memref<1000000x64xf32, #tpu.memory_space<hbm>> -> memref<8x64xf32, #tpu.memory_space<hbm>>
    %dma_start3A_149 = arith.constant 24 : i32
    %dma_start3A_150 = arith.constant 0 : i32
    %dma_start3A_151 = tpu.memref_slice %arg12[%dma_start3A_142, %dma_start3A_149, %dma_start3A_150] : memref<2x128x64xf32, #tpu.memory_space<vmem>> -> memref<1x8x64xf32, #tpu.memory_space<vmem>>
    %dma_start3A_152 = tpu.memref_squeeze %dma_start3A_151 : memref<1x8x64xf32, #tpu.memory_space<vmem>> -> memref<8x64xf32, #tpu.memory_space<vmem>>
    %dma_start3A_153 = arith.constant 0 : i32
    %dma_start3A_154 = tpu.memref_slice %arg7[%multiple_of3A_134, %dma_start3A_153] : memref<1000000x64xf32, #tpu.memory_space<hbm>> -> memref<8x64xf32, #tpu.memory_space<hbm>>
    tpu.enqueue_dma source(%dma_start3A_154 : memref<8x64xf32, #tpu.memory_space<hbm>>) target(%dma_start3A_152 : memref<8x64xf32, #tpu.memory_space<vmem>>) target_semaphore(%arg17 : memref<!tpu.dma_semaphore, #tpu.memory_space<semaphore_mem>>)
    %dma_start3A_155 = arith.constant 0 : i32
    %dma_start3A_156 = arith.constant 24 : i32
    %dma_start3A_157 = arith.constant 0 : i32
    %dma_start3A_158 = tpu.memref_slice %arg13[%dma_start3A_155, %dma_start3A_156, %dma_start3A_157] : memref<2x128x64xf32, #tpu.memory_space<vmem>> -> memref<1x8x64xf32, #tpu.memory_space<vmem>>
    %dma_start3A_159 = tpu.memref_squeeze %dma_start3A_158 : memref<1x8x64xf32, #tpu.memory_space<vmem>> -> memref<8x64xf32, #tpu.memory_space<vmem>>
    %dma_start3A_160 = arith.constant 0 : i32
    %dma_start3A_161 = tpu.memref_slice %arg7[%multiple_of3A_141, %dma_start3A_160] : memref<1000000x64xf32, #tpu.memory_space<hbm>> -> memref<8x64xf32, #tpu.memory_space<hbm>>
    %dma_start3A_162 = arith.constant 24 : i32
    %dma_start3A_163 = arith.constant 0 : i32
    %dma_start3A_164 = tpu.memref_slice %arg13[%dma_start3A_155, %dma_start3A_162, %dma_start3A_163] : memref<2x128x64xf32, #tpu.memory_space<vmem>> -> memref<1x8x64xf32, #tpu.memory_space<vmem>>
    %dma_start3A_165 = tpu.memref_squeeze %dma_start3A_164 : memref<1x8x64xf32, #tpu.memory_space<vmem>> -> memref<8x64xf32, #tpu.memory_space<vmem>>
    %dma_start3A_166 = arith.constant 0 : i32
    %dma_start3A_167 = tpu.memref_slice %arg7[%multiple_of3A_141, %dma_start3A_166] : memref<1000000x64xf32, #tpu.memory_space<hbm>> -> memref<8x64xf32, #tpu.memory_space<hbm>>
    tpu.enqueue_dma source(%dma_start3A_167 : memref<8x64xf32, #tpu.memory_space<hbm>>) target(%dma_start3A_165 : memref<8x64xf32, #tpu.memory_space<vmem>>) target_semaphore(%arg18 : memref<!tpu.dma_semaphore, #tpu.memory_space<semaphore_mem>>)
    %slice3A_168 = vector.extract_strided_slice %get3A_9 {offsets = [4], sizes = [1], strides = [1]} : vector<16xi32> to vector<1xi32>
    %squeeze3A_169 = vector.extract %slice3A_168[0] : i32 from vector<1xi32>
    %shift_right_arithmetic3A_170 = arith.constant 3 : i32
    %shift_right_arithmetic3A_171 = arith.shrsi %squeeze3A_169, %shift_right_arithmetic3A_170 : i32
    %mul3A_172 = arith.constant 8 : i32
    %mul3A_173 = arith.muli %shift_right_arithmetic3A_171, %mul3A_172 : i32
    %multiple_of3A_174 = tpu.assume_multiple %mul3A_173, 8 : i32
    %slice3A_175 = vector.extract_strided_slice %get3A_11 {offsets = [4], sizes = [1], strides = [1]} : vector<16xi32> to vector<1xi32>
    %squeeze3A_176 = vector.extract %slice3A_175[0] : i32 from vector<1xi32>
    %shift_right_arithmetic3A_177 = arith.constant 3 : i32
    %shift_right_arithmetic3A_178 = arith.shrsi %squeeze3A_176, %shift_right_arithmetic3A_177 : i32
    %mul3A_179 = arith.constant 8 : i32
    %mul3A_180 = arith.muli %shift_right_arithmetic3A_178, %mul3A_179 : i32
    %multiple_of3A_181 = tpu.assume_multiple %mul3A_180, 8 : i32
    %dma_start3A_182 = arith.constant 0 : i32
    %dma_start3A_183 = arith.constant 32 : i32
    %dma_start3A_184 = arith.constant 0 : i32
    %dma_start3A_185 = tpu.memref_slice %arg12[%dma_start3A_182, %dma_start3A_183, %dma_start3A_184] : memref<2x128x64xf32, #tpu.memory_space<vmem>> -> memref<1x8x64xf32, #tpu.memory_space<vmem>>
    %dma_start3A_186 = tpu.memref_squeeze %dma_start3A_185 : memref<1x8x64xf32, #tpu.memory_space<vmem>> -> memref<8x64xf32, #tpu.memory_space<vmem>>
    %dma_start3A_187 = arith.constant 0 : i32
    %dma_start3A_188 = tpu.memref_slice %arg7[%multiple_of3A_174, %dma_start3A_187] : memref<1000000x64xf32, #tpu.memory_space<hbm>> -> memref<8x64xf32, #tpu.memory_space<hbm>>
    %dma_start3A_189 = arith.constant 32 : i32
    %dma_start3A_190 = arith.constant 0 : i32
    %dma_start3A_191 = tpu.memref_slice %arg12[%dma_start3A_182, %dma_start3A_189, %dma_start3A_190] : memref<2x128x64xf32, #tpu.memory_space<vmem>> -> memref<1x8x64xf32, #tpu.memory_space<vmem>>
    %dma_start3A_192 = tpu.memref_squeeze %dma_start3A_191 : memref<1x8x64xf32, #tpu.memory_space<vmem>> -> memref<8x64xf32, #tpu.memory_space<vmem>>
    %dma_start3A_193 = arith.constant 0 : i32
    %dma_start3A_194 = tpu.memref_slice %arg7[%multiple_of3A_174, %dma_start3A_193] : memref<1000000x64xf32, #tpu.memory_space<hbm>> -> memref<8x64xf32, #tpu.memory_space<hbm>>
    tpu.enqueue_dma source(%dma_start3A_194 : memref<8x64xf32, #tpu.memory_space<hbm>>) target(%dma_start3A_192 : memref<8x64xf32, #tpu.memory_space<vmem>>) target_semaphore(%arg17 : memref<!tpu.dma_semaphore, #tpu.memory_space<semaphore_mem>>)
    %dma_start3A_195 = arith.constant 0 : i32
    %dma_start3A_196 = arith.constant 32 : i32
    %dma_start3A_197 = arith.constant 0 : i32
    %dma_start3A_198 = tpu.memref_slice %arg13[%dma_start3A_195, %dma_start3A_196, %dma_start3A_197] : memref<2x128x64xf32, #tpu.memory_space<vmem>> -> memref<1x8x64xf32, #tpu.memory_space<vmem>>
    %dma_start3A_199 = tpu.memref_squeeze %dma_start3A_198 : memref<1x8x64xf32, #tpu.memory_space<vmem>> -> memref<8x64xf32, #tpu.memory_space<vmem>>
    %dma_start3A_200 = arith.constant 0 : i32
    %dma_start3A_201 = tpu.memref_slice %arg7[%multiple_of3A_181, %dma_start3A_200] : memref<1000000x64xf32, #tpu.memory_space<hbm>> -> memref<8x64xf32, #tpu.memory_space<hbm>>
    %dma_start3A_202 = arith.constant 32 : i32
    %dma_start3A_203 = arith.constant 0 : i32
    %dma_start3A_204 = tpu.memref_slice %arg13[%dma_start3A_195, %dma_start3A_202, %dma_start3A_203] : memref<2x128x64xf32, #tpu.memory_space<vmem>> -> memref<1x8x64xf32, #tpu.memory_space<vmem>>
    %dma_start3A_205 = tpu.memref_squeeze %dma_start3A_204 : memref<1x8x64xf32, #tpu.memory_space<vmem>> -> memref<8x64xf32, #tpu.memory_space<vmem>>
    %dma_start3A_206 = arith.constant 0 : i32
    %dma_start3A_207 = tpu.memref_slice %arg7[%multiple_of3A_181, %dma_start3A_206] : memref<1000000x64xf32, #tpu.memory_space<hbm>> -> memref<8x64xf32, #tpu.memory_space<hbm>>
    tpu.enqueue_dma source(%dma_start3A_207 : memref<8x64xf32, #tpu.memory_space<hbm>>) target(%dma_start3A_205 : memref<8x64xf32, #tpu.memory_space<vmem>>) target_semaphore(%arg18 : memref<!tpu.dma_semaphore, #tpu.memory_space<semaphore_mem>>)
    %slice3A_208 = vector.extract_strided_slice %get3A_9 {offsets = [5], sizes = [1], strides = [1]} : vector<16xi32> to vector<1xi32>
    %squeeze3A_209 = vector.extract %slice3A_208[0] : i32 from vector<1xi32>
    %shift_right_arithmetic3A_210 = arith.constant 3 : i32
    %shift_right_arithmetic3A_211 = arith.shrsi %squeeze3A_209, %shift_right_arithmetic3A_210 : i32
    %mul3A_212 = arith.constant 8 : i32
    %mul3A_213 = arith.muli %shift_right_arithmetic3A_211, %mul3A_212 : i32
    %multiple_of3A_214 = tpu.assume_multiple %mul3A_213, 8 : i32
    %slice3A_215 = vector.extract_strided_slice %get3A_11 {offsets = [5], sizes = [1], strides = [1]} : vector<16xi32> to vector<1xi32>
    %squeeze3A_216 = vector.extract %slice3A_215[0] : i32 from vector<1xi32>
    %shift_right_arithmetic3A_217 = arith.constant 3 : i32
    %shift_right_arithmetic3A_218 = arith.shrsi %squeeze3A_216, %shift_right_arithmetic3A_217 : i32
    %mul3A_219 = arith.constant 8 : i32
    %mul3A_220 = arith.muli %shift_right_arithmetic3A_218, %mul3A_219 : i32
    %multiple_of3A_221 = tpu.assume_multiple %mul3A_220, 8 : i32
    %dma_start3A_222 = arith.constant 0 : i32
    %dma_start3A_223 = arith.constant 40 : i32
    %dma_start3A_224 = arith.constant 0 : i32
    %dma_start3A_225 = tpu.memref_slice %arg12[%dma_start3A_222, %dma_start3A_223, %dma_start3A_224] : memref<2x128x64xf32, #tpu.memory_space<vmem>> -> memref<1x8x64xf32, #tpu.memory_space<vmem>>
    %dma_start3A_226 = tpu.memref_squeeze %dma_start3A_225 : memref<1x8x64xf32, #tpu.memory_space<vmem>> -> memref<8x64xf32, #tpu.memory_space<vmem>>
    %dma_start3A_227 = arith.constant 0 : i32
    %dma_start3A_228 = tpu.memref_slice %arg7[%multiple_of3A_214, %dma_start3A_227] : memref<1000000x64xf32, #tpu.memory_space<hbm>> -> memref<8x64xf32, #tpu.memory_space<hbm>>
    %dma_start3A_229 = arith.constant 40 : i32
    %dma_start3A_230 = arith.constant 0 : i32
    %dma_start3A_231 = tpu.memref_slice %arg12[%dma_start3A_222, %dma_start3A_229, %dma_start3A_230] : memref<2x128x64xf32, #tpu.memory_space<vmem>> -> memref<1x8x64xf32, #tpu.memory_space<vmem>>
    %dma_start3A_232 = tpu.memref_squeeze %dma_start3A_231 : memref<1x8x64xf32, #tpu.memory_space<vmem>> -> memref<8x64xf32, #tpu.memory_space<vmem>>
    %dma_start3A_233 = arith.constant 0 : i32
    %dma_start3A_234 = tpu.memref_slice %arg7[%multiple_of3A_214, %dma_start3A_233] : memref<1000000x64xf32, #tpu.memory_space<hbm>> -> memref<8x64xf32, #tpu.memory_space<hbm>>
    tpu.enqueue_dma source(%dma_start3A_234 : memref<8x64xf32, #tpu.memory_space<hbm>>) target(%dma_start3A_232 : memref<8x64xf32, #tpu.memory_space<vmem>>) target_semaphore(%arg17 : memref<!tpu.dma_semaphore, #tpu.memory_space<semaphore_mem>>)
    %dma_start3A_235 = arith.constant 0 : i32
    %dma_start3A_236 = arith.constant 40 : i32
    %dma_start3A_237 = arith.constant 0 : i32
    %dma_start3A_238 = tpu.memref_slice %arg13[%dma_start3A_235, %dma_start3A_236, %dma_start3A_237] : memref<2x128x64xf32, #tpu.memory_space<vmem>> -> memref<1x8x64xf32, #tpu.memory_space<vmem>>
    %dma_start3A_239 = tpu.memref_squeeze %dma_start3A_238 : memref<1x8x64xf32, #tpu.memory_space<vmem>> -> memref<8x64xf32, #tpu.memory_space<vmem>>
    %dma_start3A_240 = arith.constant 0 : i32
    %dma_start3A_241 = tpu.memref_slice %arg7[%multiple_of3A_221, %dma_start3A_240] : memref<1000000x64xf32, #tpu.memory_space<hbm>> -> memref<8x64xf32, #tpu.memory_space<hbm>>
    %dma_start3A_242 = arith.constant 40 : i32
    %dma_start3A_243 = arith.constant 0 : i32
    %dma_start3A_244 = tpu.memref_slice %arg13[%dma_start3A_235, %dma_start3A_242, %dma_start3A_243] : memref<2x128x64xf32, #tpu.memory_space<vmem>> -> memref<1x8x64xf32, #tpu.memory_space<vmem>>
    %dma_start3A_245 = tpu.memref_squeeze %dma_start3A_244 : memref<1x8x64xf32, #tpu.memory_space<vmem>> -> memref<8x64xf32, #tpu.memory_space<vmem>>
    %dma_start3A_246 = arith.constant 0 : i32
    %dma_start3A_247 = tpu.memref_slice %arg7[%multiple_of3A_221, %dma_start3A_246] : memref<1000000x64xf32, #tpu.memory_space<hbm>> -> memref<8x64xf32, #tpu.memory_space<hbm>>
    tpu.enqueue_dma source(%dma_start3A_247 : memref<8x64xf32, #tpu.memory_space<hbm>>) target(%dma_start3A_245 : memref<8x64xf32, #tpu.memory_space<vmem>>) target_semaphore(%arg18 : memref<!tpu.dma_semaphore, #tpu.memory_space<semaphore_mem>>)
    %slice3A_248 = vector.extract_strided_slice %get3A_9 {offsets = [6], sizes = [1], strides = [1]} : vector<16xi32> to vector<1xi32>
    %squeeze3A_249 = vector.extract %slice3A_248[0] : i32 from vector<1xi32>
    %shift_right_arithmetic3A_250 = arith.constant 3 : i32
    %shift_right_arithmetic3A_251 = arith.shrsi %squeeze3A_249, %shift_right_arithmetic3A_250 : i32
    %mul3A_252 = arith.constant 8 : i32
    %mul3A_253 = arith.muli %shift_right_arithmetic3A_251, %mul3A_252 : i32
    %multiple_of3A_254 = tpu.assume_multiple %mul3A_253, 8 : i32
    %slice3A_255 = vector.extract_strided_slice %get3A_11 {offsets = [6], sizes = [1], strides = [1]} : vector<16xi32> to vector<1xi32>
    %squeeze3A_256 = vector.extract %slice3A_255[0] : i32 from vector<1xi32>
    %shift_right_arithmetic3A_257 = arith.constant 3 : i32
    %shift_right_arithmetic3A_258 = arith.shrsi %squeeze3A_256, %shift_right_arithmetic3A_257 : i32
    %mul3A_259 = arith.constant 8 : i32
    %mul3A_260 = arith.muli %shift_right_arithmetic3A_258, %mul3A_259 : i32
    %multiple_of3A_261 = tpu.assume_multiple %mul3A_260, 8 : i32
    %dma_start3A_262 = arith.constant 0 : i32
    %dma_start3A_263 = arith.constant 48 : i32
    %dma_start3A_264 = arith.constant 0 : i32
    %dma_start3A_265 = tpu.memref_slice %arg12[%dma_start3A_262, %dma_start3A_263, %dma_start3A_264] : memref<2x128x64xf32, #tpu.memory_space<vmem>> -> memref<1x8x64xf32, #tpu.memory_space<vmem>>
    %dma_start3A_266 = tpu.memref_squeeze %dma_start3A_265 : memref<1x8x64xf32, #tpu.memory_space<vmem>> -> memref<8x64xf32, #tpu.memory_space<vmem>>
    %dma_start3A_267 = arith.constant 0 : i32
    %dma_start3A_268 = tpu.memref_slice %arg7[%multiple_of3A_254, %dma_start3A_267] : memref<1000000x64xf32, #tpu.memory_space<hbm>> -> memref<8x64xf32, #tpu.memory_space<hbm>>
    %dma_start3A_269 = arith.constant 48 : i32
    %dma_start3A_270 = arith.constant 0 : i32
    %dma_start3A_271 = tpu.memref_slice %arg12[%dma_start3A_262, %dma_start3A_269, %dma_start3A_270] : memref<2x128x64xf32, #tpu.memory_space<vmem>> -> memref<1x8x64xf32, #tpu.memory_space<vmem>>
    %dma_start3A_272 = tpu.memref_squeeze %dma_start3A_271 : memref<1x8x64xf32, #tpu.memory_space<vmem>> -> memref<8x64xf32, #tpu.memory_space<vmem>>
    %dma_start3A_273 = arith.constant 0 : i32
    %dma_start3A_274 = tpu.memref_slice %arg7[%multiple_of3A_254, %dma_start3A_273] : memref<1000000x64xf32, #tpu.memory_space<hbm>> -> memref<8x64xf32, #tpu.memory_space<hbm>>
    tpu.enqueue_dma source(%dma_start3A_274 : memref<8x64xf32, #tpu.memory_space<hbm>>) target(%dma_start3A_272 : memref<8x64xf32, #tpu.memory_space<vmem>>) target_semaphore(%arg17 : memref<!tpu.dma_semaphore, #tpu.memory_space<semaphore_mem>>)
    %dma_start3A_275 = arith.constant 0 : i32
    %dma_start3A_276 = arith.constant 48 : i32
    %dma_start3A_277 = arith.constant 0 : i32
    %dma_start3A_278 = tpu.memref_slice %arg13[%dma_start3A_275, %dma_start3A_276, %dma_start3A_277] : memref<2x128x64xf32, #tpu.memory_space<vmem>> -> memref<1x8x64xf32, #tpu.memory_space<vmem>>
    %dma_start3A_279 = tpu.memref_squeeze %dma_start3A_278 : memref<1x8x64xf32, #tpu.memory_space<vmem>> -> memref<8x64xf32, #tpu.memory_space<vmem>>
    %dma_start3A_280 = arith.constant 0 : i32
    %dma_start3A_281 = tpu.memref_slice %arg7[%multiple_of3A_261, %dma_start3A_280] : memref<1000000x64xf32, #tpu.memory_space<hbm>> -> memref<8x64xf32, #tpu.memory_space<hbm>>
    %dma_start3A_282 = arith.constant 48 : i32
    %dma_start3A_283 = arith.constant 0 : i32
    %dma_start3A_284 = tpu.memref_slice %arg13[%dma_start3A_275, %dma_start3A_282, %dma_start3A_283] : memref<2x128x64xf32, #tpu.memory_space<vmem>> -> memref<1x8x64xf32, #tpu.memory_space<vmem>>
    %dma_start3A_285 = tpu.memref_squeeze %dma_start3A_284 : memref<1x8x64xf32, #tpu.memory_space<vmem>> -> memref<8x64xf32, #tpu.memory_space<vmem>>
    %dma_start3A_286 = arith.constant 0 : i32
    %dma_start3A_287 = tpu.memref_slice %arg7[%multiple_of3A_261, %dma_start3A_286] : memref<1000000x64xf32, #tpu.memory_space<hbm>> -> memref<8x64xf32, #tpu.memory_space<hbm>>
    tpu.enqueue_dma source(%dma_start3A_287 : memref<8x64xf32, #tpu.memory_space<hbm>>) target(%dma_start3A_285 : memref<8x64xf32, #tpu.memory_space<vmem>>) target_semaphore(%arg18 : memref<!tpu.dma_semaphore, #tpu.memory_space<semaphore_mem>>)
    %slice3A_288 = vector.extract_strided_slice %get3A_9 {offsets = [7], sizes = [1], strides = [1]} : vector<16xi32> to vector<1xi32>
    %squeeze3A_289 = vector.extract %slice3A_288[0] : i32 from vector<1xi32>
    %shift_right_arithmetic3A_290 = arith.constant 3 : i32
    %shift_right_arithmetic3A_291 = arith.shrsi %squeeze3A_289, %shift_right_arithmetic3A_290 : i32
    %mul3A_292 = arith.constant 8 : i32
    %mul3A_293 = arith.muli %shift_right_arithmetic3A_291, %mul3A_292 : i32
    %multiple_of3A_294 = tpu.assume_multiple %mul3A_293, 8 : i32
    %slice3A_295 = vector.extract_strided_slice %get3A_11 {offsets = [7], sizes = [1], strides = [1]} : vector<16xi32> to vector<1xi32>
    %squeeze3A_296 = vector.extract %slice3A_295[0] : i32 from vector<1xi32>
    %shift_right_arithmetic3A_297 = arith.constant 3 : i32
    %shift_right_arithmetic3A_298 = arith.shrsi %squeeze3A_296, %shift_right_arithmetic3A_297 : i32
    %mul3A_299 = arith.constant 8 : i32
    %mul3A_300 = arith.muli %shift_right_arithmetic3A_298, %mul3A_299 : i32
    %multiple_of3A_301 = tpu.assume_multiple %mul3A_300, 8 : i32
    %dma_start3A_302 = arith.constant 0 : i32
    %dma_start3A_303 = arith.constant 56 : i32
    %dma_start3A_304 = arith.constant 0 : i32
    %dma_start3A_305 = tpu.memref_slice %arg12[%dma_start3A_302, %dma_start3A_303, %dma_start3A_304] : memref<2x128x64xf32, #tpu.memory_space<vmem>> -> memref<1x8x64xf32, #tpu.memory_space<vmem>>
    %dma_start3A_306 = tpu.memref_squeeze %dma_start3A_305 : memref<1x8x64xf32, #tpu.memory_space<vmem>> -> memref<8x64xf32, #tpu.memory_space<vmem>>
    %dma_start3A_307 = arith.constant 0 : i32
    %dma_start3A_308 = tpu.memref_slice %arg7[%multiple_of3A_294, %dma_start3A_307] : memref<1000000x64xf32, #tpu.memory_space<hbm>> -> memref<8x64xf32, #tpu.memory_space<hbm>>
    %dma_start3A_309 = arith.constant 56 : i32
    %dma_start3A_310 = arith.constant 0 : i32
    %dma_start3A_311 = tpu.memref_slice %arg12[%dma_start3A_302, %dma_start3A_309, %dma_start3A_310] : memref<2x128x64xf32, #tpu.memory_space<vmem>> -> memref<1x8x64xf32, #tpu.memory_space<vmem>>
    %dma_start3A_312 = tpu.memref_squeeze %dma_start3A_311 : memref<1x8x64xf32, #tpu.memory_space<vmem>> -> memref<8x64xf32, #tpu.memory_space<vmem>>
    %dma_start3A_313 = arith.constant 0 : i32
    %dma_start3A_314 = tpu.memref_slice %arg7[%multiple_of3A_294, %dma_start3A_313] : memref<1000000x64xf32, #tpu.memory_space<hbm>> -> memref<8x64xf32, #tpu.memory_space<hbm>>
    tpu.enqueue_dma source(%dma_start3A_314 : memref<8x64xf32, #tpu.memory_space<hbm>>) target(%dma_start3A_312 : memref<8x64xf32, #tpu.memory_space<vmem>>) target_semaphore(%arg17 : memref<!tpu.dma_semaphore, #tpu.memory_space<semaphore_mem>>)
    %dma_start3A_315 = arith.constant 0 : i32
    %dma_start3A_316 = arith.constant 56 : i32
    %dma_start3A_317 = arith.constant 0 : i32
    %dma_start3A_318 = tpu.memref_slice %arg13[%dma_start3A_315, %dma_start3A_316, %dma_start3A_317] : memref<2x128x64xf32, #tpu.memory_space<vmem>> -> memref<1x8x64xf32, #tpu.memory_space<vmem>>
    %dma_start3A_319 = tpu.memref_squeeze %dma_start3A_318 : memref<1x8x64xf32, #tpu.memory_space<vmem>> -> memref<8x64xf32, #tpu.memory_space<vmem>>
    %dma_start3A_320 = arith.constant 0 : i32
    %dma_start3A_321 = tpu.memref_slice %arg7[%multiple_of3A_301, %dma_start3A_320] : memref<1000000x64xf32, #tpu.memory_space<hbm>> -> memref<8x64xf32, #tpu.memory_space<hbm>>
    %dma_start3A_322 = arith.constant 56 : i32
    %dma_start3A_323 = arith.constant 0 : i32
    %dma_start3A_324 = tpu.memref_slice %arg13[%dma_start3A_315, %dma_start3A_322, %dma_start3A_323] : memref<2x128x64xf32, #tpu.memory_space<vmem>> -> memref<1x8x64xf32, #tpu.memory_space<vmem>>
    %dma_start3A_325 = tpu.memref_squeeze %dma_start3A_324 : memref<1x8x64xf32, #tpu.memory_space<vmem>> -> memref<8x64xf32, #tpu.memory_space<vmem>>
    %dma_start3A_326 = arith.constant 0 : i32
    %dma_start3A_327 = tpu.memref_slice %arg7[%multiple_of3A_301, %dma_start3A_326] : memref<1000000x64xf32, #tpu.memory_space<hbm>> -> memref<8x64xf32, #tpu.memory_space<hbm>>
    tpu.enqueue_dma source(%dma_start3A_327 : memref<8x64xf32, #tpu.memory_space<hbm>>) target(%dma_start3A_325 : memref<8x64xf32, #tpu.memory_space<vmem>>) target_semaphore(%arg18 : memref<!tpu.dma_semaphore, #tpu.memory_space<semaphore_mem>>)
    %slice3A_328 = vector.extract_strided_slice %get3A_9 {offsets = [8], sizes = [1], strides = [1]} : vector<16xi32> to vector<1xi32>
    %squeeze3A_329 = vector.extract %slice3A_328[0] : i32 from vector<1xi32>
    %shift_right_arithmetic3A_330 = arith.constant 3 : i32
    %shift_right_arithmetic3A_331 = arith.shrsi %squeeze3A_329, %shift_right_arithmetic3A_330 : i32
    %mul3A_332 = arith.constant 8 : i32
    %mul3A_333 = arith.muli %shift_right_arithmetic3A_331, %mul3A_332 : i32
    %multiple_of3A_334 = tpu.assume_multiple %mul3A_333, 8 : i32
    %slice3A_335 = vector.extract_strided_slice %get3A_11 {offsets = [8], sizes = [1], strides = [1]} : vector<16xi32> to vector<1xi32>
    %squeeze3A_336 = vector.extract %slice3A_335[0] : i32 from vector<1xi32>
    %shift_right_arithmetic3A_337 = arith.constant 3 : i32
    %shift_right_arithmetic3A_338 = arith.shrsi %squeeze3A_336, %shift_right_arithmetic3A_337 : i32
    %mul3A_339 = arith.constant 8 : i32
    %mul3A_340 = arith.muli %shift_right_arithmetic3A_338, %mul3A_339 : i32
    %multiple_of3A_341 = tpu.assume_multiple %mul3A_340, 8 : i32
    %dma_start3A_342 = arith.constant 0 : i32
    %dma_start3A_343 = arith.constant 64 : i32
    %dma_start3A_344 = arith.constant 0 : i32
    %dma_start3A_345 = tpu.memref_slice %arg12[%dma_start3A_342, %dma_start3A_343, %dma_start3A_344] : memref<2x128x64xf32, #tpu.memory_space<vmem>> -> memref<1x8x64xf32, #tpu.memory_space<vmem>>
    %dma_start3A_346 = tpu.memref_squeeze %dma_start3A_345 : memref<1x8x64xf32, #tpu.memory_space<vmem>> -> memref<8x64xf32, #tpu.memory_space<vmem>>
    %dma_start3A_347 = arith.constant 0 : i32
    %dma_start3A_348 = tpu.memref_slice %arg7[%multiple_of3A_334, %dma_start3A_347] : memref<1000000x64xf32, #tpu.memory_space<hbm>> -> memref<8x64xf32, #tpu.memory_space<hbm>>
    %dma_start3A_349 = arith.constant 64 : i32
    %dma_start3A_350 = arith.constant 0 : i32
    %dma_start3A_351 = tpu.memref_slice %arg12[%dma_start3A_342, %dma_start3A_349, %dma_start3A_350] : memref<2x128x64xf32, #tpu.memory_space<vmem>> -> memref<1x8x64xf32, #tpu.memory_space<vmem>>
    %dma_start3A_352 = tpu.memref_squeeze %dma_start3A_351 : memref<1x8x64xf32, #tpu.memory_space<vmem>> -> memref<8x64xf32, #tpu.memory_space<vmem>>
    %dma_start3A_353 = arith.constant 0 : i32
    %dma_start3A_354 = tpu.memref_slice %arg7[%multiple_of3A_334, %dma_start3A_353] : memref<1000000x64xf32, #tpu.memory_space<hbm>> -> memref<8x64xf32, #tpu.memory_space<hbm>>
    tpu.enqueue_dma source(%dma_start3A_354 : memref<8x64xf32, #tpu.memory_space<hbm>>) target(%dma_start3A_352 : memref<8x64xf32, #tpu.memory_space<vmem>>) target_semaphore(%arg17 : memref<!tpu.dma_semaphore, #tpu.memory_space<semaphore_mem>>)
    %dma_start3A_355 = arith.constant 0 : i32
    %dma_start3A_356 = arith.constant 64 : i32
    %dma_start3A_357 = arith.constant 0 : i32
    %dma_start3A_358 = tpu.memref_slice %arg13[%dma_start3A_355, %dma_start3A_356, %dma_start3A_357] : memref<2x128x64xf32, #tpu.memory_space<vmem>> -> memref<1x8x64xf32, #tpu.memory_space<vmem>>
    %dma_start3A_359 = tpu.memref_squeeze %dma_start3A_358 : memref<1x8x64xf32, #tpu.memory_space<vmem>> -> memref<8x64xf32, #tpu.memory_space<vmem>>
    %dma_start3A_360 = arith.constant 0 : i32
    %dma_start3A_361 = tpu.memref_slice %arg7[%multiple_of3A_341, %dma_start3A_360] : memref<1000000x64xf32, #tpu.memory_space<hbm>> -> memref<8x64xf32, #tpu.memory_space<hbm>>
    %dma_start3A_362 = arith.constant 64 : i32
    %dma_start3A_363 = arith.constant 0 : i32
    %dma_start3A_364 = tpu.memref_slice %arg13[%dma_start3A_355, %dma_start3A_362, %dma_start3A_363] : memref<2x128x64xf32, #tpu.memory_space<vmem>> -> memref<1x8x64xf32, #tpu.memory_space<vmem>>
    %dma_start3A_365 = tpu.memref_squeeze %dma_start3A_364 : memref<1x8x64xf32, #tpu.memory_space<vmem>> -> memref<8x64xf32, #tpu.memory_space<vmem>>
    %dma_start3A_366 = arith.constant 0 : i32
    %dma_start3A_367 = tpu.memref_slice %arg7[%multiple_of3A_341, %dma_start3A_366] : memref<1000000x64xf32, #tpu.memory_space<hbm>> -> memref<8x64xf32, #tpu.memory_space<hbm>>
    tpu.enqueue_dma source(%dma_start3A_367 : memref<8x64xf32, #tpu.memory_space<hbm>>) target(%dma_start3A_365 : memref<8x64xf32, #tpu.memory_space<vmem>>) target_semaphore(%arg18 : memref<!tpu.dma_semaphore, #tpu.memory_space<semaphore_mem>>)
    %slice3A_368 = vector.extract_strided_slice %get3A_9 {offsets = [9], sizes = [1], strides = [1]} : vector<16xi32> to vector<1xi32>
    %squeeze3A_369 = vector.extract %slice3A_368[0] : i32 from vector<1xi32>
    %shift_right_arithmetic3A_370 = arith.constant 3 : i32
    %shift_right_arithmetic3A_371 = arith.shrsi %squeeze3A_369, %shift_right_arithmetic3A_370 : i32
    %mul3A_372 = arith.constant 8 : i32
    %mul3A_373 = arith.muli %shift_right_arithmetic3A_371, %mul3A_372 : i32
    %multiple_of3A_374 = tpu.assume_multiple %mul3A_373, 8 : i32
    %slice3A_375 = vector.extract_strided_slice %get3A_11 {offsets = [9], sizes = [1], strides = [1]} : vector<16xi32> to vector<1xi32>
    %squeeze3A_376 = vector.extract %slice3A_375[0] : i32 from vector<1xi32>
    %shift_right_arithmetic3A_377 = arith.constant 3 : i32
    %shift_right_arithmetic3A_378 = arith.shrsi %squeeze3A_376, %shift_right_arithmetic3A_377 : i32
    %mul3A_379 = arith.constant 8 : i32
    %mul3A_380 = arith.muli %shift_right_arithmetic3A_378, %mul3A_379 : i32
    %multiple_of3A_381 = tpu.assume_multiple %mul3A_380, 8 : i32
    %dma_start3A_382 = arith.constant 0 : i32
    %dma_start3A_383 = arith.constant 72 : i32
    %dma_start3A_384 = arith.constant 0 : i32
    %dma_start3A_385 = tpu.memref_slice %arg12[%dma_start3A_382, %dma_start3A_383, %dma_start3A_384] : memref<2x128x64xf32, #tpu.memory_space<vmem>> -> memref<1x8x64xf32, #tpu.memory_space<vmem>>
    %dma_start3A_386 = tpu.memref_squeeze %dma_start3A_385 : memref<1x8x64xf32, #tpu.memory_space<vmem>> -> memref<8x64xf32, #tpu.memory_space<vmem>>
    %dma_start3A_387 = arith.constant 0 : i32
    %dma_start3A_388 = tpu.memref_slice %arg7[%multiple_of3A_374, %dma_start3A_387] : memref<1000000x64xf32, #tpu.memory_space<hbm>> -> memref<8x64xf32, #tpu.memory_space<hbm>>
    %dma_start3A_389 = arith.constant 72 : i32
    %dma_start3A_390 = arith.constant 0 : i32
    %dma_start3A_391 = tpu.memref_slice %arg12[%dma_start3A_382, %dma_start3A_389, %dma_start3A_390] : memref<2x128x64xf32, #tpu.memory_space<vmem>> -> memref<1x8x64xf32, #tpu.memory_space<vmem>>
    %dma_start3A_392 = tpu.memref_squeeze %dma_start3A_391 : memref<1x8x64xf32, #tpu.memory_space<vmem>> -> memref<8x64xf32, #tpu.memory_space<vmem>>
    %dma_start3A_393 = arith.constant 0 : i32
    %dma_start3A_394 = tpu.memref_slice %arg7[%multiple_of3A_374, %dma_start3A_393] : memref<1000000x64xf32, #tpu.memory_space<hbm>> -> memref<8x64xf32, #tpu.memory_space<hbm>>
    tpu.enqueue_dma source(%dma_start3A_394 : memref<8x64xf32, #tpu.memory_space<hbm>>) target(%dma_start3A_392 : memref<8x64xf32, #tpu.memory_space<vmem>>) target_semaphore(%arg17 : memref<!tpu.dma_semaphore, #tpu.memory_space<semaphore_mem>>)
    %dma_start3A_395 = arith.constant 0 : i32
    %dma_start3A_396 = arith.constant 72 : i32
    %dma_start3A_397 = arith.constant 0 : i32
    %dma_start3A_398 = tpu.memref_slice %arg13[%dma_start3A_395, %dma_start3A_396, %dma_start3A_397] : memref<2x128x64xf32, #tpu.memory_space<vmem>> -> memref<1x8x64xf32, #tpu.memory_space<vmem>>
    %dma_start3A_399 = tpu.memref_squeeze %dma_start3A_398 : memref<1x8x64xf32, #tpu.memory_space<vmem>> -> memref<8x64xf32, #tpu.memory_space<vmem>>
    %dma_start3A_400 = arith.constant 0 : i32
    %dma_start3A_401 = tpu.memref_slice %arg7[%multiple_of3A_381, %dma_start3A_400] : memref<1000000x64xf32, #tpu.memory_space<hbm>> -> memref<8x64xf32, #tpu.memory_space<hbm>>
    %dma_start3A_402 = arith.constant 72 : i32
    %dma_start3A_403 = arith.constant 0 : i32
    %dma_start3A_404 = tpu.memref_slice %arg13[%dma_start3A_395, %dma_start3A_402, %dma_start3A_403] : memref<2x128x64xf32, #tpu.memory_space<vmem>> -> memref<1x8x64xf32, #tpu.memory_space<vmem>>
    %dma_start3A_405 = tpu.memref_squeeze %dma_start3A_404 : memref<1x8x64xf32, #tpu.memory_space<vmem>> -> memref<8x64xf32, #tpu.memory_space<vmem>>
    %dma_start3A_406 = arith.constant 0 : i32
    %dma_start3A_407 = tpu.memref_slice %arg7[%multiple_of3A_381, %dma_start3A_406] : memref<1000000x64xf32, #tpu.memory_space<hbm>> -> memref<8x64xf32, #tpu.memory_space<hbm>>
    tpu.enqueue_dma source(%dma_start3A_407 : memref<8x64xf32, #tpu.memory_space<hbm>>) target(%dma_start3A_405 : memref<8x64xf32, #tpu.memory_space<vmem>>) target_semaphore(%arg18 : memref<!tpu.dma_semaphore, #tpu.memory_space<semaphore_mem>>)
    %slice3A_408 = vector.extract_strided_slice %get3A_9 {offsets = [10], sizes = [1], strides = [1]} : vector<16xi32> to vector<1xi32>
    %squeeze3A_409 = vector.extract %slice3A_408[0] : i32 from vector<1xi32>
    %shift_right_arithmetic3A_410 = arith.constant 3 : i32
    %shift_right_arithmetic3A_411 = arith.shrsi %squeeze3A_409, %shift_right_arithmetic3A_410 : i32
    %mul3A_412 = arith.constant 8 : i32
    %mul3A_413 = arith.muli %shift_right_arithmetic3A_411, %mul3A_412 : i32
    %multiple_of3A_414 = tpu.assume_multiple %mul3A_413, 8 : i32
    %slice3A_415 = vector.extract_strided_slice %get3A_11 {offsets = [10], sizes = [1], strides = [1]} : vector<16xi32> to vector<1xi32>
    %squeeze3A_416 = vector.extract %slice3A_415[0] : i32 from vector<1xi32>
    %shift_right_arithmetic3A_417 = arith.constant 3 : i32
    %shift_right_arithmetic3A_418 = arith.shrsi %squeeze3A_416, %shift_right_arithmetic3A_417 : i32
    %mul3A_419 = arith.constant 8 : i32
    %mul3A_420 = arith.muli %shift_right_arithmetic3A_418, %mul3A_419 : i32
    %multiple_of3A_421 = tpu.assume_multiple %mul3A_420, 8 : i32
    %dma_start3A_422 = arith.constant 0 : i32
    %dma_start3A_423 = arith.constant 80 : i32
    %dma_start3A_424 = arith.constant 0 : i32
    %dma_start3A_425 = tpu.memref_slice %arg12[%dma_start3A_422, %dma_start3A_423, %dma_start3A_424] : memref<2x128x64xf32, #tpu.memory_space<vmem>> -> memref<1x8x64xf32, #tpu.memory_space<vmem>>
    %dma_start3A_426 = tpu.memref_squeeze %dma_start3A_425 : memref<1x8x64xf32, #tpu.memory_space<vmem>> -> memref<8x64xf32, #tpu.memory_space<vmem>>
    %dma_start3A_427 = arith.constant 0 : i32
    %dma_start3A_428 = tpu.memref_slice %arg7[%multiple_of3A_414, %dma_start3A_427] : memref<1000000x64xf32, #tpu.memory_space<hbm>> -> memref<8x64xf32, #tpu.memory_space<hbm>>
    %dma_start3A_429 = arith.constant 80 : i32
    %dma_start3A_430 = arith.constant 0 : i32
    %dma_start3A_431 = tpu.memref_slice %arg12[%dma_start3A_422, %dma_start3A_429, %dma_start3A_430] : memref<2x128x64xf32, #tpu.memory_space<vmem>> -> memref<1x8x64xf32, #tpu.memory_space<vmem>>
    %dma_start3A_432 = tpu.memref_squeeze %dma_start3A_431 : memref<1x8x64xf32, #tpu.memory_space<vmem>> -> memref<8x64xf32, #tpu.memory_space<vmem>>
    %dma_start3A_433 = arith.constant 0 : i32
    %dma_start3A_434 = tpu.memref_slice %arg7[%multiple_of3A_414, %dma_start3A_433] : memref<1000000x64xf32, #tpu.memory_space<hbm>> -> memref<8x64xf32, #tpu.memory_space<hbm>>
    tpu.enqueue_dma source(%dma_start3A_434 : memref<8x64xf32, #tpu.memory_space<hbm>>) target(%dma_start3A_432 : memref<8x64xf32, #tpu.memory_space<vmem>>) target_semaphore(%arg17 : memref<!tpu.dma_semaphore, #tpu.memory_space<semaphore_mem>>)
    %dma_start3A_435 = arith.constant 0 : i32
    %dma_start3A_436 = arith.constant 80 : i32
    %dma_start3A_437 = arith.constant 0 : i32
    %dma_start3A_438 = tpu.memref_slice %arg13[%dma_start3A_435, %dma_start3A_436, %dma_start3A_437] : memref<2x128x64xf32, #tpu.memory_space<vmem>> -> memref<1x8x64xf32, #tpu.memory_space<vmem>>
    %dma_start3A_439 = tpu.memref_squeeze %dma_start3A_438 : memref<1x8x64xf32, #tpu.memory_space<vmem>> -> memref<8x64xf32, #tpu.memory_space<vmem>>
    %dma_start3A_440 = arith.constant 0 : i32
    %dma_start3A_441 = tpu.memref_slice %arg7[%multiple_of3A_421, %dma_start3A_440] : memref<1000000x64xf32, #tpu.memory_space<hbm>> -> memref<8x64xf32, #tpu.memory_space<hbm>>
    %dma_start3A_442 = arith.constant 80 : i32
    %dma_start3A_443 = arith.constant 0 : i32
    %dma_start3A_444 = tpu.memref_slice %arg13[%dma_start3A_435, %dma_start3A_442, %dma_start3A_443] : memref<2x128x64xf32, #tpu.memory_space<vmem>> -> memref<1x8x64xf32, #tpu.memory_space<vmem>>
    %dma_start3A_445 = tpu.memref_squeeze %dma_start3A_444 : memref<1x8x64xf32, #tpu.memory_space<vmem>> -> memref<8x64xf32, #tpu.memory_space<vmem>>
    %dma_start3A_446 = arith.constant 0 : i32
    %dma_start3A_447 = tpu.memref_slice %arg7[%multiple_of3A_421, %dma_start3A_446] : memref<1000000x64xf32, #tpu.memory_space<hbm>> -> memref<8x64xf32, #tpu.memory_space<hbm>>
    tpu.enqueue_dma source(%dma_start3A_447 : memref<8x64xf32, #tpu.memory_space<hbm>>) target(%dma_start3A_445 : memref<8x64xf32, #tpu.memory_space<vmem>>) target_semaphore(%arg18 : memref<!tpu.dma_semaphore, #tpu.memory_space<semaphore_mem>>)
    %slice3A_448 = vector.extract_strided_slice %get3A_9 {offsets = [11], sizes = [1], strides = [1]} : vector<16xi32> to vector<1xi32>
    %squeeze3A_449 = vector.extract %slice3A_448[0] : i32 from vector<1xi32>
    %shift_right_arithmetic3A_450 = arith.constant 3 : i32
    %shift_right_arithmetic3A_451 = arith.shrsi %squeeze3A_449, %shift_right_arithmetic3A_450 : i32
    %mul3A_452 = arith.constant 8 : i32
    %mul3A_453 = arith.muli %shift_right_arithmetic3A_451, %mul3A_452 : i32
    %multiple_of3A_454 = tpu.assume_multiple %mul3A_453, 8 : i32
    %slice3A_455 = vector.extract_strided_slice %get3A_11 {offsets = [11], sizes = [1], strides = [1]} : vector<16xi32> to vector<1xi32>
    %squeeze3A_456 = vector.extract %slice3A_455[0] : i32 from vector<1xi32>
    %shift_right_arithmetic3A_457 = arith.constant 3 : i32
    %shift_right_arithmetic3A_458 = arith.shrsi %squeeze3A_456, %shift_right_arithmetic3A_457 : i32
    %mul3A_459 = arith.constant 8 : i32
    %mul3A_460 = arith.muli %shift_right_arithmetic3A_458, %mul3A_459 : i32
    %multiple_of3A_461 = tpu.assume_multiple %mul3A_460, 8 : i32
    %dma_start3A_462 = arith.constant 0 : i32
    %dma_start3A_463 = arith.constant 88 : i32
    %dma_start3A_464 = arith.constant 0 : i32
    %dma_start3A_465 = tpu.memref_slice %arg12[%dma_start3A_462, %dma_start3A_463, %dma_start3A_464] : memref<2x128x64xf32, #tpu.memory_space<vmem>> -> memref<1x8x64xf32, #tpu.memory_space<vmem>>
    %dma_start3A_466 = tpu.memref_squeeze %dma_start3A_465 : memref<1x8x64xf32, #tpu.memory_space<vmem>> -> memref<8x64xf32, #tpu.memory_space<vmem>>
    %dma_start3A_467 = arith.constant 0 : i32
    %dma_start3A_468 = tpu.memref_slice %arg7[%multiple_of3A_454, %dma_start3A_467] : memref<1000000x64xf32, #tpu.memory_space<hbm>> -> memref<8x64xf32, #tpu.memory_space<hbm>>
    %dma_start3A_469 = arith.constant 88 : i32
    %dma_start3A_470 = arith.constant 0 : i32
    %dma_start3A_471 = tpu.memref_slice %arg12[%dma_start3A_462, %dma_start3A_469, %dma_start3A_470] : memref<2x128x64xf32, #tpu.memory_space<vmem>> -> memref<1x8x64xf32, #tpu.memory_space<vmem>>
    %dma_start3A_472 = tpu.memref_squeeze %dma_start3A_471 : memref<1x8x64xf32, #tpu.memory_space<vmem>> -> memref<8x64xf32, #tpu.memory_space<vmem>>
    %dma_start3A_473 = arith.constant 0 : i32
    %dma_start3A_474 = tpu.memref_slice %arg7[%multiple_of3A_454, %dma_start3A_473] : memref<1000000x64xf32, #tpu.memory_space<hbm>> -> memref<8x64xf32, #tpu.memory_space<hbm>>
    tpu.enqueue_dma source(%dma_start3A_474 : memref<8x64xf32, #tpu.memory_space<hbm>>) target(%dma_start3A_472 : memref<8x64xf32, #tpu.memory_space<vmem>>) target_semaphore(%arg17 : memref<!tpu.dma_semaphore, #tpu.memory_space<semaphore_mem>>)
    %dma_start3A_475 = arith.constant 0 : i32
    %dma_start3A_476 = arith.constant 88 : i32
    %dma_start3A_477 = arith.constant 0 : i32
    %dma_start3A_478 = tpu.memref_slice %arg13[%dma_start3A_475, %dma_start3A_476, %dma_start3A_477] : memref<2x128x64xf32, #tpu.memory_space<vmem>> -> memref<1x8x64xf32, #tpu.memory_space<vmem>>
    %dma_start3A_479 = tpu.memref_squeeze %dma_start3A_478 : memref<1x8x64xf32, #tpu.memory_space<vmem>> -> memref<8x64xf32, #tpu.memory_space<vmem>>
    %dma_start3A_480 = arith.constant 0 : i32
    %dma_start3A_481 = tpu.memref_slice %arg7[%multiple_of3A_461, %dma_start3A_480] : memref<1000000x64xf32, #tpu.memory_space<hbm>> -> memref<8x64xf32, #tpu.memory_space<hbm>>
    %dma_start3A_482 = arith.constant 88 : i32
    %dma_start3A_483 = arith.constant 0 : i32
    %dma_start3A_484 = tpu.memref_slice %arg13[%dma_start3A_475, %dma_start3A_482, %dma_start3A_483] : memref<2x128x64xf32, #tpu.memory_space<vmem>> -> memref<1x8x64xf32, #tpu.memory_space<vmem>>
    %dma_start3A_485 = tpu.memref_squeeze %dma_start3A_484 : memref<1x8x64xf32, #tpu.memory_space<vmem>> -> memref<8x64xf32, #tpu.memory_space<vmem>>
    %dma_start3A_486 = arith.constant 0 : i32
    %dma_start3A_487 = tpu.memref_slice %arg7[%multiple_of3A_461, %dma_start3A_486] : memref<1000000x64xf32, #tpu.memory_space<hbm>> -> memref<8x64xf32, #tpu.memory_space<hbm>>
    tpu.enqueue_dma source(%dma_start3A_487 : memref<8x64xf32, #tpu.memory_space<hbm>>) target(%dma_start3A_485 : memref<8x64xf32, #tpu.memory_space<vmem>>) target_semaphore(%arg18 : memref<!tpu.dma_semaphore, #tpu.memory_space<semaphore_mem>>)
    %slice3A_488 = vector.extract_strided_slice %get3A_9 {offsets = [12], sizes = [1], strides = [1]} : vector<16xi32> to vector<1xi32>
    %squeeze3A_489 = vector.extract %slice3A_488[0] : i32 from vector<1xi32>
    %shift_right_arithmetic3A_490 = arith.constant 3 : i32
    %shift_right_arithmetic3A_491 = arith.shrsi %squeeze3A_489, %shift_right_arithmetic3A_490 : i32
    %mul3A_492 = arith.constant 8 : i32
    %mul3A_493 = arith.muli %shift_right_arithmetic3A_491, %mul3A_492 : i32
    %multiple_of3A_494 = tpu.assume_multiple %mul3A_493, 8 : i32
    %slice3A_495 = vector.extract_strided_slice %get3A_11 {offsets = [12], sizes = [1], strides = [1]} : vector<16xi32> to vector<1xi32>
    %squeeze3A_496 = vector.extract %slice3A_495[0] : i32 from vector<1xi32>
    %shift_right_arithmetic3A_497 = arith.constant 3 : i32
    %shift_right_arithmetic3A_498 = arith.shrsi %squeeze3A_496, %shift_right_arithmetic3A_497 : i32
    %mul3A_499 = arith.constant 8 : i32
    %mul3A_500 = arith.muli %shift_right_arithmetic3A_498, %mul3A_499 : i32
    %multiple_of3A_501 = tpu.assume_multiple %mul3A_500, 8 : i32
    %dma_start3A_502 = arith.constant 0 : i32
    %dma_start3A_503 = arith.constant 96 : i32
    %dma_start3A_504 = arith.constant 0 : i32
    %dma_start3A_505 = tpu.memref_slice %arg12[%dma_start3A_502, %dma_start3A_503, %dma_start3A_504] : memref<2x128x64xf32, #tpu.memory_space<vmem>> -> memref<1x8x64xf32, #tpu.memory_space<vmem>>
    %dma_start3A_506 = tpu.memref_squeeze %dma_start3A_505 : memref<1x8x64xf32, #tpu.memory_space<vmem>> -> memref<8x64xf32, #tpu.memory_space<vmem>>
    %dma_start3A_507 = arith.constant 0 : i32
    %dma_start3A_508 = tpu.memref_slice %arg7[%multiple_of3A_494, %dma_start3A_507] : memref<1000000x64xf32, #tpu.memory_space<hbm>> -> memref<8x64xf32, #tpu.memory_space<hbm>>
    %dma_start3A_509 = arith.constant 96 : i32
    %dma_start3A_510 = arith.constant 0 : i32
    %dma_start3A_511 = tpu.memref_slice %arg12[%dma_start3A_502, %dma_start3A_509, %dma_start3A_510] : memref<2x128x64xf32, #tpu.memory_space<vmem>> -> memref<1x8x64xf32, #tpu.memory_space<vmem>>
    %dma_start3A_512 = tpu.memref_squeeze %dma_start3A_511 : memref<1x8x64xf32, #tpu.memory_space<vmem>> -> memref<8x64xf32, #tpu.memory_space<vmem>>
    %dma_start3A_513 = arith.constant 0 : i32
    %dma_start3A_514 = tpu.memref_slice %arg7[%multiple_of3A_494, %dma_start3A_513] : memref<1000000x64xf32, #tpu.memory_space<hbm>> -> memref<8x64xf32, #tpu.memory_space<hbm>>
    tpu.enqueue_dma source(%dma_start3A_514 : memref<8x64xf32, #tpu.memory_space<hbm>>) target(%dma_start3A_512 : memref<8x64xf32, #tpu.memory_space<vmem>>) target_semaphore(%arg17 : memref<!tpu.dma_semaphore, #tpu.memory_space<semaphore_mem>>)
    %dma_start3A_515 = arith.constant 0 : i32
    %dma_start3A_516 = arith.constant 96 : i32
    %dma_start3A_517 = arith.constant 0 : i32
    %dma_start3A_518 = tpu.memref_slice %arg13[%dma_start3A_515, %dma_start3A_516, %dma_start3A_517] : memref<2x128x64xf32, #tpu.memory_space<vmem>> -> memref<1x8x64xf32, #tpu.memory_space<vmem>>
    %dma_start3A_519 = tpu.memref_squeeze %dma_start3A_518 : memref<1x8x64xf32, #tpu.memory_space<vmem>> -> memref<8x64xf32, #tpu.memory_space<vmem>>
    %dma_start3A_520 = arith.constant 0 : i32
    %dma_start3A_521 = tpu.memref_slice %arg7[%multiple_of3A_501, %dma_start3A_520] : memref<1000000x64xf32, #tpu.memory_space<hbm>> -> memref<8x64xf32, #tpu.memory_space<hbm>>
    %dma_start3A_522 = arith.constant 96 : i32
    %dma_start3A_523 = arith.constant 0 : i32
    %dma_start3A_524 = tpu.memref_slice %arg13[%dma_start3A_515, %dma_start3A_522, %dma_start3A_523] : memref<2x128x64xf32, #tpu.memory_space<vmem>> -> memref<1x8x64xf32, #tpu.memory_space<vmem>>
    %dma_start3A_525 = tpu.memref_squeeze %dma_start3A_524 : memref<1x8x64xf32, #tpu.memory_space<vmem>> -> memref<8x64xf32, #tpu.memory_space<vmem>>
    %dma_start3A_526 = arith.constant 0 : i32
    %dma_start3A_527 = tpu.memref_slice %arg7[%multiple_of3A_501, %dma_start3A_526] : memref<1000000x64xf32, #tpu.memory_space<hbm>> -> memref<8x64xf32, #tpu.memory_space<hbm>>
    tpu.enqueue_dma source(%dma_start3A_527 : memref<8x64xf32, #tpu.memory_space<hbm>>) target(%dma_start3A_525 : memref<8x64xf32, #tpu.memory_space<vmem>>) target_semaphore(%arg18 : memref<!tpu.dma_semaphore, #tpu.memory_space<semaphore_mem>>)
    %slice3A_528 = vector.extract_strided_slice %get3A_9 {offsets = [13], sizes = [1], strides = [1]} : vector<16xi32> to vector<1xi32>
    %squeeze3A_529 = vector.extract %slice3A_528[0] : i32 from vector<1xi32>
    %shift_right_arithmetic3A_530 = arith.constant 3 : i32
    %shift_right_arithmetic3A_531 = arith.shrsi %squeeze3A_529, %shift_right_arithmetic3A_530 : i32
    %mul3A_532 = arith.constant 8 : i32
    %mul3A_533 = arith.muli %shift_right_arithmetic3A_531, %mul3A_532 : i32
    %multiple_of3A_534 = tpu.assume_multiple %mul3A_533, 8 : i32
    %slice3A_535 = vector.extract_strided_slice %get3A_11 {offsets = [13], sizes = [1], strides = [1]} : vector<16xi32> to vector<1xi32>
    %squeeze3A_536 = vector.extract %slice3A_535[0] : i32 from vector<1xi32>
    %shift_right_arithmetic3A_537 = arith.constant 3 : i32
    %shift_right_arithmetic3A_538 = arith.shrsi %squeeze3A_536, %shift_right_arithmetic3A_537 : i32
    %mul3A_539 = arith.constant 8 : i32
    %mul3A_540 = arith.muli %shift_right_arithmetic3A_538, %mul3A_539 : i32
    %multiple_of3A_541 = tpu.assume_multiple %mul3A_540, 8 : i32
    %dma_start3A_542 = arith.constant 0 : i32
    %dma_start3A_543 = arith.constant 104 : i32
    %dma_start3A_544 = arith.constant 0 : i32
    %dma_start3A_545 = tpu.memref_slice %arg12[%dma_start3A_542, %dma_start3A_543, %dma_start3A_544] : memref<2x128x64xf32, #tpu.memory_space<vmem>> -> memref<1x8x64xf32, #tpu.memory_space<vmem>>
    %dma_start3A_546 = tpu.memref_squeeze %dma_start3A_545 : memref<1x8x64xf32, #tpu.memory_space<vmem>> -> memref<8x64xf32, #tpu.memory_space<vmem>>
    %dma_start3A_547 = arith.constant 0 : i32
    %dma_start3A_548 = tpu.memref_slice %arg7[%multiple_of3A_534, %dma_start3A_547] : memref<1000000x64xf32, #tpu.memory_space<hbm>> -> memref<8x64xf32, #tpu.memory_space<hbm>>
    %dma_start3A_549 = arith.constant 104 : i32
    %dma_start3A_550 = arith.constant 0 : i32
    %dma_start3A_551 = tpu.memref_slice %arg12[%dma_start3A_542, %dma_start3A_549, %dma_start3A_550] : memref<2x128x64xf32, #tpu.memory_space<vmem>> -> memref<1x8x64xf32, #tpu.memory_space<vmem>>
    %dma_start3A_552 = tpu.memref_squeeze %dma_start3A_551 : memref<1x8x64xf32, #tpu.memory_space<vmem>> -> memref<8x64xf32, #tpu.memory_space<vmem>>
    %dma_start3A_553 = arith.constant 0 : i32
    %dma_start3A_554 = tpu.memref_slice %arg7[%multiple_of3A_534, %dma_start3A_553] : memref<1000000x64xf32, #tpu.memory_space<hbm>> -> memref<8x64xf32, #tpu.memory_space<hbm>>
    tpu.enqueue_dma source(%dma_start3A_554 : memref<8x64xf32, #tpu.memory_space<hbm>>) target(%dma_start3A_552 : memref<8x64xf32, #tpu.memory_space<vmem>>) target_semaphore(%arg17 : memref<!tpu.dma_semaphore, #tpu.memory_space<semaphore_mem>>)
    %dma_start3A_555 = arith.constant 0 : i32
    %dma_start3A_556 = arith.constant 104 : i32
    %dma_start3A_557 = arith.constant 0 : i32
    %dma_start3A_558 = tpu.memref_slice %arg13[%dma_start3A_555, %dma_start3A_556, %dma_start3A_557] : memref<2x128x64xf32, #tpu.memory_space<vmem>> -> memref<1x8x64xf32, #tpu.memory_space<vmem>>
    %dma_start3A_559 = tpu.memref_squeeze %dma_start3A_558 : memref<1x8x64xf32, #tpu.memory_space<vmem>> -> memref<8x64xf32, #tpu.memory_space<vmem>>
    %dma_start3A_560 = arith.constant 0 : i32
    %dma_start3A_561 = tpu.memref_slice %arg7[%multiple_of3A_541, %dma_start3A_560] : memref<1000000x64xf32, #tpu.memory_space<hbm>> -> memref<8x64xf32, #tpu.memory_space<hbm>>
    %dma_start3A_562 = arith.constant 104 : i32
    %dma_start3A_563 = arith.constant 0 : i32
    %dma_start3A_564 = tpu.memref_slice %arg13[%dma_start3A_555, %dma_start3A_562, %dma_start3A_563] : memref<2x128x64xf32, #tpu.memory_space<vmem>> -> memref<1x8x64xf32, #tpu.memory_space<vmem>>
    %dma_start3A_565 = tpu.memref_squeeze %dma_start3A_564 : memref<1x8x64xf32, #tpu.memory_space<vmem>> -> memref<8x64xf32, #tpu.memory_space<vmem>>
    %dma_start3A_566 = arith.constant 0 : i32
    %dma_start3A_567 = tpu.memref_slice %arg7[%multiple_of3A_541, %dma_start3A_566] : memref<1000000x64xf32, #tpu.memory_space<hbm>> -> memref<8x64xf32, #tpu.memory_space<hbm>>
    tpu.enqueue_dma source(%dma_start3A_567 : memref<8x64xf32, #tpu.memory_space<hbm>>) target(%dma_start3A_565 : memref<8x64xf32, #tpu.memory_space<vmem>>) target_semaphore(%arg18 : memref<!tpu.dma_semaphore, #tpu.memory_space<semaphore_mem>>)
    %slice3A_568 = vector.extract_strided_slice %get3A_9 {offsets = [14], sizes = [1], strides = [1]} : vector<16xi32> to vector<1xi32>
    %squeeze3A_569 = vector.extract %slice3A_568[0] : i32 from vector<1xi32>
    %shift_right_arithmetic3A_570 = arith.constant 3 : i32
    %shift_right_arithmetic3A_571 = arith.shrsi %squeeze3A_569, %shift_right_arithmetic3A_570 : i32
    %mul3A_572 = arith.constant 8 : i32
    %mul3A_573 = arith.muli %shift_right_arithmetic3A_571, %mul3A_572 : i32
    %multiple_of3A_574 = tpu.assume_multiple %mul3A_573, 8 : i32
    %slice3A_575 = vector.extract_strided_slice %get3A_11 {offsets = [14], sizes = [1], strides = [1]} : vector<16xi32> to vector<1xi32>
    %squeeze3A_576 = vector.extract %slice3A_575[0] : i32 from vector<1xi32>
    %shift_right_arithmetic3A_577 = arith.constant 3 : i32
    %shift_right_arithmetic3A_578 = arith.shrsi %squeeze3A_576, %shift_right_arithmetic3A_577 : i32
    %mul3A_579 = arith.constant 8 : i32
    %mul3A_580 = arith.muli %shift_right_arithmetic3A_578, %mul3A_579 : i32
    %multiple_of3A_581 = tpu.assume_multiple %mul3A_580, 8 : i32
    %dma_start3A_582 = arith.constant 0 : i32
    %dma_start3A_583 = arith.constant 112 : i32
    %dma_start3A_584 = arith.constant 0 : i32
    %dma_start3A_585 = tpu.memref_slice %arg12[%dma_start3A_582, %dma_start3A_583, %dma_start3A_584] : memref<2x128x64xf32, #tpu.memory_space<vmem>> -> memref<1x8x64xf32, #tpu.memory_space<vmem>>
    %dma_start3A_586 = tpu.memref_squeeze %dma_start3A_585 : memref<1x8x64xf32, #tpu.memory_space<vmem>> -> memref<8x64xf32, #tpu.memory_space<vmem>>
    %dma_start3A_587 = arith.constant 0 : i32
    %dma_start3A_588 = tpu.memref_slice %arg7[%multiple_of3A_574, %dma_start3A_587] : memref<1000000x64xf32, #tpu.memory_space<hbm>> -> memref<8x64xf32, #tpu.memory_space<hbm>>
    %dma_start3A_589 = arith.constant 112 : i32
    %dma_start3A_590 = arith.constant 0 : i32
    %dma_start3A_591 = tpu.memref_slice %arg12[%dma_start3A_582, %dma_start3A_589, %dma_start3A_590] : memref<2x128x64xf32, #tpu.memory_space<vmem>> -> memref<1x8x64xf32, #tpu.memory_space<vmem>>
    %dma_start3A_592 = tpu.memref_squeeze %dma_start3A_591 : memref<1x8x64xf32, #tpu.memory_space<vmem>> -> memref<8x64xf32, #tpu.memory_space<vmem>>
    %dma_start3A_593 = arith.constant 0 : i32
    %dma_start3A_594 = tpu.memref_slice %arg7[%multiple_of3A_574, %dma_start3A_593] : memref<1000000x64xf32, #tpu.memory_space<hbm>> -> memref<8x64xf32, #tpu.memory_space<hbm>>
    tpu.enqueue_dma source(%dma_start3A_594 : memref<8x64xf32, #tpu.memory_space<hbm>>) target(%dma_start3A_592 : memref<8x64xf32, #tpu.memory_space<vmem>>) target_semaphore(%arg17 : memref<!tpu.dma_semaphore, #tpu.memory_space<semaphore_mem>>)
    %dma_start3A_595 = arith.constant 0 : i32
    %dma_start3A_596 = arith.constant 112 : i32
    %dma_start3A_597 = arith.constant 0 : i32
    %dma_start3A_598 = tpu.memref_slice %arg13[%dma_start3A_595, %dma_start3A_596, %dma_start3A_597] : memref<2x128x64xf32, #tpu.memory_space<vmem>> -> memref<1x8x64xf32, #tpu.memory_space<vmem>>
    %dma_start3A_599 = tpu.memref_squeeze %dma_start3A_598 : memref<1x8x64xf32, #tpu.memory_space<vmem>> -> memref<8x64xf32, #tpu.memory_space<vmem>>
    %dma_start3A_600 = arith.constant 0 : i32
    %dma_start3A_601 = tpu.memref_slice %arg7[%multiple_of3A_581, %dma_start3A_600] : memref<1000000x64xf32, #tpu.memory_space<hbm>> -> memref<8x64xf32, #tpu.memory_space<hbm>>
    %dma_start3A_602 = arith.constant 112 : i32
    %dma_start3A_603 = arith.constant 0 : i32
    %dma_start3A_604 = tpu.memref_slice %arg13[%dma_start3A_595, %dma_start3A_602, %dma_start3A_603] : memref<2x128x64xf32, #tpu.memory_space<vmem>> -> memref<1x8x64xf32, #tpu.memory_space<vmem>>
    %dma_start3A_605 = tpu.memref_squeeze %dma_start3A_604 : memref<1x8x64xf32, #tpu.memory_space<vmem>> -> memref<8x64xf32, #tpu.memory_space<vmem>>
    %dma_start3A_606 = arith.constant 0 : i32
    %dma_start3A_607 = tpu.memref_slice %arg7[%multiple_of3A_581, %dma_start3A_606] : memref<1000000x64xf32, #tpu.memory_space<hbm>> -> memref<8x64xf32, #tpu.memory_space<hbm>>
    tpu.enqueue_dma source(%dma_start3A_607 : memref<8x64xf32, #tpu.memory_space<hbm>>) target(%dma_start3A_605 : memref<8x64xf32, #tpu.memory_space<vmem>>) target_semaphore(%arg18 : memref<!tpu.dma_semaphore, #tpu.memory_space<semaphore_mem>>)
    %slice3A_608 = vector.extract_strided_slice %get3A_9 {offsets = [15], sizes = [1], strides = [1]} : vector<16xi32> to vector<1xi32>
    %squeeze3A_609 = vector.extract %slice3A_608[0] : i32 from vector<1xi32>
    %shift_right_arithmetic3A_610 = arith.constant 3 : i32
    %shift_right_arithmetic3A_611 = arith.shrsi %squeeze3A_609, %shift_right_arithmetic3A_610 : i32
    %mul3A_612 = arith.constant 8 : i32
    %mul3A_613 = arith.muli %shift_right_arithmetic3A_611, %mul3A_612 : i32
    %multiple_of3A_614 = tpu.assume_multiple %mul3A_613, 8 : i32
    %slice3A_615 = vector.extract_strided_slice %get3A_11 {offsets = [15], sizes = [1], strides = [1]} : vector<16xi32> to vector<1xi32>
    %squeeze3A_616 = vector.extract %slice3A_615[0] : i32 from vector<1xi32>
    %shift_right_arithmetic3A_617 = arith.constant 3 : i32
    %shift_right_arithmetic3A_618 = arith.shrsi %squeeze3A_616, %shift_right_arithmetic3A_617 : i32
    %mul3A_619 = arith.constant 8 : i32
    %mul3A_620 = arith.muli %shift_right_arithmetic3A_618, %mul3A_619 : i32
    %multiple_of3A_621 = tpu.assume_multiple %mul3A_620, 8 : i32
    %dma_start3A_622 = arith.constant 0 : i32
    %dma_start3A_623 = arith.constant 120 : i32
    %dma_start3A_624 = arith.constant 0 : i32
    %dma_start3A_625 = tpu.memref_slice %arg12[%dma_start3A_622, %dma_start3A_623, %dma_start3A_624] : memref<2x128x64xf32, #tpu.memory_space<vmem>> -> memref<1x8x64xf32, #tpu.memory_space<vmem>>
    %dma_start3A_626 = tpu.memref_squeeze %dma_start3A_625 : memref<1x8x64xf32, #tpu.memory_space<vmem>> -> memref<8x64xf32, #tpu.memory_space<vmem>>
    %dma_start3A_627 = arith.constant 0 : i32
    %dma_start3A_628 = tpu.memref_slice %arg7[%multiple_of3A_614, %dma_start3A_627] : memref<1000000x64xf32, #tpu.memory_space<hbm>> -> memref<8x64xf32, #tpu.memory_space<hbm>>
    %dma_start3A_629 = arith.constant 120 : i32
    %dma_start3A_630 = arith.constant 0 : i32
    %dma_start3A_631 = tpu.memref_slice %arg12[%dma_start3A_622, %dma_start3A_629, %dma_start3A_630] : memref<2x128x64xf32, #tpu.memory_space<vmem>> -> memref<1x8x64xf32, #tpu.memory_space<vmem>>
    %dma_start3A_632 = tpu.memref_squeeze %dma_start3A_631 : memref<1x8x64xf32, #tpu.memory_space<vmem>> -> memref<8x64xf32, #tpu.memory_space<vmem>>
    %dma_start3A_633 = arith.constant 0 : i32
    %dma_start3A_634 = tpu.memref_slice %arg7[%multiple_of3A_614, %dma_start3A_633] : memref<1000000x64xf32, #tpu.memory_space<hbm>> -> memref<8x64xf32, #tpu.memory_space<hbm>>
    tpu.enqueue_dma source(%dma_start3A_634 : memref<8x64xf32, #tpu.memory_space<hbm>>) target(%dma_start3A_632 : memref<8x64xf32, #tpu.memory_space<vmem>>) target_semaphore(%arg17 : memref<!tpu.dma_semaphore, #tpu.memory_space<semaphore_mem>>)
    %dma_start3A_635 = arith.constant 0 : i32
    %dma_start3A_636 = arith.constant 120 : i32
    %dma_start3A_637 = arith.constant 0 : i32
    %dma_start3A_638 = tpu.memref_slice %arg13[%dma_start3A_635, %dma_start3A_636, %dma_start3A_637] : memref<2x128x64xf32, #tpu.memory_space<vmem>> -> memref<1x8x64xf32, #tpu.memory_space<vmem>>
    %dma_start3A_639 = tpu.memref_squeeze %dma_start3A_638 : memref<1x8x64xf32, #tpu.memory_space<vmem>> -> memref<8x64xf32, #tpu.memory_space<vmem>>
    %dma_start3A_640 = arith.constant 0 : i32
    %dma_start3A_641 = tpu.memref_slice %arg7[%multiple_of3A_621, %dma_start3A_640] : memref<1000000x64xf32, #tpu.memory_space<hbm>> -> memref<8x64xf32, #tpu.memory_space<hbm>>
    %dma_start3A_642 = arith.constant 120 : i32
    %dma_start3A_643 = arith.constant 0 : i32
    %dma_start3A_644 = tpu.memref_slice %arg13[%dma_start3A_635, %dma_start3A_642, %dma_start3A_643] : memref<2x128x64xf32, #tpu.memory_space<vmem>> -> memref<1x8x64xf32, #tpu.memory_space<vmem>>
    %dma_start3A_645 = tpu.memref_squeeze %dma_start3A_644 : memref<1x8x64xf32, #tpu.memory_space<vmem>> -> memref<8x64xf32, #tpu.memory_space<vmem>>
    %dma_start3A_646 = arith.constant 0 : i32
    %dma_start3A_647 = tpu.memref_slice %arg7[%multiple_of3A_621, %dma_start3A_646] : memref<1000000x64xf32, #tpu.memory_space<hbm>> -> memref<8x64xf32, #tpu.memory_space<hbm>>
    tpu.enqueue_dma source(%dma_start3A_647 : memref<8x64xf32, #tpu.memory_space<hbm>>) target(%dma_start3A_645 : memref<8x64xf32, #tpu.memory_space<vmem>>) target_semaphore(%arg18 : memref<!tpu.dma_semaphore, #tpu.memory_space<semaphore_mem>>)
    %get3A_648 = arith.constant 16 : index
    %get3A_649 = tpu.vector_load %arg10[%get3A_648] {strides = array<i32>} : memref<512xi32, #tpu.memory_space<vmem>>, vector<16xi32>,
    %get3A_650 = arith.constant 16 : index
    %get3A_651 = tpu.vector_load %arg11[%get3A_650] {strides = array<i32>} : memref<512xi32, #tpu.memory_space<vmem>>, vector<16xi32>,
    %slice3A_652 = vector.extract_strided_slice %get3A_649 {offsets = [0], sizes = [1], strides = [1]} : vector<16xi32> to vector<1xi32>
    %squeeze3A_653 = vector.extract %slice3A_652[0] : i32 from vector<1xi32>
    %shift_right_arithmetic3A_654 = arith.constant 3 : i32
    %shift_right_arithmetic3A_655 = arith.shrsi %squeeze3A_653, %shift_right_arithmetic3A_654 : i32
    %mul3A_656 = arith.constant 8 : i32
    %mul3A_657 = arith.muli %shift_right_arithmetic3A_655, %mul3A_656 : i32
    %multiple_of3A_658 = tpu.assume_multiple %mul3A_657, 8 : i32
    %slice3A_659 = vector.extract_strided_slice %get3A_651 {offsets = [0], sizes = [1], strides = [1]} : vector<16xi32> to vector<1xi32>
    %squeeze3A_660 = vector.extract %slice3A_659[0] : i32 from vector<1xi32>
    %shift_right_arithmetic3A_661 = arith.constant 3 : i32
    %shift_right_arithmetic3A_662 = arith.shrsi %squeeze3A_660, %shift_right_arithmetic3A_661 : i32
    %mul3A_663 = arith.constant 8 : i32
    %mul3A_664 = arith.muli %shift_right_arithmetic3A_662, %mul3A_663 : i32
    %multiple_of3A_665 = tpu.assume_multiple %mul3A_664, 8 : i32
    %dma_start3A_666 = arith.constant 1 : i32
    %dma_start3A_667 = arith.constant 0 : i32
    %dma_start3A_668 = arith.constant 0 : i32
    %dma_start3A_669 = tpu.memref_slice %arg12[%dma_start3A_666, %dma_start3A_667, %dma_start3A_668] : memref<2x128x64xf32, #tpu.memory_space<vmem>> -> memref<1x8x64xf32, #tpu.memory_space<vmem>>
    %dma_start3A_670 = tpu.memref_squeeze %dma_start3A_669 : memref<1x8x64xf32, #tpu.memory_space<vmem>> -> memref<8x64xf32, #tpu.memory_space<vmem>>
    %dma_start3A_671 = arith.constant 0 : i32
    %dma_start3A_672 = tpu.memref_slice %arg7[%multiple_of3A_658, %dma_start3A_671] : memref<1000000x64xf32, #tpu.memory_space<hbm>> -> memref<8x64xf32, #tpu.memory_space<hbm>>
    %dma_start3A_673 = arith.constant 0 : i32
    %dma_start3A_674 = arith.constant 0 : i32
    %dma_start3A_675 = tpu.memref_slice %arg12[%dma_start3A_666, %dma_start3A_673, %dma_start3A_674] : memref<2x128x64xf32, #tpu.memory_space<vmem>> -> memref<1x8x64xf32, #tpu.memory_space<vmem>>
    %dma_start3A_676 = tpu.memref_squeeze %dma_start3A_675 : memref<1x8x64xf32, #tpu.memory_space<vmem>> -> memref<8x64xf32, #tpu.memory_space<vmem>>
    %dma_start3A_677 = arith.constant 0 : i32
    %dma_start3A_678 = tpu.memref_slice %arg7[%multiple_of3A_658, %dma_start3A_677] : memref<1000000x64xf32, #tpu.memory_space<hbm>> -> memref<8x64xf32, #tpu.memory_space<hbm>>
    tpu.enqueue_dma source(%dma_start3A_678 : memref<8x64xf32, #tpu.memory_space<hbm>>) target(%dma_start3A_676 : memref<8x64xf32, #tpu.memory_space<vmem>>) target_semaphore(%arg19 : memref<!tpu.dma_semaphore, #tpu.memory_space<semaphore_mem>>)
    %dma_start3A_679 = arith.constant 1 : i32
    %dma_start3A_680 = arith.constant 0 : i32
    %dma_start3A_681 = arith.constant 0 : i32
    %dma_start3A_682 = tpu.memref_slice %arg13[%dma_start3A_679, %dma_start3A_680, %dma_start3A_681] : memref<2x128x64xf32, #tpu.memory_space<vmem>> -> memref<1x8x64xf32, #tpu.memory_space<vmem>>
    %dma_start3A_683 = tpu.memref_squeeze %dma_start3A_682 : memref<1x8x64xf32, #tpu.memory_space<vmem>> -> memref<8x64xf32, #tpu.memory_space<vmem>>
    %dma_start3A_684 = arith.constant 0 : i32
    %dma_start3A_685 = tpu.memref_slice %arg7[%multiple_of3A_665, %dma_start3A_684] : memref<1000000x64xf32, #tpu.memory_space<hbm>> -> memref<8x64xf32, #tpu.memory_space<hbm>>
    %dma_start3A_686 = arith.constant 0 : i32
    %dma_start3A_687 = arith.constant 0 : i32
    %dma_start3A_688 = tpu.memref_slice %arg13[%dma_start3A_679, %dma_start3A_686, %dma_start3A_687] : memref<2x128x64xf32, #tpu.memory_space<vmem>> -> memref<1x8x64xf32, #tpu.memory_space<vmem>>
    %dma_start3A_689 = tpu.memref_squeeze %dma_start3A_688 : memref<1x8x64xf32, #tpu.memory_space<vmem>> -> memref<8x64xf32, #tpu.memory_space<vmem>>
    %dma_start3A_690 = arith.constant 0 : i32
    %dma_start3A_691 = tpu.memref_slice %arg7[%multiple_of3A_665, %dma_start3A_690] : memref<1000000x64xf32, #tpu.memory_space<hbm>> -> memref<8x64xf32, #tpu.memory_space<hbm>>
    tpu.enqueue_dma source(%dma_start3A_691 : memref<8x64xf32, #tpu.memory_space<hbm>>) target(%dma_start3A_689 : memref<8x64xf32, #tpu.memory_space<vmem>>) target_semaphore(%arg20 : memref<!tpu.dma_semaphore, #tpu.memory_space<semaphore_mem>>)
    %slice3A_692 = vector.extract_strided_slice %get3A_649 {offsets = [1], sizes = [1], strides = [1]} : vector<16xi32> to vector<1xi32>
    %squeeze3A_693 = vector.extract %slice3A_692[0] : i32 from vector<1xi32>
    %shift_right_arithmetic3A_694 = arith.constant 3 : i32
    %shift_right_arithmetic3A_695 = arith.shrsi %squeeze3A_693, %shift_right_arithmetic3A_694 : i32
    %mul3A_696 = arith.constant 8 : i32
    %mul3A_697 = arith.muli %shift_right_arithmetic3A_695, %mul3A_696 : i32
    %multiple_of3A_698 = tpu.assume_multiple %mul3A_697, 8 : i32
    %slice3A_699 = vector.extract_strided_slice %get3A_651 {offsets = [1], sizes = [1], strides = [1]} : vector<16xi32> to vector<1xi32>
    %squeeze3A_700 = vector.extract %slice3A_699[0] : i32 from vector<1xi32>
    %shift_right_arithmetic3A_701 = arith.constant 3 : i32
    %shift_right_arithmetic3A_702 = arith.shrsi %squeeze3A_700, %shift_right_arithmetic3A_701 : i32
    %mul3A_703 = arith.constant 8 : i32
    %mul3A_704 = arith.muli %shift_right_arithmetic3A_702, %mul3A_703 : i32
    %multiple_of3A_705 = tpu.assume_multiple %mul3A_704, 8 : i32
    %dma_start3A_706 = arith.constant 1 : i32
    %dma_start3A_707 = arith.constant 8 : i32
    %dma_start3A_708 = arith.constant 0 : i32
    %dma_start3A_709 = tpu.memref_slice %arg12[%dma_start3A_706, %dma_start3A_707, %dma_start3A_708] : memref<2x128x64xf32, #tpu.memory_space<vmem>> -> memref<1x8x64xf32, #tpu.memory_space<vmem>>
    %dma_start3A_710 = tpu.memref_squeeze %dma_start3A_709 : memref<1x8x64xf32, #tpu.memory_space<vmem>> -> memref<8x64xf32, #tpu.memory_space<vmem>>
    %dma_start3A_711 = arith.constant 0 : i32
    %dma_start3A_712 = tpu.memref_slice %arg7[%multiple_of3A_698, %dma_start3A_711] : memref<1000000x64xf32, #tpu.memory_space<hbm>> -> memref<8x64xf32, #tpu.memory_space<hbm>>
    %dma_start3A_713 = arith.constant 8 : i32
    %dma_start3A_714 = arith.constant 0 : i32
    %dma_start3A_715 = tpu.memref_slice %arg12[%dma_start3A_706, %dma_start3A_713, %dma_start3A_714] : memref<2x128x64xf32, #tpu.memory_space<vmem>> -> memref<1x8x64xf32, #tpu.memory_space<vmem>>
    %dma_start3A_716 = tpu.memref_squeeze %dma_start3A_715 : memref<1x8x64xf32, #tpu.memory_space<vmem>> -> memref<8x64xf32, #tpu.memory_space<vmem>>
    %dma_start3A_717 = arith.constant 0 : i32
    %dma_start3A_718 = tpu.memref_slice %arg7[%multiple_of3A_698, %dma_start3A_717] : memref<1000000x64xf32, #tpu.memory_space<hbm>> -> memref<8x64xf32, #tpu.memory_space<hbm>>
    tpu.enqueue_dma source(%dma_start3A_718 : memref<8x64xf32, #tpu.memory_space<hbm>>) target(%dma_start3A_716 : memref<8x64xf32, #tpu.memory_space<vmem>>) target_semaphore(%arg19 : memref<!tpu.dma_semaphore, #tpu.memory_space<semaphore_mem>>)
    %dma_start3A_719 = arith.constant 1 : i32
    %dma_start3A_720 = arith.constant 8 : i32
    %dma_start3A_721 = arith.constant 0 : i32
    %dma_start3A_722 = tpu.memref_slice %arg13[%dma_start3A_719, %dma_start3A_720, %dma_start3A_721] : memref<2x128x64xf32, #tpu.memory_space<vmem>> -> memref<1x8x64xf32, #tpu.memory_space<vmem>>
    %dma_start3A_723 = tpu.memref_squeeze %dma_start3A_722 : memref<1x8x64xf32, #tpu.memory_space<vmem>> -> memref<8x64xf32, #tpu.memory_space<vmem>>
    %dma_start3A_724 = arith.constant 0 : i32
    %dma_start3A_725 = tpu.memref_slice %arg7[%multiple_of3A_705, %dma_start3A_724] : memref<1000000x64xf32, #tpu.memory_space<hbm>> -> memref<8x64xf32, #tpu.memory_space<hbm>>
    %dma_start3A_726 = arith.constant 8 : i32
    %dma_start3A_727 = arith.constant 0 : i32
    %dma_start3A_728 = tpu.memref_slice %arg13[%dma_start3A_719, %dma_start3A_726, %dma_start3A_727] : memref<2x128x64xf32, #tpu.memory_space<vmem>> -> memref<1x8x64xf32, #tpu.memory_space<vmem>>
    %dma_start3A_729 = tpu.memref_squeeze %dma_start3A_728 : memref<1x8x64xf32, #tpu.memory_space<vmem>> -> memref<8x64xf32, #tpu.memory_space<vmem>>
    %dma_start3A_730 = arith.constant 0 : i32
    %dma_start3A_731 = tpu.memref_slice %arg7[%multiple_of3A_705, %dma_start3A_730] : memref<1000000x64xf32, #tpu.memory_space<hbm>> -> memref<8x64xf32, #tpu.memory_space<hbm>>
    tpu.enqueue_dma source(%dma_start3A_731 : memref<8x64xf32, #tpu.memory_space<hbm>>) target(%dma_start3A_729 : memref<8x64xf32, #tpu.memory_space<vmem>>) target_semaphore(%arg20 : memref<!tpu.dma_semaphore, #tpu.memory_space<semaphore_mem>>)
    %slice3A_732 = vector.extract_strided_slice %get3A_649 {offsets = [2], sizes = [1], strides = [1]} : vector<16xi32> to vector<1xi32>
    %squeeze3A_733 = vector.extract %slice3A_732[0] : i32 from vector<1xi32>
    %shift_right_arithmetic3A_734 = arith.constant 3 : i32
    %shift_right_arithmetic3A_735 = arith.shrsi %squeeze3A_733, %shift_right_arithmetic3A_734 : i32
    %mul3A_736 = arith.constant 8 : i32
    %mul3A_737 = arith.muli %shift_right_arithmetic3A_735, %mul3A_736 : i32
    %multiple_of3A_738 = tpu.assume_multiple %mul3A_737, 8 : i32
    %slice3A_739 = vector.extract_strided_slice %get3A_651 {offsets = [2], sizes = [1], strides = [1]} : vector<16xi32> to vector<1xi32>
    %squeeze3A_740 = vector.extract %slice3A_739[0] : i32 from vector<1xi32>
    %shift_right_arithmetic3A_741 = arith.constant 3 : i32
    %shift_right_arithmetic3A_742 = arith.shrsi %squeeze3A_740, %shift_right_arithmetic3A_741 : i32
    %mul3A_743 = arith.constant 8 : i32
    %mul3A_744 = arith.muli %shift_right_arithmetic3A_742, %mul3A_743 : i32
    %multiple_of3A_745 = tpu.assume_multiple %mul3A_744, 8 : i32
    %dma_start3A_746 = arith.constant 1 : i32
    %dma_start3A_747 = arith.constant 16 : i32
    %dma_start3A_748 = arith.constant 0 : i32
    %dma_start3A_749 = tpu.memref_slice %arg12[%dma_start3A_746, %dma_start3A_747, %dma_start3A_748] : memref<2x128x64xf32, #tpu.memory_space<vmem>> -> memref<1x8x64xf32, #tpu.memory_space<vmem>>
    %dma_start3A_750 = tpu.memref_squeeze %dma_start3A_749 : memref<1x8x64xf32, #tpu.memory_space<vmem>> -> memref<8x64xf32, #tpu.memory_space<vmem>>
    %dma_start3A_751 = arith.constant 0 : i32
    %dma_start3A_752 = tpu.memref_slice %arg7[%multiple_of3A_738, %dma_start3A_751] : memref<1000000x64xf32, #tpu.memory_space<hbm>> -> memref<8x64xf32, #tpu.memory_space<hbm>>
    %dma_start3A_753 = arith.constant 16 : i32
    %dma_start3A_754 = arith.constant 0 : i32
    %dma_start3A_755 = tpu.memref_slice %arg12[%dma_start3A_746, %dma_start3A_753, %dma_start3A_754] : memref<2x128x64xf32, #tpu.memory_space<vmem>> -> memref<1x8x64xf32, #tpu.memory_space<vmem>>
    %dma_start3A_756 = tpu.memref_squeeze %dma_start3A_755 : memref<1x8x64xf32, #tpu.memory_space<vmem>> -> memref<8x64xf32, #tpu.memory_space<vmem>>
    %dma_start3A_757 = arith.constant 0 : i32
    %dma_start3A_758 = tpu.memref_slice %arg7[%multiple_of3A_738, %dma_start3A_757] : memref<1000000x64xf32, #tpu.memory_space<hbm>> -> memref<8x64xf32, #tpu.memory_space<hbm>>
    tpu.enqueue_dma source(%dma_start3A_758 : memref<8x64xf32, #tpu.memory_space<hbm>>) target(%dma_start3A_756 : memref<8x64xf32, #tpu.memory_space<vmem>>) target_semaphore(%arg19 : memref<!tpu.dma_semaphore, #tpu.memory_space<semaphore_mem>>)
    %dma_start3A_759 = arith.constant 1 : i32
    %dma_start3A_760 = arith.constant 16 : i32
    %dma_start3A_761 = arith.constant 0 : i32
    %dma_start3A_762 = tpu.memref_slice %arg13[%dma_start3A_759, %dma_start3A_760, %dma_start3A_761] : memref<2x128x64xf32, #tpu.memory_space<vmem>> -> memref<1x8x64xf32, #tpu.memory_space<vmem>>
    %dma_start3A_763 = tpu.memref_squeeze %dma_start3A_762 : memref<1x8x64xf32, #tpu.memory_space<vmem>> -> memref<8x64xf32, #tpu.memory_space<vmem>>
    %dma_start3A_764 = arith.constant 0 : i32
    %dma_start3A_765 = tpu.memref_slice %arg7[%multiple_of3A_745, %dma_start3A_764] : memref<1000000x64xf32, #tpu.memory_space<hbm>> -> memref<8x64xf32, #tpu.memory_space<hbm>>
    %dma_start3A_766 = arith.constant 16 : i32
    %dma_start3A_767 = arith.constant 0 : i32
    %dma_start3A_768 = tpu.memref_slice %arg13[%dma_start3A_759, %dma_start3A_766, %dma_start3A_767] : memref<2x128x64xf32, #tpu.memory_space<vmem>> -> memref<1x8x64xf32, #tpu.memory_space<vmem>>
    %dma_start3A_769 = tpu.memref_squeeze %dma_start3A_768 : memref<1x8x64xf32, #tpu.memory_space<vmem>> -> memref<8x64xf32, #tpu.memory_space<vmem>>
    %dma_start3A_770 = arith.constant 0 : i32
    %dma_start3A_771 = tpu.memref_slice %arg7[%multiple_of3A_745, %dma_start3A_770] : memref<1000000x64xf32, #tpu.memory_space<hbm>> -> memref<8x64xf32, #tpu.memory_space<hbm>>
    tpu.enqueue_dma source(%dma_start3A_771 : memref<8x64xf32, #tpu.memory_space<hbm>>) target(%dma_start3A_769 : memref<8x64xf32, #tpu.memory_space<vmem>>) target_semaphore(%arg20 : memref<!tpu.dma_semaphore, #tpu.memory_space<semaphore_mem>>)
    %slice3A_772 = vector.extract_strided_slice %get3A_649 {offsets = [3], sizes = [1], strides = [1]} : vector<16xi32> to vector<1xi32>
    %squeeze3A_773 = vector.extract %slice3A_772[0] : i32 from vector<1xi32>
    %shift_right_arithmetic3A_774 = arith.constant 3 : i32
    %shift_right_arithmetic3A_775 = arith.shrsi %squeeze3A_773, %shift_right_arithmetic3A_774 : i32
    %mul3A_776 = arith.constant 8 : i32
    %mul3A_777 = arith.muli %shift_right_arithmetic3A_775, %mul3A_776 : i32
    %multiple_of3A_778 = tpu.assume_multiple %mul3A_777, 8 : i32
    %slice3A_779 = vector.extract_strided_slice %get3A_651 {offsets = [3], sizes = [1], strides = [1]} : vector<16xi32> to vector<1xi32>
    %squeeze3A_780 = vector.extract %slice3A_779[0] : i32 from vector<1xi32>
    %shift_right_arithmetic3A_781 = arith.constant 3 : i32
    %shift_right_arithmetic3A_782 = arith.shrsi %squeeze3A_780, %shift_right_arithmetic3A_781 : i32
    %mul3A_783 = arith.constant 8 : i32
    %mul3A_784 = arith.muli %shift_right_arithmetic3A_782, %mul3A_783 : i32
    %multiple_of3A_785 = tpu.assume_multiple %mul3A_784, 8 : i32
    %dma_start3A_786 = arith.constant 1 : i32
    %dma_start3A_787 = arith.constant 24 : i32
    %dma_start3A_788 = arith.constant 0 : i32
    %dma_start3A_789 = tpu.memref_slice %arg12[%dma_start3A_786, %dma_start3A_787, %dma_start3A_788] : memref<2x128x64xf32, #tpu.memory_space<vmem>> -> memref<1x8x64xf32, #tpu.memory_space<vmem>>
    %dma_start3A_790 = tpu.memref_squeeze %dma_start3A_789 : memref<1x8x64xf32, #tpu.memory_space<vmem>> -> memref<8x64xf32, #tpu.memory_space<vmem>>
    %dma_start3A_791 = arith.constant 0 : i32
    %dma_start3A_792 = tpu.memref_slice %arg7[%multiple_of3A_778, %dma_start3A_791] : memref<1000000x64xf32, #tpu.memory_space<hbm>> -> memref<8x64xf32, #tpu.memory_space<hbm>>
    %dma_start3A_793 = arith.constant 24 : i32
    %dma_start3A_794 = arith.constant 0 : i32
    %dma_start3A_795 = tpu.memref_slice %arg12[%dma_start3A_786, %dma_start3A_793, %dma_start3A_794] : memref<2x128x64xf32, #tpu.memory_space<vmem>> -> memref<1x8x64xf32, #tpu.memory_space<vmem>>
    %dma_start3A_796 = tpu.memref_squeeze %dma_start3A_795 : memref<1x8x64xf32, #tpu.memory_space<vmem>> -> memref<8x64xf32, #tpu.memory_space<vmem>>
    %dma_start3A_797 = arith.constant 0 : i32
    %dma_start3A_798 = tpu.memref_slice %arg7[%multiple_of3A_778, %dma_start3A_797] : memref<1000000x64xf32, #tpu.memory_space<hbm>> -> memref<8x64xf32, #tpu.memory_space<hbm>>
    tpu.enqueue_dma source(%dma_start3A_798 : memref<8x64xf32, #tpu.memory_space<hbm>>) target(%dma_start3A_796 : memref<8x64xf32, #tpu.memory_space<vmem>>) target_semaphore(%arg19 : memref<!tpu.dma_semaphore, #tpu.memory_space<semaphore_mem>>)
    %dma_start3A_799 = arith.constant 1 : i32
    %dma_start3A_800 = arith.constant 24 : i32
    %dma_start3A_801 = arith.constant 0 : i32
    %dma_start3A_802 = tpu.memref_slice %arg13[%dma_start3A_799, %dma_start3A_800, %dma_start3A_801] : memref<2x128x64xf32, #tpu.memory_space<vmem>> -> memref<1x8x64xf32, #tpu.memory_space<vmem>>
    %dma_start3A_803 = tpu.memref_squeeze %dma_start3A_802 : memref<1x8x64xf32, #tpu.memory_space<vmem>> -> memref<8x64xf32, #tpu.memory_space<vmem>>
    %dma_start3A_804 = arith.constant 0 : i32
    %dma_start3A_805 = tpu.memref_slice %arg7[%multiple_of3A_785, %dma_start3A_804] : memref<1000000x64xf32, #tpu.memory_space<hbm>> -> memref<8x64xf32, #tpu.memory_space<hbm>>
    %dma_start3A_806 = arith.constant 24 : i32
    %dma_start3A_807 = arith.constant 0 : i32
    %dma_start3A_808 = tpu.memref_slice %arg13[%dma_start3A_799, %dma_start3A_806, %dma_start3A_807] : memref<2x128x64xf32, #tpu.memory_space<vmem>> -> memref<1x8x64xf32, #tpu.memory_space<vmem>>
    %dma_start3A_809 = tpu.memref_squeeze %dma_start3A_808 : memref<1x8x64xf32, #tpu.memory_space<vmem>> -> memref<8x64xf32, #tpu.memory_space<vmem>>
    %dma_start3A_810 = arith.constant 0 : i32
    %dma_start3A_811 = tpu.memref_slice %arg7[%multiple_of3A_785, %dma_start3A_810] : memref<1000000x64xf32, #tpu.memory_space<hbm>> -> memref<8x64xf32, #tpu.memory_space<hbm>>
    tpu.enqueue_dma source(%dma_start3A_811 : memref<8x64xf32, #tpu.memory_space<hbm>>) target(%dma_start3A_809 : memref<8x64xf32, #tpu.memory_space<vmem>>) target_semaphore(%arg20 : memref<!tpu.dma_semaphore, #tpu.memory_space<semaphore_mem>>)
    %slice3A_812 = vector.extract_strided_slice %get3A_649 {offsets = [4], sizes = [1], strides = [1]} : vector<16xi32> to vector<1xi32>
    %squeeze3A_813 = vector.extract %slice3A_812[0] : i32 from vector<1xi32>
    %shift_right_arithmetic3A_814 = arith.constant 3 : i32
    %shift_right_arithmetic3A_815 = arith.shrsi %squeeze3A_813, %shift_right_arithmetic3A_814 : i32
    %mul3A_816 = arith.constant 8 : i32
    %mul3A_817 = arith.muli %shift_right_arithmetic3A_815, %mul3A_816 : i32
    %multiple_of3A_818 = tpu.assume_multiple %mul3A_817, 8 : i32
    %slice3A_819 = vector.extract_strided_slice %get3A_651 {offsets = [4], sizes = [1], strides = [1]} : vector<16xi32> to vector<1xi32>
    %squeeze3A_820 = vector.extract %slice3A_819[0] : i32 from vector<1xi32>
    %shift_right_arithmetic3A_821 = arith.constant 3 : i32
    %shift_right_arithmetic3A_822 = arith.shrsi %squeeze3A_820, %shift_right_arithmetic3A_821 : i32
    %mul3A_823 = arith.constant 8 : i32
    %mul3A_824 = arith.muli %shift_right_arithmetic3A_822, %mul3A_823 : i32
    %multiple_of3A_825 = tpu.assume_multiple %mul3A_824, 8 : i32
    %dma_start3A_826 = arith.constant 1 : i32
    %dma_start3A_827 = arith.constant 32 : i32
    %dma_start3A_828 = arith.constant 0 : i32
    %dma_start3A_829 = tpu.memref_slice %arg12[%dma_start3A_826, %dma_start3A_827, %dma_start3A_828] : memref<2x128x64xf32, #tpu.memory_space<vmem>> -> memref<1x8x64xf32, #tpu.memory_space<vmem>>
    %dma_start3A_830 = tpu.memref_squeeze %dma_start3A_829 : memref<1x8x64xf32, #tpu.memory_space<vmem>> -> memref<8x64xf32, #tpu.memory_space<vmem>>
    %dma_start3A_831 = arith.constant 0 : i32
    %dma_start3A_832 = tpu.memref_slice %arg7[%multiple_of3A_818, %dma_start3A_831] : memref<1000000x64xf32, #tpu.memory_space<hbm>> -> memref<8x64xf32, #tpu.memory_space<hbm>>
    %dma_start3A_833 = arith.constant 32 : i32
    %dma_start3A_834 = arith.constant 0 : i32
    %dma_start3A_835 = tpu.memref_slice %arg12[%dma_start3A_826, %dma_start3A_833, %dma_start3A_834] : memref<2x128x64xf32, #tpu.memory_space<vmem>> -> memref<1x8x64xf32, #tpu.memory_space<vmem>>
    %dma_start3A_836 = tpu.memref_squeeze %dma_start3A_835 : memref<1x8x64xf32, #tpu.memory_space<vmem>> -> memref<8x64xf32, #tpu.memory_space<vmem>>
    %dma_start3A_837 = arith.constant 0 : i32
    %dma_start3A_838 = tpu.memref_slice %arg7[%multiple_of3A_818, %dma_start3A_837] : memref<1000000x64xf32, #tpu.memory_space<hbm>> -> memref<8x64xf32, #tpu.memory_space<hbm>>
    tpu.enqueue_dma source(%dma_start3A_838 : memref<8x64xf32, #tpu.memory_space<hbm>>) target(%dma_start3A_836 : memref<8x64xf32, #tpu.memory_space<vmem>>) target_semaphore(%arg19 : memref<!tpu.dma_semaphore, #tpu.memory_space<semaphore_mem>>)
    %dma_start3A_839 = arith.constant 1 : i32
    %dma_start3A_840 = arith.constant 32 : i32
    %dma_start3A_841 = arith.constant 0 : i32
    %dma_start3A_842 = tpu.memref_slice %arg13[%dma_start3A_839, %dma_start3A_840, %dma_start3A_841] : memref<2x128x64xf32, #tpu.memory_space<vmem>> -> memref<1x8x64xf32, #tpu.memory_space<vmem>>
    %dma_start3A_843 = tpu.memref_squeeze %dma_start3A_842 : memref<1x8x64xf32, #tpu.memory_space<vmem>> -> memref<8x64xf32, #tpu.memory_space<vmem>>
    %dma_start3A_844 = arith.constant 0 : i32
    %dma_start3A_845 = tpu.memref_slice %arg7[%multiple_of3A_825, %dma_start3A_844] : memref<1000000x64xf32, #tpu.memory_space<hbm>> -> memref<8x64xf32, #tpu.memory_space<hbm>>
    %dma_start3A_846 = arith.constant 32 : i32
    %dma_start3A_847 = arith.constant 0 : i32
    %dma_start3A_848 = tpu.memref_slice %arg13[%dma_start3A_839, %dma_start3A_846, %dma_start3A_847] : memref<2x128x64xf32, #tpu.memory_space<vmem>> -> memref<1x8x64xf32, #tpu.memory_space<vmem>>
    %dma_start3A_849 = tpu.memref_squeeze %dma_start3A_848 : memref<1x8x64xf32, #tpu.memory_space<vmem>> -> memref<8x64xf32, #tpu.memory_space<vmem>>
    %dma_start3A_850 = arith.constant 0 : i32
    %dma_start3A_851 = tpu.memref_slice %arg7[%multiple_of3A_825, %dma_start3A_850] : memref<1000000x64xf32, #tpu.memory_space<hbm>> -> memref<8x64xf32, #tpu.memory_space<hbm>>
    tpu.enqueue_dma source(%dma_start3A_851 : memref<8x64xf32, #tpu.memory_space<hbm>>) target(%dma_start3A_849 : memref<8x64xf32, #tpu.memory_space<vmem>>) target_semaphore(%arg20 : memref<!tpu.dma_semaphore, #tpu.memory_space<semaphore_mem>>)
    %slice3A_852 = vector.extract_strided_slice %get3A_649 {offsets = [5], sizes = [1], strides = [1]} : vector<16xi32> to vector<1xi32>
    %squeeze3A_853 = vector.extract %slice3A_852[0] : i32 from vector<1xi32>
    %shift_right_arithmetic3A_854 = arith.constant 3 : i32
    %shift_right_arithmetic3A_855 = arith.shrsi %squeeze3A_853, %shift_right_arithmetic3A_854 : i32
    %mul3A_856 = arith.constant 8 : i32
    %mul3A_857 = arith.muli %shift_right_arithmetic3A_855, %mul3A_856 : i32
    %multiple_of3A_858 = tpu.assume_multiple %mul3A_857, 8 : i32
    %slice3A_859 = vector.extract_strided_slice %get3A_651 {offsets = [5], sizes = [1], strides = [1]} : vector<16xi32> to vector<1xi32>
    %squeeze3A_860 = vector.extract %slice3A_859[0] : i32 from vector<1xi32>
    %shift_right_arithmetic3A_861 = arith.constant 3 : i32
    %shift_right_arithmetic3A_862 = arith.shrsi %squeeze3A_860, %shift_right_arithmetic3A_861 : i32
    %mul3A_863 = arith.constant 8 : i32
    %mul3A_864 = arith.muli %shift_right_arithmetic3A_862, %mul3A_863 : i32
    %multiple_of3A_865 = tpu.assume_multiple %mul3A_864, 8 : i32
    %dma_start3A_866 = arith.constant 1 : i32
    %dma_start3A_867 = arith.constant 40 : i32
    %dma_start3A_868 = arith.constant 0 : i32
    %dma_start3A_869 = tpu.memref_slice %arg12[%dma_start3A_866, %dma_start3A_867, %dma_start3A_868] : memref<2x128x64xf32, #tpu.memory_space<vmem>> -> memref<1x8x64xf32, #tpu.memory_space<vmem>>
    %dma_start3A_870 = tpu.memref_squeeze %dma_start3A_869 : memref<1x8x64xf32, #tpu.memory_space<vmem>> -> memref<8x64xf32, #tpu.memory_space<vmem>>
    %dma_start3A_871 = arith.constant 0 : i32
    %dma_start3A_872 = tpu.memref_slice %arg7[%multiple_of3A_858, %dma_start3A_871] : memref<1000000x64xf32, #tpu.memory_space<hbm>> -> memref<8x64xf32, #tpu.memory_space<hbm>>
    %dma_start3A_873 = arith.constant 40 : i32
    %dma_start3A_874 = arith.constant 0 : i32
    %dma_start3A_875 = tpu.memref_slice %arg12[%dma_start3A_866, %dma_start3A_873, %dma_start3A_874] : memref<2x128x64xf32, #tpu.memory_space<vmem>> -> memref<1x8x64xf32, #tpu.memory_space<vmem>>
    %dma_start3A_876 = tpu.memref_squeeze %dma_start3A_875 : memref<1x8x64xf32, #tpu.memory_space<vmem>> -> memref<8x64xf32, #tpu.memory_space<vmem>>
    %dma_start3A_877 = arith.constant 0 : i32
    %dma_start3A_878 = tpu.memref_slice %arg7[%multiple_of3A_858, %dma_start3A_877] : memref<1000000x64xf32, #tpu.memory_space<hbm>> -> memref<8x64xf32, #tpu.memory_space<hbm>>
    tpu.enqueue_dma source(%dma_start3A_878 : memref<8x64xf32, #tpu.memory_space<hbm>>) target(%dma_start3A_876 : memref<8x64xf32, #tpu.memory_space<vmem>>) target_semaphore(%arg19 : memref<!tpu.dma_semaphore, #tpu.memory_space<semaphore_mem>>)
    %dma_start3A_879 = arith.constant 1 : i32
    %dma_start3A_880 = arith.constant 40 : i32
    %dma_start3A_881 = arith.constant 0 : i32
    %dma_start3A_882 = tpu.memref_slice %arg13[%dma_start3A_879, %dma_start3A_880, %dma_start3A_881] : memref<2x128x64xf32, #tpu.memory_space<vmem>> -> memref<1x8x64xf32, #tpu.memory_space<vmem>>
    %dma_start3A_883 = tpu.memref_squeeze %dma_start3A_882 : memref<1x8x64xf32, #tpu.memory_space<vmem>> -> memref<8x64xf32, #tpu.memory_space<vmem>>
    %dma_start3A_884 = arith.constant 0 : i32
    %dma_start3A_885 = tpu.memref_slice %arg7[%multiple_of3A_865, %dma_start3A_884] : memref<1000000x64xf32, #tpu.memory_space<hbm>> -> memref<8x64xf32, #tpu.memory_space<hbm>>
    %dma_start3A_886 = arith.constant 40 : i32
    %dma_start3A_887 = arith.constant 0 : i32
    %dma_start3A_888 = tpu.memref_slice %arg13[%dma_start3A_879, %dma_start3A_886, %dma_start3A_887] : memref<2x128x64xf32, #tpu.memory_space<vmem>> -> memref<1x8x64xf32, #tpu.memory_space<vmem>>
    %dma_start3A_889 = tpu.memref_squeeze %dma_start3A_888 : memref<1x8x64xf32, #tpu.memory_space<vmem>> -> memref<8x64xf32, #tpu.memory_space<vmem>>
    %dma_start3A_890 = arith.constant 0 : i32
    %dma_start3A_891 = tpu.memref_slice %arg7[%multiple_of3A_865, %dma_start3A_890] : memref<1000000x64xf32, #tpu.memory_space<hbm>> -> memref<8x64xf32, #tpu.memory_space<hbm>>
    tpu.enqueue_dma source(%dma_start3A_891 : memref<8x64xf32, #tpu.memory_space<hbm>>) target(%dma_start3A_889 : memref<8x64xf32, #tpu.memory_space<vmem>>) target_semaphore(%arg20 : memref<!tpu.dma_semaphore, #tpu.memory_space<semaphore_mem>>)
    %slice3A_892 = vector.extract_strided_slice %get3A_649 {offsets = [6], sizes = [1], strides = [1]} : vector<16xi32> to vector<1xi32>
    %squeeze3A_893 = vector.extract %slice3A_892[0] : i32 from vector<1xi32>
    %shift_right_arithmetic3A_894 = arith.constant 3 : i32
    %shift_right_arithmetic3A_895 = arith.shrsi %squeeze3A_893, %shift_right_arithmetic3A_894 : i32
    %mul3A_896 = arith.constant 8 : i32
    %mul3A_897 = arith.muli %shift_right_arithmetic3A_895, %mul3A_896 : i32
    %multiple_of3A_898 = tpu.assume_multiple %mul3A_897, 8 : i32
    %slice3A_899 = vector.extract_strided_slice %get3A_651 {offsets = [6], sizes = [1], strides = [1]} : vector<16xi32> to vector<1xi32>
    %squeeze3A_900 = vector.extract %slice3A_899[0] : i32 from vector<1xi32>
    %shift_right_arithmetic3A_901 = arith.constant 3 : i32
    %shift_right_arithmetic3A_902 = arith.shrsi %squeeze3A_900, %shift_right_arithmetic3A_901 : i32
    %mul3A_903 = arith.constant 8 : i32
    %mul3A_904 = arith.muli %shift_right_arithmetic3A_902, %mul3A_903 : i32
    %multiple_of3A_905 = tpu.assume_multiple %mul3A_904, 8 : i32
    %dma_start3A_906 = arith.constant 1 : i32
    %dma_start3A_907 = arith.constant 48 : i32
    %dma_start3A_908 = arith.constant 0 : i32
    %dma_start3A_909 = tpu.memref_slice %arg12[%dma_start3A_906, %dma_start3A_907, %dma_start3A_908] : memref<2x128x64xf32, #tpu.memory_space<vmem>> -> memref<1x8x64xf32, #tpu.memory_space<vmem>>
    %dma_start3A_910 = tpu.memref_squeeze %dma_start3A_909 : memref<1x8x64xf32, #tpu.memory_space<vmem>> -> memref<8x64xf32, #tpu.memory_space<vmem>>
    %dma_start3A_911 = arith.constant 0 : i32
    %dma_start3A_912 = tpu.memref_slice %arg7[%multiple_of3A_898, %dma_start3A_911] : memref<1000000x64xf32, #tpu.memory_space<hbm>> -> memref<8x64xf32, #tpu.memory_space<hbm>>
    %dma_start3A_913 = arith.constant 48 : i32
    %dma_start3A_914 = arith.constant 0 : i32
    %dma_start3A_915 = tpu.memref_slice %arg12[%dma_start3A_906, %dma_start3A_913, %dma_start3A_914] : memref<2x128x64xf32, #tpu.memory_space<vmem>> -> memref<1x8x64xf32, #tpu.memory_space<vmem>>
    %dma_start3A_916 = tpu.memref_squeeze %dma_start3A_915 : memref<1x8x64xf32, #tpu.memory_space<vmem>> -> memref<8x64xf32, #tpu.memory_space<vmem>>
    %dma_start3A_917 = arith.constant 0 : i32
    %dma_start3A_918 = tpu.memref_slice %arg7[%multiple_of3A_898, %dma_start3A_917] : memref<1000000x64xf32, #tpu.memory_space<hbm>> -> memref<8x64xf32, #tpu.memory_space<hbm>>
    tpu.enqueue_dma source(%dma_start3A_918 : memref<8x64xf32, #tpu.memory_space<hbm>>) target(%dma_start3A_916 : memref<8x64xf32, #tpu.memory_space<vmem>>) target_semaphore(%arg19 : memref<!tpu.dma_semaphore, #tpu.memory_space<semaphore_mem>>)
    %dma_start3A_919 = arith.constant 1 : i32
    %dma_start3A_920 = arith.constant 48 : i32
    %dma_start3A_921 = arith.constant 0 : i32
    %dma_start3A_922 = tpu.memref_slice %arg13[%dma_start3A_919, %dma_start3A_920, %dma_start3A_921] : memref<2x128x64xf32, #tpu.memory_space<vmem>> -> memref<1x8x64xf32, #tpu.memory_space<vmem>>
    %dma_start3A_923 = tpu.memref_squeeze %dma_start3A_922 : memref<1x8x64xf32, #tpu.memory_space<vmem>> -> memref<8x64xf32, #tpu.memory_space<vmem>>
    %dma_start3A_924 = arith.constant 0 : i32
    %dma_start3A_925 = tpu.memref_slice %arg7[%multiple_of3A_905, %dma_start3A_924] : memref<1000000x64xf32, #tpu.memory_space<hbm>> -> memref<8x64xf32, #tpu.memory_space<hbm>>
    %dma_start3A_926 = arith.constant 48 : i32
    %dma_start3A_927 = arith.constant 0 : i32
    %dma_start3A_928 = tpu.memref_slice %arg13[%dma_start3A_919, %dma_start3A_926, %dma_start3A_927] : memref<2x128x64xf32, #tpu.memory_space<vmem>> -> memref<1x8x64xf32, #tpu.memory_space<vmem>>
    %dma_start3A_929 = tpu.memref_squeeze %dma_start3A_928 : memref<1x8x64xf32, #tpu.memory_space<vmem>> -> memref<8x64xf32, #tpu.memory_space<vmem>>
    %dma_start3A_930 = arith.constant 0 : i32
    %dma_start3A_931 = tpu.memref_slice %arg7[%multiple_of3A_905, %dma_start3A_930] : memref<1000000x64xf32, #tpu.memory_space<hbm>> -> memref<8x64xf32, #tpu.memory_space<hbm>>
    tpu.enqueue_dma source(%dma_start3A_931 : memref<8x64xf32, #tpu.memory_space<hbm>>) target(%dma_start3A_929 : memref<8x64xf32, #tpu.memory_space<vmem>>) target_semaphore(%arg20 : memref<!tpu.dma_semaphore, #tpu.memory_space<semaphore_mem>>)
    %slice3A_932 = vector.extract_strided_slice %get3A_649 {offsets = [7], sizes = [1], strides = [1]} : vector<16xi32> to vector<1xi32>
    %squeeze3A_933 = vector.extract %slice3A_932[0] : i32 from vector<1xi32>
    %shift_right_arithmetic3A_934 = arith.constant 3 : i32
    %shift_right_arithmetic3A_935 = arith.shrsi %squeeze3A_933, %shift_right_arithmetic3A_934 : i32
    %mul3A_936 = arith.constant 8 : i32
    %mul3A_937 = arith.muli %shift_right_arithmetic3A_935, %mul3A_936 : i32
    %multiple_of3A_938 = tpu.assume_multiple %mul3A_937, 8 : i32
    %slice3A_939 = vector.extract_strided_slice %get3A_651 {offsets = [7], sizes = [1], strides = [1]} : vector<16xi32> to vector<1xi32>
    %squeeze3A_940 = vector.extract %slice3A_939[0] : i32 from vector<1xi32>
    %shift_right_arithmetic3A_941 = arith.constant 3 : i32
    %shift_right_arithmetic3A_942 = arith.shrsi %squeeze3A_940, %shift_right_arithmetic3A_941 : i32
    %mul3A_943 = arith.constant 8 : i32
    %mul3A_944 = arith.muli %shift_right_arithmetic3A_942, %mul3A_943 : i32
    %multiple_of3A_945 = tpu.assume_multiple %mul3A_944, 8 : i32
    %dma_start3A_946 = arith.constant 1 : i32
    %dma_start3A_947 = arith.constant 56 : i32
    %dma_start3A_948 = arith.constant 0 : i32
    %dma_start3A_949 = tpu.memref_slice %arg12[%dma_start3A_946, %dma_start3A_947, %dma_start3A_948] : memref<2x128x64xf32, #tpu.memory_space<vmem>> -> memref<1x8x64xf32, #tpu.memory_space<vmem>>
    %dma_start3A_950 = tpu.memref_squeeze %dma_start3A_949 : memref<1x8x64xf32, #tpu.memory_space<vmem>> -> memref<8x64xf32, #tpu.memory_space<vmem>>
    %dma_start3A_951 = arith.constant 0 : i32
    %dma_start3A_952 = tpu.memref_slice %arg7[%multiple_of3A_938, %dma_start3A_951] : memref<1000000x64xf32, #tpu.memory_space<hbm>> -> memref<8x64xf32, #tpu.memory_space<hbm>>
    %dma_start3A_953 = arith.constant 56 : i32
    %dma_start3A_954 = arith.constant 0 : i32
    %dma_start3A_955 = tpu.memref_slice %arg12[%dma_start3A_946, %dma_start3A_953, %dma_start3A_954] : memref<2x128x64xf32, #tpu.memory_space<vmem>> -> memref<1x8x64xf32, #tpu.memory_space<vmem>>
    %dma_start3A_956 = tpu.memref_squeeze %dma_start3A_955 : memref<1x8x64xf32, #tpu.memory_space<vmem>> -> memref<8x64xf32, #tpu.memory_space<vmem>>
    %dma_start3A_957 = arith.constant 0 : i32
    %dma_start3A_958 = tpu.memref_slice %arg7[%multiple_of3A_938, %dma_start3A_957] : memref<1000000x64xf32, #tpu.memory_space<hbm>> -> memref<8x64xf32, #tpu.memory_space<hbm>>
    tpu.enqueue_dma source(%dma_start3A_958 : memref<8x64xf32, #tpu.memory_space<hbm>>) target(%dma_start3A_956 : memref<8x64xf32, #tpu.memory_space<vmem>>) target_semaphore(%arg19 : memref<!tpu.dma_semaphore, #tpu.memory_space<semaphore_mem>>)
    %dma_start3A_959 = arith.constant 1 : i32
    %dma_start3A_960 = arith.constant 56 : i32
    %dma_start3A_961 = arith.constant 0 : i32
    %dma_start3A_962 = tpu.memref_slice %arg13[%dma_start3A_959, %dma_start3A_960, %dma_start3A_961] : memref<2x128x64xf32, #tpu.memory_space<vmem>> -> memref<1x8x64xf32, #tpu.memory_space<vmem>>
    %dma_start3A_963 = tpu.memref_squeeze %dma_start3A_962 : memref<1x8x64xf32, #tpu.memory_space<vmem>> -> memref<8x64xf32, #tpu.memory_space<vmem>>
    %dma_start3A_964 = arith.constant 0 : i32
    %dma_start3A_965 = tpu.memref_slice %arg7[%multiple_of3A_945, %dma_start3A_964] : memref<1000000x64xf32, #tpu.memory_space<hbm>> -> memref<8x64xf32, #tpu.memory_space<hbm>>
    %dma_start3A_966 = arith.constant 56 : i32
    %dma_start3A_967 = arith.constant 0 : i32
    %dma_start3A_968 = tpu.memref_slice %arg13[%dma_start3A_959, %dma_start3A_966, %dma_start3A_967] : memref<2x128x64xf32, #tpu.memory_space<vmem>> -> memref<1x8x64xf32, #tpu.memory_space<vmem>>
    %dma_start3A_969 = tpu.memref_squeeze %dma_start3A_968 : memref<1x8x64xf32, #tpu.memory_space<vmem>> -> memref<8x64xf32, #tpu.memory_space<vmem>>
    %dma_start3A_970 = arith.constant 0 : i32
    %dma_start3A_971 = tpu.memref_slice %arg7[%multiple_of3A_945, %dma_start3A_970] : memref<1000000x64xf32, #tpu.memory_space<hbm>> -> memref<8x64xf32, #tpu.memory_space<hbm>>
    tpu.enqueue_dma source(%dma_start3A_971 : memref<8x64xf32, #tpu.memory_space<hbm>>) target(%dma_start3A_969 : memref<8x64xf32, #tpu.memory_space<vmem>>) target_semaphore(%arg20 : memref<!tpu.dma_semaphore, #tpu.memory_space<semaphore_mem>>)
    %slice3A_972 = vector.extract_strided_slice %get3A_649 {offsets = [8], sizes = [1], strides = [1]} : vector<16xi32> to vector<1xi32>
    %squeeze3A_973 = vector.extract %slice3A_972[0] : i32 from vector<1xi32>
    %shift_right_arithmetic3A_974 = arith.constant 3 : i32
    %shift_right_arithmetic3A_975 = arith.shrsi %squeeze3A_973, %shift_right_arithmetic3A_974 : i32
    %mul3A_976 = arith.constant 8 : i32
    %mul3A_977 = arith.muli %shift_right_arithmetic3A_975, %mul3A_976 : i32
    %multiple_of3A_978 = tpu.assume_multiple %mul3A_977, 8 : i32
    %slice3A_979 = vector.extract_strided_slice %get3A_651 {offsets = [8], sizes = [1], strides = [1]} : vector<16xi32> to vector<1xi32>
    %squeeze3A_980 = vector.extract %slice3A_979[0] : i32 from vector<1xi32>
    %shift_right_arithmetic3A_981 = arith.constant 3 : i32
    %shift_right_arithmetic3A_982 = arith.shrsi %squeeze3A_980, %shift_right_arithmetic3A_981 : i32
    %mul3A_983 = arith.constant 8 : i32
    %mul3A_984 = arith.muli %shift_right_arithmetic3A_982, %mul3A_983 : i32
    %multiple_of3A_985 = tpu.assume_multiple %mul3A_984, 8 : i32
    %dma_start3A_986 = arith.constant 1 : i32
    %dma_start3A_987 = arith.constant 64 : i32
    %dma_start3A_988 = arith.constant 0 : i32
    %dma_start3A_989 = tpu.memref_slice %arg12[%dma_start3A_986, %dma_start3A_987, %dma_start3A_988] : memref<2x128x64xf32, #tpu.memory_space<vmem>> -> memref<1x8x64xf32, #tpu.memory_space<vmem>>
    %dma_start3A_990 = tpu.memref_squeeze %dma_start3A_989 : memref<1x8x64xf32, #tpu.memory_space<vmem>> -> memref<8x64xf32, #tpu.memory_space<vmem>>
    %dma_start3A_991 = arith.constant 0 : i32
    %dma_start3A_992 = tpu.memref_slice %arg7[%multiple_of3A_978, %dma_start3A_991] : memref<1000000x64xf32, #tpu.memory_space<hbm>> -> memref<8x64xf32, #tpu.memory_space<hbm>>
    %dma_start3A_993 = arith.constant 64 : i32
    %dma_start3A_994 = arith.constant 0 : i32
    %dma_start3A_995 = tpu.memref_slice %arg12[%dma_start3A_986, %dma_start3A_993, %dma_start3A_994] : memref<2x128x64xf32, #tpu.memory_space<vmem>> -> memref<1x8x64xf32, #tpu.memory_space<vmem>>
    %dma_start3A_996 = tpu.memref_squeeze %dma_start3A_995 : memref<1x8x64xf32, #tpu.memory_space<vmem>> -> memref<8x64xf32, #tpu.memory_space<vmem>>
    %dma_start3A_997 = arith.constant 0 : i32
    %dma_start3A_998 = tpu.memref_slice %arg7[%multiple_of3A_978, %dma_start3A_997] : memref<1000000x64xf32, #tpu.memory_space<hbm>> -> memref<8x64xf32, #tpu.memory_space<hbm>>
    tpu.enqueue_dma source(%dma_start3A_998 : memref<8x64xf32, #tpu.memory_space<hbm>>) target(%dma_start3A_996 : memref<8x64xf32, #tpu.memory_space<vmem>>) target_semaphore(%arg19 : memref<!tpu.dma_semaphore, #tpu.memory_space<semaphore_mem>>)
    %dma_start3A_999 = arith.constant 1 : i32
    %dma_start3A_1000 = arith.constant 64 : i32
    %dma_start3A_1001 = arith.constant 0 : i32
    %dma_start3A_1002 = tpu.memref_slice %arg13[%dma_start3A_999, %dma_start3A_1000, %dma_start3A_1001] : memref<2x128x64xf32, #tpu.memory_space<vmem>> -> memref<1x8x64xf32, #tpu.memory_space<vmem>>
    %dma_start3A_1003 = tpu.memref_squeeze %dma_start3A_1002 : memref<1x8x64xf32, #tpu.memory_space<vmem>> -> memref<8x64xf32, #tpu.memory_space<vmem>>
    %dma_start3A_1004 = arith.constant 0 : i32
    %dma_start3A_1005 = tpu.memref_slice %arg7[%multiple_of3A_985, %dma_start3A_1004] : memref<1000000x64xf32, #tpu.memory_space<hbm>> -> memref<8x64xf32, #tpu.memory_space<hbm>>
    %dma_start3A_1006 = arith.constant 64 : i32
    %dma_start3A_1007 = arith.constant 0 : i32
    %dma_start3A_1008 = tpu.memref_slice %arg13[%dma_start3A_999, %dma_start3A_1006, %dma_start3A_1007] : memref<2x128x64xf32, #tpu.memory_space<vmem>> -> memref<1x8x64xf32, #tpu.memory_space<vmem>>
    %dma_start3A_1009 = tpu.memref_squeeze %dma_start3A_1008 : memref<1x8x64xf32, #tpu.memory_space<vmem>> -> memref<8x64xf32, #tpu.memory_space<vmem>>
    %dma_start3A_1010 = arith.constant 0 : i32
    %dma_start3A_1011 = tpu.memref_slice %arg7[%multiple_of3A_985, %dma_start3A_1010] : memref<1000000x64xf32, #tpu.memory_space<hbm>> -> memref<8x64xf32, #tpu.memory_space<hbm>>
    tpu.enqueue_dma source(%dma_start3A_1011 : memref<8x64xf32, #tpu.memory_space<hbm>>) target(%dma_start3A_1009 : memref<8x64xf32, #tpu.memory_space<vmem>>) target_semaphore(%arg20 : memref<!tpu.dma_semaphore, #tpu.memory_space<semaphore_mem>>)
    %slice3A_1012 = vector.extract_strided_slice %get3A_649 {offsets = [9], sizes = [1], strides = [1]} : vector<16xi32> to vector<1xi32>
    %squeeze3A_1013 = vector.extract %slice3A_1012[0] : i32 from vector<1xi32>
    %shift_right_arithmetic3A_1014 = arith.constant 3 : i32
    %shift_right_arithmetic3A_1015 = arith.shrsi %squeeze3A_1013, %shift_right_arithmetic3A_1014 : i32
    %mul3A_1016 = arith.constant 8 : i32
    %mul3A_1017 = arith.muli %shift_right_arithmetic3A_1015, %mul3A_1016 : i32
    %multiple_of3A_1018 = tpu.assume_multiple %mul3A_1017, 8 : i32
    %slice3A_1019 = vector.extract_strided_slice %get3A_651 {offsets = [9], sizes = [1], strides = [1]} : vector<16xi32> to vector<1xi32>
    %squeeze3A_1020 = vector.extract %slice3A_1019[0] : i32 from vector<1xi32>
    %shift_right_arithmetic3A_1021 = arith.constant 3 : i32
    %shift_right_arithmetic3A_1022 = arith.shrsi %squeeze3A_1020, %shift_right_arithmetic3A_1021 : i32
    %mul3A_1023 = arith.constant 8 : i32
    %mul3A_1024 = arith.muli %shift_right_arithmetic3A_1022, %mul3A_1023 : i32
    %multiple_of3A_1025 = tpu.assume_multiple %mul3A_1024, 8 : i32
    %dma_start3A_1026 = arith.constant 1 : i32
    %dma_start3A_1027 = arith.constant 72 : i32
    %dma_start3A_1028 = arith.constant 0 : i32
    %dma_start3A_1029 = tpu.memref_slice %arg12[%dma_start3A_1026, %dma_start3A_1027, %dma_start3A_1028] : memref<2x128x64xf32, #tpu.memory_space<vmem>> -> memref<1x8x64xf32, #tpu.memory_space<vmem>>
    %dma_start3A_1030 = tpu.memref_squeeze %dma_start3A_1029 : memref<1x8x64xf32, #tpu.memory_space<vmem>> -> memref<8x64xf32, #tpu.memory_space<vmem>>
    %dma_start3A_1031 = arith.constant 0 : i32
    %dma_start3A_1032 = tpu.memref_slice %arg7[%multiple_of3A_1018, %dma_start3A_1031] : memref<1000000x64xf32, #tpu.memory_space<hbm>> -> memref<8x64xf32, #tpu.memory_space<hbm>>
    %dma_start3A_1033 = arith.constant 72 : i32
    %dma_start3A_1034 = arith.constant 0 : i32
    %dma_start3A_1035 = tpu.memref_slice %arg12[%dma_start3A_1026, %dma_start3A_1033, %dma_start3A_1034] : memref<2x128x64xf32, #tpu.memory_space<vmem>> -> memref<1x8x64xf32, #tpu.memory_space<vmem>>
    %dma_start3A_1036 = tpu.memref_squeeze %dma_start3A_1035 : memref<1x8x64xf32, #tpu.memory_space<vmem>> -> memref<8x64xf32, #tpu.memory_space<vmem>>
    %dma_start3A_1037 = arith.constant 0 : i32
    %dma_start3A_1038 = tpu.memref_slice %arg7[%multiple_of3A_1018, %dma_start3A_1037] : memref<1000000x64xf32, #tpu.memory_space<hbm>> -> memref<8x64xf32, #tpu.memory_space<hbm>>
    tpu.enqueue_dma source(%dma_start3A_1038 : memref<8x64xf32, #tpu.memory_space<hbm>>) target(%dma_start3A_1036 : memref<8x64xf32, #tpu.memory_space<vmem>>) target_semaphore(%arg19 : memref<!tpu.dma_semaphore, #tpu.memory_space<semaphore_mem>>)
    %dma_start3A_1039 = arith.constant 1 : i32
    %dma_start3A_1040 = arith.constant 72 : i32
    %dma_start3A_1041 = arith.constant 0 : i32
    %dma_start3A_1042 = tpu.memref_slice %arg13[%dma_start3A_1039, %dma_start3A_1040, %dma_start3A_1041] : memref<2x128x64xf32, #tpu.memory_space<vmem>> -> memref<1x8x64xf32, #tpu.memory_space<vmem>>
    %dma_start3A_1043 = tpu.memref_squeeze %dma_start3A_1042 : memref<1x8x64xf32, #tpu.memory_space<vmem>> -> memref<8x64xf32, #tpu.memory_space<vmem>>
    %dma_start3A_1044 = arith.constant 0 : i32
    %dma_start3A_1045 = tpu.memref_slice %arg7[%multiple_of3A_1025, %dma_start3A_1044] : memref<1000000x64xf32, #tpu.memory_space<hbm>> -> memref<8x64xf32, #tpu.memory_space<hbm>>
    %dma_start3A_1046 = arith.constant 72 : i32
    %dma_start3A_1047 = arith.constant 0 : i32
    %dma_start3A_1048 = tpu.memref_slice %arg13[%dma_start3A_1039, %dma_start3A_1046, %dma_start3A_1047] : memref<2x128x64xf32, #tpu.memory_space<vmem>> -> memref<1x8x64xf32, #tpu.memory_space<vmem>>
    %dma_start3A_1049 = tpu.memref_squeeze %dma_start3A_1048 : memref<1x8x64xf32, #tpu.memory_space<vmem>> -> memref<8x64xf32, #tpu.memory_space<vmem>>
    %dma_start3A_1050 = arith.constant 0 : i32
    %dma_start3A_1051 = tpu.memref_slice %arg7[%multiple_of3A_1025, %dma_start3A_1050] : memref<1000000x64xf32, #tpu.memory_space<hbm>> -> memref<8x64xf32, #tpu.memory_space<hbm>>
    tpu.enqueue_dma source(%dma_start3A_1051 : memref<8x64xf32, #tpu.memory_space<hbm>>) target(%dma_start3A_1049 : memref<8x64xf32, #tpu.memory_space<vmem>>) target_semaphore(%arg20 : memref<!tpu.dma_semaphore, #tpu.memory_space<semaphore_mem>>)
    %slice3A_1052 = vector.extract_strided_slice %get3A_649 {offsets = [10], sizes = [1], strides = [1]} : vector<16xi32> to vector<1xi32>
    %squeeze3A_1053 = vector.extract %slice3A_1052[0] : i32 from vector<1xi32>
    %shift_right_arithmetic3A_1054 = arith.constant 3 : i32
    %shift_right_arithmetic3A_1055 = arith.shrsi %squeeze3A_1053, %shift_right_arithmetic3A_1054 : i32
    %mul3A_1056 = arith.constant 8 : i32
    %mul3A_1057 = arith.muli %shift_right_arithmetic3A_1055, %mul3A_1056 : i32
    %multiple_of3A_1058 = tpu.assume_multiple %mul3A_1057, 8 : i32
    %slice3A_1059 = vector.extract_strided_slice %get3A_651 {offsets = [10], sizes = [1], strides = [1]} : vector<16xi32> to vector<1xi32>
    %squeeze3A_1060 = vector.extract %slice3A_1059[0] : i32 from vector<1xi32>
    %shift_right_arithmetic3A_1061 = arith.constant 3 : i32
    %shift_right_arithmetic3A_1062 = arith.shrsi %squeeze3A_1060, %shift_right_arithmetic3A_1061 : i32
    %mul3A_1063 = arith.constant 8 : i32
    %mul3A_1064 = arith.muli %shift_right_arithmetic3A_1062, %mul3A_1063 : i32
    %multiple_of3A_1065 = tpu.assume_multiple %mul3A_1064, 8 : i32
    %dma_start3A_1066 = arith.constant 1 : i32
    %dma_start3A_1067 = arith.constant 80 : i32
    %dma_start3A_1068 = arith.constant 0 : i32
    %dma_start3A_1069 = tpu.memref_slice %arg12[%dma_start3A_1066, %dma_start3A_1067, %dma_start3A_1068] : memref<2x128x64xf32, #tpu.memory_space<vmem>> -> memref<1x8x64xf32, #tpu.memory_space<vmem>>
    %dma_start3A_1070 = tpu.memref_squeeze %dma_start3A_1069 : memref<1x8x64xf32, #tpu.memory_space<vmem>> -> memref<8x64xf32, #tpu.memory_space<vmem>>
    %dma_start3A_1071 = arith.constant 0 : i32
    %dma_start3A_1072 = tpu.memref_slice %arg7[%multiple_of3A_1058, %dma_start3A_1071] : memref<1000000x64xf32, #tpu.memory_space<hbm>> -> memref<8x64xf32, #tpu.memory_space<hbm>>
    %dma_start3A_1073 = arith.constant 80 : i32
    %dma_start3A_1074 = arith.constant 0 : i32
    %dma_start3A_1075 = tpu.memref_slice %arg12[%dma_start3A_1066, %dma_start3A_1073, %dma_start3A_1074] : memref<2x128x64xf32, #tpu.memory_space<vmem>> -> memref<1x8x64xf32, #tpu.memory_space<vmem>>
    %dma_start3A_1076 = tpu.memref_squeeze %dma_start3A_1075 : memref<1x8x64xf32, #tpu.memory_space<vmem>> -> memref<8x64xf32, #tpu.memory_space<vmem>>
    %dma_start3A_1077 = arith.constant 0 : i32
    %dma_start3A_1078 = tpu.memref_slice %arg7[%multiple_of3A_1058, %dma_start3A_1077] : memref<1000000x64xf32, #tpu.memory_space<hbm>> -> memref<8x64xf32, #tpu.memory_space<hbm>>
    tpu.enqueue_dma source(%dma_start3A_1078 : memref<8x64xf32, #tpu.memory_space<hbm>>) target(%dma_start3A_1076 : memref<8x64xf32, #tpu.memory_space<vmem>>) target_semaphore(%arg19 : memref<!tpu.dma_semaphore, #tpu.memory_space<semaphore_mem>>)
    %dma_start3A_1079 = arith.constant 1 : i32
    %dma_start3A_1080 = arith.constant 80 : i32
    %dma_start3A_1081 = arith.constant 0 : i32
    %dma_start3A_1082 = tpu.memref_slice %arg13[%dma_start3A_1079, %dma_start3A_1080, %dma_start3A_1081] : memref<2x128x64xf32, #tpu.memory_space<vmem>> -> memref<1x8x64xf32, #tpu.memory_space<vmem>>
    %dma_start3A_1083 = tpu.memref_squeeze %dma_start3A_1082 : memref<1x8x64xf32, #tpu.memory_space<vmem>> -> memref<8x64xf32, #tpu.memory_space<vmem>>
    %dma_start3A_1084 = arith.constant 0 : i32
    %dma_start3A_1085 = tpu.memref_slice %arg7[%multiple_of3A_1065, %dma_start3A_1084] : memref<1000000x64xf32, #tpu.memory_space<hbm>> -> memref<8x64xf32, #tpu.memory_space<hbm>>
    %dma_start3A_1086 = arith.constant 80 : i32
    %dma_start3A_1087 = arith.constant 0 : i32
    %dma_start3A_1088 = tpu.memref_slice %arg13[%dma_start3A_1079, %dma_start3A_1086, %dma_start3A_1087] : memref<2x128x64xf32, #tpu.memory_space<vmem>> -> memref<1x8x64xf32, #tpu.memory_space<vmem>>
    %dma_start3A_1089 = tpu.memref_squeeze %dma_start3A_1088 : memref<1x8x64xf32, #tpu.memory_space<vmem>> -> memref<8x64xf32, #tpu.memory_space<vmem>>
    %dma_start3A_1090 = arith.constant 0 : i32
    %dma_start3A_1091 = tpu.memref_slice %arg7[%multiple_of3A_1065, %dma_start3A_1090] : memref<1000000x64xf32, #tpu.memory_space<hbm>> -> memref<8x64xf32, #tpu.memory_space<hbm>>
    tpu.enqueue_dma source(%dma_start3A_1091 : memref<8x64xf32, #tpu.memory_space<hbm>>) target(%dma_start3A_1089 : memref<8x64xf32, #tpu.memory_space<vmem>>) target_semaphore(%arg20 : memref<!tpu.dma_semaphore, #tpu.memory_space<semaphore_mem>>)
    %slice3A_1092 = vector.extract_strided_slice %get3A_649 {offsets = [11], sizes = [1], strides = [1]} : vector<16xi32> to vector<1xi32>
    %squeeze3A_1093 = vector.extract %slice3A_1092[0] : i32 from vector<1xi32>
    %shift_right_arithmetic3A_1094 = arith.constant 3 : i32
    %shift_right_arithmetic3A_1095 = arith.shrsi %squeeze3A_1093, %shift_right_arithmetic3A_1094 : i32
    %mul3A_1096 = arith.constant 8 : i32
    %mul3A_1097 = arith.muli %shift_right_arithmetic3A_1095, %mul3A_1096 : i32
    %multiple_of3A_1098 = tpu.assume_multiple %mul3A_1097, 8 : i32
    %slice3A_1099 = vector.extract_strided_slice %get3A_651 {offsets = [11], sizes = [1], strides = [1]} : vector<16xi32> to vector<1xi32>
    %squeeze3A_1100 = vector.extract %slice3A_1099[0] : i32 from vector<1xi32>
    %shift_right_arithmetic3A_1101 = arith.constant 3 : i32
    %shift_right_arithmetic3A_1102 = arith.shrsi %squeeze3A_1100, %shift_right_arithmetic3A_1101 : i32
    %mul3A_1103 = arith.constant 8 : i32
    %mul3A_1104 = arith.muli %shift_right_arithmetic3A_1102, %mul3A_1103 : i32
    %multiple_of3A_1105 = tpu.assume_multiple %mul3A_1104, 8 : i32
    %dma_start3A_1106 = arith.constant 1 : i32
    %dma_start3A_1107 = arith.constant 88 : i32
    %dma_start3A_1108 = arith.constant 0 : i32
    %dma_start3A_1109 = tpu.memref_slice %arg12[%dma_start3A_1106, %dma_start3A_1107, %dma_start3A_1108] : memref<2x128x64xf32, #tpu.memory_space<vmem>> -> memref<1x8x64xf32, #tpu.memory_space<vmem>>
    %dma_start3A_1110 = tpu.memref_squeeze %dma_start3A_1109 : memref<1x8x64xf32, #tpu.memory_space<vmem>> -> memref<8x64xf32, #tpu.memory_space<vmem>>
    %dma_start3A_1111 = arith.constant 0 : i32
    %dma_start3A_1112 = tpu.memref_slice %arg7[%multiple_of3A_1098, %dma_start3A_1111] : memref<1000000x64xf32, #tpu.memory_space<hbm>> -> memref<8x64xf32, #tpu.memory_space<hbm>>
    %dma_start3A_1113 = arith.constant 88 : i32
    %dma_start3A_1114 = arith.constant 0 : i32
    %dma_start3A_1115 = tpu.memref_slice %arg12[%dma_start3A_1106, %dma_start3A_1113, %dma_start3A_1114] : memref<2x128x64xf32, #tpu.memory_space<vmem>> -> memref<1x8x64xf32, #tpu.memory_space<vmem>>
    %dma_start3A_1116 = tpu.memref_squeeze %dma_start3A_1115 : memref<1x8x64xf32, #tpu.memory_space<vmem>> -> memref<8x64xf32, #tpu.memory_space<vmem>>
    %dma_start3A_1117 = arith.constant 0 : i32
    %dma_start3A_1118 = tpu.memref_slice %arg7[%multiple_of3A_1098, %dma_start3A_1117] : memref<1000000x64xf32, #tpu.memory_space<hbm>> -> memref<8x64xf32, #tpu.memory_space<hbm>>
    tpu.enqueue_dma source(%dma_start3A_1118 : memref<8x64xf32, #tpu.memory_space<hbm>>) target(%dma_start3A_1116 : memref<8x64xf32, #tpu.memory_space<vmem>>) target_semaphore(%arg19 : memref<!tpu.dma_semaphore, #tpu.memory_space<semaphore_mem>>)
    %dma_start3A_1119 = arith.constant 1 : i32
    %dma_start3A_1120 = arith.constant 88 : i32
    %dma_start3A_1121 = arith.constant 0 : i32
    %dma_start3A_1122 = tpu.memref_slice %arg13[%dma_start3A_1119, %dma_start3A_1120, %dma_start3A_1121] : memref<2x128x64xf32, #tpu.memory_space<vmem>> -> memref<1x8x64xf32, #tpu.memory_space<vmem>>
    %dma_start3A_1123 = tpu.memref_squeeze %dma_start3A_1122 : memref<1x8x64xf32, #tpu.memory_space<vmem>> -> memref<8x64xf32, #tpu.memory_space<vmem>>
    %dma_start3A_1124 = arith.constant 0 : i32
    %dma_start3A_1125 = tpu.memref_slice %arg7[%multiple_of3A_1105, %dma_start3A_1124] : memref<1000000x64xf32, #tpu.memory_space<hbm>> -> memref<8x64xf32, #tpu.memory_space<hbm>>
    %dma_start3A_1126 = arith.constant 88 : i32
    %dma_start3A_1127 = arith.constant 0 : i32
    %dma_start3A_1128 = tpu.memref_slice %arg13[%dma_start3A_1119, %dma_start3A_1126, %dma_start3A_1127] : memref<2x128x64xf32, #tpu.memory_space<vmem>> -> memref<1x8x64xf32, #tpu.memory_space<vmem>>
    %dma_start3A_1129 = tpu.memref_squeeze %dma_start3A_1128 : memref<1x8x64xf32, #tpu.memory_space<vmem>> -> memref<8x64xf32, #tpu.memory_space<vmem>>
    %dma_start3A_1130 = arith.constant 0 : i32
    %dma_start3A_1131 = tpu.memref_slice %arg7[%multiple_of3A_1105, %dma_start3A_1130] : memref<1000000x64xf32, #tpu.memory_space<hbm>> -> memref<8x64xf32, #tpu.memory_space<hbm>>
    tpu.enqueue_dma source(%dma_start3A_1131 : memref<8x64xf32, #tpu.memory_space<hbm>>) target(%dma_start3A_1129 : memref<8x64xf32, #tpu.memory_space<vmem>>) target_semaphore(%arg20 : memref<!tpu.dma_semaphore, #tpu.memory_space<semaphore_mem>>)
    %slice3A_1132 = vector.extract_strided_slice %get3A_649 {offsets = [12], sizes = [1], strides = [1]} : vector<16xi32> to vector<1xi32>
    %squeeze3A_1133 = vector.extract %slice3A_1132[0] : i32 from vector<1xi32>
    %shift_right_arithmetic3A_1134 = arith.constant 3 : i32
    %shift_right_arithmetic3A_1135 = arith.shrsi %squeeze3A_1133, %shift_right_arithmetic3A_1134 : i32
    %mul3A_1136 = arith.constant 8 : i32
    %mul3A_1137 = arith.muli %shift_right_arithmetic3A_1135, %mul3A_1136 : i32
    %multiple_of3A_1138 = tpu.assume_multiple %mul3A_1137, 8 : i32
    %slice3A_1139 = vector.extract_strided_slice %get3A_651 {offsets = [12], sizes = [1], strides = [1]} : vector<16xi32> to vector<1xi32>
    %squeeze3A_1140 = vector.extract %slice3A_1139[0] : i32 from vector<1xi32>
    %shift_right_arithmetic3A_1141 = arith.constant 3 : i32
    %shift_right_arithmetic3A_1142 = arith.shrsi %squeeze3A_1140, %shift_right_arithmetic3A_1141 : i32
    %mul3A_1143 = arith.constant 8 : i32
    %mul3A_1144 = arith.muli %shift_right_arithmetic3A_1142, %mul3A_1143 : i32
    %multiple_of3A_1145 = tpu.assume_multiple %mul3A_1144, 8 : i32
    %dma_start3A_1146 = arith.constant 1 : i32
    %dma_start3A_1147 = arith.constant 96 : i32
    %dma_start3A_1148 = arith.constant 0 : i32
    %dma_start3A_1149 = tpu.memref_slice %arg12[%dma_start3A_1146, %dma_start3A_1147, %dma_start3A_1148] : memref<2x128x64xf32, #tpu.memory_space<vmem>> -> memref<1x8x64xf32, #tpu.memory_space<vmem>>
    %dma_start3A_1150 = tpu.memref_squeeze %dma_start3A_1149 : memref<1x8x64xf32, #tpu.memory_space<vmem>> -> memref<8x64xf32, #tpu.memory_space<vmem>>
    %dma_start3A_1151 = arith.constant 0 : i32
    %dma_start3A_1152 = tpu.memref_slice %arg7[%multiple_of3A_1138, %dma_start3A_1151] : memref<1000000x64xf32, #tpu.memory_space<hbm>> -> memref<8x64xf32, #tpu.memory_space<hbm>>
    %dma_start3A_1153 = arith.constant 96 : i32
    %dma_start3A_1154 = arith.constant 0 : i32
    %dma_start3A_1155 = tpu.memref_slice %arg12[%dma_start3A_1146, %dma_start3A_1153, %dma_start3A_1154] : memref<2x128x64xf32, #tpu.memory_space<vmem>> -> memref<1x8x64xf32, #tpu.memory_space<vmem>>
    %dma_start3A_1156 = tpu.memref_squeeze %dma_start3A_1155 : memref<1x8x64xf32, #tpu.memory_space<vmem>> -> memref<8x64xf32, #tpu.memory_space<vmem>>
    %dma_start3A_1157 = arith.constant 0 : i32
    %dma_start3A_1158 = tpu.memref_slice %arg7[%multiple_of3A_1138, %dma_start3A_1157] : memref<1000000x64xf32, #tpu.memory_space<hbm>> -> memref<8x64xf32, #tpu.memory_space<hbm>>
    tpu.enqueue_dma source(%dma_start3A_1158 : memref<8x64xf32, #tpu.memory_space<hbm>>) target(%dma_start3A_1156 : memref<8x64xf32, #tpu.memory_space<vmem>>) target_semaphore(%arg19 : memref<!tpu.dma_semaphore, #tpu.memory_space<semaphore_mem>>)
    %dma_start3A_1159 = arith.constant 1 : i32
    %dma_start3A_1160 = arith.constant 96 : i32
    %dma_start3A_1161 = arith.constant 0 : i32
    %dma_start3A_1162 = tpu.memref_slice %arg13[%dma_start3A_1159, %dma_start3A_1160, %dma_start3A_1161] : memref<2x128x64xf32, #tpu.memory_space<vmem>> -> memref<1x8x64xf32, #tpu.memory_space<vmem>>
    %dma_start3A_1163 = tpu.memref_squeeze %dma_start3A_1162 : memref<1x8x64xf32, #tpu.memory_space<vmem>> -> memref<8x64xf32, #tpu.memory_space<vmem>>
    %dma_start3A_1164 = arith.constant 0 : i32
    %dma_start3A_1165 = tpu.memref_slice %arg7[%multiple_of3A_1145, %dma_start3A_1164] : memref<1000000x64xf32, #tpu.memory_space<hbm>> -> memref<8x64xf32, #tpu.memory_space<hbm>>
    %dma_start3A_1166 = arith.constant 96 : i32
    %dma_start3A_1167 = arith.constant 0 : i32
    %dma_start3A_1168 = tpu.memref_slice %arg13[%dma_start3A_1159, %dma_start3A_1166, %dma_start3A_1167] : memref<2x128x64xf32, #tpu.memory_space<vmem>> -> memref<1x8x64xf32, #tpu.memory_space<vmem>>
    %dma_start3A_1169 = tpu.memref_squeeze %dma_start3A_1168 : memref<1x8x64xf32, #tpu.memory_space<vmem>> -> memref<8x64xf32, #tpu.memory_space<vmem>>
    %dma_start3A_1170 = arith.constant 0 : i32
    %dma_start3A_1171 = tpu.memref_slice %arg7[%multiple_of3A_1145, %dma_start3A_1170] : memref<1000000x64xf32, #tpu.memory_space<hbm>> -> memref<8x64xf32, #tpu.memory_space<hbm>>
    tpu.enqueue_dma source(%dma_start3A_1171 : memref<8x64xf32, #tpu.memory_space<hbm>>) target(%dma_start3A_1169 : memref<8x64xf32, #tpu.memory_space<vmem>>) target_semaphore(%arg20 : memref<!tpu.dma_semaphore, #tpu.memory_space<semaphore_mem>>)
    %slice3A_1172 = vector.extract_strided_slice %get3A_649 {offsets = [13], sizes = [1], strides = [1]} : vector<16xi32> to vector<1xi32>
    %squeeze3A_1173 = vector.extract %slice3A_1172[0] : i32 from vector<1xi32>
    %shift_right_arithmetic3A_1174 = arith.constant 3 : i32
    %shift_right_arithmetic3A_1175 = arith.shrsi %squeeze3A_1173, %shift_right_arithmetic3A_1174 : i32
    %mul3A_1176 = arith.constant 8 : i32
    %mul3A_1177 = arith.muli %shift_right_arithmetic3A_1175, %mul3A_1176 : i32
    %multiple_of3A_1178 = tpu.assume_multiple %mul3A_1177, 8 : i32
    %slice3A_1179 = vector.extract_strided_slice %get3A_651 {offsets = [13], sizes = [1], strides = [1]} : vector<16xi32> to vector<1xi32>
    %squeeze3A_1180 = vector.extract %slice3A_1179[0] : i32 from vector<1xi32>
    %shift_right_arithmetic3A_1181 = arith.constant 3 : i32
    %shift_right_arithmetic3A_1182 = arith.shrsi %squeeze3A_1180, %shift_right_arithmetic3A_1181 : i32
    %mul3A_1183 = arith.constant 8 : i32
    %mul3A_1184 = arith.muli %shift_right_arithmetic3A_1182, %mul3A_1183 : i32
    %multiple_of3A_1185 = tpu.assume_multiple %mul3A_1184, 8 : i32
    %dma_start3A_1186 = arith.constant 1 : i32
    %dma_start3A_1187 = arith.constant 104 : i32
    %dma_start3A_1188 = arith.constant 0 : i32
    %dma_start3A_1189 = tpu.memref_slice %arg12[%dma_start3A_1186, %dma_start3A_1187, %dma_start3A_1188] : memref<2x128x64xf32, #tpu.memory_space<vmem>> -> memref<1x8x64xf32, #tpu.memory_space<vmem>>
    %dma_start3A_1190 = tpu.memref_squeeze %dma_start3A_1189 : memref<1x8x64xf32, #tpu.memory_space<vmem>> -> memref<8x64xf32, #tpu.memory_space<vmem>>
    %dma_start3A_1191 = arith.constant 0 : i32
    %dma_start3A_1192 = tpu.memref_slice %arg7[%multiple_of3A_1178, %dma_start3A_1191] : memref<1000000x64xf32, #tpu.memory_space<hbm>> -> memref<8x64xf32, #tpu.memory_space<hbm>>
    %dma_start3A_1193 = arith.constant 104 : i32
    %dma_start3A_1194 = arith.constant 0 : i32
    %dma_start3A_1195 = tpu.memref_slice %arg12[%dma_start3A_1186, %dma_start3A_1193, %dma_start3A_1194] : memref<2x128x64xf32, #tpu.memory_space<vmem>> -> memref<1x8x64xf32, #tpu.memory_space<vmem>>
    %dma_start3A_1196 = tpu.memref_squeeze %dma_start3A_1195 : memref<1x8x64xf32, #tpu.memory_space<vmem>> -> memref<8x64xf32, #tpu.memory_space<vmem>>
    %dma_start3A_1197 = arith.constant 0 : i32
    %dma_start3A_1198 = tpu.memref_slice %arg7[%multiple_of3A_1178, %dma_start3A_1197] : memref<1000000x64xf32, #tpu.memory_space<hbm>> -> memref<8x64xf32, #tpu.memory_space<hbm>>
    tpu.enqueue_dma source(%dma_start3A_1198 : memref<8x64xf32, #tpu.memory_space<hbm>>) target(%dma_start3A_1196 : memref<8x64xf32, #tpu.memory_space<vmem>>) target_semaphore(%arg19 : memref<!tpu.dma_semaphore, #tpu.memory_space<semaphore_mem>>)
    %dma_start3A_1199 = arith.constant 1 : i32
    %dma_start3A_1200 = arith.constant 104 : i32
    %dma_start3A_1201 = arith.constant 0 : i32
    %dma_start3A_1202 = tpu.memref_slice %arg13[%dma_start3A_1199, %dma_start3A_1200, %dma_start3A_1201] : memref<2x128x64xf32, #tpu.memory_space<vmem>> -> memref<1x8x64xf32, #tpu.memory_space<vmem>>
    %dma_start3A_1203 = tpu.memref_squeeze %dma_start3A_1202 : memref<1x8x64xf32, #tpu.memory_space<vmem>> -> memref<8x64xf32, #tpu.memory_space<vmem>>
    %dma_start3A_1204 = arith.constant 0 : i32
    %dma_start3A_1205 = tpu.memref_slice %arg7[%multiple_of3A_1185, %dma_start3A_1204] : memref<1000000x64xf32, #tpu.memory_space<hbm>> -> memref<8x64xf32, #tpu.memory_space<hbm>>
    %dma_start3A_1206 = arith.constant 104 : i32
    %dma_start3A_1207 = arith.constant 0 : i32
    %dma_start3A_1208 = tpu.memref_slice %arg13[%dma_start3A_1199, %dma_start3A_1206, %dma_start3A_1207] : memref<2x128x64xf32, #tpu.memory_space<vmem>> -> memref<1x8x64xf32, #tpu.memory_space<vmem>>
    %dma_start3A_1209 = tpu.memref_squeeze %dma_start3A_1208 : memref<1x8x64xf32, #tpu.memory_space<vmem>> -> memref<8x64xf32, #tpu.memory_space<vmem>>
    %dma_start3A_1210 = arith.constant 0 : i32
    %dma_start3A_1211 = tpu.memref_slice %arg7[%multiple_of3A_1185, %dma_start3A_1210] : memref<1000000x64xf32, #tpu.memory_space<hbm>> -> memref<8x64xf32, #tpu.memory_space<hbm>>
    tpu.enqueue_dma source(%dma_start3A_1211 : memref<8x64xf32, #tpu.memory_space<hbm>>) target(%dma_start3A_1209 : memref<8x64xf32, #tpu.memory_space<vmem>>) target_semaphore(%arg20 : memref<!tpu.dma_semaphore, #tpu.memory_space<semaphore_mem>>)
    %slice3A_1212 = vector.extract_strided_slice %get3A_649 {offsets = [14], sizes = [1], strides = [1]} : vector<16xi32> to vector<1xi32>
    %squeeze3A_1213 = vector.extract %slice3A_1212[0] : i32 from vector<1xi32>
    %shift_right_arithmetic3A_1214 = arith.constant 3 : i32
    %shift_right_arithmetic3A_1215 = arith.shrsi %squeeze3A_1213, %shift_right_arithmetic3A_1214 : i32
    %mul3A_1216 = arith.constant 8 : i32
    %mul3A_1217 = arith.muli %shift_right_arithmetic3A_1215, %mul3A_1216 : i32
    %multiple_of3A_1218 = tpu.assume_multiple %mul3A_1217, 8 : i32
    %slice3A_1219 = vector.extract_strided_slice %get3A_651 {offsets = [14], sizes = [1], strides = [1]} : vector<16xi32> to vector<1xi32>
    %squeeze3A_1220 = vector.extract %slice3A_1219[0] : i32 from vector<1xi32>
    %shift_right_arithmetic3A_1221 = arith.constant 3 : i32
    %shift_right_arithmetic3A_1222 = arith.shrsi %squeeze3A_1220, %shift_right_arithmetic3A_1221 : i32
    %mul3A_1223 = arith.constant 8 : i32
    %mul3A_1224 = arith.muli %shift_right_arithmetic3A_1222, %mul3A_1223 : i32
    %multiple_of3A_1225 = tpu.assume_multiple %mul3A_1224, 8 : i32
    %dma_start3A_1226 = arith.constant 1 : i32
    %dma_start3A_1227 = arith.constant 112 : i32
    %dma_start3A_1228 = arith.constant 0 : i32
    %dma_start3A_1229 = tpu.memref_slice %arg12[%dma_start3A_1226, %dma_start3A_1227, %dma_start3A_1228] : memref<2x128x64xf32, #tpu.memory_space<vmem>> -> memref<1x8x64xf32, #tpu.memory_space<vmem>>
    %dma_start3A_1230 = tpu.memref_squeeze %dma_start3A_1229 : memref<1x8x64xf32, #tpu.memory_space<vmem>> -> memref<8x64xf32, #tpu.memory_space<vmem>>
    %dma_start3A_1231 = arith.constant 0 : i32
    %dma_start3A_1232 = tpu.memref_slice %arg7[%multiple_of3A_1218, %dma_start3A_1231] : memref<1000000x64xf32, #tpu.memory_space<hbm>> -> memref<8x64xf32, #tpu.memory_space<hbm>>
    %dma_start3A_1233 = arith.constant 112 : i32
    %dma_start3A_1234 = arith.constant 0 : i32
    %dma_start3A_1235 = tpu.memref_slice %arg12[%dma_start3A_1226, %dma_start3A_1233, %dma_start3A_1234] : memref<2x128x64xf32, #tpu.memory_space<vmem>> -> memref<1x8x64xf32, #tpu.memory_space<vmem>>
    %dma_start3A_1236 = tpu.memref_squeeze %dma_start3A_1235 : memref<1x8x64xf32, #tpu.memory_space<vmem>> -> memref<8x64xf32, #tpu.memory_space<vmem>>
    %dma_start3A_1237 = arith.constant 0 : i32
    %dma_start3A_1238 = tpu.memref_slice %arg7[%multiple_of3A_1218, %dma_start3A_1237] : memref<1000000x64xf32, #tpu.memory_space<hbm>> -> memref<8x64xf32, #tpu.memory_space<hbm>>
    tpu.enqueue_dma source(%dma_start3A_1238 : memref<8x64xf32, #tpu.memory_space<hbm>>) target(%dma_start3A_1236 : memref<8x64xf32, #tpu.memory_space<vmem>>) target_semaphore(%arg19 : memref<!tpu.dma_semaphore, #tpu.memory_space<semaphore_mem>>)
    %dma_start3A_1239 = arith.constant 1 : i32
    %dma_start3A_1240 = arith.constant 112 : i32
    %dma_start3A_1241 = arith.constant 0 : i32
    %dma_start3A_1242 = tpu.memref_slice %arg13[%dma_start3A_1239, %dma_start3A_1240, %dma_start3A_1241] : memref<2x128x64xf32, #tpu.memory_space<vmem>> -> memref<1x8x64xf32, #tpu.memory_space<vmem>>
    %dma_start3A_1243 = tpu.memref_squeeze %dma_start3A_1242 : memref<1x8x64xf32, #tpu.memory_space<vmem>> -> memref<8x64xf32, #tpu.memory_space<vmem>>
    %dma_start3A_1244 = arith.constant 0 : i32
    %dma_start3A_1245 = tpu.memref_slice %arg7[%multiple_of3A_1225, %dma_start3A_1244] : memref<1000000x64xf32, #tpu.memory_space<hbm>> -> memref<8x64xf32, #tpu.memory_space<hbm>>
    %dma_start3A_1246 = arith.constant 112 : i32
    %dma_start3A_1247 = arith.constant 0 : i32
    %dma_start3A_1248 = tpu.memref_slice %arg13[%dma_start3A_1239, %dma_start3A_1246, %dma_start3A_1247] : memref<2x128x64xf32, #tpu.memory_space<vmem>> -> memref<1x8x64xf32, #tpu.memory_space<vmem>>
    %dma_start3A_1249 = tpu.memref_squeeze %dma_start3A_1248 : memref<1x8x64xf32, #tpu.memory_space<vmem>> -> memref<8x64xf32, #tpu.memory_space<vmem>>
    %dma_start3A_1250 = arith.constant 0 : i32
    %dma_start3A_1251 = tpu.memref_slice %arg7[%multiple_of3A_1225, %dma_start3A_1250] : memref<1000000x64xf32, #tpu.memory_space<hbm>> -> memref<8x64xf32, #tpu.memory_space<hbm>>
    tpu.enqueue_dma source(%dma_start3A_1251 : memref<8x64xf32, #tpu.memory_space<hbm>>) target(%dma_start3A_1249 : memref<8x64xf32, #tpu.memory_space<vmem>>) target_semaphore(%arg20 : memref<!tpu.dma_semaphore, #tpu.memory_space<semaphore_mem>>)
    %slice3A_1252 = vector.extract_strided_slice %get3A_649 {offsets = [15], sizes = [1], strides = [1]} : vector<16xi32> to vector<1xi32>
    %squeeze3A_1253 = vector.extract %slice3A_1252[0] : i32 from vector<1xi32>
    %shift_right_arithmetic3A_1254 = arith.constant 3 : i32
    %shift_right_arithmetic3A_1255 = arith.shrsi %squeeze3A_1253, %shift_right_arithmetic3A_1254 : i32
    %mul3A_1256 = arith.constant 8 : i32
    %mul3A_1257 = arith.muli %shift_right_arithmetic3A_1255, %mul3A_1256 : i32
    %multiple_of3A_1258 = tpu.assume_multiple %mul3A_1257, 8 : i32
    %slice3A_1259 = vector.extract_strided_slice %get3A_651 {offsets = [15], sizes = [1], strides = [1]} : vector<16xi32> to vector<1xi32>
    %squeeze3A_1260 = vector.extract %slice3A_1259[0] : i32 from vector<1xi32>
    %shift_right_arithmetic3A_1261 = arith.constant 3 : i32
    %shift_right_arithmetic3A_1262 = arith.shrsi %squeeze3A_1260, %shift_right_arithmetic3A_1261 : i32
    %mul3A_1263 = arith.constant 8 : i32
    %mul3A_1264 = arith.muli %shift_right_arithmetic3A_1262, %mul3A_1263 : i32
    %multiple_of3A_1265 = tpu.assume_multiple %mul3A_1264, 8 : i32
    %dma_start3A_1266 = arith.constant 1 : i32
    %dma_start3A_1267 = arith.constant 120 : i32
    %dma_start3A_1268 = arith.constant 0 : i32
    %dma_start3A_1269 = tpu.memref_slice %arg12[%dma_start3A_1266, %dma_start3A_1267, %dma_start3A_1268] : memref<2x128x64xf32, #tpu.memory_space<vmem>> -> memref<1x8x64xf32, #tpu.memory_space<vmem>>
    %dma_start3A_1270 = tpu.memref_squeeze %dma_start3A_1269 : memref<1x8x64xf32, #tpu.memory_space<vmem>> -> memref<8x64xf32, #tpu.memory_space<vmem>>
    %dma_start3A_1271 = arith.constant 0 : i32
    %dma_start3A_1272 = tpu.memref_slice %arg7[%multiple_of3A_1258, %dma_start3A_1271] : memref<1000000x64xf32, #tpu.memory_space<hbm>> -> memref<8x64xf32, #tpu.memory_space<hbm>>
    %dma_start3A_1273 = arith.constant 120 : i32
    %dma_start3A_1274 = arith.constant 0 : i32
    %dma_start3A_1275 = tpu.memref_slice %arg12[%dma_start3A_1266, %dma_start3A_1273, %dma_start3A_1274] : memref<2x128x64xf32, #tpu.memory_space<vmem>> -> memref<1x8x64xf32, #tpu.memory_space<vmem>>
    %dma_start3A_1276 = tpu.memref_squeeze %dma_start3A_1275 : memref<1x8x64xf32, #tpu.memory_space<vmem>> -> memref<8x64xf32, #tpu.memory_space<vmem>>
    %dma_start3A_1277 = arith.constant 0 : i32
    %dma_start3A_1278 = tpu.memref_slice %arg7[%multiple_of3A_1258, %dma_start3A_1277] : memref<1000000x64xf32, #tpu.memory_space<hbm>> -> memref<8x64xf32, #tpu.memory_space<hbm>>
    tpu.enqueue_dma source(%dma_start3A_1278 : memref<8x64xf32, #tpu.memory_space<hbm>>) target(%dma_start3A_1276 : memref<8x64xf32, #tpu.memory_space<vmem>>) target_semaphore(%arg19 : memref<!tpu.dma_semaphore, #tpu.memory_space<semaphore_mem>>)
    %dma_start3A_1279 = arith.constant 1 : i32
    %dma_start3A_1280 = arith.constant 120 : i32
    %dma_start3A_1281 = arith.constant 0 : i32
    %dma_start3A_1282 = tpu.memref_slice %arg13[%dma_start3A_1279, %dma_start3A_1280, %dma_start3A_1281] : memref<2x128x64xf32, #tpu.memory_space<vmem>> -> memref<1x8x64xf32, #tpu.memory_space<vmem>>
    %dma_start3A_1283 = tpu.memref_squeeze %dma_start3A_1282 : memref<1x8x64xf32, #tpu.memory_space<vmem>> -> memref<8x64xf32, #tpu.memory_space<vmem>>
    %dma_start3A_1284 = arith.constant 0 : i32
    %dma_start3A_1285 = tpu.memref_slice %arg7[%multiple_of3A_1265, %dma_start3A_1284] : memref<1000000x64xf32, #tpu.memory_space<hbm>> -> memref<8x64xf32, #tpu.memory_space<hbm>>
    %dma_start3A_1286 = arith.constant 120 : i32
    %dma_start3A_1287 = arith.constant 0 : i32
    %dma_start3A_1288 = tpu.memref_slice %arg13[%dma_start3A_1279, %dma_start3A_1286, %dma_start3A_1287] : memref<2x128x64xf32, #tpu.memory_space<vmem>> -> memref<1x8x64xf32, #tpu.memory_space<vmem>>
    %dma_start3A_1289 = tpu.memref_squeeze %dma_start3A_1288 : memref<1x8x64xf32, #tpu.memory_space<vmem>> -> memref<8x64xf32, #tpu.memory_space<vmem>>
    %dma_start3A_1290 = arith.constant 0 : i32
    %dma_start3A_1291 = tpu.memref_slice %arg7[%multiple_of3A_1265, %dma_start3A_1290] : memref<1000000x64xf32, #tpu.memory_space<hbm>> -> memref<8x64xf32, #tpu.memory_space<hbm>>
    tpu.enqueue_dma source(%dma_start3A_1291 : memref<8x64xf32, #tpu.memory_space<hbm>>) target(%dma_start3A_1289 : memref<8x64xf32, #tpu.memory_space<vmem>>) target_semaphore(%arg20 : memref<!tpu.dma_semaphore, #tpu.memory_space<semaphore_mem>>)
    %scan3A = arith.constant 0 : i32
    %scan3A_1292 = arith.constant 0 : i32
    %scan3A_1293 = arith.constant 16 : i32
    %scan3A_1294 = arith.addi %scan3A_1292, %scan3A_1293 : i32
    %scan3A_1295 = arith.constant 1 : i32
    scf.for %scan3A_1297 = %scan3A_1292 to %scan3A_1294 step %scan3A_1295  : i32 {
      %mul3A_1298 = arith.constant 2 : i32
      %mul3A_1299 = arith.muli %scan3A_1297, %mul3A_1298 : i32
      %dma_wait3A_1300 = arith.constant 0 : i32
      %dma_wait3A_1301 = arith.constant 0 : i32
      %dma_wait3A_1302 = arith.constant 0 : i32
      %dma_wait3A_1303 = tpu.memref_slice %arg12[%dma_wait3A_1300, %dma_wait3A_1301, %dma_wait3A_1302] : memref<2x128x64xf32, #tpu.memory_space<vmem>> -> memref<1x128x64xf32, #tpu.memory_space<vmem>>
      %dma_wait3A_1304 = tpu.memref_squeeze %dma_wait3A_1303 : memref<1x128x64xf32, #tpu.memory_space<vmem>> -> memref<128x64xf32, #tpu.memory_space<vmem>>
      %dma_wait3A_1305 = arith.constant 0 : i32
      %dma_wait3A_1306 = arith.constant 0 : i32
      %dma_wait3A_1307 = tpu.memref_slice %arg7[%dma_wait3A_1305, %dma_wait3A_1306] : memref<1000000x64xf32, #tpu.memory_space<hbm>> -> memref<128x64xf32, #tpu.memory_space<hbm>>
      %dma_wait3A_1308 = arith.constant 0 : i32
      %dma_wait3A_1309 = arith.constant 0 : i32
      %dma_wait3A_1310 = tpu.memref_slice %arg12[%dma_wait3A_1300, %dma_wait3A_1308, %dma_wait3A_1309] : memref<2x128x64xf32, #tpu.memory_space<vmem>> -> memref<1x128x64xf32, #tpu.memory_space<vmem>>
      %dma_wait3A_1311 = tpu.memref_squeeze %dma_wait3A_1310 : memref<1x128x64xf32, #tpu.memory_space<vmem>> -> memref<128x64xf32, #tpu.memory_space<vmem>>
      %dma_wait3A_1312 = arith.constant 0 : i32
      %dma_wait3A_1313 = arith.constant 0 : i32
      %dma_wait3A_1314 = tpu.memref_slice %arg7[%dma_wait3A_1312, %dma_wait3A_1313] : memref<1000000x64xf32, #tpu.memory_space<hbm>> -> memref<128x64xf32, #tpu.memory_space<hbm>>
      tpu.wait_dma2 semaphore(%arg17 : memref<!tpu.dma_semaphore, #tpu.memory_space<semaphore_mem>>) src(%dma_wait3A_1314 : memref<128x64xf32, #tpu.memory_space<hbm>>) dst(%dma_wait3A_1311 : memref<128x64xf32, #tpu.memory_space<vmem>>)
      %dma_wait3A_1315 = arith.constant 0 : i32
      %dma_wait3A_1316 = arith.constant 0 : i32
      %dma_wait3A_1317 = arith.constant 0 : i32
      %dma_wait3A_1318 = tpu.memref_slice %arg13[%dma_wait3A_1315, %dma_wait3A_1316, %dma_wait3A_1317] : memref<2x128x64xf32, #tpu.memory_space<vmem>> -> memref<1x128x64xf32, #tpu.memory_space<vmem>>
      %dma_wait3A_1319 = tpu.memref_squeeze %dma_wait3A_1318 : memref<1x128x64xf32, #tpu.memory_space<vmem>> -> memref<128x64xf32, #tpu.memory_space<vmem>>
      %dma_wait3A_1320 = arith.constant 0 : i32
      %dma_wait3A_1321 = arith.constant 0 : i32
      %dma_wait3A_1322 = tpu.memref_slice %arg7[%dma_wait3A_1320, %dma_wait3A_1321] : memref<1000000x64xf32, #tpu.memory_space<hbm>> -> memref<128x64xf32, #tpu.memory_space<hbm>>
      %dma_wait3A_1323 = arith.constant 0 : i32
      %dma_wait3A_1324 = arith.constant 0 : i32
      %dma_wait3A_1325 = tpu.memref_slice %arg13[%dma_wait3A_1315, %dma_wait3A_1323, %dma_wait3A_1324] : memref<2x128x64xf32, #tpu.memory_space<vmem>> -> memref<1x128x64xf32, #tpu.memory_space<vmem>>
      %dma_wait3A_1326 = tpu.memref_squeeze %dma_wait3A_1325 : memref<1x128x64xf32, #tpu.memory_space<vmem>> -> memref<128x64xf32, #tpu.memory_space<vmem>>
      %dma_wait3A_1327 = arith.constant 0 : i32
      %dma_wait3A_1328 = arith.constant 0 : i32
      %dma_wait3A_1329 = tpu.memref_slice %arg7[%dma_wait3A_1327, %dma_wait3A_1328] : memref<1000000x64xf32, #tpu.memory_space<hbm>> -> memref<128x64xf32, #tpu.memory_space<hbm>>
      tpu.wait_dma2 semaphore(%arg18 : memref<!tpu.dma_semaphore, #tpu.memory_space<semaphore_mem>>) src(%dma_wait3A_1329 : memref<128x64xf32, #tpu.memory_space<hbm>>) dst(%dma_wait3A_1326 : memref<128x64xf32, #tpu.memory_space<vmem>>)
      %mul3A_1330 = arith.constant 16 : i32
      %mul3A_1331 = arith.muli %mul3A_1299, %mul3A_1330 : i32
      %get3A_1332 = arith.index_cast %mul3A_1331 : i32 to index
      %get3A_1333 = tpu.vector_load %arg10[%get3A_1332] {strides = array<i32>} : memref<512xi32, #tpu.memory_space<vmem>>, vector<16xi32>,
      %and3A = arith.constant 7 : i32
      %and3A_1334 = vector.broadcast %and3A : i32 to vector<16xi32>
      %and3A_1335 = arith.andi %get3A_1333, %and3A_1334 : vector<16xi32>
      %mul3A_1336 = arith.constant 8 : i32
      %mul3A_1337 = vector.broadcast %mul3A_1336 : i32 to vector<16xi32>
      %mul3A_1338 = arith.muli %iota3A, %mul3A_1337 : vector<16xi32>
      %add3A_1339 = arith.addi %and3A_1335, %mul3A_1338 : vector<16xi32>
      %get3A_1340 = arith.index_cast %mul3A_1331 : i32 to index
      %get3A_1341 = tpu.vector_load %arg11[%get3A_1340] {strides = array<i32>} : memref<512xi32, #tpu.memory_space<vmem>>, vector<16xi32>,
      %and3A_1342 = arith.constant 7 : i32
      %and3A_1343 = vector.broadcast %and3A_1342 : i32 to vector<16xi32>
      %and3A_1344 = arith.andi %get3A_1341, %and3A_1343 : vector<16xi32>
      %mul3A_1345 = arith.constant 8 : i32
      %mul3A_1346 = vector.broadcast %mul3A_1345 : i32 to vector<16xi32>
      %mul3A_1347 = arith.muli %iota3A, %mul3A_1346 : vector<16xi32>
      %add3A_1348 = arith.addi %and3A_1344, %mul3A_1347 : vector<16xi32>
      %broadcast_in_dim3A = arith.constant 0.000000e+00 : f32
      %broadcast_in_dim3A_1349 = vector.broadcast %broadcast_in_dim3A : f32 to vector<16xf32>
      %scan3A_1350 = arith.constant 0 : i32
      %scan3A_1351 = arith.constant 0 : i32
      %scan3A_1352 = arith.constant 0 : i32
      %scan3A_1353 = arith.constant 16 : i32
      %scan3A_1354 = arith.addi %scan3A_1352, %scan3A_1353 : i32
      %scan3A_1355 = arith.constant 1 : i32
      %scan3A_1356 = scf.for %scan3A_1462 = %scan3A_1352 to %scan3A_1354 step %scan3A_1355 iter_args(%scan3A_1463 = %broadcast_in_dim3A_1349) -> (vector<16xf32>)  : i32 {
        %mul3A_1464 = arith.constant 4 : i32
        %mul3A_1465 = arith.muli %scan3A_1462, %mul3A_1464 : i32
        %add3A_1466 = arith.constant 0 : i32
        %add3A_1467 = arith.addi %mul3A_1465, %add3A_1466 : i32
        %broadcast_in_dim3A_1468 = vector.broadcast %add3A_1467 : i32 to vector<16xi32>
        %gather3A = arith.constant 0 : i32
        %gather3A_1469 = arith.constant 0 : i32
        %gather3A_1470 = tpu.memref_slice %arg13[%scan3A_1350, %gather3A, %gather3A_1469] : memref<2x128x64xf32, #tpu.memory_space<vmem>> -> memref<1x128x64xf32, #tpu.memory_space<vmem>>
        %gather3A_1471 = tpu.memref_squeeze %gather3A_1470 : memref<1x128x64xf32, #tpu.memory_space<vmem>> -> memref<128x64xf32, #tpu.memory_space<vmem>>
        %gather3A_1472 = tpu.vector_load_idx %gather3A_1471[%add3A_1348, %broadcast_in_dim3A_1468] : memref<128x64xf32, #tpu.memory_space<vmem>>[vector<16xi32>, vector<16xi32>], vector<16xf32>,
        %gather3A_1473 = arith.constant 0 : i32
        %gather3A_1474 = arith.constant 0 : i32
        %gather3A_1475 = tpu.memref_slice %arg12[%scan3A_1351, %gather3A_1473, %gather3A_1474] : memref<2x128x64xf32, #tpu.memory_space<vmem>> -> memref<1x128x64xf32, #tpu.memory_space<vmem>>
        %gather3A_1476 = tpu.memref_squeeze %gather3A_1475 : memref<1x128x64xf32, #tpu.memory_space<vmem>> -> memref<128x64xf32, #tpu.memory_space<vmem>>
        %gather3A_1477 = tpu.vector_load_idx %gather3A_1476[%add3A_1339, %broadcast_in_dim3A_1468] : memref<128x64xf32, #tpu.memory_space<vmem>>[vector<16xi32>, vector<16xi32>], vector<16xf32>,
        %mul3A_1478 = arith.mulf %gather3A_1472, %gather3A_1477 : vector<16xf32>
        %add3A_1479 = arith.addf %scan3A_1463, %mul3A_1478 : vector<16xf32>
        %mul3A_1480 = arith.constant 4 : i32
        %mul3A_1481 = arith.muli %scan3A_1462, %mul3A_1480 : i32
        %add3A_1482 = arith.constant 1 : i32
        %add3A_1483 = arith.addi %mul3A_1481, %add3A_1482 : i32
        %broadcast_in_dim3A_1484 = vector.broadcast %add3A_1483 : i32 to vector<16xi32>
        %gather3A_1485 = arith.constant 0 : i32
        %gather3A_1486 = arith.constant 0 : i32
        %gather3A_1487 = tpu.memref_slice %arg13[%scan3A_1350, %gather3A_1485, %gather3A_1486] : memref<2x128x64xf32, #tpu.memory_space<vmem>> -> memref<1x128x64xf32, #tpu.memory_space<vmem>>
        %gather3A_1488 = tpu.memref_squeeze %gather3A_1487 : memref<1x128x64xf32, #tpu.memory_space<vmem>> -> memref<128x64xf32, #tpu.memory_space<vmem>>
        %gather3A_1489 = tpu.vector_load_idx %gather3A_1488[%add3A_1348, %broadcast_in_dim3A_1484] : memref<128x64xf32, #tpu.memory_space<vmem>>[vector<16xi32>, vector<16xi32>], vector<16xf32>,
        %gather3A_1490 = arith.constant 0 : i32
        %gather3A_1491 = arith.constant 0 : i32
        %gather3A_1492 = tpu.memref_slice %arg12[%scan3A_1351, %gather3A_1490, %gather3A_1491] : memref<2x128x64xf32, #tpu.memory_space<vmem>> -> memref<1x128x64xf32, #tpu.memory_space<vmem>>
        %gather3A_1493 = tpu.memref_squeeze %gather3A_1492 : memref<1x128x64xf32, #tpu.memory_space<vmem>> -> memref<128x64xf32, #tpu.memory_space<vmem>>
        %gather3A_1494 = tpu.vector_load_idx %gather3A_1493[%add3A_1339, %broadcast_in_dim3A_1484] : memref<128x64xf32, #tpu.memory_space<vmem>>[vector<16xi32>, vector<16xi32>], vector<16xf32>,
        %mul3A_1495 = arith.mulf %gather3A_1489, %gather3A_1494 : vector<16xf32>
        %add3A_1496 = arith.addf %add3A_1479, %mul3A_1495 : vector<16xf32>
        %mul3A_1497 = arith.constant 4 : i32
        %mul3A_1498 = arith.muli %scan3A_1462, %mul3A_1497 : i32
        %add3A_1499 = arith.constant 2 : i32
        %add3A_1500 = arith.addi %mul3A_1498, %add3A_1499 : i32
        %broadcast_in_dim3A_1501 = vector.broadcast %add3A_1500 : i32 to vector<16xi32>
        %gather3A_1502 = arith.constant 0 : i32
        %gather3A_1503 = arith.constant 0 : i32
        %gather3A_1504 = tpu.memref_slice %arg13[%scan3A_1350, %gather3A_1502, %gather3A_1503] : memref<2x128x64xf32, #tpu.memory_space<vmem>> -> memref<1x128x64xf32, #tpu.memory_space<vmem>>
        %gather3A_1505 = tpu.memref_squeeze %gather3A_1504 : memref<1x128x64xf32, #tpu.memory_space<vmem>> -> memref<128x64xf32, #tpu.memory_space<vmem>>
        %gather3A_1506 = tpu.vector_load_idx %gather3A_1505[%add3A_1348, %broadcast_in_dim3A_1501] : memref<128x64xf32, #tpu.memory_space<vmem>>[vector<16xi32>, vector<16xi32>], vector<16xf32>,
        %gather3A_1507 = arith.constant 0 : i32
        %gather3A_1508 = arith.constant 0 : i32
        %gather3A_1509 = tpu.memref_slice %arg12[%scan3A_1351, %gather3A_1507, %gather3A_1508] : memref<2x128x64xf32, #tpu.memory_space<vmem>> -> memref<1x128x64xf32, #tpu.memory_space<vmem>>
        %gather3A_1510 = tpu.memref_squeeze %gather3A_1509 : memref<1x128x64xf32, #tpu.memory_space<vmem>> -> memref<128x64xf32, #tpu.memory_space<vmem>>
        %gather3A_1511 = tpu.vector_load_idx %gather3A_1510[%add3A_1339, %broadcast_in_dim3A_1501] : memref<128x64xf32, #tpu.memory_space<vmem>>[vector<16xi32>, vector<16xi32>], vector<16xf32>,
        %mul3A_1512 = arith.mulf %gather3A_1506, %gather3A_1511 : vector<16xf32>
        %add3A_1513 = arith.addf %add3A_1496, %mul3A_1512 : vector<16xf32>
        %mul3A_1514 = arith.constant 4 : i32
        %mul3A_1515 = arith.muli %scan3A_1462, %mul3A_1514 : i32
        %add3A_1516 = arith.constant 3 : i32
        %add3A_1517 = arith.addi %mul3A_1515, %add3A_1516 : i32
        %broadcast_in_dim3A_1518 = vector.broadcast %add3A_1517 : i32 to vector<16xi32>
        %gather3A_1519 = arith.constant 0 : i32
        %gather3A_1520 = arith.constant 0 : i32
        %gather3A_1521 = tpu.memref_slice %arg13[%scan3A_1350, %gather3A_1519, %gather3A_1520] : memref<2x128x64xf32, #tpu.memory_space<vmem>> -> memref<1x128x64xf32, #tpu.memory_space<vmem>>
        %gather3A_1522 = tpu.memref_squeeze %gather3A_1521 : memref<1x128x64xf32, #tpu.memory_space<vmem>> -> memref<128x64xf32, #tpu.memory_space<vmem>>
        %gather3A_1523 = tpu.vector_load_idx %gather3A_1522[%add3A_1348, %broadcast_in_dim3A_1518] : memref<128x64xf32, #tpu.memory_space<vmem>>[vector<16xi32>, vector<16xi32>], vector<16xf32>,
        %gather3A_1524 = arith.constant 0 : i32
        %gather3A_1525 = arith.constant 0 : i32
        %gather3A_1526 = tpu.memref_slice %arg12[%scan3A_1351, %gather3A_1524, %gather3A_1525] : memref<2x128x64xf32, #tpu.memory_space<vmem>> -> memref<1x128x64xf32, #tpu.memory_space<vmem>>
        %gather3A_1527 = tpu.memref_squeeze %gather3A_1526 : memref<1x128x64xf32, #tpu.memory_space<vmem>> -> memref<128x64xf32, #tpu.memory_space<vmem>>
        %gather3A_1528 = tpu.vector_load_idx %gather3A_1527[%add3A_1339, %broadcast_in_dim3A_1518] : memref<128x64xf32, #tpu.memory_space<vmem>>[vector<16xi32>, vector<16xi32>], vector<16xf32>,
        %mul3A_1529 = arith.mulf %gather3A_1523, %gather3A_1528 : vector<16xf32>
        %add3A_1530 = arith.addf %add3A_1513, %mul3A_1529 : vector<16xf32>
        scf.yield %add3A_1530 : vector<16xf32>
      }
      %scan3A_1357 = arith.constant 16 : i32
      %get3A_1358 = arith.index_cast %mul3A_1331 : i32 to index
      %get3A_1359 = tpu.vector_load %arg14[%get3A_1358] {strides = array<i32>} : memref<512xf32, #tpu.memory_space<vmem>>, vector<16xf32>,
      %get3A_1360 = arith.index_cast %mul3A_1331 : i32 to index
      %get3A_1361 = tpu.vector_load %arg15[%get3A_1360] {strides = array<i32>} : memref<512xf32, #tpu.memory_space<vmem>>, vector<16xf32>,
      %sub3A = arith.subf %scan3A_1356, %get3A_1359 : vector<16xf32>
      %mul3A_1362 = arith.mulf %sub3A, %get3A_1361 : vector<16xf32>
      %neg3A = arith.constant 0.000000e+00 : f32
      %neg3A_1363 = vector.broadcast %neg3A : f32 to vector<16xf32>
      %neg3A_1364 = arith.subf %neg3A_1363, %mul3A_1362 : vector<16xf32>
      %exp3A = math.exp %neg3A_1364 : vector<16xf32>
      %add3A_1365 = arith.constant 1.000000e+00 : f32
      %add3A_1366 = vector.broadcast %add3A_1365 : f32 to vector<16xf32>
      %add3A_1367 = arith.addf %add3A_1366, %exp3A : vector<16xf32>
      %div3A = arith.constant 1.000000e+00 : f32
      %div3A_1368 = vector.broadcast %div3A : f32 to vector<16xf32>
      %div3A_1369 = arith.divf %div3A_1368, %add3A_1367 : vector<16xf32>
      %swap3A = arith.index_cast %mul3A_1331 : i32 to index
      %swap3A_1370 = tpu.vector_load %arg16[%swap3A] {strides = array<i32>} : memref<512xf32, #tpu.memory_space<vmem>>, vector<16xf32>,
      tpu.vector_store %arg16[%swap3A], %div3A_1369 {strides = array<i32>} : memref<512xf32, #tpu.memory_space<vmem>>, vector<16xf32>,
      %add3A_1371 = arith.constant 2 : i32
      %add3A_1372 = arith.addi %mul3A_1299, %add3A_1371 : i32
      %lt3A = arith.constant 32 : i32
      %lt3A_1373 = arith.cmpi slt, %add3A_1372, %lt3A : i32
      %convert_element_type3A = arith.extui %lt3A_1373 : i1 to i32
      %cond3A = arith.constant 0 : i32
      %cond3A_1374 = arith.cmpi ne, %convert_element_type3A, %cond3A : i32
      scf.if %cond3A_1374 {
        %add3A_1462 = arith.constant 2 : i32
        %add3A_1463 = arith.addi %mul3A_1299, %add3A_1462 : i32
        %mul3A_1464 = arith.constant 16 : i32
        %mul3A_1465 = arith.muli %add3A_1463, %mul3A_1464 : i32
        %get3A_1466 = arith.index_cast %mul3A_1465 : i32 to index
        %get3A_1467 = tpu.vector_load %arg10[%get3A_1466] {strides = array<i32>} : memref<512xi32, #tpu.memory_space<vmem>>, vector<16xi32>,
        %get3A_1468 = arith.index_cast %mul3A_1465 : i32 to index
        %get3A_1469 = tpu.vector_load %arg11[%get3A_1468] {strides = array<i32>} : memref<512xi32, #tpu.memory_space<vmem>>, vector<16xi32>,
        %slice3A_1470 = vector.extract_strided_slice %get3A_1467 {offsets = [0], sizes = [1], strides = [1]} : vector<16xi32> to vector<1xi32>
        %squeeze3A_1471 = vector.extract %slice3A_1470[0] : i32 from vector<1xi32>
        %shift_right_arithmetic3A_1472 = arith.constant 3 : i32
        %shift_right_arithmetic3A_1473 = arith.shrsi %squeeze3A_1471, %shift_right_arithmetic3A_1472 : i32
        %mul3A_1474 = arith.constant 8 : i32
        %mul3A_1475 = arith.muli %shift_right_arithmetic3A_1473, %mul3A_1474 : i32
        %multiple_of3A_1476 = tpu.assume_multiple %mul3A_1475, 8 : i32
        %slice3A_1477 = vector.extract_strided_slice %get3A_1469 {offsets = [0], sizes = [1], strides = [1]} : vector<16xi32> to vector<1xi32>
        %squeeze3A_1478 = vector.extract %slice3A_1477[0] : i32 from vector<1xi32>
        %shift_right_arithmetic3A_1479 = arith.constant 3 : i32
        %shift_right_arithmetic3A_1480 = arith.shrsi %squeeze3A_1478, %shift_right_arithmetic3A_1479 : i32
        %mul3A_1481 = arith.constant 8 : i32
        %mul3A_1482 = arith.muli %shift_right_arithmetic3A_1480, %mul3A_1481 : i32
        %multiple_of3A_1483 = tpu.assume_multiple %mul3A_1482, 8 : i32
        %dma_start3A_1484 = arith.constant 0 : i32
        %dma_start3A_1485 = arith.constant 0 : i32
        %dma_start3A_1486 = arith.constant 0 : i32
        %dma_start3A_1487 = tpu.memref_slice %arg12[%dma_start3A_1484, %dma_start3A_1485, %dma_start3A_1486] : memref<2x128x64xf32, #tpu.memory_space<vmem>> -> memref<1x8x64xf32, #tpu.memory_space<vmem>>
        %dma_start3A_1488 = tpu.memref_squeeze %dma_start3A_1487 : memref<1x8x64xf32, #tpu.memory_space<vmem>> -> memref<8x64xf32, #tpu.memory_space<vmem>>
        %dma_start3A_1489 = arith.constant 0 : i32
        %dma_start3A_1490 = tpu.memref_slice %arg7[%multiple_of3A_1476, %dma_start3A_1489] : memref<1000000x64xf32, #tpu.memory_space<hbm>> -> memref<8x64xf32, #tpu.memory_space<hbm>>
        %dma_start3A_1491 = arith.constant 0 : i32
        %dma_start3A_1492 = arith.constant 0 : i32
        %dma_start3A_1493 = tpu.memref_slice %arg12[%dma_start3A_1484, %dma_start3A_1491, %dma_start3A_1492] : memref<2x128x64xf32, #tpu.memory_space<vmem>> -> memref<1x8x64xf32, #tpu.memory_space<vmem>>
        %dma_start3A_1494 = tpu.memref_squeeze %dma_start3A_1493 : memref<1x8x64xf32, #tpu.memory_space<vmem>> -> memref<8x64xf32, #tpu.memory_space<vmem>>
        %dma_start3A_1495 = arith.constant 0 : i32
        %dma_start3A_1496 = tpu.memref_slice %arg7[%multiple_of3A_1476, %dma_start3A_1495] : memref<1000000x64xf32, #tpu.memory_space<hbm>> -> memref<8x64xf32, #tpu.memory_space<hbm>>
        tpu.enqueue_dma source(%dma_start3A_1496 : memref<8x64xf32, #tpu.memory_space<hbm>>) target(%dma_start3A_1494 : memref<8x64xf32, #tpu.memory_space<vmem>>) target_semaphore(%arg17 : memref<!tpu.dma_semaphore, #tpu.memory_space<semaphore_mem>>)
        %dma_start3A_1497 = arith.constant 0 : i32
        %dma_start3A_1498 = arith.constant 0 : i32
        %dma_start3A_1499 = arith.constant 0 : i32
        %dma_start3A_1500 = tpu.memref_slice %arg13[%dma_start3A_1497, %dma_start3A_1498, %dma_start3A_1499] : memref<2x128x64xf32, #tpu.memory_space<vmem>> -> memref<1x8x64xf32, #tpu.memory_space<vmem>>
        %dma_start3A_1501 = tpu.memref_squeeze %dma_start3A_1500 : memref<1x8x64xf32, #tpu.memory_space<vmem>> -> memref<8x64xf32, #tpu.memory_space<vmem>>
        %dma_start3A_1502 = arith.constant 0 : i32
        %dma_start3A_1503 = tpu.memref_slice %arg7[%multiple_of3A_1483, %dma_start3A_1502] : memref<1000000x64xf32, #tpu.memory_space<hbm>> -> memref<8x64xf32, #tpu.memory_space<hbm>>
        %dma_start3A_1504 = arith.constant 0 : i32
        %dma_start3A_1505 = arith.constant 0 : i32
        %dma_start3A_1506 = tpu.memref_slice %arg13[%dma_start3A_1497, %dma_start3A_1504, %dma_start3A_1505] : memref<2x128x64xf32, #tpu.memory_space<vmem>> -> memref<1x8x64xf32, #tpu.memory_space<vmem>>
        %dma_start3A_1507 = tpu.memref_squeeze %dma_start3A_1506 : memref<1x8x64xf32, #tpu.memory_space<vmem>> -> memref<8x64xf32, #tpu.memory_space<vmem>>
        %dma_start3A_1508 = arith.constant 0 : i32
        %dma_start3A_1509 = tpu.memref_slice %arg7[%multiple_of3A_1483, %dma_start3A_1508] : memref<1000000x64xf32, #tpu.memory_space<hbm>> -> memref<8x64xf32, #tpu.memory_space<hbm>>
        tpu.enqueue_dma source(%dma_start3A_1509 : memref<8x64xf32, #tpu.memory_space<hbm>>) target(%dma_start3A_1507 : memref<8x64xf32, #tpu.memory_space<vmem>>) target_semaphore(%arg18 : memref<!tpu.dma_semaphore, #tpu.memory_space<semaphore_mem>>)
        %slice3A_1510 = vector.extract_strided_slice %get3A_1467 {offsets = [1], sizes = [1], strides = [1]} : vector<16xi32> to vector<1xi32>
        %squeeze3A_1511 = vector.extract %slice3A_1510[0] : i32 from vector<1xi32>
        %shift_right_arithmetic3A_1512 = arith.constant 3 : i32
        %shift_right_arithmetic3A_1513 = arith.shrsi %squeeze3A_1511, %shift_right_arithmetic3A_1512 : i32
        %mul3A_1514 = arith.constant 8 : i32
        %mul3A_1515 = arith.muli %shift_right_arithmetic3A_1513, %mul3A_1514 : i32
        %multiple_of3A_1516 = tpu.assume_multiple %mul3A_1515, 8 : i32
        %slice3A_1517 = vector.extract_strided_slice %get3A_1469 {offsets = [1], sizes = [1], strides = [1]} : vector<16xi32> to vector<1xi32>
        %squeeze3A_1518 = vector.extract %slice3A_1517[0] : i32 from vector<1xi32>
        %shift_right_arithmetic3A_1519 = arith.constant 3 : i32
        %shift_right_arithmetic3A_1520 = arith.shrsi %squeeze3A_1518, %shift_right_arithmetic3A_1519 : i32
        %mul3A_1521 = arith.constant 8 : i32
        %mul3A_1522 = arith.muli %shift_right_arithmetic3A_1520, %mul3A_1521 : i32
        %multiple_of3A_1523 = tpu.assume_multiple %mul3A_1522, 8 : i32
        %dma_start3A_1524 = arith.constant 0 : i32
        %dma_start3A_1525 = arith.constant 8 : i32
        %dma_start3A_1526 = arith.constant 0 : i32
        %dma_start3A_1527 = tpu.memref_slice %arg12[%dma_start3A_1524, %dma_start3A_1525, %dma_start3A_1526] : memref<2x128x64xf32, #tpu.memory_space<vmem>> -> memref<1x8x64xf32, #tpu.memory_space<vmem>>
        %dma_start3A_1528 = tpu.memref_squeeze %dma_start3A_1527 : memref<1x8x64xf32, #tpu.memory_space<vmem>> -> memref<8x64xf32, #tpu.memory_space<vmem>>
        %dma_start3A_1529 = arith.constant 0 : i32
        %dma_start3A_1530 = tpu.memref_slice %arg7[%multiple_of3A_1516, %dma_start3A_1529] : memref<1000000x64xf32, #tpu.memory_space<hbm>> -> memref<8x64xf32, #tpu.memory_space<hbm>>
        %dma_start3A_1531 = arith.constant 8 : i32
        %dma_start3A_1532 = arith.constant 0 : i32
        %dma_start3A_1533 = tpu.memref_slice %arg12[%dma_start3A_1524, %dma_start3A_1531, %dma_start3A_1532] : memref<2x128x64xf32, #tpu.memory_space<vmem>> -> memref<1x8x64xf32, #tpu.memory_space<vmem>>
        %dma_start3A_1534 = tpu.memref_squeeze %dma_start3A_1533 : memref<1x8x64xf32, #tpu.memory_space<vmem>> -> memref<8x64xf32, #tpu.memory_space<vmem>>
        %dma_start3A_1535 = arith.constant 0 : i32
        %dma_start3A_1536 = tpu.memref_slice %arg7[%multiple_of3A_1516, %dma_start3A_1535] : memref<1000000x64xf32, #tpu.memory_space<hbm>> -> memref<8x64xf32, #tpu.memory_space<hbm>>
        tpu.enqueue_dma source(%dma_start3A_1536 : memref<8x64xf32, #tpu.memory_space<hbm>>) target(%dma_start3A_1534 : memref<8x64xf32, #tpu.memory_space<vmem>>) target_semaphore(%arg17 : memref<!tpu.dma_semaphore, #tpu.memory_space<semaphore_mem>>)
        %dma_start3A_1537 = arith.constant 0 : i32
        %dma_start3A_1538 = arith.constant 8 : i32
        %dma_start3A_1539 = arith.constant 0 : i32
        %dma_start3A_1540 = tpu.memref_slice %arg13[%dma_start3A_1537, %dma_start3A_1538, %dma_start3A_1539] : memref<2x128x64xf32, #tpu.memory_space<vmem>> -> memref<1x8x64xf32, #tpu.memory_space<vmem>>
        %dma_start3A_1541 = tpu.memref_squeeze %dma_start3A_1540 : memref<1x8x64xf32, #tpu.memory_space<vmem>> -> memref<8x64xf32, #tpu.memory_space<vmem>>
        %dma_start3A_1542 = arith.constant 0 : i32
        %dma_start3A_1543 = tpu.memref_slice %arg7[%multiple_of3A_1523, %dma_start3A_1542] : memref<1000000x64xf32, #tpu.memory_space<hbm>> -> memref<8x64xf32, #tpu.memory_space<hbm>>
        %dma_start3A_1544 = arith.constant 8 : i32
        %dma_start3A_1545 = arith.constant 0 : i32
        %dma_start3A_1546 = tpu.memref_slice %arg13[%dma_start3A_1537, %dma_start3A_1544, %dma_start3A_1545] : memref<2x128x64xf32, #tpu.memory_space<vmem>> -> memref<1x8x64xf32, #tpu.memory_space<vmem>>
        %dma_start3A_1547 = tpu.memref_squeeze %dma_start3A_1546 : memref<1x8x64xf32, #tpu.memory_space<vmem>> -> memref<8x64xf32, #tpu.memory_space<vmem>>
        %dma_start3A_1548 = arith.constant 0 : i32
        %dma_start3A_1549 = tpu.memref_slice %arg7[%multiple_of3A_1523, %dma_start3A_1548] : memref<1000000x64xf32, #tpu.memory_space<hbm>> -> memref<8x64xf32, #tpu.memory_space<hbm>>
        tpu.enqueue_dma source(%dma_start3A_1549 : memref<8x64xf32, #tpu.memory_space<hbm>>) target(%dma_start3A_1547 : memref<8x64xf32, #tpu.memory_space<vmem>>) target_semaphore(%arg18 : memref<!tpu.dma_semaphore, #tpu.memory_space<semaphore_mem>>)
        %slice3A_1550 = vector.extract_strided_slice %get3A_1467 {offsets = [2], sizes = [1], strides = [1]} : vector<16xi32> to vector<1xi32>
        %squeeze3A_1551 = vector.extract %slice3A_1550[0] : i32 from vector<1xi32>
        %shift_right_arithmetic3A_1552 = arith.constant 3 : i32
        %shift_right_arithmetic3A_1553 = arith.shrsi %squeeze3A_1551, %shift_right_arithmetic3A_1552 : i32
        %mul3A_1554 = arith.constant 8 : i32
        %mul3A_1555 = arith.muli %shift_right_arithmetic3A_1553, %mul3A_1554 : i32
        %multiple_of3A_1556 = tpu.assume_multiple %mul3A_1555, 8 : i32
        %slice3A_1557 = vector.extract_strided_slice %get3A_1469 {offsets = [2], sizes = [1], strides = [1]} : vector<16xi32> to vector<1xi32>
        %squeeze3A_1558 = vector.extract %slice3A_1557[0] : i32 from vector<1xi32>
        %shift_right_arithmetic3A_1559 = arith.constant 3 : i32
        %shift_right_arithmetic3A_1560 = arith.shrsi %squeeze3A_1558, %shift_right_arithmetic3A_1559 : i32
        %mul3A_1561 = arith.constant 8 : i32
        %mul3A_1562 = arith.muli %shift_right_arithmetic3A_1560, %mul3A_1561 : i32
        %multiple_of3A_1563 = tpu.assume_multiple %mul3A_1562, 8 : i32
        %dma_start3A_1564 = arith.constant 0 : i32
        %dma_start3A_1565 = arith.constant 16 : i32
        %dma_start3A_1566 = arith.constant 0 : i32
        %dma_start3A_1567 = tpu.memref_slice %arg12[%dma_start3A_1564, %dma_start3A_1565, %dma_start3A_1566] : memref<2x128x64xf32, #tpu.memory_space<vmem>> -> memref<1x8x64xf32, #tpu.memory_space<vmem>>
        %dma_start3A_1568 = tpu.memref_squeeze %dma_start3A_1567 : memref<1x8x64xf32, #tpu.memory_space<vmem>> -> memref<8x64xf32, #tpu.memory_space<vmem>>
        %dma_start3A_1569 = arith.constant 0 : i32
        %dma_start3A_1570 = tpu.memref_slice %arg7[%multiple_of3A_1556, %dma_start3A_1569] : memref<1000000x64xf32, #tpu.memory_space<hbm>> -> memref<8x64xf32, #tpu.memory_space<hbm>>
        %dma_start3A_1571 = arith.constant 16 : i32
        %dma_start3A_1572 = arith.constant 0 : i32
        %dma_start3A_1573 = tpu.memref_slice %arg12[%dma_start3A_1564, %dma_start3A_1571, %dma_start3A_1572] : memref<2x128x64xf32, #tpu.memory_space<vmem>> -> memref<1x8x64xf32, #tpu.memory_space<vmem>>
        %dma_start3A_1574 = tpu.memref_squeeze %dma_start3A_1573 : memref<1x8x64xf32, #tpu.memory_space<vmem>> -> memref<8x64xf32, #tpu.memory_space<vmem>>
        %dma_start3A_1575 = arith.constant 0 : i32
        %dma_start3A_1576 = tpu.memref_slice %arg7[%multiple_of3A_1556, %dma_start3A_1575] : memref<1000000x64xf32, #tpu.memory_space<hbm>> -> memref<8x64xf32, #tpu.memory_space<hbm>>
        tpu.enqueue_dma source(%dma_start3A_1576 : memref<8x64xf32, #tpu.memory_space<hbm>>) target(%dma_start3A_1574 : memref<8x64xf32, #tpu.memory_space<vmem>>) target_semaphore(%arg17 : memref<!tpu.dma_semaphore, #tpu.memory_space<semaphore_mem>>)
        %dma_start3A_1577 = arith.constant 0 : i32
        %dma_start3A_1578 = arith.constant 16 : i32
        %dma_start3A_1579 = arith.constant 0 : i32
        %dma_start3A_1580 = tpu.memref_slice %arg13[%dma_start3A_1577, %dma_start3A_1578, %dma_start3A_1579] : memref<2x128x64xf32, #tpu.memory_space<vmem>> -> memref<1x8x64xf32, #tpu.memory_space<vmem>>
        %dma_start3A_1581 = tpu.memref_squeeze %dma_start3A_1580 : memref<1x8x64xf32, #tpu.memory_space<vmem>> -> memref<8x64xf32, #tpu.memory_space<vmem>>
        %dma_start3A_1582 = arith.constant 0 : i32
        %dma_start3A_1583 = tpu.memref_slice %arg7[%multiple_of3A_1563, %dma_start3A_1582] : memref<1000000x64xf32, #tpu.memory_space<hbm>> -> memref<8x64xf32, #tpu.memory_space<hbm>>
        %dma_start3A_1584 = arith.constant 16 : i32
        %dma_start3A_1585 = arith.constant 0 : i32
        %dma_start3A_1586 = tpu.memref_slice %arg13[%dma_start3A_1577, %dma_start3A_1584, %dma_start3A_1585] : memref<2x128x64xf32, #tpu.memory_space<vmem>> -> memref<1x8x64xf32, #tpu.memory_space<vmem>>
        %dma_start3A_1587 = tpu.memref_squeeze %dma_start3A_1586 : memref<1x8x64xf32, #tpu.memory_space<vmem>> -> memref<8x64xf32, #tpu.memory_space<vmem>>
        %dma_start3A_1588 = arith.constant 0 : i32
        %dma_start3A_1589 = tpu.memref_slice %arg7[%multiple_of3A_1563, %dma_start3A_1588] : memref<1000000x64xf32, #tpu.memory_space<hbm>> -> memref<8x64xf32, #tpu.memory_space<hbm>>
        tpu.enqueue_dma source(%dma_start3A_1589 : memref<8x64xf32, #tpu.memory_space<hbm>>) target(%dma_start3A_1587 : memref<8x64xf32, #tpu.memory_space<vmem>>) target_semaphore(%arg18 : memref<!tpu.dma_semaphore, #tpu.memory_space<semaphore_mem>>)
        %slice3A_1590 = vector.extract_strided_slice %get3A_1467 {offsets = [3], sizes = [1], strides = [1]} : vector<16xi32> to vector<1xi32>
        %squeeze3A_1591 = vector.extract %slice3A_1590[0] : i32 from vector<1xi32>
        %shift_right_arithmetic3A_1592 = arith.constant 3 : i32
        %shift_right_arithmetic3A_1593 = arith.shrsi %squeeze3A_1591, %shift_right_arithmetic3A_1592 : i32
        %mul3A_1594 = arith.constant 8 : i32
        %mul3A_1595 = arith.muli %shift_right_arithmetic3A_1593, %mul3A_1594 : i32
        %multiple_of3A_1596 = tpu.assume_multiple %mul3A_1595, 8 : i32
        %slice3A_1597 = vector.extract_strided_slice %get3A_1469 {offsets = [3], sizes = [1], strides = [1]} : vector<16xi32> to vector<1xi32>
        %squeeze3A_1598 = vector.extract %slice3A_1597[0] : i32 from vector<1xi32>
        %shift_right_arithmetic3A_1599 = arith.constant 3 : i32
        %shift_right_arithmetic3A_1600 = arith.shrsi %squeeze3A_1598, %shift_right_arithmetic3A_1599 : i32
        %mul3A_1601 = arith.constant 8 : i32
        %mul3A_1602 = arith.muli %shift_right_arithmetic3A_1600, %mul3A_1601 : i32
        %multiple_of3A_1603 = tpu.assume_multiple %mul3A_1602, 8 : i32
        %dma_start3A_1604 = arith.constant 0 : i32
        %dma_start3A_1605 = arith.constant 24 : i32
        %dma_start3A_1606 = arith.constant 0 : i32
        %dma_start3A_1607 = tpu.memref_slice %arg12[%dma_start3A_1604, %dma_start3A_1605, %dma_start3A_1606] : memref<2x128x64xf32, #tpu.memory_space<vmem>> -> memref<1x8x64xf32, #tpu.memory_space<vmem>>
        %dma_start3A_1608 = tpu.memref_squeeze %dma_start3A_1607 : memref<1x8x64xf32, #tpu.memory_space<vmem>> -> memref<8x64xf32, #tpu.memory_space<vmem>>
        %dma_start3A_1609 = arith.constant 0 : i32
        %dma_start3A_1610 = tpu.memref_slice %arg7[%multiple_of3A_1596, %dma_start3A_1609] : memref<1000000x64xf32, #tpu.memory_space<hbm>> -> memref<8x64xf32, #tpu.memory_space<hbm>>
        %dma_start3A_1611 = arith.constant 24 : i32
        %dma_start3A_1612 = arith.constant 0 : i32
        %dma_start3A_1613 = tpu.memref_slice %arg12[%dma_start3A_1604, %dma_start3A_1611, %dma_start3A_1612] : memref<2x128x64xf32, #tpu.memory_space<vmem>> -> memref<1x8x64xf32, #tpu.memory_space<vmem>>
        %dma_start3A_1614 = tpu.memref_squeeze %dma_start3A_1613 : memref<1x8x64xf32, #tpu.memory_space<vmem>> -> memref<8x64xf32, #tpu.memory_space<vmem>>
        %dma_start3A_1615 = arith.constant 0 : i32
        %dma_start3A_1616 = tpu.memref_slice %arg7[%multiple_of3A_1596, %dma_start3A_1615] : memref<1000000x64xf32, #tpu.memory_space<hbm>> -> memref<8x64xf32, #tpu.memory_space<hbm>>
        tpu.enqueue_dma source(%dma_start3A_1616 : memref<8x64xf32, #tpu.memory_space<hbm>>) target(%dma_start3A_1614 : memref<8x64xf32, #tpu.memory_space<vmem>>) target_semaphore(%arg17 : memref<!tpu.dma_semaphore, #tpu.memory_space<semaphore_mem>>)
        %dma_start3A_1617 = arith.constant 0 : i32
        %dma_start3A_1618 = arith.constant 24 : i32
        %dma_start3A_1619 = arith.constant 0 : i32
        %dma_start3A_1620 = tpu.memref_slice %arg13[%dma_start3A_1617, %dma_start3A_1618, %dma_start3A_1619] : memref<2x128x64xf32, #tpu.memory_space<vmem>> -> memref<1x8x64xf32, #tpu.memory_space<vmem>>
        %dma_start3A_1621 = tpu.memref_squeeze %dma_start3A_1620 : memref<1x8x64xf32, #tpu.memory_space<vmem>> -> memref<8x64xf32, #tpu.memory_space<vmem>>
        %dma_start3A_1622 = arith.constant 0 : i32
        %dma_start3A_1623 = tpu.memref_slice %arg7[%multiple_of3A_1603, %dma_start3A_1622] : memref<1000000x64xf32, #tpu.memory_space<hbm>> -> memref<8x64xf32, #tpu.memory_space<hbm>>
        %dma_start3A_1624 = arith.constant 24 : i32
        %dma_start3A_1625 = arith.constant 0 : i32
        %dma_start3A_1626 = tpu.memref_slice %arg13[%dma_start3A_1617, %dma_start3A_1624, %dma_start3A_1625] : memref<2x128x64xf32, #tpu.memory_space<vmem>> -> memref<1x8x64xf32, #tpu.memory_space<vmem>>
        %dma_start3A_1627 = tpu.memref_squeeze %dma_start3A_1626 : memref<1x8x64xf32, #tpu.memory_space<vmem>> -> memref<8x64xf32, #tpu.memory_space<vmem>>
        %dma_start3A_1628 = arith.constant 0 : i32
        %dma_start3A_1629 = tpu.memref_slice %arg7[%multiple_of3A_1603, %dma_start3A_1628] : memref<1000000x64xf32, #tpu.memory_space<hbm>> -> memref<8x64xf32, #tpu.memory_space<hbm>>
        tpu.enqueue_dma source(%dma_start3A_1629 : memref<8x64xf32, #tpu.memory_space<hbm>>) target(%dma_start3A_1627 : memref<8x64xf32, #tpu.memory_space<vmem>>) target_semaphore(%arg18 : memref<!tpu.dma_semaphore, #tpu.memory_space<semaphore_mem>>)
        %slice3A_1630 = vector.extract_strided_slice %get3A_1467 {offsets = [4], sizes = [1], strides = [1]} : vector<16xi32> to vector<1xi32>
        %squeeze3A_1631 = vector.extract %slice3A_1630[0] : i32 from vector<1xi32>
        %shift_right_arithmetic3A_1632 = arith.constant 3 : i32
        %shift_right_arithmetic3A_1633 = arith.shrsi %squeeze3A_1631, %shift_right_arithmetic3A_1632 : i32
        %mul3A_1634 = arith.constant 8 : i32
        %mul3A_1635 = arith.muli %shift_right_arithmetic3A_1633, %mul3A_1634 : i32
        %multiple_of3A_1636 = tpu.assume_multiple %mul3A_1635, 8 : i32
        %slice3A_1637 = vector.extract_strided_slice %get3A_1469 {offsets = [4], sizes = [1], strides = [1]} : vector<16xi32> to vector<1xi32>
        %squeeze3A_1638 = vector.extract %slice3A_1637[0] : i32 from vector<1xi32>
        %shift_right_arithmetic3A_1639 = arith.constant 3 : i32
        %shift_right_arithmetic3A_1640 = arith.shrsi %squeeze3A_1638, %shift_right_arithmetic3A_1639 : i32
        %mul3A_1641 = arith.constant 8 : i32
        %mul3A_1642 = arith.muli %shift_right_arithmetic3A_1640, %mul3A_1641 : i32
        %multiple_of3A_1643 = tpu.assume_multiple %mul3A_1642, 8 : i32
        %dma_start3A_1644 = arith.constant 0 : i32
        %dma_start3A_1645 = arith.constant 32 : i32
        %dma_start3A_1646 = arith.constant 0 : i32
        %dma_start3A_1647 = tpu.memref_slice %arg12[%dma_start3A_1644, %dma_start3A_1645, %dma_start3A_1646] : memref<2x128x64xf32, #tpu.memory_space<vmem>> -> memref<1x8x64xf32, #tpu.memory_space<vmem>>
        %dma_start3A_1648 = tpu.memref_squeeze %dma_start3A_1647 : memref<1x8x64xf32, #tpu.memory_space<vmem>> -> memref<8x64xf32, #tpu.memory_space<vmem>>
        %dma_start3A_1649 = arith.constant 0 : i32
        %dma_start3A_1650 = tpu.memref_slice %arg7[%multiple_of3A_1636, %dma_start3A_1649] : memref<1000000x64xf32, #tpu.memory_space<hbm>> -> memref<8x64xf32, #tpu.memory_space<hbm>>
        %dma_start3A_1651 = arith.constant 32 : i32
        %dma_start3A_1652 = arith.constant 0 : i32
        %dma_start3A_1653 = tpu.memref_slice %arg12[%dma_start3A_1644, %dma_start3A_1651, %dma_start3A_1652] : memref<2x128x64xf32, #tpu.memory_space<vmem>> -> memref<1x8x64xf32, #tpu.memory_space<vmem>>
        %dma_start3A_1654 = tpu.memref_squeeze %dma_start3A_1653 : memref<1x8x64xf32, #tpu.memory_space<vmem>> -> memref<8x64xf32, #tpu.memory_space<vmem>>
        %dma_start3A_1655 = arith.constant 0 : i32
        %dma_start3A_1656 = tpu.memref_slice %arg7[%multiple_of3A_1636, %dma_start3A_1655] : memref<1000000x64xf32, #tpu.memory_space<hbm>> -> memref<8x64xf32, #tpu.memory_space<hbm>>
        tpu.enqueue_dma source(%dma_start3A_1656 : memref<8x64xf32, #tpu.memory_space<hbm>>) target(%dma_start3A_1654 : memref<8x64xf32, #tpu.memory_space<vmem>>) target_semaphore(%arg17 : memref<!tpu.dma_semaphore, #tpu.memory_space<semaphore_mem>>)
        %dma_start3A_1657 = arith.constant 0 : i32
        %dma_start3A_1658 = arith.constant 32 : i32
        %dma_start3A_1659 = arith.constant 0 : i32
        %dma_start3A_1660 = tpu.memref_slice %arg13[%dma_start3A_1657, %dma_start3A_1658, %dma_start3A_1659] : memref<2x128x64xf32, #tpu.memory_space<vmem>> -> memref<1x8x64xf32, #tpu.memory_space<vmem>>
        %dma_start3A_1661 = tpu.memref_squeeze %dma_start3A_1660 : memref<1x8x64xf32, #tpu.memory_space<vmem>> -> memref<8x64xf32, #tpu.memory_space<vmem>>
        %dma_start3A_1662 = arith.constant 0 : i32
        %dma_start3A_1663 = tpu.memref_slice %arg7[%multiple_of3A_1643, %dma_start3A_1662] : memref<1000000x64xf32, #tpu.memory_space<hbm>> -> memref<8x64xf32, #tpu.memory_space<hbm>>
        %dma_start3A_1664 = arith.constant 32 : i32
        %dma_start3A_1665 = arith.constant 0 : i32
        %dma_start3A_1666 = tpu.memref_slice %arg13[%dma_start3A_1657, %dma_start3A_1664, %dma_start3A_1665] : memref<2x128x64xf32, #tpu.memory_space<vmem>> -> memref<1x8x64xf32, #tpu.memory_space<vmem>>
        %dma_start3A_1667 = tpu.memref_squeeze %dma_start3A_1666 : memref<1x8x64xf32, #tpu.memory_space<vmem>> -> memref<8x64xf32, #tpu.memory_space<vmem>>
        %dma_start3A_1668 = arith.constant 0 : i32
        %dma_start3A_1669 = tpu.memref_slice %arg7[%multiple_of3A_1643, %dma_start3A_1668] : memref<1000000x64xf32, #tpu.memory_space<hbm>> -> memref<8x64xf32, #tpu.memory_space<hbm>>
        tpu.enqueue_dma source(%dma_start3A_1669 : memref<8x64xf32, #tpu.memory_space<hbm>>) target(%dma_start3A_1667 : memref<8x64xf32, #tpu.memory_space<vmem>>) target_semaphore(%arg18 : memref<!tpu.dma_semaphore, #tpu.memory_space<semaphore_mem>>)
        %slice3A_1670 = vector.extract_strided_slice %get3A_1467 {offsets = [5], sizes = [1], strides = [1]} : vector<16xi32> to vector<1xi32>
        %squeeze3A_1671 = vector.extract %slice3A_1670[0] : i32 from vector<1xi32>
        %shift_right_arithmetic3A_1672 = arith.constant 3 : i32
        %shift_right_arithmetic3A_1673 = arith.shrsi %squeeze3A_1671, %shift_right_arithmetic3A_1672 : i32
        %mul3A_1674 = arith.constant 8 : i32
        %mul3A_1675 = arith.muli %shift_right_arithmetic3A_1673, %mul3A_1674 : i32
        %multiple_of3A_1676 = tpu.assume_multiple %mul3A_1675, 8 : i32
        %slice3A_1677 = vector.extract_strided_slice %get3A_1469 {offsets = [5], sizes = [1], strides = [1]} : vector<16xi32> to vector<1xi32>
        %squeeze3A_1678 = vector.extract %slice3A_1677[0] : i32 from vector<1xi32>
        %shift_right_arithmetic3A_1679 = arith.constant 3 : i32
        %shift_right_arithmetic3A_1680 = arith.shrsi %squeeze3A_1678, %shift_right_arithmetic3A_1679 : i32
        %mul3A_1681 = arith.constant 8 : i32
        %mul3A_1682 = arith.muli %shift_right_arithmetic3A_1680, %mul3A_1681 : i32
        %multiple_of3A_1683 = tpu.assume_multiple %mul3A_1682, 8 : i32
        %dma_start3A_1684 = arith.constant 0 : i32
        %dma_start3A_1685 = arith.constant 40 : i32
        %dma_start3A_1686 = arith.constant 0 : i32
        %dma_start3A_1687 = tpu.memref_slice %arg12[%dma_start3A_1684, %dma_start3A_1685, %dma_start3A_1686] : memref<2x128x64xf32, #tpu.memory_space<vmem>> -> memref<1x8x64xf32, #tpu.memory_space<vmem>>
        %dma_start3A_1688 = tpu.memref_squeeze %dma_start3A_1687 : memref<1x8x64xf32, #tpu.memory_space<vmem>> -> memref<8x64xf32, #tpu.memory_space<vmem>>
        %dma_start3A_1689 = arith.constant 0 : i32
        %dma_start3A_1690 = tpu.memref_slice %arg7[%multiple_of3A_1676, %dma_start3A_1689] : memref<1000000x64xf32, #tpu.memory_space<hbm>> -> memref<8x64xf32, #tpu.memory_space<hbm>>
        %dma_start3A_1691 = arith.constant 40 : i32
        %dma_start3A_1692 = arith.constant 0 : i32
        %dma_start3A_1693 = tpu.memref_slice %arg12[%dma_start3A_1684, %dma_start3A_1691, %dma_start3A_1692] : memref<2x128x64xf32, #tpu.memory_space<vmem>> -> memref<1x8x64xf32, #tpu.memory_space<vmem>>
        %dma_start3A_1694 = tpu.memref_squeeze %dma_start3A_1693 : memref<1x8x64xf32, #tpu.memory_space<vmem>> -> memref<8x64xf32, #tpu.memory_space<vmem>>
        %dma_start3A_1695 = arith.constant 0 : i32
        %dma_start3A_1696 = tpu.memref_slice %arg7[%multiple_of3A_1676, %dma_start3A_1695] : memref<1000000x64xf32, #tpu.memory_space<hbm>> -> memref<8x64xf32, #tpu.memory_space<hbm>>
        tpu.enqueue_dma source(%dma_start3A_1696 : memref<8x64xf32, #tpu.memory_space<hbm>>) target(%dma_start3A_1694 : memref<8x64xf32, #tpu.memory_space<vmem>>) target_semaphore(%arg17 : memref<!tpu.dma_semaphore, #tpu.memory_space<semaphore_mem>>)
        %dma_start3A_1697 = arith.constant 0 : i32
        %dma_start3A_1698 = arith.constant 40 : i32
        %dma_start3A_1699 = arith.constant 0 : i32
        %dma_start3A_1700 = tpu.memref_slice %arg13[%dma_start3A_1697, %dma_start3A_1698, %dma_start3A_1699] : memref<2x128x64xf32, #tpu.memory_space<vmem>> -> memref<1x8x64xf32, #tpu.memory_space<vmem>>
        %dma_start3A_1701 = tpu.memref_squeeze %dma_start3A_1700 : memref<1x8x64xf32, #tpu.memory_space<vmem>> -> memref<8x64xf32, #tpu.memory_space<vmem>>
        %dma_start3A_1702 = arith.constant 0 : i32
        %dma_start3A_1703 = tpu.memref_slice %arg7[%multiple_of3A_1683, %dma_start3A_1702] : memref<1000000x64xf32, #tpu.memory_space<hbm>> -> memref<8x64xf32, #tpu.memory_space<hbm>>
        %dma_start3A_1704 = arith.constant 40 : i32
        %dma_start3A_1705 = arith.constant 0 : i32
        %dma_start3A_1706 = tpu.memref_slice %arg13[%dma_start3A_1697, %dma_start3A_1704, %dma_start3A_1705] : memref<2x128x64xf32, #tpu.memory_space<vmem>> -> memref<1x8x64xf32, #tpu.memory_space<vmem>>
        %dma_start3A_1707 = tpu.memref_squeeze %dma_start3A_1706 : memref<1x8x64xf32, #tpu.memory_space<vmem>> -> memref<8x64xf32, #tpu.memory_space<vmem>>
        %dma_start3A_1708 = arith.constant 0 : i32
        %dma_start3A_1709 = tpu.memref_slice %arg7[%multiple_of3A_1683, %dma_start3A_1708] : memref<1000000x64xf32, #tpu.memory_space<hbm>> -> memref<8x64xf32, #tpu.memory_space<hbm>>
        tpu.enqueue_dma source(%dma_start3A_1709 : memref<8x64xf32, #tpu.memory_space<hbm>>) target(%dma_start3A_1707 : memref<8x64xf32, #tpu.memory_space<vmem>>) target_semaphore(%arg18 : memref<!tpu.dma_semaphore, #tpu.memory_space<semaphore_mem>>)
        %slice3A_1710 = vector.extract_strided_slice %get3A_1467 {offsets = [6], sizes = [1], strides = [1]} : vector<16xi32> to vector<1xi32>
        %squeeze3A_1711 = vector.extract %slice3A_1710[0] : i32 from vector<1xi32>
        %shift_right_arithmetic3A_1712 = arith.constant 3 : i32
        %shift_right_arithmetic3A_1713 = arith.shrsi %squeeze3A_1711, %shift_right_arithmetic3A_1712 : i32
        %mul3A_1714 = arith.constant 8 : i32
        %mul3A_1715 = arith.muli %shift_right_arithmetic3A_1713, %mul3A_1714 : i32
        %multiple_of3A_1716 = tpu.assume_multiple %mul3A_1715, 8 : i32
        %slice3A_1717 = vector.extract_strided_slice %get3A_1469 {offsets = [6], sizes = [1], strides = [1]} : vector<16xi32> to vector<1xi32>
        %squeeze3A_1718 = vector.extract %slice3A_1717[0] : i32 from vector<1xi32>
        %shift_right_arithmetic3A_1719 = arith.constant 3 : i32
        %shift_right_arithmetic3A_1720 = arith.shrsi %squeeze3A_1718, %shift_right_arithmetic3A_1719 : i32
        %mul3A_1721 = arith.constant 8 : i32
        %mul3A_1722 = arith.muli %shift_right_arithmetic3A_1720, %mul3A_1721 : i32
        %multiple_of3A_1723 = tpu.assume_multiple %mul3A_1722, 8 : i32
        %dma_start3A_1724 = arith.constant 0 : i32
        %dma_start3A_1725 = arith.constant 48 : i32
        %dma_start3A_1726 = arith.constant 0 : i32
        %dma_start3A_1727 = tpu.memref_slice %arg12[%dma_start3A_1724, %dma_start3A_1725, %dma_start3A_1726] : memref<2x128x64xf32, #tpu.memory_space<vmem>> -> memref<1x8x64xf32, #tpu.memory_space<vmem>>
        %dma_start3A_1728 = tpu.memref_squeeze %dma_start3A_1727 : memref<1x8x64xf32, #tpu.memory_space<vmem>> -> memref<8x64xf32, #tpu.memory_space<vmem>>
        %dma_start3A_1729 = arith.constant 0 : i32
        %dma_start3A_1730 = tpu.memref_slice %arg7[%multiple_of3A_1716, %dma_start3A_1729] : memref<1000000x64xf32, #tpu.memory_space<hbm>> -> memref<8x64xf32, #tpu.memory_space<hbm>>
        %dma_start3A_1731 = arith.constant 48 : i32
        %dma_start3A_1732 = arith.constant 0 : i32
        %dma_start3A_1733 = tpu.memref_slice %arg12[%dma_start3A_1724, %dma_start3A_1731, %dma_start3A_1732] : memref<2x128x64xf32, #tpu.memory_space<vmem>> -> memref<1x8x64xf32, #tpu.memory_space<vmem>>
        %dma_start3A_1734 = tpu.memref_squeeze %dma_start3A_1733 : memref<1x8x64xf32, #tpu.memory_space<vmem>> -> memref<8x64xf32, #tpu.memory_space<vmem>>
        %dma_start3A_1735 = arith.constant 0 : i32
        %dma_start3A_1736 = tpu.memref_slice %arg7[%multiple_of3A_1716, %dma_start3A_1735] : memref<1000000x64xf32, #tpu.memory_space<hbm>> -> memref<8x64xf32, #tpu.memory_space<hbm>>
        tpu.enqueue_dma source(%dma_start3A_1736 : memref<8x64xf32, #tpu.memory_space<hbm>>) target(%dma_start3A_1734 : memref<8x64xf32, #tpu.memory_space<vmem>>) target_semaphore(%arg17 : memref<!tpu.dma_semaphore, #tpu.memory_space<semaphore_mem>>)
        %dma_start3A_1737 = arith.constant 0 : i32
        %dma_start3A_1738 = arith.constant 48 : i32
        %dma_start3A_1739 = arith.constant 0 : i32
        %dma_start3A_1740 = tpu.memref_slice %arg13[%dma_start3A_1737, %dma_start3A_1738, %dma_start3A_1739] : memref<2x128x64xf32, #tpu.memory_space<vmem>> -> memref<1x8x64xf32, #tpu.memory_space<vmem>>
        %dma_start3A_1741 = tpu.memref_squeeze %dma_start3A_1740 : memref<1x8x64xf32, #tpu.memory_space<vmem>> -> memref<8x64xf32, #tpu.memory_space<vmem>>
        %dma_start3A_1742 = arith.constant 0 : i32
        %dma_start3A_1743 = tpu.memref_slice %arg7[%multiple_of3A_1723, %dma_start3A_1742] : memref<1000000x64xf32, #tpu.memory_space<hbm>> -> memref<8x64xf32, #tpu.memory_space<hbm>>
        %dma_start3A_1744 = arith.constant 48 : i32
        %dma_start3A_1745 = arith.constant 0 : i32
        %dma_start3A_1746 = tpu.memref_slice %arg13[%dma_start3A_1737, %dma_start3A_1744, %dma_start3A_1745] : memref<2x128x64xf32, #tpu.memory_space<vmem>> -> memref<1x8x64xf32, #tpu.memory_space<vmem>>
        %dma_start3A_1747 = tpu.memref_squeeze %dma_start3A_1746 : memref<1x8x64xf32, #tpu.memory_space<vmem>> -> memref<8x64xf32, #tpu.memory_space<vmem>>
        %dma_start3A_1748 = arith.constant 0 : i32
        %dma_start3A_1749 = tpu.memref_slice %arg7[%multiple_of3A_1723, %dma_start3A_1748] : memref<1000000x64xf32, #tpu.memory_space<hbm>> -> memref<8x64xf32, #tpu.memory_space<hbm>>
        tpu.enqueue_dma source(%dma_start3A_1749 : memref<8x64xf32, #tpu.memory_space<hbm>>) target(%dma_start3A_1747 : memref<8x64xf32, #tpu.memory_space<vmem>>) target_semaphore(%arg18 : memref<!tpu.dma_semaphore, #tpu.memory_space<semaphore_mem>>)
        %slice3A_1750 = vector.extract_strided_slice %get3A_1467 {offsets = [7], sizes = [1], strides = [1]} : vector<16xi32> to vector<1xi32>
        %squeeze3A_1751 = vector.extract %slice3A_1750[0] : i32 from vector<1xi32>
        %shift_right_arithmetic3A_1752 = arith.constant 3 : i32
        %shift_right_arithmetic3A_1753 = arith.shrsi %squeeze3A_1751, %shift_right_arithmetic3A_1752 : i32
        %mul3A_1754 = arith.constant 8 : i32
        %mul3A_1755 = arith.muli %shift_right_arithmetic3A_1753, %mul3A_1754 : i32
        %multiple_of3A_1756 = tpu.assume_multiple %mul3A_1755, 8 : i32
        %slice3A_1757 = vector.extract_strided_slice %get3A_1469 {offsets = [7], sizes = [1], strides = [1]} : vector<16xi32> to vector<1xi32>
        %squeeze3A_1758 = vector.extract %slice3A_1757[0] : i32 from vector<1xi32>
        %shift_right_arithmetic3A_1759 = arith.constant 3 : i32
        %shift_right_arithmetic3A_1760 = arith.shrsi %squeeze3A_1758, %shift_right_arithmetic3A_1759 : i32
        %mul3A_1761 = arith.constant 8 : i32
        %mul3A_1762 = arith.muli %shift_right_arithmetic3A_1760, %mul3A_1761 : i32
        %multiple_of3A_1763 = tpu.assume_multiple %mul3A_1762, 8 : i32
        %dma_start3A_1764 = arith.constant 0 : i32
        %dma_start3A_1765 = arith.constant 56 : i32
        %dma_start3A_1766 = arith.constant 0 : i32
        %dma_start3A_1767 = tpu.memref_slice %arg12[%dma_start3A_1764, %dma_start3A_1765, %dma_start3A_1766] : memref<2x128x64xf32, #tpu.memory_space<vmem>> -> memref<1x8x64xf32, #tpu.memory_space<vmem>>
        %dma_start3A_1768 = tpu.memref_squeeze %dma_start3A_1767 : memref<1x8x64xf32, #tpu.memory_space<vmem>> -> memref<8x64xf32, #tpu.memory_space<vmem>>
        %dma_start3A_1769 = arith.constant 0 : i32
        %dma_start3A_1770 = tpu.memref_slice %arg7[%multiple_of3A_1756, %dma_start3A_1769] : memref<1000000x64xf32, #tpu.memory_space<hbm>> -> memref<8x64xf32, #tpu.memory_space<hbm>>
        %dma_start3A_1771 = arith.constant 56 : i32
        %dma_start3A_1772 = arith.constant 0 : i32
        %dma_start3A_1773 = tpu.memref_slice %arg12[%dma_start3A_1764, %dma_start3A_1771, %dma_start3A_1772] : memref<2x128x64xf32, #tpu.memory_space<vmem>> -> memref<1x8x64xf32, #tpu.memory_space<vmem>>
        %dma_start3A_1774 = tpu.memref_squeeze %dma_start3A_1773 : memref<1x8x64xf32, #tpu.memory_space<vmem>> -> memref<8x64xf32, #tpu.memory_space<vmem>>
        %dma_start3A_1775 = arith.constant 0 : i32
        %dma_start3A_1776 = tpu.memref_slice %arg7[%multiple_of3A_1756, %dma_start3A_1775] : memref<1000000x64xf32, #tpu.memory_space<hbm>> -> memref<8x64xf32, #tpu.memory_space<hbm>>
        tpu.enqueue_dma source(%dma_start3A_1776 : memref<8x64xf32, #tpu.memory_space<hbm>>) target(%dma_start3A_1774 : memref<8x64xf32, #tpu.memory_space<vmem>>) target_semaphore(%arg17 : memref<!tpu.dma_semaphore, #tpu.memory_space<semaphore_mem>>)
        %dma_start3A_1777 = arith.constant 0 : i32
        %dma_start3A_1778 = arith.constant 56 : i32
        %dma_start3A_1779 = arith.constant 0 : i32
        %dma_start3A_1780 = tpu.memref_slice %arg13[%dma_start3A_1777, %dma_start3A_1778, %dma_start3A_1779] : memref<2x128x64xf32, #tpu.memory_space<vmem>> -> memref<1x8x64xf32, #tpu.memory_space<vmem>>
        %dma_start3A_1781 = tpu.memref_squeeze %dma_start3A_1780 : memref<1x8x64xf32, #tpu.memory_space<vmem>> -> memref<8x64xf32, #tpu.memory_space<vmem>>
        %dma_start3A_1782 = arith.constant 0 : i32
        %dma_start3A_1783 = tpu.memref_slice %arg7[%multiple_of3A_1763, %dma_start3A_1782] : memref<1000000x64xf32, #tpu.memory_space<hbm>> -> memref<8x64xf32, #tpu.memory_space<hbm>>
        %dma_start3A_1784 = arith.constant 56 : i32
        %dma_start3A_1785 = arith.constant 0 : i32
        %dma_start3A_1786 = tpu.memref_slice %arg13[%dma_start3A_1777, %dma_start3A_1784, %dma_start3A_1785] : memref<2x128x64xf32, #tpu.memory_space<vmem>> -> memref<1x8x64xf32, #tpu.memory_space<vmem>>
        %dma_start3A_1787 = tpu.memref_squeeze %dma_start3A_1786 : memref<1x8x64xf32, #tpu.memory_space<vmem>> -> memref<8x64xf32, #tpu.memory_space<vmem>>
        %dma_start3A_1788 = arith.constant 0 : i32
        %dma_start3A_1789 = tpu.memref_slice %arg7[%multiple_of3A_1763, %dma_start3A_1788] : memref<1000000x64xf32, #tpu.memory_space<hbm>> -> memref<8x64xf32, #tpu.memory_space<hbm>>
        tpu.enqueue_dma source(%dma_start3A_1789 : memref<8x64xf32, #tpu.memory_space<hbm>>) target(%dma_start3A_1787 : memref<8x64xf32, #tpu.memory_space<vmem>>) target_semaphore(%arg18 : memref<!tpu.dma_semaphore, #tpu.memory_space<semaphore_mem>>)
        %slice3A_1790 = vector.extract_strided_slice %get3A_1467 {offsets = [8], sizes = [1], strides = [1]} : vector<16xi32> to vector<1xi32>
        %squeeze3A_1791 = vector.extract %slice3A_1790[0] : i32 from vector<1xi32>
        %shift_right_arithmetic3A_1792 = arith.constant 3 : i32
        %shift_right_arithmetic3A_1793 = arith.shrsi %squeeze3A_1791, %shift_right_arithmetic3A_1792 : i32
        %mul3A_1794 = arith.constant 8 : i32
        %mul3A_1795 = arith.muli %shift_right_arithmetic3A_1793, %mul3A_1794 : i32
        %multiple_of3A_1796 = tpu.assume_multiple %mul3A_1795, 8 : i32
        %slice3A_1797 = vector.extract_strided_slice %get3A_1469 {offsets = [8], sizes = [1], strides = [1]} : vector<16xi32> to vector<1xi32>
        %squeeze3A_1798 = vector.extract %slice3A_1797[0] : i32 from vector<1xi32>
        %shift_right_arithmetic3A_1799 = arith.constant 3 : i32
        %shift_right_arithmetic3A_1800 = arith.shrsi %squeeze3A_1798, %shift_right_arithmetic3A_1799 : i32
        %mul3A_1801 = arith.constant 8 : i32
        %mul3A_1802 = arith.muli %shift_right_arithmetic3A_1800, %mul3A_1801 : i32
        %multiple_of3A_1803 = tpu.assume_multiple %mul3A_1802, 8 : i32
        %dma_start3A_1804 = arith.constant 0 : i32
        %dma_start3A_1805 = arith.constant 64 : i32
        %dma_start3A_1806 = arith.constant 0 : i32
        %dma_start3A_1807 = tpu.memref_slice %arg12[%dma_start3A_1804, %dma_start3A_1805, %dma_start3A_1806] : memref<2x128x64xf32, #tpu.memory_space<vmem>> -> memref<1x8x64xf32, #tpu.memory_space<vmem>>
        %dma_start3A_1808 = tpu.memref_squeeze %dma_start3A_1807 : memref<1x8x64xf32, #tpu.memory_space<vmem>> -> memref<8x64xf32, #tpu.memory_space<vmem>>
        %dma_start3A_1809 = arith.constant 0 : i32
        %dma_start3A_1810 = tpu.memref_slice %arg7[%multiple_of3A_1796, %dma_start3A_1809] : memref<1000000x64xf32, #tpu.memory_space<hbm>> -> memref<8x64xf32, #tpu.memory_space<hbm>>
        %dma_start3A_1811 = arith.constant 64 : i32
        %dma_start3A_1812 = arith.constant 0 : i32
        %dma_start3A_1813 = tpu.memref_slice %arg12[%dma_start3A_1804, %dma_start3A_1811, %dma_start3A_1812] : memref<2x128x64xf32, #tpu.memory_space<vmem>> -> memref<1x8x64xf32, #tpu.memory_space<vmem>>
        %dma_start3A_1814 = tpu.memref_squeeze %dma_start3A_1813 : memref<1x8x64xf32, #tpu.memory_space<vmem>> -> memref<8x64xf32, #tpu.memory_space<vmem>>
        %dma_start3A_1815 = arith.constant 0 : i32
        %dma_start3A_1816 = tpu.memref_slice %arg7[%multiple_of3A_1796, %dma_start3A_1815] : memref<1000000x64xf32, #tpu.memory_space<hbm>> -> memref<8x64xf32, #tpu.memory_space<hbm>>
        tpu.enqueue_dma source(%dma_start3A_1816 : memref<8x64xf32, #tpu.memory_space<hbm>>) target(%dma_start3A_1814 : memref<8x64xf32, #tpu.memory_space<vmem>>) target_semaphore(%arg17 : memref<!tpu.dma_semaphore, #tpu.memory_space<semaphore_mem>>)
        %dma_start3A_1817 = arith.constant 0 : i32
        %dma_start3A_1818 = arith.constant 64 : i32
        %dma_start3A_1819 = arith.constant 0 : i32
        %dma_start3A_1820 = tpu.memref_slice %arg13[%dma_start3A_1817, %dma_start3A_1818, %dma_start3A_1819] : memref<2x128x64xf32, #tpu.memory_space<vmem>> -> memref<1x8x64xf32, #tpu.memory_space<vmem>>
        %dma_start3A_1821 = tpu.memref_squeeze %dma_start3A_1820 : memref<1x8x64xf32, #tpu.memory_space<vmem>> -> memref<8x64xf32, #tpu.memory_space<vmem>>
        %dma_start3A_1822 = arith.constant 0 : i32
        %dma_start3A_1823 = tpu.memref_slice %arg7[%multiple_of3A_1803, %dma_start3A_1822] : memref<1000000x64xf32, #tpu.memory_space<hbm>> -> memref<8x64xf32, #tpu.memory_space<hbm>>
        %dma_start3A_1824 = arith.constant 64 : i32
        %dma_start3A_1825 = arith.constant 0 : i32
        %dma_start3A_1826 = tpu.memref_slice %arg13[%dma_start3A_1817, %dma_start3A_1824, %dma_start3A_1825] : memref<2x128x64xf32, #tpu.memory_space<vmem>> -> memref<1x8x64xf32, #tpu.memory_space<vmem>>
        %dma_start3A_1827 = tpu.memref_squeeze %dma_start3A_1826 : memref<1x8x64xf32, #tpu.memory_space<vmem>> -> memref<8x64xf32, #tpu.memory_space<vmem>>
        %dma_start3A_1828 = arith.constant 0 : i32
        %dma_start3A_1829 = tpu.memref_slice %arg7[%multiple_of3A_1803, %dma_start3A_1828] : memref<1000000x64xf32, #tpu.memory_space<hbm>> -> memref<8x64xf32, #tpu.memory_space<hbm>>
        tpu.enqueue_dma source(%dma_start3A_1829 : memref<8x64xf32, #tpu.memory_space<hbm>>) target(%dma_start3A_1827 : memref<8x64xf32, #tpu.memory_space<vmem>>) target_semaphore(%arg18 : memref<!tpu.dma_semaphore, #tpu.memory_space<semaphore_mem>>)
        %slice3A_1830 = vector.extract_strided_slice %get3A_1467 {offsets = [9], sizes = [1], strides = [1]} : vector<16xi32> to vector<1xi32>
        %squeeze3A_1831 = vector.extract %slice3A_1830[0] : i32 from vector<1xi32>
        %shift_right_arithmetic3A_1832 = arith.constant 3 : i32
        %shift_right_arithmetic3A_1833 = arith.shrsi %squeeze3A_1831, %shift_right_arithmetic3A_1832 : i32
        %mul3A_1834 = arith.constant 8 : i32
        %mul3A_1835 = arith.muli %shift_right_arithmetic3A_1833, %mul3A_1834 : i32
        %multiple_of3A_1836 = tpu.assume_multiple %mul3A_1835, 8 : i32
        %slice3A_1837 = vector.extract_strided_slice %get3A_1469 {offsets = [9], sizes = [1], strides = [1]} : vector<16xi32> to vector<1xi32>
        %squeeze3A_1838 = vector.extract %slice3A_1837[0] : i32 from vector<1xi32>
        %shift_right_arithmetic3A_1839 = arith.constant 3 : i32
        %shift_right_arithmetic3A_1840 = arith.shrsi %squeeze3A_1838, %shift_right_arithmetic3A_1839 : i32
        %mul3A_1841 = arith.constant 8 : i32
        %mul3A_1842 = arith.muli %shift_right_arithmetic3A_1840, %mul3A_1841 : i32
        %multiple_of3A_1843 = tpu.assume_multiple %mul3A_1842, 8 : i32
        %dma_start3A_1844 = arith.constant 0 : i32
        %dma_start3A_1845 = arith.constant 72 : i32
        %dma_start3A_1846 = arith.constant 0 : i32
        %dma_start3A_1847 = tpu.memref_slice %arg12[%dma_start3A_1844, %dma_start3A_1845, %dma_start3A_1846] : memref<2x128x64xf32, #tpu.memory_space<vmem>> -> memref<1x8x64xf32, #tpu.memory_space<vmem>>
        %dma_start3A_1848 = tpu.memref_squeeze %dma_start3A_1847 : memref<1x8x64xf32, #tpu.memory_space<vmem>> -> memref<8x64xf32, #tpu.memory_space<vmem>>
        %dma_start3A_1849 = arith.constant 0 : i32
        %dma_start3A_1850 = tpu.memref_slice %arg7[%multiple_of3A_1836, %dma_start3A_1849] : memref<1000000x64xf32, #tpu.memory_space<hbm>> -> memref<8x64xf32, #tpu.memory_space<hbm>>
        %dma_start3A_1851 = arith.constant 72 : i32
        %dma_start3A_1852 = arith.constant 0 : i32
        %dma_start3A_1853 = tpu.memref_slice %arg12[%dma_start3A_1844, %dma_start3A_1851, %dma_start3A_1852] : memref<2x128x64xf32, #tpu.memory_space<vmem>> -> memref<1x8x64xf32, #tpu.memory_space<vmem>>
        %dma_start3A_1854 = tpu.memref_squeeze %dma_start3A_1853 : memref<1x8x64xf32, #tpu.memory_space<vmem>> -> memref<8x64xf32, #tpu.memory_space<vmem>>
        %dma_start3A_1855 = arith.constant 0 : i32
        %dma_start3A_1856 = tpu.memref_slice %arg7[%multiple_of3A_1836, %dma_start3A_1855] : memref<1000000x64xf32, #tpu.memory_space<hbm>> -> memref<8x64xf32, #tpu.memory_space<hbm>>
        tpu.enqueue_dma source(%dma_start3A_1856 : memref<8x64xf32, #tpu.memory_space<hbm>>) target(%dma_start3A_1854 : memref<8x64xf32, #tpu.memory_space<vmem>>) target_semaphore(%arg17 : memref<!tpu.dma_semaphore, #tpu.memory_space<semaphore_mem>>)
        %dma_start3A_1857 = arith.constant 0 : i32
        %dma_start3A_1858 = arith.constant 72 : i32
        %dma_start3A_1859 = arith.constant 0 : i32
        %dma_start3A_1860 = tpu.memref_slice %arg13[%dma_start3A_1857, %dma_start3A_1858, %dma_start3A_1859] : memref<2x128x64xf32, #tpu.memory_space<vmem>> -> memref<1x8x64xf32, #tpu.memory_space<vmem>>
        %dma_start3A_1861 = tpu.memref_squeeze %dma_start3A_1860 : memref<1x8x64xf32, #tpu.memory_space<vmem>> -> memref<8x64xf32, #tpu.memory_space<vmem>>
        %dma_start3A_1862 = arith.constant 0 : i32
        %dma_start3A_1863 = tpu.memref_slice %arg7[%multiple_of3A_1843, %dma_start3A_1862] : memref<1000000x64xf32, #tpu.memory_space<hbm>> -> memref<8x64xf32, #tpu.memory_space<hbm>>
        %dma_start3A_1864 = arith.constant 72 : i32
        %dma_start3A_1865 = arith.constant 0 : i32
        %dma_start3A_1866 = tpu.memref_slice %arg13[%dma_start3A_1857, %dma_start3A_1864, %dma_start3A_1865] : memref<2x128x64xf32, #tpu.memory_space<vmem>> -> memref<1x8x64xf32, #tpu.memory_space<vmem>>
        %dma_start3A_1867 = tpu.memref_squeeze %dma_start3A_1866 : memref<1x8x64xf32, #tpu.memory_space<vmem>> -> memref<8x64xf32, #tpu.memory_space<vmem>>
        %dma_start3A_1868 = arith.constant 0 : i32
        %dma_start3A_1869 = tpu.memref_slice %arg7[%multiple_of3A_1843, %dma_start3A_1868] : memref<1000000x64xf32, #tpu.memory_space<hbm>> -> memref<8x64xf32, #tpu.memory_space<hbm>>
        tpu.enqueue_dma source(%dma_start3A_1869 : memref<8x64xf32, #tpu.memory_space<hbm>>) target(%dma_start3A_1867 : memref<8x64xf32, #tpu.memory_space<vmem>>) target_semaphore(%arg18 : memref<!tpu.dma_semaphore, #tpu.memory_space<semaphore_mem>>)
        %slice3A_1870 = vector.extract_strided_slice %get3A_1467 {offsets = [10], sizes = [1], strides = [1]} : vector<16xi32> to vector<1xi32>
        %squeeze3A_1871 = vector.extract %slice3A_1870[0] : i32 from vector<1xi32>
        %shift_right_arithmetic3A_1872 = arith.constant 3 : i32
        %shift_right_arithmetic3A_1873 = arith.shrsi %squeeze3A_1871, %shift_right_arithmetic3A_1872 : i32
        %mul3A_1874 = arith.constant 8 : i32
        %mul3A_1875 = arith.muli %shift_right_arithmetic3A_1873, %mul3A_1874 : i32
        %multiple_of3A_1876 = tpu.assume_multiple %mul3A_1875, 8 : i32
        %slice3A_1877 = vector.extract_strided_slice %get3A_1469 {offsets = [10], sizes = [1], strides = [1]} : vector<16xi32> to vector<1xi32>
        %squeeze3A_1878 = vector.extract %slice3A_1877[0] : i32 from vector<1xi32>
        %shift_right_arithmetic3A_1879 = arith.constant 3 : i32
        %shift_right_arithmetic3A_1880 = arith.shrsi %squeeze3A_1878, %shift_right_arithmetic3A_1879 : i32
        %mul3A_1881 = arith.constant 8 : i32
        %mul3A_1882 = arith.muli %shift_right_arithmetic3A_1880, %mul3A_1881 : i32
        %multiple_of3A_1883 = tpu.assume_multiple %mul3A_1882, 8 : i32
        %dma_start3A_1884 = arith.constant 0 : i32
        %dma_start3A_1885 = arith.constant 80 : i32
        %dma_start3A_1886 = arith.constant 0 : i32
        %dma_start3A_1887 = tpu.memref_slice %arg12[%dma_start3A_1884, %dma_start3A_1885, %dma_start3A_1886] : memref<2x128x64xf32, #tpu.memory_space<vmem>> -> memref<1x8x64xf32, #tpu.memory_space<vmem>>
        %dma_start3A_1888 = tpu.memref_squeeze %dma_start3A_1887 : memref<1x8x64xf32, #tpu.memory_space<vmem>> -> memref<8x64xf32, #tpu.memory_space<vmem>>
        %dma_start3A_1889 = arith.constant 0 : i32
        %dma_start3A_1890 = tpu.memref_slice %arg7[%multiple_of3A_1876, %dma_start3A_1889] : memref<1000000x64xf32, #tpu.memory_space<hbm>> -> memref<8x64xf32, #tpu.memory_space<hbm>>
        %dma_start3A_1891 = arith.constant 80 : i32
        %dma_start3A_1892 = arith.constant 0 : i32
        %dma_start3A_1893 = tpu.memref_slice %arg12[%dma_start3A_1884, %dma_start3A_1891, %dma_start3A_1892] : memref<2x128x64xf32, #tpu.memory_space<vmem>> -> memref<1x8x64xf32, #tpu.memory_space<vmem>>
        %dma_start3A_1894 = tpu.memref_squeeze %dma_start3A_1893 : memref<1x8x64xf32, #tpu.memory_space<vmem>> -> memref<8x64xf32, #tpu.memory_space<vmem>>
        %dma_start3A_1895 = arith.constant 0 : i32
        %dma_start3A_1896 = tpu.memref_slice %arg7[%multiple_of3A_1876, %dma_start3A_1895] : memref<1000000x64xf32, #tpu.memory_space<hbm>> -> memref<8x64xf32, #tpu.memory_space<hbm>>
        tpu.enqueue_dma source(%dma_start3A_1896 : memref<8x64xf32, #tpu.memory_space<hbm>>) target(%dma_start3A_1894 : memref<8x64xf32, #tpu.memory_space<vmem>>) target_semaphore(%arg17 : memref<!tpu.dma_semaphore, #tpu.memory_space<semaphore_mem>>)
        %dma_start3A_1897 = arith.constant 0 : i32
        %dma_start3A_1898 = arith.constant 80 : i32
        %dma_start3A_1899 = arith.constant 0 : i32
        %dma_start3A_1900 = tpu.memref_slice %arg13[%dma_start3A_1897, %dma_start3A_1898, %dma_start3A_1899] : memref<2x128x64xf32, #tpu.memory_space<vmem>> -> memref<1x8x64xf32, #tpu.memory_space<vmem>>
        %dma_start3A_1901 = tpu.memref_squeeze %dma_start3A_1900 : memref<1x8x64xf32, #tpu.memory_space<vmem>> -> memref<8x64xf32, #tpu.memory_space<vmem>>
        %dma_start3A_1902 = arith.constant 0 : i32
        %dma_start3A_1903 = tpu.memref_slice %arg7[%multiple_of3A_1883, %dma_start3A_1902] : memref<1000000x64xf32, #tpu.memory_space<hbm>> -> memref<8x64xf32, #tpu.memory_space<hbm>>
        %dma_start3A_1904 = arith.constant 80 : i32
        %dma_start3A_1905 = arith.constant 0 : i32
        %dma_start3A_1906 = tpu.memref_slice %arg13[%dma_start3A_1897, %dma_start3A_1904, %dma_start3A_1905] : memref<2x128x64xf32, #tpu.memory_space<vmem>> -> memref<1x8x64xf32, #tpu.memory_space<vmem>>
        %dma_start3A_1907 = tpu.memref_squeeze %dma_start3A_1906 : memref<1x8x64xf32, #tpu.memory_space<vmem>> -> memref<8x64xf32, #tpu.memory_space<vmem>>
        %dma_start3A_1908 = arith.constant 0 : i32
        %dma_start3A_1909 = tpu.memref_slice %arg7[%multiple_of3A_1883, %dma_start3A_1908] : memref<1000000x64xf32, #tpu.memory_space<hbm>> -> memref<8x64xf32, #tpu.memory_space<hbm>>
        tpu.enqueue_dma source(%dma_start3A_1909 : memref<8x64xf32, #tpu.memory_space<hbm>>) target(%dma_start3A_1907 : memref<8x64xf32, #tpu.memory_space<vmem>>) target_semaphore(%arg18 : memref<!tpu.dma_semaphore, #tpu.memory_space<semaphore_mem>>)
        %slice3A_1910 = vector.extract_strided_slice %get3A_1467 {offsets = [11], sizes = [1], strides = [1]} : vector<16xi32> to vector<1xi32>
        %squeeze3A_1911 = vector.extract %slice3A_1910[0] : i32 from vector<1xi32>
        %shift_right_arithmetic3A_1912 = arith.constant 3 : i32
        %shift_right_arithmetic3A_1913 = arith.shrsi %squeeze3A_1911, %shift_right_arithmetic3A_1912 : i32
        %mul3A_1914 = arith.constant 8 : i32
        %mul3A_1915 = arith.muli %shift_right_arithmetic3A_1913, %mul3A_1914 : i32
        %multiple_of3A_1916 = tpu.assume_multiple %mul3A_1915, 8 : i32
        %slice3A_1917 = vector.extract_strided_slice %get3A_1469 {offsets = [11], sizes = [1], strides = [1]} : vector<16xi32> to vector<1xi32>
        %squeeze3A_1918 = vector.extract %slice3A_1917[0] : i32 from vector<1xi32>
        %shift_right_arithmetic3A_1919 = arith.constant 3 : i32
        %shift_right_arithmetic3A_1920 = arith.shrsi %squeeze3A_1918, %shift_right_arithmetic3A_1919 : i32
        %mul3A_1921 = arith.constant 8 : i32
        %mul3A_1922 = arith.muli %shift_right_arithmetic3A_1920, %mul3A_1921 : i32
        %multiple_of3A_1923 = tpu.assume_multiple %mul3A_1922, 8 : i32
        %dma_start3A_1924 = arith.constant 0 : i32
        %dma_start3A_1925 = arith.constant 88 : i32
        %dma_start3A_1926 = arith.constant 0 : i32
        %dma_start3A_1927 = tpu.memref_slice %arg12[%dma_start3A_1924, %dma_start3A_1925, %dma_start3A_1926] : memref<2x128x64xf32, #tpu.memory_space<vmem>> -> memref<1x8x64xf32, #tpu.memory_space<vmem>>
        %dma_start3A_1928 = tpu.memref_squeeze %dma_start3A_1927 : memref<1x8x64xf32, #tpu.memory_space<vmem>> -> memref<8x64xf32, #tpu.memory_space<vmem>>
        %dma_start3A_1929 = arith.constant 0 : i32
        %dma_start3A_1930 = tpu.memref_slice %arg7[%multiple_of3A_1916, %dma_start3A_1929] : memref<1000000x64xf32, #tpu.memory_space<hbm>> -> memref<8x64xf32, #tpu.memory_space<hbm>>
        %dma_start3A_1931 = arith.constant 88 : i32
        %dma_start3A_1932 = arith.constant 0 : i32
        %dma_start3A_1933 = tpu.memref_slice %arg12[%dma_start3A_1924, %dma_start3A_1931, %dma_start3A_1932] : memref<2x128x64xf32, #tpu.memory_space<vmem>> -> memref<1x8x64xf32, #tpu.memory_space<vmem>>
        %dma_start3A_1934 = tpu.memref_squeeze %dma_start3A_1933 : memref<1x8x64xf32, #tpu.memory_space<vmem>> -> memref<8x64xf32, #tpu.memory_space<vmem>>
        %dma_start3A_1935 = arith.constant 0 : i32
        %dma_start3A_1936 = tpu.memref_slice %arg7[%multiple_of3A_1916, %dma_start3A_1935] : memref<1000000x64xf32, #tpu.memory_space<hbm>> -> memref<8x64xf32, #tpu.memory_space<hbm>>
        tpu.enqueue_dma source(%dma_start3A_1936 : memref<8x64xf32, #tpu.memory_space<hbm>>) target(%dma_start3A_1934 : memref<8x64xf32, #tpu.memory_space<vmem>>) target_semaphore(%arg17 : memref<!tpu.dma_semaphore, #tpu.memory_space<semaphore_mem>>)
        %dma_start3A_1937 = arith.constant 0 : i32
        %dma_start3A_1938 = arith.constant 88 : i32
        %dma_start3A_1939 = arith.constant 0 : i32
        %dma_start3A_1940 = tpu.memref_slice %arg13[%dma_start3A_1937, %dma_start3A_1938, %dma_start3A_1939] : memref<2x128x64xf32, #tpu.memory_space<vmem>> -> memref<1x8x64xf32, #tpu.memory_space<vmem>>
        %dma_start3A_1941 = tpu.memref_squeeze %dma_start3A_1940 : memref<1x8x64xf32, #tpu.memory_space<vmem>> -> memref<8x64xf32, #tpu.memory_space<vmem>>
        %dma_start3A_1942 = arith.constant 0 : i32
        %dma_start3A_1943 = tpu.memref_slice %arg7[%multiple_of3A_1923, %dma_start3A_1942] : memref<1000000x64xf32, #tpu.memory_space<hbm>> -> memref<8x64xf32, #tpu.memory_space<hbm>>
        %dma_start3A_1944 = arith.constant 88 : i32
        %dma_start3A_1945 = arith.constant 0 : i32
        %dma_start3A_1946 = tpu.memref_slice %arg13[%dma_start3A_1937, %dma_start3A_1944, %dma_start3A_1945] : memref<2x128x64xf32, #tpu.memory_space<vmem>> -> memref<1x8x64xf32, #tpu.memory_space<vmem>>
        %dma_start3A_1947 = tpu.memref_squeeze %dma_start3A_1946 : memref<1x8x64xf32, #tpu.memory_space<vmem>> -> memref<8x64xf32, #tpu.memory_space<vmem>>
        %dma_start3A_1948 = arith.constant 0 : i32
        %dma_start3A_1949 = tpu.memref_slice %arg7[%multiple_of3A_1923, %dma_start3A_1948] : memref<1000000x64xf32, #tpu.memory_space<hbm>> -> memref<8x64xf32, #tpu.memory_space<hbm>>
        tpu.enqueue_dma source(%dma_start3A_1949 : memref<8x64xf32, #tpu.memory_space<hbm>>) target(%dma_start3A_1947 : memref<8x64xf32, #tpu.memory_space<vmem>>) target_semaphore(%arg18 : memref<!tpu.dma_semaphore, #tpu.memory_space<semaphore_mem>>)
        %slice3A_1950 = vector.extract_strided_slice %get3A_1467 {offsets = [12], sizes = [1], strides = [1]} : vector<16xi32> to vector<1xi32>
        %squeeze3A_1951 = vector.extract %slice3A_1950[0] : i32 from vector<1xi32>
        %shift_right_arithmetic3A_1952 = arith.constant 3 : i32
        %shift_right_arithmetic3A_1953 = arith.shrsi %squeeze3A_1951, %shift_right_arithmetic3A_1952 : i32
        %mul3A_1954 = arith.constant 8 : i32
        %mul3A_1955 = arith.muli %shift_right_arithmetic3A_1953, %mul3A_1954 : i32
        %multiple_of3A_1956 = tpu.assume_multiple %mul3A_1955, 8 : i32
        %slice3A_1957 = vector.extract_strided_slice %get3A_1469 {offsets = [12], sizes = [1], strides = [1]} : vector<16xi32> to vector<1xi32>
        %squeeze3A_1958 = vector.extract %slice3A_1957[0] : i32 from vector<1xi32>
        %shift_right_arithmetic3A_1959 = arith.constant 3 : i32
        %shift_right_arithmetic3A_1960 = arith.shrsi %squeeze3A_1958, %shift_right_arithmetic3A_1959 : i32
        %mul3A_1961 = arith.constant 8 : i32
        %mul3A_1962 = arith.muli %shift_right_arithmetic3A_1960, %mul3A_1961 : i32
        %multiple_of3A_1963 = tpu.assume_multiple %mul3A_1962, 8 : i32
        %dma_start3A_1964 = arith.constant 0 : i32
        %dma_start3A_1965 = arith.constant 96 : i32
        %dma_start3A_1966 = arith.constant 0 : i32
        %dma_start3A_1967 = tpu.memref_slice %arg12[%dma_start3A_1964, %dma_start3A_1965, %dma_start3A_1966] : memref<2x128x64xf32, #tpu.memory_space<vmem>> -> memref<1x8x64xf32, #tpu.memory_space<vmem>>
        %dma_start3A_1968 = tpu.memref_squeeze %dma_start3A_1967 : memref<1x8x64xf32, #tpu.memory_space<vmem>> -> memref<8x64xf32, #tpu.memory_space<vmem>>
        %dma_start3A_1969 = arith.constant 0 : i32
        %dma_start3A_1970 = tpu.memref_slice %arg7[%multiple_of3A_1956, %dma_start3A_1969] : memref<1000000x64xf32, #tpu.memory_space<hbm>> -> memref<8x64xf32, #tpu.memory_space<hbm>>
        %dma_start3A_1971 = arith.constant 96 : i32
        %dma_start3A_1972 = arith.constant 0 : i32
        %dma_start3A_1973 = tpu.memref_slice %arg12[%dma_start3A_1964, %dma_start3A_1971, %dma_start3A_1972] : memref<2x128x64xf32, #tpu.memory_space<vmem>> -> memref<1x8x64xf32, #tpu.memory_space<vmem>>
        %dma_start3A_1974 = tpu.memref_squeeze %dma_start3A_1973 : memref<1x8x64xf32, #tpu.memory_space<vmem>> -> memref<8x64xf32, #tpu.memory_space<vmem>>
        %dma_start3A_1975 = arith.constant 0 : i32
        %dma_start3A_1976 = tpu.memref_slice %arg7[%multiple_of3A_1956, %dma_start3A_1975] : memref<1000000x64xf32, #tpu.memory_space<hbm>> -> memref<8x64xf32, #tpu.memory_space<hbm>>
        tpu.enqueue_dma source(%dma_start3A_1976 : memref<8x64xf32, #tpu.memory_space<hbm>>) target(%dma_start3A_1974 : memref<8x64xf32, #tpu.memory_space<vmem>>) target_semaphore(%arg17 : memref<!tpu.dma_semaphore, #tpu.memory_space<semaphore_mem>>)
        %dma_start3A_1977 = arith.constant 0 : i32
        %dma_start3A_1978 = arith.constant 96 : i32
        %dma_start3A_1979 = arith.constant 0 : i32
        %dma_start3A_1980 = tpu.memref_slice %arg13[%dma_start3A_1977, %dma_start3A_1978, %dma_start3A_1979] : memref<2x128x64xf32, #tpu.memory_space<vmem>> -> memref<1x8x64xf32, #tpu.memory_space<vmem>>
        %dma_start3A_1981 = tpu.memref_squeeze %dma_start3A_1980 : memref<1x8x64xf32, #tpu.memory_space<vmem>> -> memref<8x64xf32, #tpu.memory_space<vmem>>
        %dma_start3A_1982 = arith.constant 0 : i32
        %dma_start3A_1983 = tpu.memref_slice %arg7[%multiple_of3A_1963, %dma_start3A_1982] : memref<1000000x64xf32, #tpu.memory_space<hbm>> -> memref<8x64xf32, #tpu.memory_space<hbm>>
        %dma_start3A_1984 = arith.constant 96 : i32
        %dma_start3A_1985 = arith.constant 0 : i32
        %dma_start3A_1986 = tpu.memref_slice %arg13[%dma_start3A_1977, %dma_start3A_1984, %dma_start3A_1985] : memref<2x128x64xf32, #tpu.memory_space<vmem>> -> memref<1x8x64xf32, #tpu.memory_space<vmem>>
        %dma_start3A_1987 = tpu.memref_squeeze %dma_start3A_1986 : memref<1x8x64xf32, #tpu.memory_space<vmem>> -> memref<8x64xf32, #tpu.memory_space<vmem>>
        %dma_start3A_1988 = arith.constant 0 : i32
        %dma_start3A_1989 = tpu.memref_slice %arg7[%multiple_of3A_1963, %dma_start3A_1988] : memref<1000000x64xf32, #tpu.memory_space<hbm>> -> memref<8x64xf32, #tpu.memory_space<hbm>>
        tpu.enqueue_dma source(%dma_start3A_1989 : memref<8x64xf32, #tpu.memory_space<hbm>>) target(%dma_start3A_1987 : memref<8x64xf32, #tpu.memory_space<vmem>>) target_semaphore(%arg18 : memref<!tpu.dma_semaphore, #tpu.memory_space<semaphore_mem>>)
        %slice3A_1990 = vector.extract_strided_slice %get3A_1467 {offsets = [13], sizes = [1], strides = [1]} : vector<16xi32> to vector<1xi32>
        %squeeze3A_1991 = vector.extract %slice3A_1990[0] : i32 from vector<1xi32>
        %shift_right_arithmetic3A_1992 = arith.constant 3 : i32
        %shift_right_arithmetic3A_1993 = arith.shrsi %squeeze3A_1991, %shift_right_arithmetic3A_1992 : i32
        %mul3A_1994 = arith.constant 8 : i32
        %mul3A_1995 = arith.muli %shift_right_arithmetic3A_1993, %mul3A_1994 : i32
        %multiple_of3A_1996 = tpu.assume_multiple %mul3A_1995, 8 : i32
        %slice3A_1997 = vector.extract_strided_slice %get3A_1469 {offsets = [13], sizes = [1], strides = [1]} : vector<16xi32> to vector<1xi32>
        %squeeze3A_1998 = vector.extract %slice3A_1997[0] : i32 from vector<1xi32>
        %shift_right_arithmetic3A_1999 = arith.constant 3 : i32
        %shift_right_arithmetic3A_2000 = arith.shrsi %squeeze3A_1998, %shift_right_arithmetic3A_1999 : i32
        %mul3A_2001 = arith.constant 8 : i32
        %mul3A_2002 = arith.muli %shift_right_arithmetic3A_2000, %mul3A_2001 : i32
        %multiple_of3A_2003 = tpu.assume_multiple %mul3A_2002, 8 : i32
        %dma_start3A_2004 = arith.constant 0 : i32
        %dma_start3A_2005 = arith.constant 104 : i32
        %dma_start3A_2006 = arith.constant 0 : i32
        %dma_start3A_2007 = tpu.memref_slice %arg12[%dma_start3A_2004, %dma_start3A_2005, %dma_start3A_2006] : memref<2x128x64xf32, #tpu.memory_space<vmem>> -> memref<1x8x64xf32, #tpu.memory_space<vmem>>
        %dma_start3A_2008 = tpu.memref_squeeze %dma_start3A_2007 : memref<1x8x64xf32, #tpu.memory_space<vmem>> -> memref<8x64xf32, #tpu.memory_space<vmem>>
        %dma_start3A_2009 = arith.constant 0 : i32
        %dma_start3A_2010 = tpu.memref_slice %arg7[%multiple_of3A_1996, %dma_start3A_2009] : memref<1000000x64xf32, #tpu.memory_space<hbm>> -> memref<8x64xf32, #tpu.memory_space<hbm>>
        %dma_start3A_2011 = arith.constant 104 : i32
        %dma_start3A_2012 = arith.constant 0 : i32
        %dma_start3A_2013 = tpu.memref_slice %arg12[%dma_start3A_2004, %dma_start3A_2011, %dma_start3A_2012] : memref<2x128x64xf32, #tpu.memory_space<vmem>> -> memref<1x8x64xf32, #tpu.memory_space<vmem>>
        %dma_start3A_2014 = tpu.memref_squeeze %dma_start3A_2013 : memref<1x8x64xf32, #tpu.memory_space<vmem>> -> memref<8x64xf32, #tpu.memory_space<vmem>>
        %dma_start3A_2015 = arith.constant 0 : i32
        %dma_start3A_2016 = tpu.memref_slice %arg7[%multiple_of3A_1996, %dma_start3A_2015] : memref<1000000x64xf32, #tpu.memory_space<hbm>> -> memref<8x64xf32, #tpu.memory_space<hbm>>
        tpu.enqueue_dma source(%dma_start3A_2016 : memref<8x64xf32, #tpu.memory_space<hbm>>) target(%dma_start3A_2014 : memref<8x64xf32, #tpu.memory_space<vmem>>) target_semaphore(%arg17 : memref<!tpu.dma_semaphore, #tpu.memory_space<semaphore_mem>>)
        %dma_start3A_2017 = arith.constant 0 : i32
        %dma_start3A_2018 = arith.constant 104 : i32
        %dma_start3A_2019 = arith.constant 0 : i32
        %dma_start3A_2020 = tpu.memref_slice %arg13[%dma_start3A_2017, %dma_start3A_2018, %dma_start3A_2019] : memref<2x128x64xf32, #tpu.memory_space<vmem>> -> memref<1x8x64xf32, #tpu.memory_space<vmem>>
        %dma_start3A_2021 = tpu.memref_squeeze %dma_start3A_2020 : memref<1x8x64xf32, #tpu.memory_space<vmem>> -> memref<8x64xf32, #tpu.memory_space<vmem>>
        %dma_start3A_2022 = arith.constant 0 : i32
        %dma_start3A_2023 = tpu.memref_slice %arg7[%multiple_of3A_2003, %dma_start3A_2022] : memref<1000000x64xf32, #tpu.memory_space<hbm>> -> memref<8x64xf32, #tpu.memory_space<hbm>>
        %dma_start3A_2024 = arith.constant 104 : i32
        %dma_start3A_2025 = arith.constant 0 : i32
        %dma_start3A_2026 = tpu.memref_slice %arg13[%dma_start3A_2017, %dma_start3A_2024, %dma_start3A_2025] : memref<2x128x64xf32, #tpu.memory_space<vmem>> -> memref<1x8x64xf32, #tpu.memory_space<vmem>>
        %dma_start3A_2027 = tpu.memref_squeeze %dma_start3A_2026 : memref<1x8x64xf32, #tpu.memory_space<vmem>> -> memref<8x64xf32, #tpu.memory_space<vmem>>
        %dma_start3A_2028 = arith.constant 0 : i32
        %dma_start3A_2029 = tpu.memref_slice %arg7[%multiple_of3A_2003, %dma_start3A_2028] : memref<1000000x64xf32, #tpu.memory_space<hbm>> -> memref<8x64xf32, #tpu.memory_space<hbm>>
        tpu.enqueue_dma source(%dma_start3A_2029 : memref<8x64xf32, #tpu.memory_space<hbm>>) target(%dma_start3A_2027 : memref<8x64xf32, #tpu.memory_space<vmem>>) target_semaphore(%arg18 : memref<!tpu.dma_semaphore, #tpu.memory_space<semaphore_mem>>)
        %slice3A_2030 = vector.extract_strided_slice %get3A_1467 {offsets = [14], sizes = [1], strides = [1]} : vector<16xi32> to vector<1xi32>
        %squeeze3A_2031 = vector.extract %slice3A_2030[0] : i32 from vector<1xi32>
        %shift_right_arithmetic3A_2032 = arith.constant 3 : i32
        %shift_right_arithmetic3A_2033 = arith.shrsi %squeeze3A_2031, %shift_right_arithmetic3A_2032 : i32
        %mul3A_2034 = arith.constant 8 : i32
        %mul3A_2035 = arith.muli %shift_right_arithmetic3A_2033, %mul3A_2034 : i32
        %multiple_of3A_2036 = tpu.assume_multiple %mul3A_2035, 8 : i32
        %slice3A_2037 = vector.extract_strided_slice %get3A_1469 {offsets = [14], sizes = [1], strides = [1]} : vector<16xi32> to vector<1xi32>
        %squeeze3A_2038 = vector.extract %slice3A_2037[0] : i32 from vector<1xi32>
        %shift_right_arithmetic3A_2039 = arith.constant 3 : i32
        %shift_right_arithmetic3A_2040 = arith.shrsi %squeeze3A_2038, %shift_right_arithmetic3A_2039 : i32
        %mul3A_2041 = arith.constant 8 : i32
        %mul3A_2042 = arith.muli %shift_right_arithmetic3A_2040, %mul3A_2041 : i32
        %multiple_of3A_2043 = tpu.assume_multiple %mul3A_2042, 8 : i32
        %dma_start3A_2044 = arith.constant 0 : i32
        %dma_start3A_2045 = arith.constant 112 : i32
        %dma_start3A_2046 = arith.constant 0 : i32
        %dma_start3A_2047 = tpu.memref_slice %arg12[%dma_start3A_2044, %dma_start3A_2045, %dma_start3A_2046] : memref<2x128x64xf32, #tpu.memory_space<vmem>> -> memref<1x8x64xf32, #tpu.memory_space<vmem>>
        %dma_start3A_2048 = tpu.memref_squeeze %dma_start3A_2047 : memref<1x8x64xf32, #tpu.memory_space<vmem>> -> memref<8x64xf32, #tpu.memory_space<vmem>>
        %dma_start3A_2049 = arith.constant 0 : i32
        %dma_start3A_2050 = tpu.memref_slice %arg7[%multiple_of3A_2036, %dma_start3A_2049] : memref<1000000x64xf32, #tpu.memory_space<hbm>> -> memref<8x64xf32, #tpu.memory_space<hbm>>
        %dma_start3A_2051 = arith.constant 112 : i32
        %dma_start3A_2052 = arith.constant 0 : i32
        %dma_start3A_2053 = tpu.memref_slice %arg12[%dma_start3A_2044, %dma_start3A_2051, %dma_start3A_2052] : memref<2x128x64xf32, #tpu.memory_space<vmem>> -> memref<1x8x64xf32, #tpu.memory_space<vmem>>
        %dma_start3A_2054 = tpu.memref_squeeze %dma_start3A_2053 : memref<1x8x64xf32, #tpu.memory_space<vmem>> -> memref<8x64xf32, #tpu.memory_space<vmem>>
        %dma_start3A_2055 = arith.constant 0 : i32
        %dma_start3A_2056 = tpu.memref_slice %arg7[%multiple_of3A_2036, %dma_start3A_2055] : memref<1000000x64xf32, #tpu.memory_space<hbm>> -> memref<8x64xf32, #tpu.memory_space<hbm>>
        tpu.enqueue_dma source(%dma_start3A_2056 : memref<8x64xf32, #tpu.memory_space<hbm>>) target(%dma_start3A_2054 : memref<8x64xf32, #tpu.memory_space<vmem>>) target_semaphore(%arg17 : memref<!tpu.dma_semaphore, #tpu.memory_space<semaphore_mem>>)
        %dma_start3A_2057 = arith.constant 0 : i32
        %dma_start3A_2058 = arith.constant 112 : i32
        %dma_start3A_2059 = arith.constant 0 : i32
        %dma_start3A_2060 = tpu.memref_slice %arg13[%dma_start3A_2057, %dma_start3A_2058, %dma_start3A_2059] : memref<2x128x64xf32, #tpu.memory_space<vmem>> -> memref<1x8x64xf32, #tpu.memory_space<vmem>>
        %dma_start3A_2061 = tpu.memref_squeeze %dma_start3A_2060 : memref<1x8x64xf32, #tpu.memory_space<vmem>> -> memref<8x64xf32, #tpu.memory_space<vmem>>
        %dma_start3A_2062 = arith.constant 0 : i32
        %dma_start3A_2063 = tpu.memref_slice %arg7[%multiple_of3A_2043, %dma_start3A_2062] : memref<1000000x64xf32, #tpu.memory_space<hbm>> -> memref<8x64xf32, #tpu.memory_space<hbm>>
        %dma_start3A_2064 = arith.constant 112 : i32
        %dma_start3A_2065 = arith.constant 0 : i32
        %dma_start3A_2066 = tpu.memref_slice %arg13[%dma_start3A_2057, %dma_start3A_2064, %dma_start3A_2065] : memref<2x128x64xf32, #tpu.memory_space<vmem>> -> memref<1x8x64xf32, #tpu.memory_space<vmem>>
        %dma_start3A_2067 = tpu.memref_squeeze %dma_start3A_2066 : memref<1x8x64xf32, #tpu.memory_space<vmem>> -> memref<8x64xf32, #tpu.memory_space<vmem>>
        %dma_start3A_2068 = arith.constant 0 : i32
        %dma_start3A_2069 = tpu.memref_slice %arg7[%multiple_of3A_2043, %dma_start3A_2068] : memref<1000000x64xf32, #tpu.memory_space<hbm>> -> memref<8x64xf32, #tpu.memory_space<hbm>>
        tpu.enqueue_dma source(%dma_start3A_2069 : memref<8x64xf32, #tpu.memory_space<hbm>>) target(%dma_start3A_2067 : memref<8x64xf32, #tpu.memory_space<vmem>>) target_semaphore(%arg18 : memref<!tpu.dma_semaphore, #tpu.memory_space<semaphore_mem>>)
        %slice3A_2070 = vector.extract_strided_slice %get3A_1467 {offsets = [15], sizes = [1], strides = [1]} : vector<16xi32> to vector<1xi32>
        %squeeze3A_2071 = vector.extract %slice3A_2070[0] : i32 from vector<1xi32>
        %shift_right_arithmetic3A_2072 = arith.constant 3 : i32
        %shift_right_arithmetic3A_2073 = arith.shrsi %squeeze3A_2071, %shift_right_arithmetic3A_2072 : i32
        %mul3A_2074 = arith.constant 8 : i32
        %mul3A_2075 = arith.muli %shift_right_arithmetic3A_2073, %mul3A_2074 : i32
        %multiple_of3A_2076 = tpu.assume_multiple %mul3A_2075, 8 : i32
        %slice3A_2077 = vector.extract_strided_slice %get3A_1469 {offsets = [15], sizes = [1], strides = [1]} : vector<16xi32> to vector<1xi32>
        %squeeze3A_2078 = vector.extract %slice3A_2077[0] : i32 from vector<1xi32>
        %shift_right_arithmetic3A_2079 = arith.constant 3 : i32
        %shift_right_arithmetic3A_2080 = arith.shrsi %squeeze3A_2078, %shift_right_arithmetic3A_2079 : i32
        %mul3A_2081 = arith.constant 8 : i32
        %mul3A_2082 = arith.muli %shift_right_arithmetic3A_2080, %mul3A_2081 : i32
        %multiple_of3A_2083 = tpu.assume_multiple %mul3A_2082, 8 : i32
        %dma_start3A_2084 = arith.constant 0 : i32
        %dma_start3A_2085 = arith.constant 120 : i32
        %dma_start3A_2086 = arith.constant 0 : i32
        %dma_start3A_2087 = tpu.memref_slice %arg12[%dma_start3A_2084, %dma_start3A_2085, %dma_start3A_2086] : memref<2x128x64xf32, #tpu.memory_space<vmem>> -> memref<1x8x64xf32, #tpu.memory_space<vmem>>
        %dma_start3A_2088 = tpu.memref_squeeze %dma_start3A_2087 : memref<1x8x64xf32, #tpu.memory_space<vmem>> -> memref<8x64xf32, #tpu.memory_space<vmem>>
        %dma_start3A_2089 = arith.constant 0 : i32
        %dma_start3A_2090 = tpu.memref_slice %arg7[%multiple_of3A_2076, %dma_start3A_2089] : memref<1000000x64xf32, #tpu.memory_space<hbm>> -> memref<8x64xf32, #tpu.memory_space<hbm>>
        %dma_start3A_2091 = arith.constant 120 : i32
        %dma_start3A_2092 = arith.constant 0 : i32
        %dma_start3A_2093 = tpu.memref_slice %arg12[%dma_start3A_2084, %dma_start3A_2091, %dma_start3A_2092] : memref<2x128x64xf32, #tpu.memory_space<vmem>> -> memref<1x8x64xf32, #tpu.memory_space<vmem>>
        %dma_start3A_2094 = tpu.memref_squeeze %dma_start3A_2093 : memref<1x8x64xf32, #tpu.memory_space<vmem>> -> memref<8x64xf32, #tpu.memory_space<vmem>>
        %dma_start3A_2095 = arith.constant 0 : i32
        %dma_start3A_2096 = tpu.memref_slice %arg7[%multiple_of3A_2076, %dma_start3A_2095] : memref<1000000x64xf32, #tpu.memory_space<hbm>> -> memref<8x64xf32, #tpu.memory_space<hbm>>
        tpu.enqueue_dma source(%dma_start3A_2096 : memref<8x64xf32, #tpu.memory_space<hbm>>) target(%dma_start3A_2094 : memref<8x64xf32, #tpu.memory_space<vmem>>) target_semaphore(%arg17 : memref<!tpu.dma_semaphore, #tpu.memory_space<semaphore_mem>>)
        %dma_start3A_2097 = arith.constant 0 : i32
        %dma_start3A_2098 = arith.constant 120 : i32
        %dma_start3A_2099 = arith.constant 0 : i32
        %dma_start3A_2100 = tpu.memref_slice %arg13[%dma_start3A_2097, %dma_start3A_2098, %dma_start3A_2099] : memref<2x128x64xf32, #tpu.memory_space<vmem>> -> memref<1x8x64xf32, #tpu.memory_space<vmem>>
        %dma_start3A_2101 = tpu.memref_squeeze %dma_start3A_2100 : memref<1x8x64xf32, #tpu.memory_space<vmem>> -> memref<8x64xf32, #tpu.memory_space<vmem>>
        %dma_start3A_2102 = arith.constant 0 : i32
        %dma_start3A_2103 = tpu.memref_slice %arg7[%multiple_of3A_2083, %dma_start3A_2102] : memref<1000000x64xf32, #tpu.memory_space<hbm>> -> memref<8x64xf32, #tpu.memory_space<hbm>>
        %dma_start3A_2104 = arith.constant 120 : i32
        %dma_start3A_2105 = arith.constant 0 : i32
        %dma_start3A_2106 = tpu.memref_slice %arg13[%dma_start3A_2097, %dma_start3A_2104, %dma_start3A_2105] : memref<2x128x64xf32, #tpu.memory_space<vmem>> -> memref<1x8x64xf32, #tpu.memory_space<vmem>>
        %dma_start3A_2107 = tpu.memref_squeeze %dma_start3A_2106 : memref<1x8x64xf32, #tpu.memory_space<vmem>> -> memref<8x64xf32, #tpu.memory_space<vmem>>
        %dma_start3A_2108 = arith.constant 0 : i32
        %dma_start3A_2109 = tpu.memref_slice %arg7[%multiple_of3A_2083, %dma_start3A_2108] : memref<1000000x64xf32, #tpu.memory_space<hbm>> -> memref<8x64xf32, #tpu.memory_space<hbm>>
        tpu.enqueue_dma source(%dma_start3A_2109 : memref<8x64xf32, #tpu.memory_space<hbm>>) target(%dma_start3A_2107 : memref<8x64xf32, #tpu.memory_space<vmem>>) target_semaphore(%arg18 : memref<!tpu.dma_semaphore, #tpu.memory_space<semaphore_mem>>)
      } else {
      }
      %add3A_1375 = arith.constant 1 : i32
      %add3A_1376 = arith.addi %mul3A_1299, %add3A_1375 : i32
      %dma_wait3A_1377 = arith.constant 1 : i32
      %dma_wait3A_1378 = arith.constant 0 : i32
      %dma_wait3A_1379 = arith.constant 0 : i32
      %dma_wait3A_1380 = tpu.memref_slice %arg12[%dma_wait3A_1377, %dma_wait3A_1378, %dma_wait3A_1379] : memref<2x128x64xf32, #tpu.memory_space<vmem>> -> memref<1x128x64xf32, #tpu.memory_space<vmem>>
      %dma_wait3A_1381 = tpu.memref_squeeze %dma_wait3A_1380 : memref<1x128x64xf32, #tpu.memory_space<vmem>> -> memref<128x64xf32, #tpu.memory_space<vmem>>
      %dma_wait3A_1382 = arith.constant 0 : i32
      %dma_wait3A_1383 = arith.constant 0 : i32
      %dma_wait3A_1384 = tpu.memref_slice %arg7[%dma_wait3A_1382, %dma_wait3A_1383] : memref<1000000x64xf32, #tpu.memory_space<hbm>> -> memref<128x64xf32, #tpu.memory_space<hbm>>
      %dma_wait3A_1385 = arith.constant 0 : i32
      %dma_wait3A_1386 = arith.constant 0 : i32
      %dma_wait3A_1387 = tpu.memref_slice %arg12[%dma_wait3A_1377, %dma_wait3A_1385, %dma_wait3A_1386] : memref<2x128x64xf32, #tpu.memory_space<vmem>> -> memref<1x128x64xf32, #tpu.memory_space<vmem>>
      %dma_wait3A_1388 = tpu.memref_squeeze %dma_wait3A_1387 : memref<1x128x64xf32, #tpu.memory_space<vmem>> -> memref<128x64xf32, #tpu.memory_space<vmem>>
      %dma_wait3A_1389 = arith.constant 0 : i32
      %dma_wait3A_1390 = arith.constant 0 : i32
      %dma_wait3A_1391 = tpu.memref_slice %arg7[%dma_wait3A_1389, %dma_wait3A_1390] : memref<1000000x64xf32, #tpu.memory_space<hbm>> -> memref<128x64xf32, #tpu.memory_space<hbm>>
      tpu.wait_dma2 semaphore(%arg19 : memref<!tpu.dma_semaphore, #tpu.memory_space<semaphore_mem>>) src(%dma_wait3A_1391 : memref<128x64xf32, #tpu.memory_space<hbm>>) dst(%dma_wait3A_1388 : memref<128x64xf32, #tpu.memory_space<vmem>>)
      %dma_wait3A_1392 = arith.constant 1 : i32
      %dma_wait3A_1393 = arith.constant 0 : i32
      %dma_wait3A_1394 = arith.constant 0 : i32
      %dma_wait3A_1395 = tpu.memref_slice %arg13[%dma_wait3A_1392, %dma_wait3A_1393, %dma_wait3A_1394] : memref<2x128x64xf32, #tpu.memory_space<vmem>> -> memref<1x128x64xf32, #tpu.memory_space<vmem>>
      %dma_wait3A_1396 = tpu.memref_squeeze %dma_wait3A_1395 : memref<1x128x64xf32, #tpu.memory_space<vmem>> -> memref<128x64xf32, #tpu.memory_space<vmem>>
      %dma_wait3A_1397 = arith.constant 0 : i32
      %dma_wait3A_1398 = arith.constant 0 : i32
      %dma_wait3A_1399 = tpu.memref_slice %arg7[%dma_wait3A_1397, %dma_wait3A_1398] : memref<1000000x64xf32, #tpu.memory_space<hbm>> -> memref<128x64xf32, #tpu.memory_space<hbm>>
      %dma_wait3A_1400 = arith.constant 0 : i32
      %dma_wait3A_1401 = arith.constant 0 : i32
      %dma_wait3A_1402 = tpu.memref_slice %arg13[%dma_wait3A_1392, %dma_wait3A_1400, %dma_wait3A_1401] : memref<2x128x64xf32, #tpu.memory_space<vmem>> -> memref<1x128x64xf32, #tpu.memory_space<vmem>>
      %dma_wait3A_1403 = tpu.memref_squeeze %dma_wait3A_1402 : memref<1x128x64xf32, #tpu.memory_space<vmem>> -> memref<128x64xf32, #tpu.memory_space<vmem>>
      %dma_wait3A_1404 = arith.constant 0 : i32
      %dma_wait3A_1405 = arith.constant 0 : i32
      %dma_wait3A_1406 = tpu.memref_slice %arg7[%dma_wait3A_1404, %dma_wait3A_1405] : memref<1000000x64xf32, #tpu.memory_space<hbm>> -> memref<128x64xf32, #tpu.memory_space<hbm>>
      tpu.wait_dma2 semaphore(%arg20 : memref<!tpu.dma_semaphore, #tpu.memory_space<semaphore_mem>>) src(%dma_wait3A_1406 : memref<128x64xf32, #tpu.memory_space<hbm>>) dst(%dma_wait3A_1403 : memref<128x64xf32, #tpu.memory_space<vmem>>)
      %mul3A_1407 = arith.constant 16 : i32
      %mul3A_1408 = arith.muli %add3A_1376, %mul3A_1407 : i32
      %get3A_1409 = arith.index_cast %mul3A_1408 : i32 to index
      %get3A_1410 = tpu.vector_load %arg10[%get3A_1409] {strides = array<i32>} : memref<512xi32, #tpu.memory_space<vmem>>, vector<16xi32>,
      %and3A_1411 = arith.constant 7 : i32
      %and3A_1412 = vector.broadcast %and3A_1411 : i32 to vector<16xi32>
      %and3A_1413 = arith.andi %get3A_1410, %and3A_1412 : vector<16xi32>
      %mul3A_1414 = arith.constant 8 : i32
      %mul3A_1415 = vector.broadcast %mul3A_1414 : i32 to vector<16xi32>
      %mul3A_1416 = arith.muli %iota3A, %mul3A_1415 : vector<16xi32>
      %add3A_1417 = arith.addi %and3A_1413, %mul3A_1416 : vector<16xi32>
      %get3A_1418 = arith.index_cast %mul3A_1408 : i32 to index
      %get3A_1419 = tpu.vector_load %arg11[%get3A_1418] {strides = array<i32>} : memref<512xi32, #tpu.memory_space<vmem>>, vector<16xi32>,
      %and3A_1420 = arith.constant 7 : i32
      %and3A_1421 = vector.broadcast %and3A_1420 : i32 to vector<16xi32>
      %and3A_1422 = arith.andi %get3A_1419, %and3A_1421 : vector<16xi32>
      %mul3A_1423 = arith.constant 8 : i32
      %mul3A_1424 = vector.broadcast %mul3A_1423 : i32 to vector<16xi32>
      %mul3A_1425 = arith.muli %iota3A, %mul3A_1424 : vector<16xi32>
      %add3A_1426 = arith.addi %and3A_1422, %mul3A_1425 : vector<16xi32>
      %broadcast_in_dim3A_1427 = arith.constant 0.000000e+00 : f32
      %broadcast_in_dim3A_1428 = vector.broadcast %broadcast_in_dim3A_1427 : f32 to vector<16xf32>
      %scan3A_1429 = arith.constant 1 : i32
      %scan3A_1430 = arith.constant 1 : i32
      %scan3A_1431 = arith.constant 0 : i32
      %scan3A_1432 = arith.constant 16 : i32
      %scan3A_1433 = arith.addi %scan3A_1431, %scan3A_1432 : i32
      %scan3A_1434 = arith.constant 1 : i32
      %scan3A_1435 = scf.for %scan3A_1462 = %scan3A_1431 to %scan3A_1433 step %scan3A_1434 iter_args(%scan3A_1463 = %broadcast_in_dim3A_1428) -> (vector<16xf32>)  : i32 {
        %mul3A_1464 = arith.constant 4 : i32
        %mul3A_1465 = arith.muli %scan3A_1462, %mul3A_1464 : i32
        %add3A_1466 = arith.constant 0 : i32
        %add3A_1467 = arith.addi %mul3A_1465, %add3A_1466 : i32
        %broadcast_in_dim3A_1468 = vector.broadcast %add3A_1467 : i32 to vector<16xi32>
        %gather3A = arith.constant 0 : i32
        %gather3A_1469 = arith.constant 0 : i32
        %gather3A_1470 = tpu.memref_slice %arg13[%scan3A_1429, %gather3A, %gather3A_1469] : memref<2x128x64xf32, #tpu.memory_space<vmem>> -> memref<1x128x64xf32, #tpu.memory_space<vmem>>
        %gather3A_1471 = tpu.memref_squeeze %gather3A_1470 : memref<1x128x64xf32, #tpu.memory_space<vmem>> -> memref<128x64xf32, #tpu.memory_space<vmem>>
        %gather3A_1472 = tpu.vector_load_idx %gather3A_1471[%add3A_1426, %broadcast_in_dim3A_1468] : memref<128x64xf32, #tpu.memory_space<vmem>>[vector<16xi32>, vector<16xi32>], vector<16xf32>,
        %gather3A_1473 = arith.constant 0 : i32
        %gather3A_1474 = arith.constant 0 : i32
        %gather3A_1475 = tpu.memref_slice %arg12[%scan3A_1430, %gather3A_1473, %gather3A_1474] : memref<2x128x64xf32, #tpu.memory_space<vmem>> -> memref<1x128x64xf32, #tpu.memory_space<vmem>>
        %gather3A_1476 = tpu.memref_squeeze %gather3A_1475 : memref<1x128x64xf32, #tpu.memory_space<vmem>> -> memref<128x64xf32, #tpu.memory_space<vmem>>
        %gather3A_1477 = tpu.vector_load_idx %gather3A_1476[%add3A_1417, %broadcast_in_dim3A_1468] : memref<128x64xf32, #tpu.memory_space<vmem>>[vector<16xi32>, vector<16xi32>], vector<16xf32>,
        %mul3A_1478 = arith.mulf %gather3A_1472, %gather3A_1477 : vector<16xf32>
        %add3A_1479 = arith.addf %scan3A_1463, %mul3A_1478 : vector<16xf32>
        %mul3A_1480 = arith.constant 4 : i32
        %mul3A_1481 = arith.muli %scan3A_1462, %mul3A_1480 : i32
        %add3A_1482 = arith.constant 1 : i32
        %add3A_1483 = arith.addi %mul3A_1481, %add3A_1482 : i32
        %broadcast_in_dim3A_1484 = vector.broadcast %add3A_1483 : i32 to vector<16xi32>
        %gather3A_1485 = arith.constant 0 : i32
        %gather3A_1486 = arith.constant 0 : i32
        %gather3A_1487 = tpu.memref_slice %arg13[%scan3A_1429, %gather3A_1485, %gather3A_1486] : memref<2x128x64xf32, #tpu.memory_space<vmem>> -> memref<1x128x64xf32, #tpu.memory_space<vmem>>
        %gather3A_1488 = tpu.memref_squeeze %gather3A_1487 : memref<1x128x64xf32, #tpu.memory_space<vmem>> -> memref<128x64xf32, #tpu.memory_space<vmem>>
        %gather3A_1489 = tpu.vector_load_idx %gather3A_1488[%add3A_1426, %broadcast_in_dim3A_1484] : memref<128x64xf32, #tpu.memory_space<vmem>>[vector<16xi32>, vector<16xi32>], vector<16xf32>,
        %gather3A_1490 = arith.constant 0 : i32
        %gather3A_1491 = arith.constant 0 : i32
        %gather3A_1492 = tpu.memref_slice %arg12[%scan3A_1430, %gather3A_1490, %gather3A_1491] : memref<2x128x64xf32, #tpu.memory_space<vmem>> -> memref<1x128x64xf32, #tpu.memory_space<vmem>>
        %gather3A_1493 = tpu.memref_squeeze %gather3A_1492 : memref<1x128x64xf32, #tpu.memory_space<vmem>> -> memref<128x64xf32, #tpu.memory_space<vmem>>
        %gather3A_1494 = tpu.vector_load_idx %gather3A_1493[%add3A_1417, %broadcast_in_dim3A_1484] : memref<128x64xf32, #tpu.memory_space<vmem>>[vector<16xi32>, vector<16xi32>], vector<16xf32>,
        %mul3A_1495 = arith.mulf %gather3A_1489, %gather3A_1494 : vector<16xf32>
        %add3A_1496 = arith.addf %add3A_1479, %mul3A_1495 : vector<16xf32>
        %mul3A_1497 = arith.constant 4 : i32
        %mul3A_1498 = arith.muli %scan3A_1462, %mul3A_1497 : i32
        %add3A_1499 = arith.constant 2 : i32
        %add3A_1500 = arith.addi %mul3A_1498, %add3A_1499 : i32
        %broadcast_in_dim3A_1501 = vector.broadcast %add3A_1500 : i32 to vector<16xi32>
        %gather3A_1502 = arith.constant 0 : i32
        %gather3A_1503 = arith.constant 0 : i32
        %gather3A_1504 = tpu.memref_slice %arg13[%scan3A_1429, %gather3A_1502, %gather3A_1503] : memref<2x128x64xf32, #tpu.memory_space<vmem>> -> memref<1x128x64xf32, #tpu.memory_space<vmem>>
        %gather3A_1505 = tpu.memref_squeeze %gather3A_1504 : memref<1x128x64xf32, #tpu.memory_space<vmem>> -> memref<128x64xf32, #tpu.memory_space<vmem>>
        %gather3A_1506 = tpu.vector_load_idx %gather3A_1505[%add3A_1426, %broadcast_in_dim3A_1501] : memref<128x64xf32, #tpu.memory_space<vmem>>[vector<16xi32>, vector<16xi32>], vector<16xf32>,
        %gather3A_1507 = arith.constant 0 : i32
        %gather3A_1508 = arith.constant 0 : i32
        %gather3A_1509 = tpu.memref_slice %arg12[%scan3A_1430, %gather3A_1507, %gather3A_1508] : memref<2x128x64xf32, #tpu.memory_space<vmem>> -> memref<1x128x64xf32, #tpu.memory_space<vmem>>
        %gather3A_1510 = tpu.memref_squeeze %gather3A_1509 : memref<1x128x64xf32, #tpu.memory_space<vmem>> -> memref<128x64xf32, #tpu.memory_space<vmem>>
        %gather3A_1511 = tpu.vector_load_idx %gather3A_1510[%add3A_1417, %broadcast_in_dim3A_1501] : memref<128x64xf32, #tpu.memory_space<vmem>>[vector<16xi32>, vector<16xi32>], vector<16xf32>,
        %mul3A_1512 = arith.mulf %gather3A_1506, %gather3A_1511 : vector<16xf32>
        %add3A_1513 = arith.addf %add3A_1496, %mul3A_1512 : vector<16xf32>
        %mul3A_1514 = arith.constant 4 : i32
        %mul3A_1515 = arith.muli %scan3A_1462, %mul3A_1514 : i32
        %add3A_1516 = arith.constant 3 : i32
        %add3A_1517 = arith.addi %mul3A_1515, %add3A_1516 : i32
        %broadcast_in_dim3A_1518 = vector.broadcast %add3A_1517 : i32 to vector<16xi32>
        %gather3A_1519 = arith.constant 0 : i32
        %gather3A_1520 = arith.constant 0 : i32
        %gather3A_1521 = tpu.memref_slice %arg13[%scan3A_1429, %gather3A_1519, %gather3A_1520] : memref<2x128x64xf32, #tpu.memory_space<vmem>> -> memref<1x128x64xf32, #tpu.memory_space<vmem>>
        %gather3A_1522 = tpu.memref_squeeze %gather3A_1521 : memref<1x128x64xf32, #tpu.memory_space<vmem>> -> memref<128x64xf32, #tpu.memory_space<vmem>>
        %gather3A_1523 = tpu.vector_load_idx %gather3A_1522[%add3A_1426, %broadcast_in_dim3A_1518] : memref<128x64xf32, #tpu.memory_space<vmem>>[vector<16xi32>, vector<16xi32>], vector<16xf32>,
        %gather3A_1524 = arith.constant 0 : i32
        %gather3A_1525 = arith.constant 0 : i32
        %gather3A_1526 = tpu.memref_slice %arg12[%scan3A_1430, %gather3A_1524, %gather3A_1525] : memref<2x128x64xf32, #tpu.memory_space<vmem>> -> memref<1x128x64xf32, #tpu.memory_space<vmem>>
        %gather3A_1527 = tpu.memref_squeeze %gather3A_1526 : memref<1x128x64xf32, #tpu.memory_space<vmem>> -> memref<128x64xf32, #tpu.memory_space<vmem>>
        %gather3A_1528 = tpu.vector_load_idx %gather3A_1527[%add3A_1417, %broadcast_in_dim3A_1518] : memref<128x64xf32, #tpu.memory_space<vmem>>[vector<16xi32>, vector<16xi32>], vector<16xf32>,
        %mul3A_1529 = arith.mulf %gather3A_1523, %gather3A_1528 : vector<16xf32>
        %add3A_1530 = arith.addf %add3A_1513, %mul3A_1529 : vector<16xf32>
        scf.yield %add3A_1530 : vector<16xf32>
      }
      %scan3A_1436 = arith.constant 16 : i32
      %get3A_1437 = arith.index_cast %mul3A_1408 : i32 to index
      %get3A_1438 = tpu.vector_load %arg14[%get3A_1437] {strides = array<i32>} : memref<512xf32, #tpu.memory_space<vmem>>, vector<16xf32>,
      %get3A_1439 = arith.index_cast %mul3A_1408 : i32 to index
      %get3A_1440 = tpu.vector_load %arg15[%get3A_1439] {strides = array<i32>} : memref<512xf32, #tpu.memory_space<vmem>>, vector<16xf32>,
      %sub3A_1441 = arith.subf %scan3A_1435, %get3A_1438 : vector<16xf32>
      %mul3A_1442 = arith.mulf %sub3A_1441, %get3A_1440 : vector<16xf32>
      %neg3A_1443 = arith.constant 0.000000e+00 : f32
      %neg3A_1444 = vector.broadcast %neg3A_1443 : f32 to vector<16xf32>
      %neg3A_1445 = arith.subf %neg3A_1444, %mul3A_1442 : vector<16xf32>
      %exp3A_1446 = math.exp %neg3A_1445 : vector<16xf32>
      %add3A_1447 = arith.constant 1.000000e+00 : f32
      %add3A_1448 = vector.broadcast %add3A_1447 : f32 to vector<16xf32>
      %add3A_1449 = arith.addf %add3A_1448, %exp3A_1446 : vector<16xf32>
      %div3A_1450 = arith.constant 1.000000e+00 : f32
      %div3A_1451 = vector.broadcast %div3A_1450 : f32 to vector<16xf32>
      %div3A_1452 = arith.divf %div3A_1451, %add3A_1449 : vector<16xf32>
      %swap3A_1453 = arith.index_cast %mul3A_1408 : i32 to index
      %swap3A_1454 = tpu.vector_load %arg16[%swap3A_1453] {strides = array<i32>} : memref<512xf32, #tpu.memory_space<vmem>>, vector<16xf32>,
      tpu.vector_store %arg16[%swap3A_1453], %div3A_1452 {strides = array<i32>} : memref<512xf32, #tpu.memory_space<vmem>>, vector<16xf32>,
      %add3A_1455 = arith.constant 3 : i32
      %add3A_1456 = arith.addi %mul3A_1299, %add3A_1455 : i32
      %lt3A_1457 = arith.constant 32 : i32
      %lt3A_1458 = arith.cmpi slt, %add3A_1456, %lt3A_1457 : i32
      %convert_element_type3A_1459 = arith.extui %lt3A_1458 : i1 to i32
      %cond3A_1460 = arith.constant 0 : i32
      %cond3A_1461 = arith.cmpi ne, %convert_element_type3A_1459, %cond3A_1460 : i32
      scf.if %cond3A_1461 {
        %add3A_1462 = arith.constant 3 : i32
        %add3A_1463 = arith.addi %mul3A_1299, %add3A_1462 : i32
        %mul3A_1464 = arith.constant 16 : i32
        %mul3A_1465 = arith.muli %add3A_1463, %mul3A_1464 : i32
        %get3A_1466 = arith.index_cast %mul3A_1465 : i32 to index
        %get3A_1467 = tpu.vector_load %arg10[%get3A_1466] {strides = array<i32>} : memref<512xi32, #tpu.memory_space<vmem>>, vector<16xi32>,
        %get3A_1468 = arith.index_cast %mul3A_1465 : i32 to index
        %get3A_1469 = tpu.vector_load %arg11[%get3A_1468] {strides = array<i32>} : memref<512xi32, #tpu.memory_space<vmem>>, vector<16xi32>,
        %slice3A_1470 = vector.extract_strided_slice %get3A_1467 {offsets = [0], sizes = [1], strides = [1]} : vector<16xi32> to vector<1xi32>
        %squeeze3A_1471 = vector.extract %slice3A_1470[0] : i32 from vector<1xi32>
        %shift_right_arithmetic3A_1472 = arith.constant 3 : i32
        %shift_right_arithmetic3A_1473 = arith.shrsi %squeeze3A_1471, %shift_right_arithmetic3A_1472 : i32
        %mul3A_1474 = arith.constant 8 : i32
        %mul3A_1475 = arith.muli %shift_right_arithmetic3A_1473, %mul3A_1474 : i32
        %multiple_of3A_1476 = tpu.assume_multiple %mul3A_1475, 8 : i32
        %slice3A_1477 = vector.extract_strided_slice %get3A_1469 {offsets = [0], sizes = [1], strides = [1]} : vector<16xi32> to vector<1xi32>
        %squeeze3A_1478 = vector.extract %slice3A_1477[0] : i32 from vector<1xi32>
        %shift_right_arithmetic3A_1479 = arith.constant 3 : i32
        %shift_right_arithmetic3A_1480 = arith.shrsi %squeeze3A_1478, %shift_right_arithmetic3A_1479 : i32
        %mul3A_1481 = arith.constant 8 : i32
        %mul3A_1482 = arith.muli %shift_right_arithmetic3A_1480, %mul3A_1481 : i32
        %multiple_of3A_1483 = tpu.assume_multiple %mul3A_1482, 8 : i32
        %dma_start3A_1484 = arith.constant 1 : i32
        %dma_start3A_1485 = arith.constant 0 : i32
        %dma_start3A_1486 = arith.constant 0 : i32
        %dma_start3A_1487 = tpu.memref_slice %arg12[%dma_start3A_1484, %dma_start3A_1485, %dma_start3A_1486] : memref<2x128x64xf32, #tpu.memory_space<vmem>> -> memref<1x8x64xf32, #tpu.memory_space<vmem>>
        %dma_start3A_1488 = tpu.memref_squeeze %dma_start3A_1487 : memref<1x8x64xf32, #tpu.memory_space<vmem>> -> memref<8x64xf32, #tpu.memory_space<vmem>>
        %dma_start3A_1489 = arith.constant 0 : i32
        %dma_start3A_1490 = tpu.memref_slice %arg7[%multiple_of3A_1476, %dma_start3A_1489] : memref<1000000x64xf32, #tpu.memory_space<hbm>> -> memref<8x64xf32, #tpu.memory_space<hbm>>
        %dma_start3A_1491 = arith.constant 0 : i32
        %dma_start3A_1492 = arith.constant 0 : i32
        %dma_start3A_1493 = tpu.memref_slice %arg12[%dma_start3A_1484, %dma_start3A_1491, %dma_start3A_1492] : memref<2x128x64xf32, #tpu.memory_space<vmem>> -> memref<1x8x64xf32, #tpu.memory_space<vmem>>
        %dma_start3A_1494 = tpu.memref_squeeze %dma_start3A_1493 : memref<1x8x64xf32, #tpu.memory_space<vmem>> -> memref<8x64xf32, #tpu.memory_space<vmem>>
        %dma_start3A_1495 = arith.constant 0 : i32
        %dma_start3A_1496 = tpu.memref_slice %arg7[%multiple_of3A_1476, %dma_start3A_1495] : memref<1000000x64xf32, #tpu.memory_space<hbm>> -> memref<8x64xf32, #tpu.memory_space<hbm>>
        tpu.enqueue_dma source(%dma_start3A_1496 : memref<8x64xf32, #tpu.memory_space<hbm>>) target(%dma_start3A_1494 : memref<8x64xf32, #tpu.memory_space<vmem>>) target_semaphore(%arg19 : memref<!tpu.dma_semaphore, #tpu.memory_space<semaphore_mem>>)
        %dma_start3A_1497 = arith.constant 1 : i32
        %dma_start3A_1498 = arith.constant 0 : i32
        %dma_start3A_1499 = arith.constant 0 : i32
        %dma_start3A_1500 = tpu.memref_slice %arg13[%dma_start3A_1497, %dma_start3A_1498, %dma_start3A_1499] : memref<2x128x64xf32, #tpu.memory_space<vmem>> -> memref<1x8x64xf32, #tpu.memory_space<vmem>>
        %dma_start3A_1501 = tpu.memref_squeeze %dma_start3A_1500 : memref<1x8x64xf32, #tpu.memory_space<vmem>> -> memref<8x64xf32, #tpu.memory_space<vmem>>
        %dma_start3A_1502 = arith.constant 0 : i32
        %dma_start3A_1503 = tpu.memref_slice %arg7[%multiple_of3A_1483, %dma_start3A_1502] : memref<1000000x64xf32, #tpu.memory_space<hbm>> -> memref<8x64xf32, #tpu.memory_space<hbm>>
        %dma_start3A_1504 = arith.constant 0 : i32
        %dma_start3A_1505 = arith.constant 0 : i32
        %dma_start3A_1506 = tpu.memref_slice %arg13[%dma_start3A_1497, %dma_start3A_1504, %dma_start3A_1505] : memref<2x128x64xf32, #tpu.memory_space<vmem>> -> memref<1x8x64xf32, #tpu.memory_space<vmem>>
        %dma_start3A_1507 = tpu.memref_squeeze %dma_start3A_1506 : memref<1x8x64xf32, #tpu.memory_space<vmem>> -> memref<8x64xf32, #tpu.memory_space<vmem>>
        %dma_start3A_1508 = arith.constant 0 : i32
        %dma_start3A_1509 = tpu.memref_slice %arg7[%multiple_of3A_1483, %dma_start3A_1508] : memref<1000000x64xf32, #tpu.memory_space<hbm>> -> memref<8x64xf32, #tpu.memory_space<hbm>>
        tpu.enqueue_dma source(%dma_start3A_1509 : memref<8x64xf32, #tpu.memory_space<hbm>>) target(%dma_start3A_1507 : memref<8x64xf32, #tpu.memory_space<vmem>>) target_semaphore(%arg20 : memref<!tpu.dma_semaphore, #tpu.memory_space<semaphore_mem>>)
        %slice3A_1510 = vector.extract_strided_slice %get3A_1467 {offsets = [1], sizes = [1], strides = [1]} : vector<16xi32> to vector<1xi32>
        %squeeze3A_1511 = vector.extract %slice3A_1510[0] : i32 from vector<1xi32>
        %shift_right_arithmetic3A_1512 = arith.constant 3 : i32
        %shift_right_arithmetic3A_1513 = arith.shrsi %squeeze3A_1511, %shift_right_arithmetic3A_1512 : i32
        %mul3A_1514 = arith.constant 8 : i32
        %mul3A_1515 = arith.muli %shift_right_arithmetic3A_1513, %mul3A_1514 : i32
        %multiple_of3A_1516 = tpu.assume_multiple %mul3A_1515, 8 : i32
        %slice3A_1517 = vector.extract_strided_slice %get3A_1469 {offsets = [1], sizes = [1], strides = [1]} : vector<16xi32> to vector<1xi32>
        %squeeze3A_1518 = vector.extract %slice3A_1517[0] : i32 from vector<1xi32>
        %shift_right_arithmetic3A_1519 = arith.constant 3 : i32
        %shift_right_arithmetic3A_1520 = arith.shrsi %squeeze3A_1518, %shift_right_arithmetic3A_1519 : i32
        %mul3A_1521 = arith.constant 8 : i32
        %mul3A_1522 = arith.muli %shift_right_arithmetic3A_1520, %mul3A_1521 : i32
        %multiple_of3A_1523 = tpu.assume_multiple %mul3A_1522, 8 : i32
        %dma_start3A_1524 = arith.constant 1 : i32
        %dma_start3A_1525 = arith.constant 8 : i32
        %dma_start3A_1526 = arith.constant 0 : i32
        %dma_start3A_1527 = tpu.memref_slice %arg12[%dma_start3A_1524, %dma_start3A_1525, %dma_start3A_1526] : memref<2x128x64xf32, #tpu.memory_space<vmem>> -> memref<1x8x64xf32, #tpu.memory_space<vmem>>
        %dma_start3A_1528 = tpu.memref_squeeze %dma_start3A_1527 : memref<1x8x64xf32, #tpu.memory_space<vmem>> -> memref<8x64xf32, #tpu.memory_space<vmem>>
        %dma_start3A_1529 = arith.constant 0 : i32
        %dma_start3A_1530 = tpu.memref_slice %arg7[%multiple_of3A_1516, %dma_start3A_1529] : memref<1000000x64xf32, #tpu.memory_space<hbm>> -> memref<8x64xf32, #tpu.memory_space<hbm>>
        %dma_start3A_1531 = arith.constant 8 : i32
        %dma_start3A_1532 = arith.constant 0 : i32
        %dma_start3A_1533 = tpu.memref_slice %arg12[%dma_start3A_1524, %dma_start3A_1531, %dma_start3A_1532] : memref<2x128x64xf32, #tpu.memory_space<vmem>> -> memref<1x8x64xf32, #tpu.memory_space<vmem>>
        %dma_start3A_1534 = tpu.memref_squeeze %dma_start3A_1533 : memref<1x8x64xf32, #tpu.memory_space<vmem>> -> memref<8x64xf32, #tpu.memory_space<vmem>>
        %dma_start3A_1535 = arith.constant 0 : i32
        %dma_start3A_1536 = tpu.memref_slice %arg7[%multiple_of3A_1516, %dma_start3A_1535] : memref<1000000x64xf32, #tpu.memory_space<hbm>> -> memref<8x64xf32, #tpu.memory_space<hbm>>
        tpu.enqueue_dma source(%dma_start3A_1536 : memref<8x64xf32, #tpu.memory_space<hbm>>) target(%dma_start3A_1534 : memref<8x64xf32, #tpu.memory_space<vmem>>) target_semaphore(%arg19 : memref<!tpu.dma_semaphore, #tpu.memory_space<semaphore_mem>>)
        %dma_start3A_1537 = arith.constant 1 : i32
        %dma_start3A_1538 = arith.constant 8 : i32
        %dma_start3A_1539 = arith.constant 0 : i32
        %dma_start3A_1540 = tpu.memref_slice %arg13[%dma_start3A_1537, %dma_start3A_1538, %dma_start3A_1539] : memref<2x128x64xf32, #tpu.memory_space<vmem>> -> memref<1x8x64xf32, #tpu.memory_space<vmem>>
        %dma_start3A_1541 = tpu.memref_squeeze %dma_start3A_1540 : memref<1x8x64xf32, #tpu.memory_space<vmem>> -> memref<8x64xf32, #tpu.memory_space<vmem>>
        %dma_start3A_1542 = arith.constant 0 : i32
        %dma_start3A_1543 = tpu.memref_slice %arg7[%multiple_of3A_1523, %dma_start3A_1542] : memref<1000000x64xf32, #tpu.memory_space<hbm>> -> memref<8x64xf32, #tpu.memory_space<hbm>>
        %dma_start3A_1544 = arith.constant 8 : i32
        %dma_start3A_1545 = arith.constant 0 : i32
        %dma_start3A_1546 = tpu.memref_slice %arg13[%dma_start3A_1537, %dma_start3A_1544, %dma_start3A_1545] : memref<2x128x64xf32, #tpu.memory_space<vmem>> -> memref<1x8x64xf32, #tpu.memory_space<vmem>>
        %dma_start3A_1547 = tpu.memref_squeeze %dma_start3A_1546 : memref<1x8x64xf32, #tpu.memory_space<vmem>> -> memref<8x64xf32, #tpu.memory_space<vmem>>
        %dma_start3A_1548 = arith.constant 0 : i32
        %dma_start3A_1549 = tpu.memref_slice %arg7[%multiple_of3A_1523, %dma_start3A_1548] : memref<1000000x64xf32, #tpu.memory_space<hbm>> -> memref<8x64xf32, #tpu.memory_space<hbm>>
        tpu.enqueue_dma source(%dma_start3A_1549 : memref<8x64xf32, #tpu.memory_space<hbm>>) target(%dma_start3A_1547 : memref<8x64xf32, #tpu.memory_space<vmem>>) target_semaphore(%arg20 : memref<!tpu.dma_semaphore, #tpu.memory_space<semaphore_mem>>)
        %slice3A_1550 = vector.extract_strided_slice %get3A_1467 {offsets = [2], sizes = [1], strides = [1]} : vector<16xi32> to vector<1xi32>
        %squeeze3A_1551 = vector.extract %slice3A_1550[0] : i32 from vector<1xi32>
        %shift_right_arithmetic3A_1552 = arith.constant 3 : i32
        %shift_right_arithmetic3A_1553 = arith.shrsi %squeeze3A_1551, %shift_right_arithmetic3A_1552 : i32
        %mul3A_1554 = arith.constant 8 : i32
        %mul3A_1555 = arith.muli %shift_right_arithmetic3A_1553, %mul3A_1554 : i32
        %multiple_of3A_1556 = tpu.assume_multiple %mul3A_1555, 8 : i32
        %slice3A_1557 = vector.extract_strided_slice %get3A_1469 {offsets = [2], sizes = [1], strides = [1]} : vector<16xi32> to vector<1xi32>
        %squeeze3A_1558 = vector.extract %slice3A_1557[0] : i32 from vector<1xi32>
        %shift_right_arithmetic3A_1559 = arith.constant 3 : i32
        %shift_right_arithmetic3A_1560 = arith.shrsi %squeeze3A_1558, %shift_right_arithmetic3A_1559 : i32
        %mul3A_1561 = arith.constant 8 : i32
        %mul3A_1562 = arith.muli %shift_right_arithmetic3A_1560, %mul3A_1561 : i32
        %multiple_of3A_1563 = tpu.assume_multiple %mul3A_1562, 8 : i32
        %dma_start3A_1564 = arith.constant 1 : i32
        %dma_start3A_1565 = arith.constant 16 : i32
        %dma_start3A_1566 = arith.constant 0 : i32
        %dma_start3A_1567 = tpu.memref_slice %arg12[%dma_start3A_1564, %dma_start3A_1565, %dma_start3A_1566] : memref<2x128x64xf32, #tpu.memory_space<vmem>> -> memref<1x8x64xf32, #tpu.memory_space<vmem>>
        %dma_start3A_1568 = tpu.memref_squeeze %dma_start3A_1567 : memref<1x8x64xf32, #tpu.memory_space<vmem>> -> memref<8x64xf32, #tpu.memory_space<vmem>>
        %dma_start3A_1569 = arith.constant 0 : i32
        %dma_start3A_1570 = tpu.memref_slice %arg7[%multiple_of3A_1556, %dma_start3A_1569] : memref<1000000x64xf32, #tpu.memory_space<hbm>> -> memref<8x64xf32, #tpu.memory_space<hbm>>
        %dma_start3A_1571 = arith.constant 16 : i32
        %dma_start3A_1572 = arith.constant 0 : i32
        %dma_start3A_1573 = tpu.memref_slice %arg12[%dma_start3A_1564, %dma_start3A_1571, %dma_start3A_1572] : memref<2x128x64xf32, #tpu.memory_space<vmem>> -> memref<1x8x64xf32, #tpu.memory_space<vmem>>
        %dma_start3A_1574 = tpu.memref_squeeze %dma_start3A_1573 : memref<1x8x64xf32, #tpu.memory_space<vmem>> -> memref<8x64xf32, #tpu.memory_space<vmem>>
        %dma_start3A_1575 = arith.constant 0 : i32
        %dma_start3A_1576 = tpu.memref_slice %arg7[%multiple_of3A_1556, %dma_start3A_1575] : memref<1000000x64xf32, #tpu.memory_space<hbm>> -> memref<8x64xf32, #tpu.memory_space<hbm>>
        tpu.enqueue_dma source(%dma_start3A_1576 : memref<8x64xf32, #tpu.memory_space<hbm>>) target(%dma_start3A_1574 : memref<8x64xf32, #tpu.memory_space<vmem>>) target_semaphore(%arg19 : memref<!tpu.dma_semaphore, #tpu.memory_space<semaphore_mem>>)
        %dma_start3A_1577 = arith.constant 1 : i32
        %dma_start3A_1578 = arith.constant 16 : i32
        %dma_start3A_1579 = arith.constant 0 : i32
        %dma_start3A_1580 = tpu.memref_slice %arg13[%dma_start3A_1577, %dma_start3A_1578, %dma_start3A_1579] : memref<2x128x64xf32, #tpu.memory_space<vmem>> -> memref<1x8x64xf32, #tpu.memory_space<vmem>>
        %dma_start3A_1581 = tpu.memref_squeeze %dma_start3A_1580 : memref<1x8x64xf32, #tpu.memory_space<vmem>> -> memref<8x64xf32, #tpu.memory_space<vmem>>
        %dma_start3A_1582 = arith.constant 0 : i32
        %dma_start3A_1583 = tpu.memref_slice %arg7[%multiple_of3A_1563, %dma_start3A_1582] : memref<1000000x64xf32, #tpu.memory_space<hbm>> -> memref<8x64xf32, #tpu.memory_space<hbm>>
        %dma_start3A_1584 = arith.constant 16 : i32
        %dma_start3A_1585 = arith.constant 0 : i32
        %dma_start3A_1586 = tpu.memref_slice %arg13[%dma_start3A_1577, %dma_start3A_1584, %dma_start3A_1585] : memref<2x128x64xf32, #tpu.memory_space<vmem>> -> memref<1x8x64xf32, #tpu.memory_space<vmem>>
        %dma_start3A_1587 = tpu.memref_squeeze %dma_start3A_1586 : memref<1x8x64xf32, #tpu.memory_space<vmem>> -> memref<8x64xf32, #tpu.memory_space<vmem>>
        %dma_start3A_1588 = arith.constant 0 : i32
        %dma_start3A_1589 = tpu.memref_slice %arg7[%multiple_of3A_1563, %dma_start3A_1588] : memref<1000000x64xf32, #tpu.memory_space<hbm>> -> memref<8x64xf32, #tpu.memory_space<hbm>>
        tpu.enqueue_dma source(%dma_start3A_1589 : memref<8x64xf32, #tpu.memory_space<hbm>>) target(%dma_start3A_1587 : memref<8x64xf32, #tpu.memory_space<vmem>>) target_semaphore(%arg20 : memref<!tpu.dma_semaphore, #tpu.memory_space<semaphore_mem>>)
        %slice3A_1590 = vector.extract_strided_slice %get3A_1467 {offsets = [3], sizes = [1], strides = [1]} : vector<16xi32> to vector<1xi32>
        %squeeze3A_1591 = vector.extract %slice3A_1590[0] : i32 from vector<1xi32>
        %shift_right_arithmetic3A_1592 = arith.constant 3 : i32
        %shift_right_arithmetic3A_1593 = arith.shrsi %squeeze3A_1591, %shift_right_arithmetic3A_1592 : i32
        %mul3A_1594 = arith.constant 8 : i32
        %mul3A_1595 = arith.muli %shift_right_arithmetic3A_1593, %mul3A_1594 : i32
        %multiple_of3A_1596 = tpu.assume_multiple %mul3A_1595, 8 : i32
        %slice3A_1597 = vector.extract_strided_slice %get3A_1469 {offsets = [3], sizes = [1], strides = [1]} : vector<16xi32> to vector<1xi32>
        %squeeze3A_1598 = vector.extract %slice3A_1597[0] : i32 from vector<1xi32>
        %shift_right_arithmetic3A_1599 = arith.constant 3 : i32
        %shift_right_arithmetic3A_1600 = arith.shrsi %squeeze3A_1598, %shift_right_arithmetic3A_1599 : i32
        %mul3A_1601 = arith.constant 8 : i32
        %mul3A_1602 = arith.muli %shift_right_arithmetic3A_1600, %mul3A_1601 : i32
        %multiple_of3A_1603 = tpu.assume_multiple %mul3A_1602, 8 : i32
        %dma_start3A_1604 = arith.constant 1 : i32
        %dma_start3A_1605 = arith.constant 24 : i32
        %dma_start3A_1606 = arith.constant 0 : i32
        %dma_start3A_1607 = tpu.memref_slice %arg12[%dma_start3A_1604, %dma_start3A_1605, %dma_start3A_1606] : memref<2x128x64xf32, #tpu.memory_space<vmem>> -> memref<1x8x64xf32, #tpu.memory_space<vmem>>
        %dma_start3A_1608 = tpu.memref_squeeze %dma_start3A_1607 : memref<1x8x64xf32, #tpu.memory_space<vmem>> -> memref<8x64xf32, #tpu.memory_space<vmem>>
        %dma_start3A_1609 = arith.constant 0 : i32
        %dma_start3A_1610 = tpu.memref_slice %arg7[%multiple_of3A_1596, %dma_start3A_1609] : memref<1000000x64xf32, #tpu.memory_space<hbm>> -> memref<8x64xf32, #tpu.memory_space<hbm>>
        %dma_start3A_1611 = arith.constant 24 : i32
        %dma_start3A_1612 = arith.constant 0 : i32
        %dma_start3A_1613 = tpu.memref_slice %arg12[%dma_start3A_1604, %dma_start3A_1611, %dma_start3A_1612] : memref<2x128x64xf32, #tpu.memory_space<vmem>> -> memref<1x8x64xf32, #tpu.memory_space<vmem>>
        %dma_start3A_1614 = tpu.memref_squeeze %dma_start3A_1613 : memref<1x8x64xf32, #tpu.memory_space<vmem>> -> memref<8x64xf32, #tpu.memory_space<vmem>>
        %dma_start3A_1615 = arith.constant 0 : i32
        %dma_start3A_1616 = tpu.memref_slice %arg7[%multiple_of3A_1596, %dma_start3A_1615] : memref<1000000x64xf32, #tpu.memory_space<hbm>> -> memref<8x64xf32, #tpu.memory_space<hbm>>
        tpu.enqueue_dma source(%dma_start3A_1616 : memref<8x64xf32, #tpu.memory_space<hbm>>) target(%dma_start3A_1614 : memref<8x64xf32, #tpu.memory_space<vmem>>) target_semaphore(%arg19 : memref<!tpu.dma_semaphore, #tpu.memory_space<semaphore_mem>>)
        %dma_start3A_1617 = arith.constant 1 : i32
        %dma_start3A_1618 = arith.constant 24 : i32
        %dma_start3A_1619 = arith.constant 0 : i32
        %dma_start3A_1620 = tpu.memref_slice %arg13[%dma_start3A_1617, %dma_start3A_1618, %dma_start3A_1619] : memref<2x128x64xf32, #tpu.memory_space<vmem>> -> memref<1x8x64xf32, #tpu.memory_space<vmem>>
        %dma_start3A_1621 = tpu.memref_squeeze %dma_start3A_1620 : memref<1x8x64xf32, #tpu.memory_space<vmem>> -> memref<8x64xf32, #tpu.memory_space<vmem>>
        %dma_start3A_1622 = arith.constant 0 : i32
        %dma_start3A_1623 = tpu.memref_slice %arg7[%multiple_of3A_1603, %dma_start3A_1622] : memref<1000000x64xf32, #tpu.memory_space<hbm>> -> memref<8x64xf32, #tpu.memory_space<hbm>>
        %dma_start3A_1624 = arith.constant 24 : i32
        %dma_start3A_1625 = arith.constant 0 : i32
        %dma_start3A_1626 = tpu.memref_slice %arg13[%dma_start3A_1617, %dma_start3A_1624, %dma_start3A_1625] : memref<2x128x64xf32, #tpu.memory_space<vmem>> -> memref<1x8x64xf32, #tpu.memory_space<vmem>>
        %dma_start3A_1627 = tpu.memref_squeeze %dma_start3A_1626 : memref<1x8x64xf32, #tpu.memory_space<vmem>> -> memref<8x64xf32, #tpu.memory_space<vmem>>
        %dma_start3A_1628 = arith.constant 0 : i32
        %dma_start3A_1629 = tpu.memref_slice %arg7[%multiple_of3A_1603, %dma_start3A_1628] : memref<1000000x64xf32, #tpu.memory_space<hbm>> -> memref<8x64xf32, #tpu.memory_space<hbm>>
        tpu.enqueue_dma source(%dma_start3A_1629 : memref<8x64xf32, #tpu.memory_space<hbm>>) target(%dma_start3A_1627 : memref<8x64xf32, #tpu.memory_space<vmem>>) target_semaphore(%arg20 : memref<!tpu.dma_semaphore, #tpu.memory_space<semaphore_mem>>)
        %slice3A_1630 = vector.extract_strided_slice %get3A_1467 {offsets = [4], sizes = [1], strides = [1]} : vector<16xi32> to vector<1xi32>
        %squeeze3A_1631 = vector.extract %slice3A_1630[0] : i32 from vector<1xi32>
        %shift_right_arithmetic3A_1632 = arith.constant 3 : i32
        %shift_right_arithmetic3A_1633 = arith.shrsi %squeeze3A_1631, %shift_right_arithmetic3A_1632 : i32
        %mul3A_1634 = arith.constant 8 : i32
        %mul3A_1635 = arith.muli %shift_right_arithmetic3A_1633, %mul3A_1634 : i32
        %multiple_of3A_1636 = tpu.assume_multiple %mul3A_1635, 8 : i32
        %slice3A_1637 = vector.extract_strided_slice %get3A_1469 {offsets = [4], sizes = [1], strides = [1]} : vector<16xi32> to vector<1xi32>
        %squeeze3A_1638 = vector.extract %slice3A_1637[0] : i32 from vector<1xi32>
        %shift_right_arithmetic3A_1639 = arith.constant 3 : i32
        %shift_right_arithmetic3A_1640 = arith.shrsi %squeeze3A_1638, %shift_right_arithmetic3A_1639 : i32
        %mul3A_1641 = arith.constant 8 : i32
        %mul3A_1642 = arith.muli %shift_right_arithmetic3A_1640, %mul3A_1641 : i32
        %multiple_of3A_1643 = tpu.assume_multiple %mul3A_1642, 8 : i32
        %dma_start3A_1644 = arith.constant 1 : i32
        %dma_start3A_1645 = arith.constant 32 : i32
        %dma_start3A_1646 = arith.constant 0 : i32
        %dma_start3A_1647 = tpu.memref_slice %arg12[%dma_start3A_1644, %dma_start3A_1645, %dma_start3A_1646] : memref<2x128x64xf32, #tpu.memory_space<vmem>> -> memref<1x8x64xf32, #tpu.memory_space<vmem>>
        %dma_start3A_1648 = tpu.memref_squeeze %dma_start3A_1647 : memref<1x8x64xf32, #tpu.memory_space<vmem>> -> memref<8x64xf32, #tpu.memory_space<vmem>>
        %dma_start3A_1649 = arith.constant 0 : i32
        %dma_start3A_1650 = tpu.memref_slice %arg7[%multiple_of3A_1636, %dma_start3A_1649] : memref<1000000x64xf32, #tpu.memory_space<hbm>> -> memref<8x64xf32, #tpu.memory_space<hbm>>
        %dma_start3A_1651 = arith.constant 32 : i32
        %dma_start3A_1652 = arith.constant 0 : i32
        %dma_start3A_1653 = tpu.memref_slice %arg12[%dma_start3A_1644, %dma_start3A_1651, %dma_start3A_1652] : memref<2x128x64xf32, #tpu.memory_space<vmem>> -> memref<1x8x64xf32, #tpu.memory_space<vmem>>
        %dma_start3A_1654 = tpu.memref_squeeze %dma_start3A_1653 : memref<1x8x64xf32, #tpu.memory_space<vmem>> -> memref<8x64xf32, #tpu.memory_space<vmem>>
        %dma_start3A_1655 = arith.constant 0 : i32
        %dma_start3A_1656 = tpu.memref_slice %arg7[%multiple_of3A_1636, %dma_start3A_1655] : memref<1000000x64xf32, #tpu.memory_space<hbm>> -> memref<8x64xf32, #tpu.memory_space<hbm>>
        tpu.enqueue_dma source(%dma_start3A_1656 : memref<8x64xf32, #tpu.memory_space<hbm>>) target(%dma_start3A_1654 : memref<8x64xf32, #tpu.memory_space<vmem>>) target_semaphore(%arg19 : memref<!tpu.dma_semaphore, #tpu.memory_space<semaphore_mem>>)
        %dma_start3A_1657 = arith.constant 1 : i32
        %dma_start3A_1658 = arith.constant 32 : i32
        %dma_start3A_1659 = arith.constant 0 : i32
        %dma_start3A_1660 = tpu.memref_slice %arg13[%dma_start3A_1657, %dma_start3A_1658, %dma_start3A_1659] : memref<2x128x64xf32, #tpu.memory_space<vmem>> -> memref<1x8x64xf32, #tpu.memory_space<vmem>>
        %dma_start3A_1661 = tpu.memref_squeeze %dma_start3A_1660 : memref<1x8x64xf32, #tpu.memory_space<vmem>> -> memref<8x64xf32, #tpu.memory_space<vmem>>
        %dma_start3A_1662 = arith.constant 0 : i32
        %dma_start3A_1663 = tpu.memref_slice %arg7[%multiple_of3A_1643, %dma_start3A_1662] : memref<1000000x64xf32, #tpu.memory_space<hbm>> -> memref<8x64xf32, #tpu.memory_space<hbm>>
        %dma_start3A_1664 = arith.constant 32 : i32
        %dma_start3A_1665 = arith.constant 0 : i32
        %dma_start3A_1666 = tpu.memref_slice %arg13[%dma_start3A_1657, %dma_start3A_1664, %dma_start3A_1665] : memref<2x128x64xf32, #tpu.memory_space<vmem>> -> memref<1x8x64xf32, #tpu.memory_space<vmem>>
        %dma_start3A_1667 = tpu.memref_squeeze %dma_start3A_1666 : memref<1x8x64xf32, #tpu.memory_space<vmem>> -> memref<8x64xf32, #tpu.memory_space<vmem>>
        %dma_start3A_1668 = arith.constant 0 : i32
        %dma_start3A_1669 = tpu.memref_slice %arg7[%multiple_of3A_1643, %dma_start3A_1668] : memref<1000000x64xf32, #tpu.memory_space<hbm>> -> memref<8x64xf32, #tpu.memory_space<hbm>>
        tpu.enqueue_dma source(%dma_start3A_1669 : memref<8x64xf32, #tpu.memory_space<hbm>>) target(%dma_start3A_1667 : memref<8x64xf32, #tpu.memory_space<vmem>>) target_semaphore(%arg20 : memref<!tpu.dma_semaphore, #tpu.memory_space<semaphore_mem>>)
        %slice3A_1670 = vector.extract_strided_slice %get3A_1467 {offsets = [5], sizes = [1], strides = [1]} : vector<16xi32> to vector<1xi32>
        %squeeze3A_1671 = vector.extract %slice3A_1670[0] : i32 from vector<1xi32>
        %shift_right_arithmetic3A_1672 = arith.constant 3 : i32
        %shift_right_arithmetic3A_1673 = arith.shrsi %squeeze3A_1671, %shift_right_arithmetic3A_1672 : i32
        %mul3A_1674 = arith.constant 8 : i32
        %mul3A_1675 = arith.muli %shift_right_arithmetic3A_1673, %mul3A_1674 : i32
        %multiple_of3A_1676 = tpu.assume_multiple %mul3A_1675, 8 : i32
        %slice3A_1677 = vector.extract_strided_slice %get3A_1469 {offsets = [5], sizes = [1], strides = [1]} : vector<16xi32> to vector<1xi32>
        %squeeze3A_1678 = vector.extract %slice3A_1677[0] : i32 from vector<1xi32>
        %shift_right_arithmetic3A_1679 = arith.constant 3 : i32
        %shift_right_arithmetic3A_1680 = arith.shrsi %squeeze3A_1678, %shift_right_arithmetic3A_1679 : i32
        %mul3A_1681 = arith.constant 8 : i32
        %mul3A_1682 = arith.muli %shift_right_arithmetic3A_1680, %mul3A_1681 : i32
        %multiple_of3A_1683 = tpu.assume_multiple %mul3A_1682, 8 : i32
        %dma_start3A_1684 = arith.constant 1 : i32
        %dma_start3A_1685 = arith.constant 40 : i32
        %dma_start3A_1686 = arith.constant 0 : i32
        %dma_start3A_1687 = tpu.memref_slice %arg12[%dma_start3A_1684, %dma_start3A_1685, %dma_start3A_1686] : memref<2x128x64xf32, #tpu.memory_space<vmem>> -> memref<1x8x64xf32, #tpu.memory_space<vmem>>
        %dma_start3A_1688 = tpu.memref_squeeze %dma_start3A_1687 : memref<1x8x64xf32, #tpu.memory_space<vmem>> -> memref<8x64xf32, #tpu.memory_space<vmem>>
        %dma_start3A_1689 = arith.constant 0 : i32
        %dma_start3A_1690 = tpu.memref_slice %arg7[%multiple_of3A_1676, %dma_start3A_1689] : memref<1000000x64xf32, #tpu.memory_space<hbm>> -> memref<8x64xf32, #tpu.memory_space<hbm>>
        %dma_start3A_1691 = arith.constant 40 : i32
        %dma_start3A_1692 = arith.constant 0 : i32
        %dma_start3A_1693 = tpu.memref_slice %arg12[%dma_start3A_1684, %dma_start3A_1691, %dma_start3A_1692] : memref<2x128x64xf32, #tpu.memory_space<vmem>> -> memref<1x8x64xf32, #tpu.memory_space<vmem>>
        %dma_start3A_1694 = tpu.memref_squeeze %dma_start3A_1693 : memref<1x8x64xf32, #tpu.memory_space<vmem>> -> memref<8x64xf32, #tpu.memory_space<vmem>>
        %dma_start3A_1695 = arith.constant 0 : i32
        %dma_start3A_1696 = tpu.memref_slice %arg7[%multiple_of3A_1676, %dma_start3A_1695] : memref<1000000x64xf32, #tpu.memory_space<hbm>> -> memref<8x64xf32, #tpu.memory_space<hbm>>
        tpu.enqueue_dma source(%dma_start3A_1696 : memref<8x64xf32, #tpu.memory_space<hbm>>) target(%dma_start3A_1694 : memref<8x64xf32, #tpu.memory_space<vmem>>) target_semaphore(%arg19 : memref<!tpu.dma_semaphore, #tpu.memory_space<semaphore_mem>>)
        %dma_start3A_1697 = arith.constant 1 : i32
        %dma_start3A_1698 = arith.constant 40 : i32
        %dma_start3A_1699 = arith.constant 0 : i32
        %dma_start3A_1700 = tpu.memref_slice %arg13[%dma_start3A_1697, %dma_start3A_1698, %dma_start3A_1699] : memref<2x128x64xf32, #tpu.memory_space<vmem>> -> memref<1x8x64xf32, #tpu.memory_space<vmem>>
        %dma_start3A_1701 = tpu.memref_squeeze %dma_start3A_1700 : memref<1x8x64xf32, #tpu.memory_space<vmem>> -> memref<8x64xf32, #tpu.memory_space<vmem>>
        %dma_start3A_1702 = arith.constant 0 : i32
        %dma_start3A_1703 = tpu.memref_slice %arg7[%multiple_of3A_1683, %dma_start3A_1702] : memref<1000000x64xf32, #tpu.memory_space<hbm>> -> memref<8x64xf32, #tpu.memory_space<hbm>>
        %dma_start3A_1704 = arith.constant 40 : i32
        %dma_start3A_1705 = arith.constant 0 : i32
        %dma_start3A_1706 = tpu.memref_slice %arg13[%dma_start3A_1697, %dma_start3A_1704, %dma_start3A_1705] : memref<2x128x64xf32, #tpu.memory_space<vmem>> -> memref<1x8x64xf32, #tpu.memory_space<vmem>>
        %dma_start3A_1707 = tpu.memref_squeeze %dma_start3A_1706 : memref<1x8x64xf32, #tpu.memory_space<vmem>> -> memref<8x64xf32, #tpu.memory_space<vmem>>
        %dma_start3A_1708 = arith.constant 0 : i32
        %dma_start3A_1709 = tpu.memref_slice %arg7[%multiple_of3A_1683, %dma_start3A_1708] : memref<1000000x64xf32, #tpu.memory_space<hbm>> -> memref<8x64xf32, #tpu.memory_space<hbm>>
        tpu.enqueue_dma source(%dma_start3A_1709 : memref<8x64xf32, #tpu.memory_space<hbm>>) target(%dma_start3A_1707 : memref<8x64xf32, #tpu.memory_space<vmem>>) target_semaphore(%arg20 : memref<!tpu.dma_semaphore, #tpu.memory_space<semaphore_mem>>)
        %slice3A_1710 = vector.extract_strided_slice %get3A_1467 {offsets = [6], sizes = [1], strides = [1]} : vector<16xi32> to vector<1xi32>
        %squeeze3A_1711 = vector.extract %slice3A_1710[0] : i32 from vector<1xi32>
        %shift_right_arithmetic3A_1712 = arith.constant 3 : i32
        %shift_right_arithmetic3A_1713 = arith.shrsi %squeeze3A_1711, %shift_right_arithmetic3A_1712 : i32
        %mul3A_1714 = arith.constant 8 : i32
        %mul3A_1715 = arith.muli %shift_right_arithmetic3A_1713, %mul3A_1714 : i32
        %multiple_of3A_1716 = tpu.assume_multiple %mul3A_1715, 8 : i32
        %slice3A_1717 = vector.extract_strided_slice %get3A_1469 {offsets = [6], sizes = [1], strides = [1]} : vector<16xi32> to vector<1xi32>
        %squeeze3A_1718 = vector.extract %slice3A_1717[0] : i32 from vector<1xi32>
        %shift_right_arithmetic3A_1719 = arith.constant 3 : i32
        %shift_right_arithmetic3A_1720 = arith.shrsi %squeeze3A_1718, %shift_right_arithmetic3A_1719 : i32
        %mul3A_1721 = arith.constant 8 : i32
        %mul3A_1722 = arith.muli %shift_right_arithmetic3A_1720, %mul3A_1721 : i32
        %multiple_of3A_1723 = tpu.assume_multiple %mul3A_1722, 8 : i32
        %dma_start3A_1724 = arith.constant 1 : i32
        %dma_start3A_1725 = arith.constant 48 : i32
        %dma_start3A_1726 = arith.constant 0 : i32
        %dma_start3A_1727 = tpu.memref_slice %arg12[%dma_start3A_1724, %dma_start3A_1725, %dma_start3A_1726] : memref<2x128x64xf32, #tpu.memory_space<vmem>> -> memref<1x8x64xf32, #tpu.memory_space<vmem>>
        %dma_start3A_1728 = tpu.memref_squeeze %dma_start3A_1727 : memref<1x8x64xf32, #tpu.memory_space<vmem>> -> memref<8x64xf32, #tpu.memory_space<vmem>>
        %dma_start3A_1729 = arith.constant 0 : i32
        %dma_start3A_1730 = tpu.memref_slice %arg7[%multiple_of3A_1716, %dma_start3A_1729] : memref<1000000x64xf32, #tpu.memory_space<hbm>> -> memref<8x64xf32, #tpu.memory_space<hbm>>
        %dma_start3A_1731 = arith.constant 48 : i32
        %dma_start3A_1732 = arith.constant 0 : i32
        %dma_start3A_1733 = tpu.memref_slice %arg12[%dma_start3A_1724, %dma_start3A_1731, %dma_start3A_1732] : memref<2x128x64xf32, #tpu.memory_space<vmem>> -> memref<1x8x64xf32, #tpu.memory_space<vmem>>
        %dma_start3A_1734 = tpu.memref_squeeze %dma_start3A_1733 : memref<1x8x64xf32, #tpu.memory_space<vmem>> -> memref<8x64xf32, #tpu.memory_space<vmem>>
        %dma_start3A_1735 = arith.constant 0 : i32
        %dma_start3A_1736 = tpu.memref_slice %arg7[%multiple_of3A_1716, %dma_start3A_1735] : memref<1000000x64xf32, #tpu.memory_space<hbm>> -> memref<8x64xf32, #tpu.memory_space<hbm>>
        tpu.enqueue_dma source(%dma_start3A_1736 : memref<8x64xf32, #tpu.memory_space<hbm>>) target(%dma_start3A_1734 : memref<8x64xf32, #tpu.memory_space<vmem>>) target_semaphore(%arg19 : memref<!tpu.dma_semaphore, #tpu.memory_space<semaphore_mem>>)
        %dma_start3A_1737 = arith.constant 1 : i32
        %dma_start3A_1738 = arith.constant 48 : i32
        %dma_start3A_1739 = arith.constant 0 : i32
        %dma_start3A_1740 = tpu.memref_slice %arg13[%dma_start3A_1737, %dma_start3A_1738, %dma_start3A_1739] : memref<2x128x64xf32, #tpu.memory_space<vmem>> -> memref<1x8x64xf32, #tpu.memory_space<vmem>>
        %dma_start3A_1741 = tpu.memref_squeeze %dma_start3A_1740 : memref<1x8x64xf32, #tpu.memory_space<vmem>> -> memref<8x64xf32, #tpu.memory_space<vmem>>
        %dma_start3A_1742 = arith.constant 0 : i32
        %dma_start3A_1743 = tpu.memref_slice %arg7[%multiple_of3A_1723, %dma_start3A_1742] : memref<1000000x64xf32, #tpu.memory_space<hbm>> -> memref<8x64xf32, #tpu.memory_space<hbm>>
        %dma_start3A_1744 = arith.constant 48 : i32
        %dma_start3A_1745 = arith.constant 0 : i32
        %dma_start3A_1746 = tpu.memref_slice %arg13[%dma_start3A_1737, %dma_start3A_1744, %dma_start3A_1745] : memref<2x128x64xf32, #tpu.memory_space<vmem>> -> memref<1x8x64xf32, #tpu.memory_space<vmem>>
        %dma_start3A_1747 = tpu.memref_squeeze %dma_start3A_1746 : memref<1x8x64xf32, #tpu.memory_space<vmem>> -> memref<8x64xf32, #tpu.memory_space<vmem>>
        %dma_start3A_1748 = arith.constant 0 : i32
        %dma_start3A_1749 = tpu.memref_slice %arg7[%multiple_of3A_1723, %dma_start3A_1748] : memref<1000000x64xf32, #tpu.memory_space<hbm>> -> memref<8x64xf32, #tpu.memory_space<hbm>>
        tpu.enqueue_dma source(%dma_start3A_1749 : memref<8x64xf32, #tpu.memory_space<hbm>>) target(%dma_start3A_1747 : memref<8x64xf32, #tpu.memory_space<vmem>>) target_semaphore(%arg20 : memref<!tpu.dma_semaphore, #tpu.memory_space<semaphore_mem>>)
        %slice3A_1750 = vector.extract_strided_slice %get3A_1467 {offsets = [7], sizes = [1], strides = [1]} : vector<16xi32> to vector<1xi32>
        %squeeze3A_1751 = vector.extract %slice3A_1750[0] : i32 from vector<1xi32>
        %shift_right_arithmetic3A_1752 = arith.constant 3 : i32
        %shift_right_arithmetic3A_1753 = arith.shrsi %squeeze3A_1751, %shift_right_arithmetic3A_1752 : i32
        %mul3A_1754 = arith.constant 8 : i32
        %mul3A_1755 = arith.muli %shift_right_arithmetic3A_1753, %mul3A_1754 : i32
        %multiple_of3A_1756 = tpu.assume_multiple %mul3A_1755, 8 : i32
        %slice3A_1757 = vector.extract_strided_slice %get3A_1469 {offsets = [7], sizes = [1], strides = [1]} : vector<16xi32> to vector<1xi32>
        %squeeze3A_1758 = vector.extract %slice3A_1757[0] : i32 from vector<1xi32>
        %shift_right_arithmetic3A_1759 = arith.constant 3 : i32
        %shift_right_arithmetic3A_1760 = arith.shrsi %squeeze3A_1758, %shift_right_arithmetic3A_1759 : i32
        %mul3A_1761 = arith.constant 8 : i32
        %mul3A_1762 = arith.muli %shift_right_arithmetic3A_1760, %mul3A_1761 : i32
        %multiple_of3A_1763 = tpu.assume_multiple %mul3A_1762, 8 : i32
        %dma_start3A_1764 = arith.constant 1 : i32
        %dma_start3A_1765 = arith.constant 56 : i32
        %dma_start3A_1766 = arith.constant 0 : i32
        %dma_start3A_1767 = tpu.memref_slice %arg12[%dma_start3A_1764, %dma_start3A_1765, %dma_start3A_1766] : memref<2x128x64xf32, #tpu.memory_space<vmem>> -> memref<1x8x64xf32, #tpu.memory_space<vmem>>
        %dma_start3A_1768 = tpu.memref_squeeze %dma_start3A_1767 : memref<1x8x64xf32, #tpu.memory_space<vmem>> -> memref<8x64xf32, #tpu.memory_space<vmem>>
        %dma_start3A_1769 = arith.constant 0 : i32
        %dma_start3A_1770 = tpu.memref_slice %arg7[%multiple_of3A_1756, %dma_start3A_1769] : memref<1000000x64xf32, #tpu.memory_space<hbm>> -> memref<8x64xf32, #tpu.memory_space<hbm>>
        %dma_start3A_1771 = arith.constant 56 : i32
        %dma_start3A_1772 = arith.constant 0 : i32
        %dma_start3A_1773 = tpu.memref_slice %arg12[%dma_start3A_1764, %dma_start3A_1771, %dma_start3A_1772] : memref<2x128x64xf32, #tpu.memory_space<vmem>> -> memref<1x8x64xf32, #tpu.memory_space<vmem>>
        %dma_start3A_1774 = tpu.memref_squeeze %dma_start3A_1773 : memref<1x8x64xf32, #tpu.memory_space<vmem>> -> memref<8x64xf32, #tpu.memory_space<vmem>>
        %dma_start3A_1775 = arith.constant 0 : i32
        %dma_start3A_1776 = tpu.memref_slice %arg7[%multiple_of3A_1756, %dma_start3A_1775] : memref<1000000x64xf32, #tpu.memory_space<hbm>> -> memref<8x64xf32, #tpu.memory_space<hbm>>
        tpu.enqueue_dma source(%dma_start3A_1776 : memref<8x64xf32, #tpu.memory_space<hbm>>) target(%dma_start3A_1774 : memref<8x64xf32, #tpu.memory_space<vmem>>) target_semaphore(%arg19 : memref<!tpu.dma_semaphore, #tpu.memory_space<semaphore_mem>>)
        %dma_start3A_1777 = arith.constant 1 : i32
        %dma_start3A_1778 = arith.constant 56 : i32
        %dma_start3A_1779 = arith.constant 0 : i32
        %dma_start3A_1780 = tpu.memref_slice %arg13[%dma_start3A_1777, %dma_start3A_1778, %dma_start3A_1779] : memref<2x128x64xf32, #tpu.memory_space<vmem>> -> memref<1x8x64xf32, #tpu.memory_space<vmem>>
        %dma_start3A_1781 = tpu.memref_squeeze %dma_start3A_1780 : memref<1x8x64xf32, #tpu.memory_space<vmem>> -> memref<8x64xf32, #tpu.memory_space<vmem>>
        %dma_start3A_1782 = arith.constant 0 : i32
        %dma_start3A_1783 = tpu.memref_slice %arg7[%multiple_of3A_1763, %dma_start3A_1782] : memref<1000000x64xf32, #tpu.memory_space<hbm>> -> memref<8x64xf32, #tpu.memory_space<hbm>>
        %dma_start3A_1784 = arith.constant 56 : i32
        %dma_start3A_1785 = arith.constant 0 : i32
        %dma_start3A_1786 = tpu.memref_slice %arg13[%dma_start3A_1777, %dma_start3A_1784, %dma_start3A_1785] : memref<2x128x64xf32, #tpu.memory_space<vmem>> -> memref<1x8x64xf32, #tpu.memory_space<vmem>>
        %dma_start3A_1787 = tpu.memref_squeeze %dma_start3A_1786 : memref<1x8x64xf32, #tpu.memory_space<vmem>> -> memref<8x64xf32, #tpu.memory_space<vmem>>
        %dma_start3A_1788 = arith.constant 0 : i32
        %dma_start3A_1789 = tpu.memref_slice %arg7[%multiple_of3A_1763, %dma_start3A_1788] : memref<1000000x64xf32, #tpu.memory_space<hbm>> -> memref<8x64xf32, #tpu.memory_space<hbm>>
        tpu.enqueue_dma source(%dma_start3A_1789 : memref<8x64xf32, #tpu.memory_space<hbm>>) target(%dma_start3A_1787 : memref<8x64xf32, #tpu.memory_space<vmem>>) target_semaphore(%arg20 : memref<!tpu.dma_semaphore, #tpu.memory_space<semaphore_mem>>)
        %slice3A_1790 = vector.extract_strided_slice %get3A_1467 {offsets = [8], sizes = [1], strides = [1]} : vector<16xi32> to vector<1xi32>
        %squeeze3A_1791 = vector.extract %slice3A_1790[0] : i32 from vector<1xi32>
        %shift_right_arithmetic3A_1792 = arith.constant 3 : i32
        %shift_right_arithmetic3A_1793 = arith.shrsi %squeeze3A_1791, %shift_right_arithmetic3A_1792 : i32
        %mul3A_1794 = arith.constant 8 : i32
        %mul3A_1795 = arith.muli %shift_right_arithmetic3A_1793, %mul3A_1794 : i32
        %multiple_of3A_1796 = tpu.assume_multiple %mul3A_1795, 8 : i32
        %slice3A_1797 = vector.extract_strided_slice %get3A_1469 {offsets = [8], sizes = [1], strides = [1]} : vector<16xi32> to vector<1xi32>
        %squeeze3A_1798 = vector.extract %slice3A_1797[0] : i32 from vector<1xi32>
        %shift_right_arithmetic3A_1799 = arith.constant 3 : i32
        %shift_right_arithmetic3A_1800 = arith.shrsi %squeeze3A_1798, %shift_right_arithmetic3A_1799 : i32
        %mul3A_1801 = arith.constant 8 : i32
        %mul3A_1802 = arith.muli %shift_right_arithmetic3A_1800, %mul3A_1801 : i32
        %multiple_of3A_1803 = tpu.assume_multiple %mul3A_1802, 8 : i32
        %dma_start3A_1804 = arith.constant 1 : i32
        %dma_start3A_1805 = arith.constant 64 : i32
        %dma_start3A_1806 = arith.constant 0 : i32
        %dma_start3A_1807 = tpu.memref_slice %arg12[%dma_start3A_1804, %dma_start3A_1805, %dma_start3A_1806] : memref<2x128x64xf32, #tpu.memory_space<vmem>> -> memref<1x8x64xf32, #tpu.memory_space<vmem>>
        %dma_start3A_1808 = tpu.memref_squeeze %dma_start3A_1807 : memref<1x8x64xf32, #tpu.memory_space<vmem>> -> memref<8x64xf32, #tpu.memory_space<vmem>>
        %dma_start3A_1809 = arith.constant 0 : i32
        %dma_start3A_1810 = tpu.memref_slice %arg7[%multiple_of3A_1796, %dma_start3A_1809] : memref<1000000x64xf32, #tpu.memory_space<hbm>> -> memref<8x64xf32, #tpu.memory_space<hbm>>
        %dma_start3A_1811 = arith.constant 64 : i32
        %dma_start3A_1812 = arith.constant 0 : i32
        %dma_start3A_1813 = tpu.memref_slice %arg12[%dma_start3A_1804, %dma_start3A_1811, %dma_start3A_1812] : memref<2x128x64xf32, #tpu.memory_space<vmem>> -> memref<1x8x64xf32, #tpu.memory_space<vmem>>
        %dma_start3A_1814 = tpu.memref_squeeze %dma_start3A_1813 : memref<1x8x64xf32, #tpu.memory_space<vmem>> -> memref<8x64xf32, #tpu.memory_space<vmem>>
        %dma_start3A_1815 = arith.constant 0 : i32
        %dma_start3A_1816 = tpu.memref_slice %arg7[%multiple_of3A_1796, %dma_start3A_1815] : memref<1000000x64xf32, #tpu.memory_space<hbm>> -> memref<8x64xf32, #tpu.memory_space<hbm>>
        tpu.enqueue_dma source(%dma_start3A_1816 : memref<8x64xf32, #tpu.memory_space<hbm>>) target(%dma_start3A_1814 : memref<8x64xf32, #tpu.memory_space<vmem>>) target_semaphore(%arg19 : memref<!tpu.dma_semaphore, #tpu.memory_space<semaphore_mem>>)
        %dma_start3A_1817 = arith.constant 1 : i32
        %dma_start3A_1818 = arith.constant 64 : i32
        %dma_start3A_1819 = arith.constant 0 : i32
        %dma_start3A_1820 = tpu.memref_slice %arg13[%dma_start3A_1817, %dma_start3A_1818, %dma_start3A_1819] : memref<2x128x64xf32, #tpu.memory_space<vmem>> -> memref<1x8x64xf32, #tpu.memory_space<vmem>>
        %dma_start3A_1821 = tpu.memref_squeeze %dma_start3A_1820 : memref<1x8x64xf32, #tpu.memory_space<vmem>> -> memref<8x64xf32, #tpu.memory_space<vmem>>
        %dma_start3A_1822 = arith.constant 0 : i32
        %dma_start3A_1823 = tpu.memref_slice %arg7[%multiple_of3A_1803, %dma_start3A_1822] : memref<1000000x64xf32, #tpu.memory_space<hbm>> -> memref<8x64xf32, #tpu.memory_space<hbm>>
        %dma_start3A_1824 = arith.constant 64 : i32
        %dma_start3A_1825 = arith.constant 0 : i32
        %dma_start3A_1826 = tpu.memref_slice %arg13[%dma_start3A_1817, %dma_start3A_1824, %dma_start3A_1825] : memref<2x128x64xf32, #tpu.memory_space<vmem>> -> memref<1x8x64xf32, #tpu.memory_space<vmem>>
        %dma_start3A_1827 = tpu.memref_squeeze %dma_start3A_1826 : memref<1x8x64xf32, #tpu.memory_space<vmem>> -> memref<8x64xf32, #tpu.memory_space<vmem>>
        %dma_start3A_1828 = arith.constant 0 : i32
        %dma_start3A_1829 = tpu.memref_slice %arg7[%multiple_of3A_1803, %dma_start3A_1828] : memref<1000000x64xf32, #tpu.memory_space<hbm>> -> memref<8x64xf32, #tpu.memory_space<hbm>>
        tpu.enqueue_dma source(%dma_start3A_1829 : memref<8x64xf32, #tpu.memory_space<hbm>>) target(%dma_start3A_1827 : memref<8x64xf32, #tpu.memory_space<vmem>>) target_semaphore(%arg20 : memref<!tpu.dma_semaphore, #tpu.memory_space<semaphore_mem>>)
        %slice3A_1830 = vector.extract_strided_slice %get3A_1467 {offsets = [9], sizes = [1], strides = [1]} : vector<16xi32> to vector<1xi32>
        %squeeze3A_1831 = vector.extract %slice3A_1830[0] : i32 from vector<1xi32>
        %shift_right_arithmetic3A_1832 = arith.constant 3 : i32
        %shift_right_arithmetic3A_1833 = arith.shrsi %squeeze3A_1831, %shift_right_arithmetic3A_1832 : i32
        %mul3A_1834 = arith.constant 8 : i32
        %mul3A_1835 = arith.muli %shift_right_arithmetic3A_1833, %mul3A_1834 : i32
        %multiple_of3A_1836 = tpu.assume_multiple %mul3A_1835, 8 : i32
        %slice3A_1837 = vector.extract_strided_slice %get3A_1469 {offsets = [9], sizes = [1], strides = [1]} : vector<16xi32> to vector<1xi32>
        %squeeze3A_1838 = vector.extract %slice3A_1837[0] : i32 from vector<1xi32>
        %shift_right_arithmetic3A_1839 = arith.constant 3 : i32
        %shift_right_arithmetic3A_1840 = arith.shrsi %squeeze3A_1838, %shift_right_arithmetic3A_1839 : i32
        %mul3A_1841 = arith.constant 8 : i32
        %mul3A_1842 = arith.muli %shift_right_arithmetic3A_1840, %mul3A_1841 : i32
        %multiple_of3A_1843 = tpu.assume_multiple %mul3A_1842, 8 : i32
        %dma_start3A_1844 = arith.constant 1 : i32
        %dma_start3A_1845 = arith.constant 72 : i32
        %dma_start3A_1846 = arith.constant 0 : i32
        %dma_start3A_1847 = tpu.memref_slice %arg12[%dma_start3A_1844, %dma_start3A_1845, %dma_start3A_1846] : memref<2x128x64xf32, #tpu.memory_space<vmem>> -> memref<1x8x64xf32, #tpu.memory_space<vmem>>
        %dma_start3A_1848 = tpu.memref_squeeze %dma_start3A_1847 : memref<1x8x64xf32, #tpu.memory_space<vmem>> -> memref<8x64xf32, #tpu.memory_space<vmem>>
        %dma_start3A_1849 = arith.constant 0 : i32
        %dma_start3A_1850 = tpu.memref_slice %arg7[%multiple_of3A_1836, %dma_start3A_1849] : memref<1000000x64xf32, #tpu.memory_space<hbm>> -> memref<8x64xf32, #tpu.memory_space<hbm>>
        %dma_start3A_1851 = arith.constant 72 : i32
        %dma_start3A_1852 = arith.constant 0 : i32
        %dma_start3A_1853 = tpu.memref_slice %arg12[%dma_start3A_1844, %dma_start3A_1851, %dma_start3A_1852] : memref<2x128x64xf32, #tpu.memory_space<vmem>> -> memref<1x8x64xf32, #tpu.memory_space<vmem>>
        %dma_start3A_1854 = tpu.memref_squeeze %dma_start3A_1853 : memref<1x8x64xf32, #tpu.memory_space<vmem>> -> memref<8x64xf32, #tpu.memory_space<vmem>>
        %dma_start3A_1855 = arith.constant 0 : i32
        %dma_start3A_1856 = tpu.memref_slice %arg7[%multiple_of3A_1836, %dma_start3A_1855] : memref<1000000x64xf32, #tpu.memory_space<hbm>> -> memref<8x64xf32, #tpu.memory_space<hbm>>
        tpu.enqueue_dma source(%dma_start3A_1856 : memref<8x64xf32, #tpu.memory_space<hbm>>) target(%dma_start3A_1854 : memref<8x64xf32, #tpu.memory_space<vmem>>) target_semaphore(%arg19 : memref<!tpu.dma_semaphore, #tpu.memory_space<semaphore_mem>>)
        %dma_start3A_1857 = arith.constant 1 : i32
        %dma_start3A_1858 = arith.constant 72 : i32
        %dma_start3A_1859 = arith.constant 0 : i32
        %dma_start3A_1860 = tpu.memref_slice %arg13[%dma_start3A_1857, %dma_start3A_1858, %dma_start3A_1859] : memref<2x128x64xf32, #tpu.memory_space<vmem>> -> memref<1x8x64xf32, #tpu.memory_space<vmem>>
        %dma_start3A_1861 = tpu.memref_squeeze %dma_start3A_1860 : memref<1x8x64xf32, #tpu.memory_space<vmem>> -> memref<8x64xf32, #tpu.memory_space<vmem>>
        %dma_start3A_1862 = arith.constant 0 : i32
        %dma_start3A_1863 = tpu.memref_slice %arg7[%multiple_of3A_1843, %dma_start3A_1862] : memref<1000000x64xf32, #tpu.memory_space<hbm>> -> memref<8x64xf32, #tpu.memory_space<hbm>>
        %dma_start3A_1864 = arith.constant 72 : i32
        %dma_start3A_1865 = arith.constant 0 : i32
        %dma_start3A_1866 = tpu.memref_slice %arg13[%dma_start3A_1857, %dma_start3A_1864, %dma_start3A_1865] : memref<2x128x64xf32, #tpu.memory_space<vmem>> -> memref<1x8x64xf32, #tpu.memory_space<vmem>>
        %dma_start3A_1867 = tpu.memref_squeeze %dma_start3A_1866 : memref<1x8x64xf32, #tpu.memory_space<vmem>> -> memref<8x64xf32, #tpu.memory_space<vmem>>
        %dma_start3A_1868 = arith.constant 0 : i32
        %dma_start3A_1869 = tpu.memref_slice %arg7[%multiple_of3A_1843, %dma_start3A_1868] : memref<1000000x64xf32, #tpu.memory_space<hbm>> -> memref<8x64xf32, #tpu.memory_space<hbm>>
        tpu.enqueue_dma source(%dma_start3A_1869 : memref<8x64xf32, #tpu.memory_space<hbm>>) target(%dma_start3A_1867 : memref<8x64xf32, #tpu.memory_space<vmem>>) target_semaphore(%arg20 : memref<!tpu.dma_semaphore, #tpu.memory_space<semaphore_mem>>)
        %slice3A_1870 = vector.extract_strided_slice %get3A_1467 {offsets = [10], sizes = [1], strides = [1]} : vector<16xi32> to vector<1xi32>
        %squeeze3A_1871 = vector.extract %slice3A_1870[0] : i32 from vector<1xi32>
        %shift_right_arithmetic3A_1872 = arith.constant 3 : i32
        %shift_right_arithmetic3A_1873 = arith.shrsi %squeeze3A_1871, %shift_right_arithmetic3A_1872 : i32
        %mul3A_1874 = arith.constant 8 : i32
        %mul3A_1875 = arith.muli %shift_right_arithmetic3A_1873, %mul3A_1874 : i32
        %multiple_of3A_1876 = tpu.assume_multiple %mul3A_1875, 8 : i32
        %slice3A_1877 = vector.extract_strided_slice %get3A_1469 {offsets = [10], sizes = [1], strides = [1]} : vector<16xi32> to vector<1xi32>
        %squeeze3A_1878 = vector.extract %slice3A_1877[0] : i32 from vector<1xi32>
        %shift_right_arithmetic3A_1879 = arith.constant 3 : i32
        %shift_right_arithmetic3A_1880 = arith.shrsi %squeeze3A_1878, %shift_right_arithmetic3A_1879 : i32
        %mul3A_1881 = arith.constant 8 : i32
        %mul3A_1882 = arith.muli %shift_right_arithmetic3A_1880, %mul3A_1881 : i32
        %multiple_of3A_1883 = tpu.assume_multiple %mul3A_1882, 8 : i32
        %dma_start3A_1884 = arith.constant 1 : i32
        %dma_start3A_1885 = arith.constant 80 : i32
        %dma_start3A_1886 = arith.constant 0 : i32
        %dma_start3A_1887 = tpu.memref_slice %arg12[%dma_start3A_1884, %dma_start3A_1885, %dma_start3A_1886] : memref<2x128x64xf32, #tpu.memory_space<vmem>> -> memref<1x8x64xf32, #tpu.memory_space<vmem>>
        %dma_start3A_1888 = tpu.memref_squeeze %dma_start3A_1887 : memref<1x8x64xf32, #tpu.memory_space<vmem>> -> memref<8x64xf32, #tpu.memory_space<vmem>>
        %dma_start3A_1889 = arith.constant 0 : i32
        %dma_start3A_1890 = tpu.memref_slice %arg7[%multiple_of3A_1876, %dma_start3A_1889] : memref<1000000x64xf32, #tpu.memory_space<hbm>> -> memref<8x64xf32, #tpu.memory_space<hbm>>
        %dma_start3A_1891 = arith.constant 80 : i32
        %dma_start3A_1892 = arith.constant 0 : i32
        %dma_start3A_1893 = tpu.memref_slice %arg12[%dma_start3A_1884, %dma_start3A_1891, %dma_start3A_1892] : memref<2x128x64xf32, #tpu.memory_space<vmem>> -> memref<1x8x64xf32, #tpu.memory_space<vmem>>
        %dma_start3A_1894 = tpu.memref_squeeze %dma_start3A_1893 : memref<1x8x64xf32, #tpu.memory_space<vmem>> -> memref<8x64xf32, #tpu.memory_space<vmem>>
        %dma_start3A_1895 = arith.constant 0 : i32
        %dma_start3A_1896 = tpu.memref_slice %arg7[%multiple_of3A_1876, %dma_start3A_1895] : memref<1000000x64xf32, #tpu.memory_space<hbm>> -> memref<8x64xf32, #tpu.memory_space<hbm>>
        tpu.enqueue_dma source(%dma_start3A_1896 : memref<8x64xf32, #tpu.memory_space<hbm>>) target(%dma_start3A_1894 : memref<8x64xf32, #tpu.memory_space<vmem>>) target_semaphore(%arg19 : memref<!tpu.dma_semaphore, #tpu.memory_space<semaphore_mem>>)
        %dma_start3A_1897 = arith.constant 1 : i32
        %dma_start3A_1898 = arith.constant 80 : i32
        %dma_start3A_1899 = arith.constant 0 : i32
        %dma_start3A_1900 = tpu.memref_slice %arg13[%dma_start3A_1897, %dma_start3A_1898, %dma_start3A_1899] : memref<2x128x64xf32, #tpu.memory_space<vmem>> -> memref<1x8x64xf32, #tpu.memory_space<vmem>>
        %dma_start3A_1901 = tpu.memref_squeeze %dma_start3A_1900 : memref<1x8x64xf32, #tpu.memory_space<vmem>> -> memref<8x64xf32, #tpu.memory_space<vmem>>
        %dma_start3A_1902 = arith.constant 0 : i32
        %dma_start3A_1903 = tpu.memref_slice %arg7[%multiple_of3A_1883, %dma_start3A_1902] : memref<1000000x64xf32, #tpu.memory_space<hbm>> -> memref<8x64xf32, #tpu.memory_space<hbm>>
        %dma_start3A_1904 = arith.constant 80 : i32
        %dma_start3A_1905 = arith.constant 0 : i32
        %dma_start3A_1906 = tpu.memref_slice %arg13[%dma_start3A_1897, %dma_start3A_1904, %dma_start3A_1905] : memref<2x128x64xf32, #tpu.memory_space<vmem>> -> memref<1x8x64xf32, #tpu.memory_space<vmem>>
        %dma_start3A_1907 = tpu.memref_squeeze %dma_start3A_1906 : memref<1x8x64xf32, #tpu.memory_space<vmem>> -> memref<8x64xf32, #tpu.memory_space<vmem>>
        %dma_start3A_1908 = arith.constant 0 : i32
        %dma_start3A_1909 = tpu.memref_slice %arg7[%multiple_of3A_1883, %dma_start3A_1908] : memref<1000000x64xf32, #tpu.memory_space<hbm>> -> memref<8x64xf32, #tpu.memory_space<hbm>>
        tpu.enqueue_dma source(%dma_start3A_1909 : memref<8x64xf32, #tpu.memory_space<hbm>>) target(%dma_start3A_1907 : memref<8x64xf32, #tpu.memory_space<vmem>>) target_semaphore(%arg20 : memref<!tpu.dma_semaphore, #tpu.memory_space<semaphore_mem>>)
        %slice3A_1910 = vector.extract_strided_slice %get3A_1467 {offsets = [11], sizes = [1], strides = [1]} : vector<16xi32> to vector<1xi32>
        %squeeze3A_1911 = vector.extract %slice3A_1910[0] : i32 from vector<1xi32>
        %shift_right_arithmetic3A_1912 = arith.constant 3 : i32
        %shift_right_arithmetic3A_1913 = arith.shrsi %squeeze3A_1911, %shift_right_arithmetic3A_1912 : i32
        %mul3A_1914 = arith.constant 8 : i32
        %mul3A_1915 = arith.muli %shift_right_arithmetic3A_1913, %mul3A_1914 : i32
        %multiple_of3A_1916 = tpu.assume_multiple %mul3A_1915, 8 : i32
        %slice3A_1917 = vector.extract_strided_slice %get3A_1469 {offsets = [11], sizes = [1], strides = [1]} : vector<16xi32> to vector<1xi32>
        %squeeze3A_1918 = vector.extract %slice3A_1917[0] : i32 from vector<1xi32>
        %shift_right_arithmetic3A_1919 = arith.constant 3 : i32
        %shift_right_arithmetic3A_1920 = arith.shrsi %squeeze3A_1918, %shift_right_arithmetic3A_1919 : i32
        %mul3A_1921 = arith.constant 8 : i32
        %mul3A_1922 = arith.muli %shift_right_arithmetic3A_1920, %mul3A_1921 : i32
        %multiple_of3A_1923 = tpu.assume_multiple %mul3A_1922, 8 : i32
        %dma_start3A_1924 = arith.constant 1 : i32
        %dma_start3A_1925 = arith.constant 88 : i32
        %dma_start3A_1926 = arith.constant 0 : i32
        %dma_start3A_1927 = tpu.memref_slice %arg12[%dma_start3A_1924, %dma_start3A_1925, %dma_start3A_1926] : memref<2x128x64xf32, #tpu.memory_space<vmem>> -> memref<1x8x64xf32, #tpu.memory_space<vmem>>
        %dma_start3A_1928 = tpu.memref_squeeze %dma_start3A_1927 : memref<1x8x64xf32, #tpu.memory_space<vmem>> -> memref<8x64xf32, #tpu.memory_space<vmem>>
        %dma_start3A_1929 = arith.constant 0 : i32
        %dma_start3A_1930 = tpu.memref_slice %arg7[%multiple_of3A_1916, %dma_start3A_1929] : memref<1000000x64xf32, #tpu.memory_space<hbm>> -> memref<8x64xf32, #tpu.memory_space<hbm>>
        %dma_start3A_1931 = arith.constant 88 : i32
        %dma_start3A_1932 = arith.constant 0 : i32
        %dma_start3A_1933 = tpu.memref_slice %arg12[%dma_start3A_1924, %dma_start3A_1931, %dma_start3A_1932] : memref<2x128x64xf32, #tpu.memory_space<vmem>> -> memref<1x8x64xf32, #tpu.memory_space<vmem>>
        %dma_start3A_1934 = tpu.memref_squeeze %dma_start3A_1933 : memref<1x8x64xf32, #tpu.memory_space<vmem>> -> memref<8x64xf32, #tpu.memory_space<vmem>>
        %dma_start3A_1935 = arith.constant 0 : i32
        %dma_start3A_1936 = tpu.memref_slice %arg7[%multiple_of3A_1916, %dma_start3A_1935] : memref<1000000x64xf32, #tpu.memory_space<hbm>> -> memref<8x64xf32, #tpu.memory_space<hbm>>
        tpu.enqueue_dma source(%dma_start3A_1936 : memref<8x64xf32, #tpu.memory_space<hbm>>) target(%dma_start3A_1934 : memref<8x64xf32, #tpu.memory_space<vmem>>) target_semaphore(%arg19 : memref<!tpu.dma_semaphore, #tpu.memory_space<semaphore_mem>>)
        %dma_start3A_1937 = arith.constant 1 : i32
        %dma_start3A_1938 = arith.constant 88 : i32
        %dma_start3A_1939 = arith.constant 0 : i32
        %dma_start3A_1940 = tpu.memref_slice %arg13[%dma_start3A_1937, %dma_start3A_1938, %dma_start3A_1939] : memref<2x128x64xf32, #tpu.memory_space<vmem>> -> memref<1x8x64xf32, #tpu.memory_space<vmem>>
        %dma_start3A_1941 = tpu.memref_squeeze %dma_start3A_1940 : memref<1x8x64xf32, #tpu.memory_space<vmem>> -> memref<8x64xf32, #tpu.memory_space<vmem>>
        %dma_start3A_1942 = arith.constant 0 : i32
        %dma_start3A_1943 = tpu.memref_slice %arg7[%multiple_of3A_1923, %dma_start3A_1942] : memref<1000000x64xf32, #tpu.memory_space<hbm>> -> memref<8x64xf32, #tpu.memory_space<hbm>>
        %dma_start3A_1944 = arith.constant 88 : i32
        %dma_start3A_1945 = arith.constant 0 : i32
        %dma_start3A_1946 = tpu.memref_slice %arg13[%dma_start3A_1937, %dma_start3A_1944, %dma_start3A_1945] : memref<2x128x64xf32, #tpu.memory_space<vmem>> -> memref<1x8x64xf32, #tpu.memory_space<vmem>>
        %dma_start3A_1947 = tpu.memref_squeeze %dma_start3A_1946 : memref<1x8x64xf32, #tpu.memory_space<vmem>> -> memref<8x64xf32, #tpu.memory_space<vmem>>
        %dma_start3A_1948 = arith.constant 0 : i32
        %dma_start3A_1949 = tpu.memref_slice %arg7[%multiple_of3A_1923, %dma_start3A_1948] : memref<1000000x64xf32, #tpu.memory_space<hbm>> -> memref<8x64xf32, #tpu.memory_space<hbm>>
        tpu.enqueue_dma source(%dma_start3A_1949 : memref<8x64xf32, #tpu.memory_space<hbm>>) target(%dma_start3A_1947 : memref<8x64xf32, #tpu.memory_space<vmem>>) target_semaphore(%arg20 : memref<!tpu.dma_semaphore, #tpu.memory_space<semaphore_mem>>)
        %slice3A_1950 = vector.extract_strided_slice %get3A_1467 {offsets = [12], sizes = [1], strides = [1]} : vector<16xi32> to vector<1xi32>
        %squeeze3A_1951 = vector.extract %slice3A_1950[0] : i32 from vector<1xi32>
        %shift_right_arithmetic3A_1952 = arith.constant 3 : i32
        %shift_right_arithmetic3A_1953 = arith.shrsi %squeeze3A_1951, %shift_right_arithmetic3A_1952 : i32
        %mul3A_1954 = arith.constant 8 : i32
        %mul3A_1955 = arith.muli %shift_right_arithmetic3A_1953, %mul3A_1954 : i32
        %multiple_of3A_1956 = tpu.assume_multiple %mul3A_1955, 8 : i32
        %slice3A_1957 = vector.extract_strided_slice %get3A_1469 {offsets = [12], sizes = [1], strides = [1]} : vector<16xi32> to vector<1xi32>
        %squeeze3A_1958 = vector.extract %slice3A_1957[0] : i32 from vector<1xi32>
        %shift_right_arithmetic3A_1959 = arith.constant 3 : i32
        %shift_right_arithmetic3A_1960 = arith.shrsi %squeeze3A_1958, %shift_right_arithmetic3A_1959 : i32
        %mul3A_1961 = arith.constant 8 : i32
        %mul3A_1962 = arith.muli %shift_right_arithmetic3A_1960, %mul3A_1961 : i32
        %multiple_of3A_1963 = tpu.assume_multiple %mul3A_1962, 8 : i32
        %dma_start3A_1964 = arith.constant 1 : i32
        %dma_start3A_1965 = arith.constant 96 : i32
        %dma_start3A_1966 = arith.constant 0 : i32
        %dma_start3A_1967 = tpu.memref_slice %arg12[%dma_start3A_1964, %dma_start3A_1965, %dma_start3A_1966] : memref<2x128x64xf32, #tpu.memory_space<vmem>> -> memref<1x8x64xf32, #tpu.memory_space<vmem>>
        %dma_start3A_1968 = tpu.memref_squeeze %dma_start3A_1967 : memref<1x8x64xf32, #tpu.memory_space<vmem>> -> memref<8x64xf32, #tpu.memory_space<vmem>>
        %dma_start3A_1969 = arith.constant 0 : i32
        %dma_start3A_1970 = tpu.memref_slice %arg7[%multiple_of3A_1956, %dma_start3A_1969] : memref<1000000x64xf32, #tpu.memory_space<hbm>> -> memref<8x64xf32, #tpu.memory_space<hbm>>
        %dma_start3A_1971 = arith.constant 96 : i32
        %dma_start3A_1972 = arith.constant 0 : i32
        %dma_start3A_1973 = tpu.memref_slice %arg12[%dma_start3A_1964, %dma_start3A_1971, %dma_start3A_1972] : memref<2x128x64xf32, #tpu.memory_space<vmem>> -> memref<1x8x64xf32, #tpu.memory_space<vmem>>
        %dma_start3A_1974 = tpu.memref_squeeze %dma_start3A_1973 : memref<1x8x64xf32, #tpu.memory_space<vmem>> -> memref<8x64xf32, #tpu.memory_space<vmem>>
        %dma_start3A_1975 = arith.constant 0 : i32
        %dma_start3A_1976 = tpu.memref_slice %arg7[%multiple_of3A_1956, %dma_start3A_1975] : memref<1000000x64xf32, #tpu.memory_space<hbm>> -> memref<8x64xf32, #tpu.memory_space<hbm>>
        tpu.enqueue_dma source(%dma_start3A_1976 : memref<8x64xf32, #tpu.memory_space<hbm>>) target(%dma_start3A_1974 : memref<8x64xf32, #tpu.memory_space<vmem>>) target_semaphore(%arg19 : memref<!tpu.dma_semaphore, #tpu.memory_space<semaphore_mem>>)
        %dma_start3A_1977 = arith.constant 1 : i32
        %dma_start3A_1978 = arith.constant 96 : i32
        %dma_start3A_1979 = arith.constant 0 : i32
        %dma_start3A_1980 = tpu.memref_slice %arg13[%dma_start3A_1977, %dma_start3A_1978, %dma_start3A_1979] : memref<2x128x64xf32, #tpu.memory_space<vmem>> -> memref<1x8x64xf32, #tpu.memory_space<vmem>>
        %dma_start3A_1981 = tpu.memref_squeeze %dma_start3A_1980 : memref<1x8x64xf32, #tpu.memory_space<vmem>> -> memref<8x64xf32, #tpu.memory_space<vmem>>
        %dma_start3A_1982 = arith.constant 0 : i32
        %dma_start3A_1983 = tpu.memref_slice %arg7[%multiple_of3A_1963, %dma_start3A_1982] : memref<1000000x64xf32, #tpu.memory_space<hbm>> -> memref<8x64xf32, #tpu.memory_space<hbm>>
        %dma_start3A_1984 = arith.constant 96 : i32
        %dma_start3A_1985 = arith.constant 0 : i32
        %dma_start3A_1986 = tpu.memref_slice %arg13[%dma_start3A_1977, %dma_start3A_1984, %dma_start3A_1985] : memref<2x128x64xf32, #tpu.memory_space<vmem>> -> memref<1x8x64xf32, #tpu.memory_space<vmem>>
        %dma_start3A_1987 = tpu.memref_squeeze %dma_start3A_1986 : memref<1x8x64xf32, #tpu.memory_space<vmem>> -> memref<8x64xf32, #tpu.memory_space<vmem>>
        %dma_start3A_1988 = arith.constant 0 : i32
        %dma_start3A_1989 = tpu.memref_slice %arg7[%multiple_of3A_1963, %dma_start3A_1988] : memref<1000000x64xf32, #tpu.memory_space<hbm>> -> memref<8x64xf32, #tpu.memory_space<hbm>>
        tpu.enqueue_dma source(%dma_start3A_1989 : memref<8x64xf32, #tpu.memory_space<hbm>>) target(%dma_start3A_1987 : memref<8x64xf32, #tpu.memory_space<vmem>>) target_semaphore(%arg20 : memref<!tpu.dma_semaphore, #tpu.memory_space<semaphore_mem>>)
        %slice3A_1990 = vector.extract_strided_slice %get3A_1467 {offsets = [13], sizes = [1], strides = [1]} : vector<16xi32> to vector<1xi32>
        %squeeze3A_1991 = vector.extract %slice3A_1990[0] : i32 from vector<1xi32>
        %shift_right_arithmetic3A_1992 = arith.constant 3 : i32
        %shift_right_arithmetic3A_1993 = arith.shrsi %squeeze3A_1991, %shift_right_arithmetic3A_1992 : i32
        %mul3A_1994 = arith.constant 8 : i32
        %mul3A_1995 = arith.muli %shift_right_arithmetic3A_1993, %mul3A_1994 : i32
        %multiple_of3A_1996 = tpu.assume_multiple %mul3A_1995, 8 : i32
        %slice3A_1997 = vector.extract_strided_slice %get3A_1469 {offsets = [13], sizes = [1], strides = [1]} : vector<16xi32> to vector<1xi32>
        %squeeze3A_1998 = vector.extract %slice3A_1997[0] : i32 from vector<1xi32>
        %shift_right_arithmetic3A_1999 = arith.constant 3 : i32
        %shift_right_arithmetic3A_2000 = arith.shrsi %squeeze3A_1998, %shift_right_arithmetic3A_1999 : i32
        %mul3A_2001 = arith.constant 8 : i32
        %mul3A_2002 = arith.muli %shift_right_arithmetic3A_2000, %mul3A_2001 : i32
        %multiple_of3A_2003 = tpu.assume_multiple %mul3A_2002, 8 : i32
        %dma_start3A_2004 = arith.constant 1 : i32
        %dma_start3A_2005 = arith.constant 104 : i32
        %dma_start3A_2006 = arith.constant 0 : i32
        %dma_start3A_2007 = tpu.memref_slice %arg12[%dma_start3A_2004, %dma_start3A_2005, %dma_start3A_2006] : memref<2x128x64xf32, #tpu.memory_space<vmem>> -> memref<1x8x64xf32, #tpu.memory_space<vmem>>
        %dma_start3A_2008 = tpu.memref_squeeze %dma_start3A_2007 : memref<1x8x64xf32, #tpu.memory_space<vmem>> -> memref<8x64xf32, #tpu.memory_space<vmem>>
        %dma_start3A_2009 = arith.constant 0 : i32
        %dma_start3A_2010 = tpu.memref_slice %arg7[%multiple_of3A_1996, %dma_start3A_2009] : memref<1000000x64xf32, #tpu.memory_space<hbm>> -> memref<8x64xf32, #tpu.memory_space<hbm>>
        %dma_start3A_2011 = arith.constant 104 : i32
        %dma_start3A_2012 = arith.constant 0 : i32
        %dma_start3A_2013 = tpu.memref_slice %arg12[%dma_start3A_2004, %dma_start3A_2011, %dma_start3A_2012] : memref<2x128x64xf32, #tpu.memory_space<vmem>> -> memref<1x8x64xf32, #tpu.memory_space<vmem>>
        %dma_start3A_2014 = tpu.memref_squeeze %dma_start3A_2013 : memref<1x8x64xf32, #tpu.memory_space<vmem>> -> memref<8x64xf32, #tpu.memory_space<vmem>>
        %dma_start3A_2015 = arith.constant 0 : i32
        %dma_start3A_2016 = tpu.memref_slice %arg7[%multiple_of3A_1996, %dma_start3A_2015] : memref<1000000x64xf32, #tpu.memory_space<hbm>> -> memref<8x64xf32, #tpu.memory_space<hbm>>
        tpu.enqueue_dma source(%dma_start3A_2016 : memref<8x64xf32, #tpu.memory_space<hbm>>) target(%dma_start3A_2014 : memref<8x64xf32, #tpu.memory_space<vmem>>) target_semaphore(%arg19 : memref<!tpu.dma_semaphore, #tpu.memory_space<semaphore_mem>>)
        %dma_start3A_2017 = arith.constant 1 : i32
        %dma_start3A_2018 = arith.constant 104 : i32
        %dma_start3A_2019 = arith.constant 0 : i32
        %dma_start3A_2020 = tpu.memref_slice %arg13[%dma_start3A_2017, %dma_start3A_2018, %dma_start3A_2019] : memref<2x128x64xf32, #tpu.memory_space<vmem>> -> memref<1x8x64xf32, #tpu.memory_space<vmem>>
        %dma_start3A_2021 = tpu.memref_squeeze %dma_start3A_2020 : memref<1x8x64xf32, #tpu.memory_space<vmem>> -> memref<8x64xf32, #tpu.memory_space<vmem>>
        %dma_start3A_2022 = arith.constant 0 : i32
        %dma_start3A_2023 = tpu.memref_slice %arg7[%multiple_of3A_2003, %dma_start3A_2022] : memref<1000000x64xf32, #tpu.memory_space<hbm>> -> memref<8x64xf32, #tpu.memory_space<hbm>>
        %dma_start3A_2024 = arith.constant 104 : i32
        %dma_start3A_2025 = arith.constant 0 : i32
        %dma_start3A_2026 = tpu.memref_slice %arg13[%dma_start3A_2017, %dma_start3A_2024, %dma_start3A_2025] : memref<2x128x64xf32, #tpu.memory_space<vmem>> -> memref<1x8x64xf32, #tpu.memory_space<vmem>>
        %dma_start3A_2027 = tpu.memref_squeeze %dma_start3A_2026 : memref<1x8x64xf32, #tpu.memory_space<vmem>> -> memref<8x64xf32, #tpu.memory_space<vmem>>
        %dma_start3A_2028 = arith.constant 0 : i32
        %dma_start3A_2029 = tpu.memref_slice %arg7[%multiple_of3A_2003, %dma_start3A_2028] : memref<1000000x64xf32, #tpu.memory_space<hbm>> -> memref<8x64xf32, #tpu.memory_space<hbm>>
        tpu.enqueue_dma source(%dma_start3A_2029 : memref<8x64xf32, #tpu.memory_space<hbm>>) target(%dma_start3A_2027 : memref<8x64xf32, #tpu.memory_space<vmem>>) target_semaphore(%arg20 : memref<!tpu.dma_semaphore, #tpu.memory_space<semaphore_mem>>)
        %slice3A_2030 = vector.extract_strided_slice %get3A_1467 {offsets = [14], sizes = [1], strides = [1]} : vector<16xi32> to vector<1xi32>
        %squeeze3A_2031 = vector.extract %slice3A_2030[0] : i32 from vector<1xi32>
        %shift_right_arithmetic3A_2032 = arith.constant 3 : i32
        %shift_right_arithmetic3A_2033 = arith.shrsi %squeeze3A_2031, %shift_right_arithmetic3A_2032 : i32
        %mul3A_2034 = arith.constant 8 : i32
        %mul3A_2035 = arith.muli %shift_right_arithmetic3A_2033, %mul3A_2034 : i32
        %multiple_of3A_2036 = tpu.assume_multiple %mul3A_2035, 8 : i32
        %slice3A_2037 = vector.extract_strided_slice %get3A_1469 {offsets = [14], sizes = [1], strides = [1]} : vector<16xi32> to vector<1xi32>
        %squeeze3A_2038 = vector.extract %slice3A_2037[0] : i32 from vector<1xi32>
        %shift_right_arithmetic3A_2039 = arith.constant 3 : i32
        %shift_right_arithmetic3A_2040 = arith.shrsi %squeeze3A_2038, %shift_right_arithmetic3A_2039 : i32
        %mul3A_2041 = arith.constant 8 : i32
        %mul3A_2042 = arith.muli %shift_right_arithmetic3A_2040, %mul3A_2041 : i32
        %multiple_of3A_2043 = tpu.assume_multiple %mul3A_2042, 8 : i32
        %dma_start3A_2044 = arith.constant 1 : i32
        %dma_start3A_2045 = arith.constant 112 : i32
        %dma_start3A_2046 = arith.constant 0 : i32
        %dma_start3A_2047 = tpu.memref_slice %arg12[%dma_start3A_2044, %dma_start3A_2045, %dma_start3A_2046] : memref<2x128x64xf32, #tpu.memory_space<vmem>> -> memref<1x8x64xf32, #tpu.memory_space<vmem>>
        %dma_start3A_2048 = tpu.memref_squeeze %dma_start3A_2047 : memref<1x8x64xf32, #tpu.memory_space<vmem>> -> memref<8x64xf32, #tpu.memory_space<vmem>>
        %dma_start3A_2049 = arith.constant 0 : i32
        %dma_start3A_2050 = tpu.memref_slice %arg7[%multiple_of3A_2036, %dma_start3A_2049] : memref<1000000x64xf32, #tpu.memory_space<hbm>> -> memref<8x64xf32, #tpu.memory_space<hbm>>
        %dma_start3A_2051 = arith.constant 112 : i32
        %dma_start3A_2052 = arith.constant 0 : i32
        %dma_start3A_2053 = tpu.memref_slice %arg12[%dma_start3A_2044, %dma_start3A_2051, %dma_start3A_2052] : memref<2x128x64xf32, #tpu.memory_space<vmem>> -> memref<1x8x64xf32, #tpu.memory_space<vmem>>
        %dma_start3A_2054 = tpu.memref_squeeze %dma_start3A_2053 : memref<1x8x64xf32, #tpu.memory_space<vmem>> -> memref<8x64xf32, #tpu.memory_space<vmem>>
        %dma_start3A_2055 = arith.constant 0 : i32
        %dma_start3A_2056 = tpu.memref_slice %arg7[%multiple_of3A_2036, %dma_start3A_2055] : memref<1000000x64xf32, #tpu.memory_space<hbm>> -> memref<8x64xf32, #tpu.memory_space<hbm>>
        tpu.enqueue_dma source(%dma_start3A_2056 : memref<8x64xf32, #tpu.memory_space<hbm>>) target(%dma_start3A_2054 : memref<8x64xf32, #tpu.memory_space<vmem>>) target_semaphore(%arg19 : memref<!tpu.dma_semaphore, #tpu.memory_space<semaphore_mem>>)
        %dma_start3A_2057 = arith.constant 1 : i32
        %dma_start3A_2058 = arith.constant 112 : i32
        %dma_start3A_2059 = arith.constant 0 : i32
        %dma_start3A_2060 = tpu.memref_slice %arg13[%dma_start3A_2057, %dma_start3A_2058, %dma_start3A_2059] : memref<2x128x64xf32, #tpu.memory_space<vmem>> -> memref<1x8x64xf32, #tpu.memory_space<vmem>>
        %dma_start3A_2061 = tpu.memref_squeeze %dma_start3A_2060 : memref<1x8x64xf32, #tpu.memory_space<vmem>> -> memref<8x64xf32, #tpu.memory_space<vmem>>
        %dma_start3A_2062 = arith.constant 0 : i32
        %dma_start3A_2063 = tpu.memref_slice %arg7[%multiple_of3A_2043, %dma_start3A_2062] : memref<1000000x64xf32, #tpu.memory_space<hbm>> -> memref<8x64xf32, #tpu.memory_space<hbm>>
        %dma_start3A_2064 = arith.constant 112 : i32
        %dma_start3A_2065 = arith.constant 0 : i32
        %dma_start3A_2066 = tpu.memref_slice %arg13[%dma_start3A_2057, %dma_start3A_2064, %dma_start3A_2065] : memref<2x128x64xf32, #tpu.memory_space<vmem>> -> memref<1x8x64xf32, #tpu.memory_space<vmem>>
        %dma_start3A_2067 = tpu.memref_squeeze %dma_start3A_2066 : memref<1x8x64xf32, #tpu.memory_space<vmem>> -> memref<8x64xf32, #tpu.memory_space<vmem>>
        %dma_start3A_2068 = arith.constant 0 : i32
        %dma_start3A_2069 = tpu.memref_slice %arg7[%multiple_of3A_2043, %dma_start3A_2068] : memref<1000000x64xf32, #tpu.memory_space<hbm>> -> memref<8x64xf32, #tpu.memory_space<hbm>>
        tpu.enqueue_dma source(%dma_start3A_2069 : memref<8x64xf32, #tpu.memory_space<hbm>>) target(%dma_start3A_2067 : memref<8x64xf32, #tpu.memory_space<vmem>>) target_semaphore(%arg20 : memref<!tpu.dma_semaphore, #tpu.memory_space<semaphore_mem>>)
        %slice3A_2070 = vector.extract_strided_slice %get3A_1467 {offsets = [15], sizes = [1], strides = [1]} : vector<16xi32> to vector<1xi32>
        %squeeze3A_2071 = vector.extract %slice3A_2070[0] : i32 from vector<1xi32>
        %shift_right_arithmetic3A_2072 = arith.constant 3 : i32
        %shift_right_arithmetic3A_2073 = arith.shrsi %squeeze3A_2071, %shift_right_arithmetic3A_2072 : i32
        %mul3A_2074 = arith.constant 8 : i32
        %mul3A_2075 = arith.muli %shift_right_arithmetic3A_2073, %mul3A_2074 : i32
        %multiple_of3A_2076 = tpu.assume_multiple %mul3A_2075, 8 : i32
        %slice3A_2077 = vector.extract_strided_slice %get3A_1469 {offsets = [15], sizes = [1], strides = [1]} : vector<16xi32> to vector<1xi32>
        %squeeze3A_2078 = vector.extract %slice3A_2077[0] : i32 from vector<1xi32>
        %shift_right_arithmetic3A_2079 = arith.constant 3 : i32
        %shift_right_arithmetic3A_2080 = arith.shrsi %squeeze3A_2078, %shift_right_arithmetic3A_2079 : i32
        %mul3A_2081 = arith.constant 8 : i32
        %mul3A_2082 = arith.muli %shift_right_arithmetic3A_2080, %mul3A_2081 : i32
        %multiple_of3A_2083 = tpu.assume_multiple %mul3A_2082, 8 : i32
        %dma_start3A_2084 = arith.constant 1 : i32
        %dma_start3A_2085 = arith.constant 120 : i32
        %dma_start3A_2086 = arith.constant 0 : i32
        %dma_start3A_2087 = tpu.memref_slice %arg12[%dma_start3A_2084, %dma_start3A_2085, %dma_start3A_2086] : memref<2x128x64xf32, #tpu.memory_space<vmem>> -> memref<1x8x64xf32, #tpu.memory_space<vmem>>
        %dma_start3A_2088 = tpu.memref_squeeze %dma_start3A_2087 : memref<1x8x64xf32, #tpu.memory_space<vmem>> -> memref<8x64xf32, #tpu.memory_space<vmem>>
        %dma_start3A_2089 = arith.constant 0 : i32
        %dma_start3A_2090 = tpu.memref_slice %arg7[%multiple_of3A_2076, %dma_start3A_2089] : memref<1000000x64xf32, #tpu.memory_space<hbm>> -> memref<8x64xf32, #tpu.memory_space<hbm>>
        %dma_start3A_2091 = arith.constant 120 : i32
        %dma_start3A_2092 = arith.constant 0 : i32
        %dma_start3A_2093 = tpu.memref_slice %arg12[%dma_start3A_2084, %dma_start3A_2091, %dma_start3A_2092] : memref<2x128x64xf32, #tpu.memory_space<vmem>> -> memref<1x8x64xf32, #tpu.memory_space<vmem>>
        %dma_start3A_2094 = tpu.memref_squeeze %dma_start3A_2093 : memref<1x8x64xf32, #tpu.memory_space<vmem>> -> memref<8x64xf32, #tpu.memory_space<vmem>>
        %dma_start3A_2095 = arith.constant 0 : i32
        %dma_start3A_2096 = tpu.memref_slice %arg7[%multiple_of3A_2076, %dma_start3A_2095] : memref<1000000x64xf32, #tpu.memory_space<hbm>> -> memref<8x64xf32, #tpu.memory_space<hbm>>
        tpu.enqueue_dma source(%dma_start3A_2096 : memref<8x64xf32, #tpu.memory_space<hbm>>) target(%dma_start3A_2094 : memref<8x64xf32, #tpu.memory_space<vmem>>) target_semaphore(%arg19 : memref<!tpu.dma_semaphore, #tpu.memory_space<semaphore_mem>>)
        %dma_start3A_2097 = arith.constant 1 : i32
        %dma_start3A_2098 = arith.constant 120 : i32
        %dma_start3A_2099 = arith.constant 0 : i32
        %dma_start3A_2100 = tpu.memref_slice %arg13[%dma_start3A_2097, %dma_start3A_2098, %dma_start3A_2099] : memref<2x128x64xf32, #tpu.memory_space<vmem>> -> memref<1x8x64xf32, #tpu.memory_space<vmem>>
        %dma_start3A_2101 = tpu.memref_squeeze %dma_start3A_2100 : memref<1x8x64xf32, #tpu.memory_space<vmem>> -> memref<8x64xf32, #tpu.memory_space<vmem>>
        %dma_start3A_2102 = arith.constant 0 : i32
        %dma_start3A_2103 = tpu.memref_slice %arg7[%multiple_of3A_2083, %dma_start3A_2102] : memref<1000000x64xf32, #tpu.memory_space<hbm>> -> memref<8x64xf32, #tpu.memory_space<hbm>>
        %dma_start3A_2104 = arith.constant 120 : i32
        %dma_start3A_2105 = arith.constant 0 : i32
        %dma_start3A_2106 = tpu.memref_slice %arg13[%dma_start3A_2097, %dma_start3A_2104, %dma_start3A_2105] : memref<2x128x64xf32, #tpu.memory_space<vmem>> -> memref<1x8x64xf32, #tpu.memory_space<vmem>>
        %dma_start3A_2107 = tpu.memref_squeeze %dma_start3A_2106 : memref<1x8x64xf32, #tpu.memory_space<vmem>> -> memref<8x64xf32, #tpu.memory_space<vmem>>
        %dma_start3A_2108 = arith.constant 0 : i32
        %dma_start3A_2109 = tpu.memref_slice %arg7[%multiple_of3A_2083, %dma_start3A_2108] : memref<1000000x64xf32, #tpu.memory_space<hbm>> -> memref<8x64xf32, #tpu.memory_space<hbm>>
        tpu.enqueue_dma source(%dma_start3A_2109 : memref<8x64xf32, #tpu.memory_space<hbm>>) target(%dma_start3A_2107 : memref<8x64xf32, #tpu.memory_space<vmem>>) target_semaphore(%arg20 : memref<!tpu.dma_semaphore, #tpu.memory_space<semaphore_mem>>)
      } else {
      }
    }
    %scan3A_1296 = arith.constant 16 : i32
    "tpu.region"() ({
      %run_scoped3A = tpu.sem_alloc : memref<!tpu.dma_semaphore, #tpu.memory_space<semaphore_mem>>
      %dma_start3A_1297 = tpu.memref_slice %arg8[%mul3A_2] : memref<16384xf32, #tpu.memory_space<hbm>> -> memref<512xf32, #tpu.memory_space<hbm>>
      %dma_start3A_1298 = tpu.memref_slice %arg8[%mul3A_2] : memref<16384xf32, #tpu.memory_space<hbm>> -> memref<512xf32, #tpu.memory_space<hbm>>
      tpu.enqueue_dma source(%arg16 : memref<512xf32, #tpu.memory_space<vmem>>) target(%dma_start3A_1298 : memref<512xf32, #tpu.memory_space<hbm>>) target_semaphore(%run_scoped3A : memref<!tpu.dma_semaphore, #tpu.memory_space<semaphore_mem>>)
      %dma_wait3A_1299 = tpu.memref_slice %arg8[%mul3A_2] : memref<16384xf32, #tpu.memory_space<hbm>> -> memref<512xf32, #tpu.memory_space<hbm>>
      %dma_wait3A_1300 = tpu.memref_slice %arg8[%mul3A_2] : memref<16384xf32, #tpu.memory_space<hbm>> -> memref<512xf32, #tpu.memory_space<hbm>>
      tpu.wait_dma2 semaphore(%run_scoped3A : memref<!tpu.dma_semaphore, #tpu.memory_space<semaphore_mem>>) src(%arg16 : memref<512xf32, #tpu.memory_space<vmem>>) dst(%dma_wait3A_1300 : memref<512xf32, #tpu.memory_space<hbm>>)
      tpu.yield
    }) : () -> ()
    return
  }
}

</mosaic_0001>

<sc_bundles>
// kernel: _run.3.cloned.1.call-start
scs
__scs_entry_jumppad:
0x0: {  	(pc) =	sbr.rel $0x88, $3  }
0x1: {  	(tag) =	ssettag $0x0;
	lr =	simm.s32 $0x1  }
0x2: {  	[smem:$0x3F9B] =	sst lr;
	_ =	strace $0xD0000000  }
0x3: {  	_ = 	snop  }
0x4: {  	_ = 	snop  }
0x5: {  	_ = 	snop  }
0x6: {  	_ = 	snop  }
0x7: {  	_ = 	snop  }
__scs_overlays_trampoline_lowered:
0x8: {  	[smem:$0x3FAA] =	sst s0  }
0x9: {  	[smem:$0x3FAB] =	sst s1  }
0xa: {  	[smem:$0x3FAC] =	sst s2  }
0xb: {  	[smem:$0x3FAD] =	sst s3  }
0xc: {  	[smem:$0x3FAE] =	sst s4  }
0xd: {  	[smem:$0x3FAF] =	sst s5  }
0xe: {  	[smem:$0x3FB0] =	sst s6  }
0xf: {  	[smem:$0x3FB1] =	sst s7  }
0x10: {  	[smem:$0x3FB2] =	sst s8  }
0x11: {  	[smem:$0x3FB3] =	sst s9;
	s0 =	simm.s32 @!p0 $0x0  }
0x12: {  	s1 =	sld [smem:$0x3F99];
	s0 =	simm.s32 @p0 $0x1  }
0x13: {  	[smem:$0x3FB4] =	sst s0;
	s0 =	simm.s32 @!p1 $0x0  }
0x14: {  	s2 =	sld [smem:$0x3F98];
	s0 =	simm.s32 @p1 $0x1  }
0x15: {  	[smem:$0x3FB5] =	sst s0;
	s0 =	simm.s32 @!p2 $0x0  }
0x16: {  	s3 =	sld [smem:$0x3FDB];
	s0 =	simm.s32 @p2 $0x1  }
0x17: {  	s4 =	simm.s32 $0x1BF5;
	[smem:$0x3FB7] =	sst s0  }
0x18: {  	s0 =	sld [smem:$0x3F9A];
	_ =	swait.ge [sflag:s4], $0x0  }
0x19: {  	s7 =	sld [smem:$0x3F9B]  }
0x1a: {  	s8 =	sadd.s32 $0xFFFFE003, lr  }
0x1b: {  	s9 =	sadd.s32 $0xFFFFFEF7, lr;
	s5 =	simm.s32 $0xFFFFFFFF;
	p2 =	slt.u32 s8, $0xFFFFF086  }
0x1c: {  	p1 =	slt.u32 s9, $0xF7A;
	s5 =	simm.s32 @!p2 $0x0  }
0x1d: {  	s5 =	simm.s32 @p1 $0x1;
	p0 =	seq.s32 s7, s2  }
0x1e: {  	s7 =	smul.u32 @!p0 $0xF7A, s2;
	p2 =	seq.s32 @!p0 s5, $0x0  }
0x1f: {  	s9 =	smul.u32 $0xF7A, s1;
	s8 =	simm.s32 @!p0 $0x1BF5;
	p2 =	por !p2, p0  }
0x20: {  	[sflag:s8] =	ssyncset.s32 @!p0 $0xFFFFF086;
	s6 =	sadd.s32 @!p0 s3, s7;
	s7 =	simm.s32 @!p0 $0x108  }
0x21: {  	s3 =	sadd.s32 s3, s9;
	s6 =	sadd.s32 @!p0 $0x88, s6;
	s7 =	simm.s32 @p2 $0x1082  }
0x22: {  	[simem:s7], [sflag:s8] =	dma.local @!p0 [hbm:s6], $0xF7A  }
0x23: {  	s9 =	sor.u32 $0xD0000000, s2;
	s6 =	simm.s32 $0x108;
	_ =	swait.ge @!p0 [sflag:s8], $0x0  }
0x24: {  	s3 =	sadd.s32 $0x88, s3;
	s6 =	simm.s32 @!p1 $0x1082;
	[sflag:s4] =	ssyncset.s32 $0xFFFFF086  }
0x25: {  	[simem:s6], [sflag:s4] =	dma.local [hbm:s3], $0xF7A  }
0x26: {  	[smem:$0x3F9B] =	sst s1;
	(tag) =	ssettag s2;
	_ =	strace s9  }
0x27: {  	s1 =	sld [smem:$0x3FAB]  }
0x28: {  	s2 =	sld [smem:$0x3FAC]  }
0x29: {  	s4 =	sld [smem:$0x3FAE]  }
0x2a: {  	p0 =	seq.s32 s5, $0x0;
	s5 =	sld [smem:$0x3FAF]  }
0x2b: {  	s6 =	sld [smem:$0x3FB0]  }
0x2c: {  	s7 =	sld [smem:$0x3FB1]  }
0x2d: {  	s3 =	simm.s32 $0x108;
	s8 =	sld [smem:$0x3FB2]  }
0x2e: {  	s3 =	simm.s32 @!p0 $0x1082;
	s9 =	sld [smem:$0x3FB3]  }
0x2f: {  	lr =	sadd.s32 s0, s3;
	s0 =	sld [smem:$0x3FAA]  }
0x30: {  	s3 =	sld [smem:$0x3FAD]  }
0x31: {  	[smem:$0x3FB6] =	sst s10  }
0x32: {  	s10 =	sld [smem:$0x3FB4];
	_ =	sdelay $0x3  }
0x33: {  	p0 =	seq.s32 s10, $0x1;
	s10 =	sld [smem:$0x3FB6];
	_ =	sdelay $0x3  }
0x34: {  	[smem:$0x3FB6] =	sst s10  }
0x35: {  	s10 =	sld [smem:$0x3FB5];
	_ =	sdelay $0x3  }
0x36: {  	p1 =	seq.s32 s10, $0x1;
	s10 =	sld [smem:$0x3FB6];
	_ =	sdelay $0x3  }
0x37: {  	[smem:$0x3FB6] =	sst s10  }
0x38: {  	s10 =	sld [smem:$0x3FB7]  }
0x39: {  	_ = 	snop;
	(pc) =	sbr.ind lr, $3  }
0x3a: {  	_ = 	snop  }
0x3b: {  	_ = 	snop  }
0x3c: {  	p2 =	seq.s32 s10, $0x1;
	s10 =	sld [smem:$0x3FB6]  }
0x3d: {  	_ =	shalt  }
0x3e: {  	_ =	shalt  }
0x3f: {  	_ =	shalt  }
0x40: {  	_ =	shalt  }
0x41: {  	_ =	shalt  }
0x42: {  	_ =	shalt  }
0x43: {  	_ =	shalt  }
0x44: {  	_ =	shalt  }
0x45: {  	_ =	shalt  }
0x46: {  	_ =	shalt  }
0x47: {  	_ =	shalt  }
0x48: {  	_ =	shalt  }
0x49: {  	_ =	shalt  }
0x4a: {  	_ =	shalt  }
0x4b: {  	_ =	shalt  }
0x4c: {  	_ =	shalt  }
0x4d: {  	_ =	shalt  }
0x4e: {  	_ =	shalt  }
0x4f: {  	_ =	shalt  }
0x50: {  	_ =	shalt  }
0x51: {  	_ =	shalt  }
0x52: {  	_ =	shalt  }
0x53: {  	_ =	shalt  }
0x54: {  	_ =	shalt  }
0x55: {  	_ =	shalt  }
0x56: {  	_ =	shalt  }
0x57: {  	_ =	shalt  }
0x58: {  	_ =	shalt  }
0x59: {  	_ =	shalt  }
0x5a: {  	_ =	shalt  }
0x5b: {  	_ =	shalt  }
0x5c: {  	_ =	shalt  }
0x5d: {  	_ =	shalt  }
0x5e: {  	_ =	shalt  }
0x5f: {  	_ =	shalt  }
0x60: {  	_ =	shalt  }
0x61: {  	_ =	shalt  }
0x62: {  	_ =	shalt  }
0x63: {  	_ =	shalt  }
0x64: {  	_ =	shalt  }
0x65: {  	_ =	shalt  }
0x66: {  	_ =	shalt  }
0x67: {  	_ =	shalt  }
0x68: {  	_ =	shalt  }
0x69: {  	_ =	shalt  }
0x6a: {  	_ =	shalt  }
0x6b: {  	_ =	shalt  }
0x6c: {  	_ =	shalt  }
0x6d: {  	_ =	shalt  }
0x6e: {  	_ =	shalt  }
0x6f: {  	_ =	shalt  }
0x70: {  	_ =	shalt  }
0x71: {  	_ =	shalt  }
0x72: {  	_ =	shalt  }
0x73: {  	_ =	shalt  }
0x74: {  	_ =	shalt  }
0x75: {  	_ =	shalt  }
0x76: {  	_ =	shalt  }
0x77: {  	_ =	shalt  }
0x78: {  	_ =	shalt  }
0x79: {  	_ =	shalt  }
0x7a: {  	_ =	shalt  }
0x7b: {  	_ =	shalt  }
0x7c: {  	_ =	shalt  }
0x7d: {  	_ =	shalt  }
0x7e: {  	_ =	shalt  }
0x7f: {  	_ =	shalt  }
0x80: {  	_ =	shalt  }
0x81: {  	_ =	shalt  }
0x82: {  	_ =	shalt  }
0x83: {  	_ =	shalt  }
0x84: {  	_ =	shalt  }
0x85: {  	_ =	shalt  }
0x86: {  	_ =	shalt  }
0x87: {  	_ =	shalt  }
.Lfunc_end0:
.L_simem_size_0:
called_computation_lowered:
.L_overlay_start_0:
0x88: {  	s2 =	sld [smem:$0x3FD9]  }
0x89: {  	s3 =	sld [smem:$0x3FFE];
	_ =	sdelay $0x1  }
0x8a: {  	s1 =	srdreg.scid  }
0x8b: {  	s0 =	sand.u32 $0x1, s1  }
0x8c: {  	s17 =	sshll.u32 s0, $0xA;
	s2 =	sadd.s32 s3, s2  }
0x8d: {  	s2 =	sadd.s32 s2, s17  }
0x8e: {  	[smem:$0x3FC2] =	sst s2  }
0x8f: {  	_ = 	snop  }
0x90: {  	s2 =	sld [smem:$0x3FC9]  }
0x91: {  	s18 =	sld [smem:$0x3FC8]  }
0x92: {  	s4 =	sld [smem:$0x3FC7]  }
0x93: {  	s5 =	sld [smem:$0x3FC6]  }
0x94: {  	s6 =	sld [smem:$0x3FC5]  }
0x95: {  	s7 =	sld [smem:$0x3FD0];
	(tm) =	ssettm $0x1  }
0x96: {  	s8 =	sld [smem:$0x3FFB];
	_ =	sdelay $0x3  }
0x97: {  	_ =	strace s8  }
0x98: {  	s8 =	sld [smem:$0x3FFC];
	_ =	sdelay $0x3  }
0x99: {  	_ =	strace s8  }
0x9a: {  	s8 =	sld [smem:$0x3FFD];
	_ =	sdelay $0x3  }
0x9b: {  	_ =	strace s8  }
0x9c: {  	_ =	strace $0x8FFFFFFF  }
0x9d: {  	s19 =	sld [smem:$0x3FDB];
	_ =	sdelay $0x1  }
0x9e: {  	s9 =	simm.s32 $_scs_section_size  }
0x9f: {  	s10 =	simm.s32 $_size__tile_overlayer_lowered;
	s11 =	simm.s32 $_tile_overlayer_lowered  }
0xa0: {  	s22 =	simm.s32 $0x1BFF;
	s21 =	sshll.u32 s11, $0x1;
	s8 =	sadd.s32 s9, s19  }
0xa1: {  	s12 =	simm.s32 $0x0;
	s20 =	sshll.u32 s10, $0x1;
	s10 =	sadd.s32 s21, s8  }
0xa2: {  	[timem:s12], [sflag:s22] =	dma.local [hbm:s10], s20  }
0xa3: {  	_ =	swait.ge [sflag:s22], s20  }
0xa4: {  	s9 =	ssub.s32 $0x0, s20;
	[sflag:s22] =	ssyncset.done $0x0  }
0xa5: {  	[sflag:s22] =	ssyncadd.s32 s9;
	_ =	sdelay $0x1  }
0xa6: {  	s23 =	simm.s32 $0x1B8B  }
0xa7: {  	_ =	swait.ge [sflag:s23], $0x1  }
0xa8: {  	[sflag:s23] =	ssyncset.done $0x0  }
0xa9: {  	s25 =	simm.s32 $0x1B8E;
	s24 =	sld [smem:$0x3FFE];
	[sflag:s23] =	ssyncadd.s32 $0xFFFFFFFF  }
0xaa: {  	s26 =	simm.s32 $execute0_lowered;
	[smem:$0x3FD2] =	sst s25  }
0xab: {  	s10 =	sshll.u32 s26, $0x1;
	_ =	strace $0x80000046;
	[dreg:$0x1] =	wrdreg $0xFFFFFFFF  }
0xac: {  	s28 =	simm.s32 $_size_execute0_lowered;
	s8 =	sadd.s32 s8, s10;
	[dreg:$0x0] =	wrdreg $0x0  }
0xad: {  	s10 =	sshll.u32 s28, $0x1;
	[dreg:$0x2] =	wrdreg s8  }
0xae: {  	[dreg:$0x3] =	wrdreg s10  }
0xaf: {  	[dreg:$0x4] =	wrdreg $0xC0  }
0xb0: {  	_ =	task [dreg:s12], $0x5FFFF  }
0xb1: {  	[dreg:$0x1] =	wrdreg $0xFFFFFFFF  }
0xb2: {  	[dreg:$0x0] =	wrdreg $0x60  }
0xb3: {  	[dreg:$0x2] =	wrdreg s2  }
0xb4: {  	[dreg:$0x3] =	wrdreg s18  }
0xb5: {  	[dreg:$0x4] =	wrdreg s4  }
0xb6: {  	[dreg:$0x5] =	wrdreg s5  }
0xb7: {  	[dreg:$0x6] =	wrdreg s6  }
0xb8: {  	[dreg:$0x7] =	wrdreg s24  }
0xb9: {  	[dreg:$0x8] =	wrdreg s7  }
0xba: {  	[dreg:$0x9] =	wrdreg $0x9  }
0xbb: {  	_ =	task.clear_ibuf [dreg:s12], $0xAFFFF;
	_ =	strace $0x90000046  }
0xbc: {  	s29 =	simm.s32 $0x9;
	_ =	strace $0x80000048  }
0xbd: {  	_ =	swait.ge [sflag:s29], $0x1  }
0xbe: {  	[sflag:s29] =	ssyncadd.s32 $0xFFFFFFFF  }
0xbf: {  	_ =	strace $0x90000048  }
0xc0: {  	_ =	sfence  }
0xc1: {  	s30 =	sld [smem:$0x0];
	_ =	sdelay $0x2  }
0xc2: {  	s31 =	sshll.u32 s1, $0xD;
	s1 =	sshrl.u32 s1, $0x2  }
0xc3: {  	s3 =	sand.u32 $0x4000, s31;
	s1 =	sadd.s32 s1, s30  }
0xc4: {  	s0 =	sor.u32 s3, s0;
	s1 =	sshll.u32 s1, $0x11  }
0xc5: {  	s0 =	sor.u32 s1, s0  }
0xc6: {  	s0 =	sadd.s32 $0x8F2B, s0  }
0xc7: {  	[sflag:s0] =	ssyncadd.remote.s32 $0x1  }
0xc8: {  	_ =	sfence.sel $0xFFFF  }
0xc9: {  	[dreg:$0x0] =	wrdreg $0xFFFFFFFF;
	(pc) =	sbr.abs _section_cstart, $3  }
0xca: {  	[dreg:$0x1] =	wrdreg $0xFFFFFFFF  }
0xcb: {  	_ =	task.clear_ibuf [dreg:s12], $0x2FFFF;
	_ =	strace $0x9FFFFFFF  }
0xcc: {  	(tm) =	ssettm $0x7FFFFFFF  }
0xcd: {  	_ =	shalt  }
tec
execute0_lowered:
.L_overlay_start_1:
0x0: {  	(tag) =	ssettag $0x1  }
0x1: {  	s0 =	rddreg [dreg:$0x0]  }
0x2: {  	s1 =	rddreg [dreg:$0x1]  }
0x3: {  	s2 =	rddreg [dreg:$0x2]  }
0x4: {  	s3 =	rddreg [dreg:$0x5]  }
0x5: {  	s6 =	rddreg [dreg:$0x6];
	s4 =	simm.s32 $0x0  }
0x6: {  	s5 =	srdreg.scid;
	s8 =	stileid.u32;
	s18 =	simm.s32 $0x600  }
0x7: {  	s19 =	simm.s32 $0x8600;
	s10 =	simm.s32 $0xEA00;
	s11 =	simm.s32 $0x6E00  }
0x8: {  	s16 =	simm.s32 $0xEE00;
	s17 =	simm.s32 $0x7200;
	s12 =	simm.s32 $0xF200  }
0x9: {  	s20 =	simm.s32 $0x7600;
	s21 =	simm.s32 $0xF600;
	s22 =	simm.s32 $0x7A00  }
0xa: {  	s28 =	simm.s32 $0xFE00;
	s29 =	simm.s32 $0x8200;
	s30 =	simm.s32 $0x10200  }
0xb: {  	s31 =	simm.s32 $0x1;
	[smem:$0x7FF] =	sst s4;
	s5 =	sand.u32 $0x1, s5  }
0xc: {  	s8 =	sshll.u32 s8, $0x7;
	s7 =	ssub.s32 $0x2, s5;
	s5 =	sshll.u32 s5, $0x6  }
0xd: {  	_ =	strace $0x80000047;
	s9 =	sshrl.u32 s7, $0x1;
	s8 =	sor.u32 s5, s8  }
0xe: {  	s5 =	sadd.s32 $0x400, s3;
	s3 =	simm.s32 $0x3;
	s23 =	ssub.s32 s7, s9  }
0xf: {  	s1 =	sadd.s32 s1, s8;
	s24 =	sadd.s32 s2, s8;
	s0 =	sadd.s32 s0, s8  }
0x10: {  	s25 =	sadd.s32 s6, s8;
	s7 =	simm.s32 $0x7;
	[dreg:$0x8] =	wrdreg s1  }
.Ltmp0:
0x11: {  	s8 =	simm.s32 $0xE600;
	[dreg:$0x9] =	wrdreg s24;
	(pc) =	sbr.rel .LBB2_1-.Ltmp0, $4  }
0x12: {  	s9 =	simm.s32 $0x6A00;
	s6 =	simm.s32 $0x0;
	[dreg:$0xa] =	wrdreg s0  }
0x13: {  	[dreg:$0xb] =	wrdreg s25;
	s26 =	smax.u32 s23, $0x1;
	s23 =	simm.s32 $0x4600  }
0x14: {  	v0 =	vlaneseq.u32;
	s24 =	simm.s32 $0xC600;
	s25 =	simm.s32 $0xFA00;
	s0 =	simm.s32 $0x2  }
0x15: {  	v0 =	vmul.u32 $0x400, v0;
	s1 =	simm.s32 $0x4;
	[dreg:$0xc] =	wrdreg s26;
	s26 =	simm.s32 $0x7E00  }
.LBB2_10:
0x16: {  	s2 =	rddreg [dreg:$0xb];
	s6 =	simm.s32 $0x10A00;
	s7 =	simm.s32 $0x7  }
0x17: {  	[hbm4b:s2+s4] =	stream.linear.scatter [tilespmem:s6], [sflag:$0x7], $0x200, $0x38;
	[tilespmem:$0x10C00] =	vst v63  }
0x18: {  	_ =	swait.ge [sflag:s7], $0x200  }
0x19: {  	s14 =	rddreg [dreg:$0xd]  }
0x1a: {  	s15 =	rddreg [dreg:$0xc];
	s6 =	sadd.s32 $0x1, s14  }
0x1b: {  	p0 =	sne.s32 s6, s15  }
.Ltmp1:
0x1c: {  	_ = 	snop;
	(pc) =	sbr.rel @!p0 .LBB2_11-.Ltmp1, $3  }
0x1d: {  	_ =	sdelay $0x1  }
0x1e: {  	[sflag:s7] =	ssyncset.done $0x0  }
0x1f: {  	[sflag:s7] =	ssyncadd.s32 $0xFFFFFE00  }
.LBB2_1:
0x20: {  	[dreg:$0xd] =	wrdreg s6  }
0x21: {  	s2 =	rddreg [dreg:$0x8];
	s6 =	simm.s32 $0x200  }
0x22: {  	[tilespmem:s6], [sflag:$0x7] =	stream.linear.gather [hbm4b:s2+s4], $0x200, $0x38;
	[tilespmem:$0x10C00] =	vst v63  }
0x23: {  	_ =	swait.ge [sflag:s7], $0x200  }
0x24: {  	[sflag:s7] =	ssyncset.done $0x0  }
0x25: {  	s13 =	simm.s32 $0x400;
	s14 =	rddreg [dreg:$0x9];
	[sflag:s7] =	ssyncadd.s32 $0xFFFFFE00  }
0x26: {  	[tilespmem:s13], [sflag:$0x7] =	stream.linear.gather [hbm4b:s14+s4], $0x200, $0x38;
	[tilespmem:$0x10C00] =	vst v63  }
0x27: {  	_ =	swait.ge [sflag:s7], $0x200  }
0x28: {  	[sflag:s7] =	ssyncset.done $0x0  }
0x29: {  	s15 =	rddreg [dreg:$0xa];
	[sflag:s7] =	ssyncadd.s32 $0xFFFFFE00  }
0x2a: {  	[tilespmem:s4], [sflag:$0x7] =	stream.linear.gather [hbm4b:s15+s4], $0x200, $0x38;
	[tilespmem:$0x10C00] =	vst v63  }
0x2b: {  	_ =	swait.ge [sflag:s7], $0x200  }
0x2c: {  	[sflag:s7] =	ssyncset.done $0x0  }
0x2d: {  	[sflag:s7] =	ssyncadd.s32 $0xFFFFFE00  }
0x2e: {  	s13 =	simm.s32 $0x10600;
	s7 =	rddreg [dreg:$0x3]  }
0x2f: {  	[tilespmem:s13], [sflag:$0x5] =	stream.indirect.gather [hbm4b:s7+s6], $0x1, s4, s6, $0xb8;
	[tilespmem:$0x10C00] =	vst v63  }
0x30: {  	s15 =	simm.s32 $0x10800;
	s14 =	rddreg [dreg:$0x4];
	s13 =	simm.s32 $0x5  }
0x31: {  	[tilespmem:s15], [sflag:$0x6] =	stream.indirect.gather [hbm4b:s14+s6], $0x1, s4, s6, $0xb8;
	[tilespmem:$0x10C00] =	vst v63  }
0x32: {  	_ =	swait.ge [sflag:s13], $0x200  }
0x33: {  	[sflag:s13] =	ssyncset.done $0x0  }
0x34: {  	s14 =	simm.s32 $0x6;
	[sflag:s13] =	ssyncadd.s32 $0xFFFFFE00  }
0x35: {  	_ =	swait.ge [sflag:s14], $0x200  }
0x36: {  	[sflag:s14] =	ssyncset.done $0x0  }
0x37: {  	[sflag:s14] =	ssyncadd.s32 $0xFFFFFE00  }
0x38: {  	v1 =	vld [tilespmem:$0x200];
	_ =	sdelay $0x1  }
0x39: {  	v3 =	vld [tilespmem:$0x400];
	_ =	sdelay $0x2  }
0x3a: {  	v2 =	vshll.u32 v1, $0x4  }
0x3b: {  	(v2sf) =	vpush v2, $0x0  }
0x3c: {  	v1 =	vshll.u32 v3, $0x4  }
0x3d: {  	(v2sf) =	vpush v1, $0x0;
	_ =	sdelay $0x1  }
0x3e: {  	(v2sf) =	vpush v2, $0x1;
	_ =	sdelay $0x2  }
0x3f: {  	(v2sf) =	vpush v1, $0x1;
	_ =	sdelay $0x7  }
0x40: {  	s15 =	spop (v2sf);
	(v2sf) =	vpush v2, $0x2;
	_ =	sdelay $0x1  }
0x41: {  	s6 =	spop (v2sf);
	(v2sf) =	vpush v1, $0x2;
	_ =	sdelay $0x1  }
0x42: {  	s7 =	spop (v2sf);
	(v2sf) =	vpush v2, $0x3;
	_ =	sdelay $0x1  }
0x43: {  	s2 =	sand.u32 $0xFFFFF80, s15  }
0x44: {  	s2 =	sadd.s32 s5, s2;
	s14 =	spop (v2sf);
	(v2sf) =	vpush v1, $0x3  }
0x45: {  	[tilespmem:s18], [sflag:$0x1] =	stream.linear.gather [hbm4b:s2+s4], $0x400, $0x38;
	[tilespmem:$0x10C00] =	vst v63  }
0x46: {  	s2 =	sand.u32 $0xFFFFF80, s6  }
0x47: {  	s2 =	sadd.s32 s5, s2  }
0x48: {  	[tilespmem:s19], [sflag:$0x2] =	stream.linear.gather [hbm4b:s2+s4], $0x400, $0x38;
	[tilespmem:$0x10C00] =	vst v63  }
0x49: {  	s2 =	sand.u32 $0xFFFFF80, s7  }
0x4a: {  	s13 =	simm.s32 $0xA00;
	s2 =	sadd.s32 s5, s2  }
0x4b: {  	[tilespmem:s13], [sflag:$0x1] =	stream.linear.gather [hbm4b:s2+s4], $0x400, $0x38;
	[tilespmem:$0x10C00] =	vst v63  }
0x4c: {  	s7 =	spop (v2sf);
	(v2sf) =	vpush v2, $0x4  }
0x4d: {  	s2 =	sand.u32 $0xFFFFF80, s14  }
0x4e: {  	s15 =	simm.s32 $0x8A00;
	s2 =	sadd.s32 s5, s2;
	s14 =	spop (v2sf);
	(v2sf) =	vpush v1, $0x4  }
0x4f: {  	[tilespmem:s15], [sflag:$0x2] =	stream.linear.gather [hbm4b:s2+s4], $0x400, $0x38;
	[tilespmem:$0x10C00] =	vst v63  }
0x50: {  	s2 =	sand.u32 $0xFFFFF80, s7;
	s7 =	spop (v2sf);
	(v2sf) =	vpush v2, $0x5  }
0x51: {  	s13 =	simm.s32 $0xE00;
	s2 =	sadd.s32 s5, s2  }
0x52: {  	[tilespmem:s13], [sflag:$0x1] =	stream.linear.gather [hbm4b:s2+s4], $0x400, $0x38;
	[tilespmem:$0x10C00] =	vst v63  }
0x53: {  	s2 =	sand.u32 $0xFFFFF80, s14;
	s14 =	spop (v2sf);
	(v2sf) =	vpush v1, $0x5;
	_ =	sdelay $0x2  }
0x54: {  	s15 =	simm.s32 $0x8E00;
	s2 =	sadd.s32 s5, s2  }
0x55: {  	[tilespmem:s15], [sflag:$0x2] =	stream.linear.gather [hbm4b:s2+s4], $0x400, $0x38;
	[tilespmem:$0x10C00] =	vst v63  }
0x56: {  	s2 =	sand.u32 $0xFFFFF80, s7  }
0x57: {  	s13 =	simm.s32 $0x1200;
	s2 =	sadd.s32 s5, s2  }
0x58: {  	[tilespmem:s13], [sflag:$0x1] =	stream.linear.gather [hbm4b:s2+s4], $0x400, $0x38;
	[tilespmem:$0x10C00] =	vst v63  }
0x59: {  	s7 =	spop (v2sf);
	(v2sf) =	vpush v2, $0x6  }
0x5a: {  	s2 =	sand.u32 $0xFFFFF80, s14  }
0x5b: {  	s15 =	simm.s32 $0x9200;
	s2 =	sadd.s32 s5, s2;
	s14 =	spop (v2sf);
	(v2sf) =	vpush v1, $0x6  }
0x5c: {  	[tilespmem:s15], [sflag:$0x2] =	stream.linear.gather [hbm4b:s2+s4], $0x400, $0x38;
	[tilespmem:$0x10C00] =	vst v63  }
0x5d: {  	s2 =	sand.u32 $0xFFFFF80, s7;
	s7 =	spop (v2sf);
	(v2sf) =	vpush v2, $0x7  }
0x5e: {  	s13 =	simm.s32 $0x1600;
	s2 =	sadd.s32 s5, s2  }
0x5f: {  	[tilespmem:s13], [sflag:$0x1] =	stream.linear.gather [hbm4b:s2+s4], $0x400, $0x38;
	[tilespmem:$0x10C00] =	vst v63  }
0x60: {  	s2 =	sand.u32 $0xFFFFF80, s14;
	s14 =	spop (v2sf);
	(v2sf) =	vpush v1, $0x7;
	_ =	sdelay $0x2  }
0x61: {  	s15 =	simm.s32 $0x9600;
	s2 =	sadd.s32 s5, s2  }
0x62: {  	[tilespmem:s15], [sflag:$0x2] =	stream.linear.gather [hbm4b:s2+s4], $0x400, $0x38;
	[tilespmem:$0x10C00] =	vst v63  }
0x63: {  	s2 =	sand.u32 $0xFFFFF80, s7  }
0x64: {  	s13 =	simm.s32 $0x1A00;
	s2 =	sadd.s32 s5, s2  }
0x65: {  	[tilespmem:s13], [sflag:$0x1] =	stream.linear.gather [hbm4b:s2+s4], $0x400, $0x38;
	[tilespmem:$0x10C00] =	vst v63  }
0x66: {  	s7 =	spop (v2sf);
	(v2sf) =	vpush v2, $0x8  }
0x67: {  	s2 =	sand.u32 $0xFFFFF80, s14  }
0x68: {  	s15 =	simm.s32 $0x9A00;
	s2 =	sadd.s32 s5, s2;
	s14 =	spop (v2sf);
	(v2sf) =	vpush v1, $0x8  }
0x69: {  	[tilespmem:s15], [sflag:$0x2] =	stream.linear.gather [hbm4b:s2+s4], $0x400, $0x38;
	[tilespmem:$0x10C00] =	vst v63  }
0x6a: {  	s2 =	sand.u32 $0xFFFFF80, s7;
	s7 =	spop (v2sf);
	(v2sf) =	vpush v2, $0x9  }
0x6b: {  	s13 =	simm.s32 $0x1E00;
	s2 =	sadd.s32 s5, s2  }
0x6c: {  	[tilespmem:s13], [sflag:$0x1] =	stream.linear.gather [hbm4b:s2+s4], $0x400, $0x38;
	[tilespmem:$0x10C00] =	vst v63  }
0x6d: {  	s2 =	sand.u32 $0xFFFFF80, s14;
	s14 =	spop (v2sf);
	(v2sf) =	vpush v1, $0x9;
	_ =	sdelay $0x2  }
0x6e: {  	s15 =	simm.s32 $0x9E00;
	s2 =	sadd.s32 s5, s2  }
0x6f: {  	[tilespmem:s15], [sflag:$0x2] =	stream.linear.gather [hbm4b:s2+s4], $0x400, $0x38;
	[tilespmem:$0x10C00] =	vst v63  }
0x70: {  	s2 =	sand.u32 $0xFFFFF80, s7  }
0x71: {  	s13 =	simm.s32 $0x2200;
	s2 =	sadd.s32 s5, s2  }
0x72: {  	[tilespmem:s13], [sflag:$0x1] =	stream.linear.gather [hbm4b:s2+s4], $0x400, $0x38;
	[tilespmem:$0x10C00] =	vst v63  }
0x73: {  	s7 =	spop (v2sf);
	(v2sf) =	vpush v2, $0xA  }
0x74: {  	s2 =	sand.u32 $0xFFFFF80, s14  }
0x75: {  	s15 =	simm.s32 $0xA200;
	s2 =	sadd.s32 s5, s2;
	s14 =	spop (v2sf);
	(v2sf) =	vpush v1, $0xA  }
0x76: {  	[tilespmem:s15], [sflag:$0x2] =	stream.linear.gather [hbm4b:s2+s4], $0x400, $0x38;
	[tilespmem:$0x10C00] =	vst v63  }
0x77: {  	s2 =	sand.u32 $0xFFFFF80, s7;
	s7 =	spop (v2sf);
	(v2sf) =	vpush v2, $0xB  }
0x78: {  	s13 =	simm.s32 $0x2600;
	s2 =	sadd.s32 s5, s2  }
0x79: {  	[tilespmem:s13], [sflag:$0x1] =	stream.linear.gather [hbm4b:s2+s4], $0x400, $0x38;
	[tilespmem:$0x10C00] =	vst v63  }
0x7a: {  	s2 =	sand.u32 $0xFFFFF80, s14;
	s14 =	spop (v2sf);
	(v2sf) =	vpush v1, $0xB;
	_ =	sdelay $0x2  }
0x7b: {  	s15 =	simm.s32 $0xA600;
	s2 =	sadd.s32 s5, s2  }
0x7c: {  	[tilespmem:s15], [sflag:$0x2] =	stream.linear.gather [hbm4b:s2+s4], $0x400, $0x38;
	[tilespmem:$0x10C00] =	vst v63  }
0x7d: {  	s2 =	sand.u32 $0xFFFFF80, s7  }
0x7e: {  	s13 =	simm.s32 $0x2A00;
	s2 =	sadd.s32 s5, s2  }
0x7f: {  	[tilespmem:s13], [sflag:$0x1] =	stream.linear.gather [hbm4b:s2+s4], $0x400, $0x38;
	[tilespmem:$0x10C00] =	vst v63  }
0x80: {  	s7 =	spop (v2sf);
	(v2sf) =	vpush v2, $0xC  }
0x81: {  	s2 =	sand.u32 $0xFFFFF80, s14  }
0x82: {  	s15 =	simm.s32 $0xAA00;
	s2 =	sadd.s32 s5, s2;
	s14 =	spop (v2sf);
	(v2sf) =	vpush v1, $0xC  }
0x83: {  	[tilespmem:s15], [sflag:$0x2] =	stream.linear.gather [hbm4b:s2+s4], $0x400, $0x38;
	[tilespmem:$0x10C00] =	vst v63  }
0x84: {  	s2 =	sand.u32 $0xFFFFF80, s7;
	s7 =	spop (v2sf);
	(v2sf) =	vpush v2, $0xD  }
0x85: {  	s13 =	simm.s32 $0x2E00;
	s2 =	sadd.s32 s5, s2  }
0x86: {  	[tilespmem:s13], [sflag:$0x1] =	stream.linear.gather [hbm4b:s2+s4], $0x400, $0x38;
	[tilespmem:$0x10C00] =	vst v63  }
0x87: {  	s2 =	sand.u32 $0xFFFFF80, s14;
	s14 =	spop (v2sf);
	(v2sf) =	vpush v1, $0xD;
	_ =	sdelay $0x1  }
0x88: {  	s15 =	simm.s32 $0xAE00;
	s2 =	sadd.s32 s5, s2  }
0x89: {  	[tilespmem:s15], [sflag:$0x2] =	stream.linear.gather [hbm4b:s2+s4], $0x400, $0x38;
	[tilespmem:$0x10C00] =	vst v63  }
0x8a: {  	s2 =	sand.u32 $0xFFFFF80, s7  }
0x8b: {  	s13 =	simm.s32 $0x3200;
	s2 =	sadd.s32 s5, s2  }
0x8c: {  	[tilespmem:s13], [sflag:$0x1] =	stream.linear.gather [hbm4b:s2+s4], $0x400, $0x38;
	[tilespmem:$0x10C00] =	vst v63  }
0x8d: {  	s2 =	sand.u32 $0xFFFFF80, s14  }
0x8e: {  	s15 =	simm.s32 $0xB200;
	s2 =	sadd.s32 s5, s2;
	s7 =	spop (v2sf);
	(v2sf) =	vpush v2, $0xE  }
0x8f: {  	[tilespmem:s15], [sflag:$0x2] =	stream.linear.gather [hbm4b:s2+s4], $0x400, $0x38;
	[tilespmem:$0x10C00] =	vst v63  }
0x90: {  	s14 =	spop (v2sf);
	(v2sf) =	vpush v1, $0xE  }
0x91: {  	s2 =	sand.u32 $0xFFFFF80, s7  }
0x92: {  	s13 =	simm.s32 $0x3600;
	s2 =	sadd.s32 s5, s2;
	s7 =	spop (v2sf)  }
0x93: {  	(v2sf) =	vpush v2, $0xF;
	[tilespmem:s13], [sflag:$0x1] =	stream.linear.gather [hbm4b:s2+s4], $0x400, $0x38;
	[tilespmem:$0x10C00] =	vst v63  }
0x94: {  	s2 =	sand.u32 $0xFFFFF80, s14  }
0x95: {  	s15 =	simm.s32 $0xB600;
	s14 =	spop (v2sf);
	s2 =	sadd.s32 s5, s2  }
0x96: {  	(v2sf) =	vpush v1, $0xF;
	[tilespmem:s15], [sflag:$0x2] =	stream.linear.gather [hbm4b:s2+s4], $0x400, $0x38;
	[tilespmem:$0x10C00] =	vst v63  }
0x97: {  	s2 =	sand.u32 $0xFFFFF80, s7  }
0x98: {  	s13 =	simm.s32 $0x3A00;
	s2 =	sadd.s32 s5, s2  }
0x99: {  	[tilespmem:s13], [sflag:$0x1] =	stream.linear.gather [hbm4b:s2+s4], $0x400, $0x38;
	[tilespmem:$0x10C00] =	vst v63  }
0x9a: {  	s2 =	sand.u32 $0xFFFFF80, s14  }
0x9b: {  	s15 =	simm.s32 $0xBA00;
	s2 =	sadd.s32 s5, s2  }
0x9c: {  	[tilespmem:s15], [sflag:$0x2] =	stream.linear.gather [hbm4b:s2+s4], $0x400, $0x38;
	[tilespmem:$0x10C00] =	vst v63  }
0x9d: {  	s7 =	spop (v2sf)  }
0x9e: {  	s2 =	sand.u32 $0xFFFFF80, s7  }
0x9f: {  	s13 =	simm.s32 $0x3E00;
	s14 =	spop (v2sf);
	s2 =	sadd.s32 s5, s2  }
0xa0: {  	[tilespmem:s13], [sflag:$0x1] =	stream.linear.gather [hbm4b:s2+s4], $0x400, $0x38;
	[tilespmem:$0x10C00] =	vst v63  }
0xa1: {  	s2 =	sand.u32 $0xFFFFF80, s14  }
0xa2: {  	s15 =	simm.s32 $0xBE00;
	s7 =	spop (v2sf);
	s2 =	sadd.s32 s5, s2  }
0xa3: {  	[tilespmem:s15], [sflag:$0x2] =	stream.linear.gather [hbm4b:s2+s4], $0x400, $0x38;
	[tilespmem:$0x10C00] =	vst v63  }
0xa4: {  	s2 =	sand.u32 $0xFFFFF80, s7  }
0xa5: {  	s13 =	simm.s32 $0x4200;
	s14 =	spop (v2sf);
	s2 =	sadd.s32 s5, s2  }
0xa6: {  	[tilespmem:s13], [sflag:$0x1] =	stream.linear.gather [hbm4b:s2+s4], $0x400, $0x38;
	[tilespmem:$0x10C00] =	vst v63  }
0xa7: {  	s2 =	sand.u32 $0xFFFFF80, s14  }
0xa8: {  	s15 =	simm.s32 $0xC200;
	s2 =	sadd.s32 s5, s2  }
0xa9: {  	[tilespmem:s15], [sflag:$0x2] =	stream.linear.gather [hbm4b:s2+s4], $0x400, $0x38;
	[tilespmem:$0x10C00] =	vst v63  }
0xaa: {  	v1 =	vld [tilespmem:$0x210];
	_ =	sdelay $0x1  }
0xab: {  	v3 =	vld [tilespmem:$0x410];
	_ =	sdelay $0x2  }
0xac: {  	v2 =	vshll.u32 v1, $0x4  }
0xad: {  	(v2sf) =	vpush v2, $0x0  }
0xae: {  	v1 =	vshll.u32 v3, $0x4  }
0xaf: {  	(v2sf) =	vpush v1, $0x0;
	_ =	sdelay $0x1  }
0xb0: {  	(v2sf) =	vpush v2, $0x1;
	_ =	sdelay $0x2  }
0xb1: {  	(v2sf) =	vpush v1, $0x1;
	_ =	sdelay $0x7  }
0xb2: {  	s7 =	spop (v2sf);
	(v2sf) =	vpush v2, $0x2;
	_ =	sdelay $0x1  }
0xb3: {  	s13 =	spop (v2sf);
	(v2sf) =	vpush v1, $0x2;
	_ =	sdelay $0x1  }
0xb4: {  	s14 =	spop (v2sf);
	(v2sf) =	vpush v2, $0x3;
	_ =	sdelay $0x1  }
0xb5: {  	s2 =	sand.u32 $0xFFFFF80, s7  }
0xb6: {  	s2 =	sadd.s32 s5, s2;
	s7 =	spop (v2sf);
	(v2sf) =	vpush v1, $0x3  }
0xb7: {  	[tilespmem:s23], [sflag:$0x3] =	stream.linear.gather [hbm4b:s2+s4], $0x400, $0x38;
	[tilespmem:$0x10C00] =	vst v63  }
0xb8: {  	s2 =	sand.u32 $0xFFFFF80, s13  }
0xb9: {  	s2 =	sadd.s32 s5, s2  }
0xba: {  	[tilespmem:s24], [sflag:$0x4] =	stream.linear.gather [hbm4b:s2+s4], $0x400, $0x38;
	[tilespmem:$0x10C00] =	vst v63  }
0xbb: {  	s2 =	sand.u32 $0xFFFFF80, s14  }
0xbc: {  	s15 =	simm.s32 $0x4A00;
	s2 =	sadd.s32 s5, s2  }
0xbd: {  	[tilespmem:s15], [sflag:$0x3] =	stream.linear.gather [hbm4b:s2+s4], $0x400, $0x38;
	[tilespmem:$0x10C00] =	vst v63  }
0xbe: {  	s14 =	spop (v2sf);
	(v2sf) =	vpush v2, $0x4  }
0xbf: {  	s2 =	sand.u32 $0xFFFFF80, s7  }
0xc0: {  	s13 =	simm.s32 $0xCA00;
	s2 =	sadd.s32 s5, s2;
	s7 =	spop (v2sf);
	(v2sf) =	vpush v1, $0x4  }
0xc1: {  	[tilespmem:s13], [sflag:$0x4] =	stream.linear.gather [hbm4b:s2+s4], $0x400, $0x38;
	[tilespmem:$0x10C00] =	vst v63  }
0xc2: {  	s2 =	sand.u32 $0xFFFFF80, s14;
	s14 =	spop (v2sf);
	(v2sf) =	vpush v2, $0x5  }
0xc3: {  	s15 =	simm.s32 $0x4E00;
	s2 =	sadd.s32 s5, s2  }
0xc4: {  	[tilespmem:s15], [sflag:$0x3] =	stream.linear.gather [hbm4b:s2+s4], $0x400, $0x38;
	[tilespmem:$0x10C00] =	vst v63  }
0xc5: {  	s2 =	sand.u32 $0xFFFFF80, s7;
	s7 =	spop (v2sf);
	(v2sf) =	vpush v1, $0x5;
	_ =	sdelay $0x2  }
0xc6: {  	s13 =	simm.s32 $0xCE00;
	s2 =	sadd.s32 s5, s2  }
0xc7: {  	[tilespmem:s13], [sflag:$0x4] =	stream.linear.gather [hbm4b:s2+s4], $0x400, $0x38;
	[tilespmem:$0x10C00] =	vst v63  }
0xc8: {  	s2 =	sand.u32 $0xFFFFF80, s14  }
0xc9: {  	s15 =	simm.s32 $0x5200;
	s2 =	sadd.s32 s5, s2  }
0xca: {  	[tilespmem:s15], [sflag:$0x3] =	stream.linear.gather [hbm4b:s2+s4], $0x400, $0x38;
	[tilespmem:$0x10C00] =	vst v63  }
0xcb: {  	s14 =	spop (v2sf);
	(v2sf) =	vpush v2, $0x6  }
0xcc: {  	s2 =	sand.u32 $0xFFFFF80, s7  }
0xcd: {  	s13 =	simm.s32 $0xD200;
	s2 =	sadd.s32 s5, s2;
	s7 =	spop (v2sf);
	(v2sf) =	vpush v1, $0x6  }
0xce: {  	[tilespmem:s13], [sflag:$0x4] =	stream.linear.gather [hbm4b:s2+s4], $0x400, $0x38;
	[tilespmem:$0x10C00] =	vst v63  }
0xcf: {  	s2 =	sand.u32 $0xFFFFF80, s14;
	s14 =	spop (v2sf);
	(v2sf) =	vpush v2, $0x7  }
0xd0: {  	s15 =	simm.s32 $0x5600;
	s2 =	sadd.s32 s5, s2  }
0xd1: {  	[tilespmem:s15], [sflag:$0x3] =	stream.linear.gather [hbm4b:s2+s4], $0x400, $0x38;
	[tilespmem:$0x10C00] =	vst v63  }
0xd2: {  	s2 =	sand.u32 $0xFFFFF80, s7;
	s7 =	spop (v2sf);
	(v2sf) =	vpush v1, $0x7;
	_ =	sdelay $0x2  }
0xd3: {  	s13 =	simm.s32 $0xD600;
	s2 =	sadd.s32 s5, s2  }
0xd4: {  	[tilespmem:s13], [sflag:$0x4] =	stream.linear.gather [hbm4b:s2+s4], $0x400, $0x38;
	[tilespmem:$0x10C00] =	vst v63  }
0xd5: {  	s2 =	sand.u32 $0xFFFFF80, s14  }
0xd6: {  	s15 =	simm.s32 $0x5A00;
	s2 =	sadd.s32 s5, s2  }
0xd7: {  	[tilespmem:s15], [sflag:$0x3] =	stream.linear.gather [hbm4b:s2+s4], $0x400, $0x38;
	[tilespmem:$0x10C00] =	vst v63  }
0xd8: {  	s14 =	spop (v2sf);
	(v2sf) =	vpush v2, $0x8  }
0xd9: {  	s2 =	sand.u32 $0xFFFFF80, s7  }
0xda: {  	s13 =	simm.s32 $0xDA00;
	s2 =	sadd.s32 s5, s2;
	s7 =	spop (v2sf);
	(v2sf) =	vpush v1, $0x8  }
0xdb: {  	[tilespmem:s13], [sflag:$0x4] =	stream.linear.gather [hbm4b:s2+s4], $0x400, $0x38;
	[tilespmem:$0x10C00] =	vst v63  }
0xdc: {  	s2 =	sand.u32 $0xFFFFF80, s14;
	s14 =	spop (v2sf);
	(v2sf) =	vpush v2, $0x9  }
0xdd: {  	s15 =	simm.s32 $0x5E00;
	s2 =	sadd.s32 s5, s2  }
0xde: {  	[tilespmem:s15], [sflag:$0x3] =	stream.linear.gather [hbm4b:s2+s4], $0x400, $0x38;
	[tilespmem:$0x10C00] =	vst v63  }
0xdf: {  	s2 =	sand.u32 $0xFFFFF80, s7;
	s7 =	spop (v2sf);
	(v2sf) =	vpush v1, $0x9;
	_ =	sdelay $0x4  }
0xe0: {  	s13 =	simm.s32 $0xDE00;
	s2 =	sadd.s32 s5, s2  }
0xe1: {  	[tilespmem:s13], [sflag:$0x4] =	stream.linear.gather [hbm4b:s2+s4], $0x400, $0x38;
	[tilespmem:$0x10C00] =	vst v63  }
0xe2: {  	s2 =	sand.u32 $0xFFFFF80, s14  }
0xe3: {  	s15 =	simm.s32 $0x6200;
	s2 =	sadd.s32 s5, s2;
	s14 =	spop (v2sf);
	(v2sf) =	vpush v2, $0xA  }
0xe4: {  	[tilespmem:s15], [sflag:$0x3] =	stream.linear.gather [hbm4b:s2+s4], $0x400, $0x38;
	[tilespmem:$0x10C00] =	vst v63  }
0xe5: {  	s6 =	spop (v2sf);
	(v2sf) =	vpush v1, $0xA  }
0xe6: {  	s2 =	sand.u32 $0xFFFFF80, s7  }
0xe7: {  	s13 =	simm.s32 $0xE200;
	s2 =	sadd.s32 s5, s2;
	s7 =	spop (v2sf);
	(v2sf) =	vpush v2, $0xB  }
0xe8: {  	[tilespmem:s13], [sflag:$0x4] =	stream.linear.gather [hbm4b:s2+s4], $0x400, $0x38;
	[tilespmem:$0x10C00] =	vst v63  }
0xe9: {  	s2 =	sand.u32 $0xFFFFF80, s14  }
0xea: {  	s15 =	simm.s32 $0x6600;
	s2 =	sadd.s32 s5, s2;
	s13 =	spop (v2sf);
	(v2sf) =	vpush v1, $0xB  }
0xeb: {  	[tilespmem:s15], [sflag:$0x3] =	stream.linear.gather [hbm4b:s2+s4], $0x400, $0x38;
	[tilespmem:$0x10C00] =	vst v63  }
0xec: {  	s2 =	sand.u32 $0xFFFFF80, s6  }
0xed: {  	s2 =	sadd.s32 s5, s2  }
0xee: {  	[tilespmem:s8], [sflag:$0x4] =	stream.linear.gather [hbm4b:s2+s4], $0x400, $0x38;
	[tilespmem:$0x10C00] =	vst v63  }
0xef: {  	s2 =	sand.u32 $0xFFFFF80, s7  }
0xf0: {  	s2 =	sadd.s32 s5, s2  }
0xf1: {  	[tilespmem:s9], [sflag:$0x3] =	stream.linear.gather [hbm4b:s2+s4], $0x400, $0x38;
	[tilespmem:$0x10C00] =	vst v63  }
0xf2: {  	s14 =	spop (v2sf);
	(v2sf) =	vpush v2, $0xC  }
0xf3: {  	s2 =	sand.u32 $0xFFFFF80, s13  }
0xf4: {  	s2 =	sadd.s32 s5, s2;
	s15 =	spop (v2sf);
	(v2sf) =	vpush v1, $0xC  }
0xf5: {  	[tilespmem:s10], [sflag:$0x4] =	stream.linear.gather [hbm4b:s2+s4], $0x400, $0x38;
	[tilespmem:$0x10C00] =	vst v63  }
0xf6: {  	s2 =	sand.u32 $0xFFFFF80, s14;
	s6 =	spop (v2sf);
	(v2sf) =	vpush v2, $0xD  }
0xf7: {  	s2 =	sadd.s32 s5, s2  }
0xf8: {  	[tilespmem:s11], [sflag:$0x3] =	stream.linear.gather [hbm4b:s2+s4], $0x400, $0x38;
	[tilespmem:$0x10C00] =	vst v63  }
0xf9: {  	s7 =	spop (v2sf);
	(v2sf) =	vpush v1, $0xD  }
0xfa: {  	s2 =	sand.u32 $0xFFFFF80, s15  }
0xfb: {  	s2 =	sadd.s32 s5, s2  }
0xfc: {  	[tilespmem:s16], [sflag:$0x4] =	stream.linear.gather [hbm4b:s2+s4], $0x400, $0x38;
	[tilespmem:$0x10C00] =	vst v63  }
0xfd: {  	s2 =	sand.u32 $0xFFFFF80, s6  }
0xfe: {  	s2 =	sadd.s32 s5, s2  }
0xff: {  	[tilespmem:s17], [sflag:$0x3] =	stream.linear.gather [hbm4b:s2+s4], $0x400, $0x38;
	[tilespmem:$0x10C00] =	vst v63  }
0x100: {  	s2 =	sand.u32 $0xFFFFF80, s7  }
0x101: {  	s2 =	sadd.s32 s5, s2;
	s13 =	spop (v2sf);
	(v2sf) =	vpush v2, $0xE  }
0x102: {  	[tilespmem:s12], [sflag:$0x4] =	stream.linear.gather [hbm4b:s2+s4], $0x400, $0x38;
	[tilespmem:$0x10C00] =	vst v63  }
0x103: {  	s14 =	spop (v2sf);
	(v2sf) =	vpush v1, $0xE  }
0x104: {  	s2 =	sand.u32 $0xFFFFF80, s13  }
0x105: {  	s2 =	sadd.s32 s5, s2;
	s15 =	spop (v2sf)  }
0x106: {  	(v2sf) =	vpush v2, $0xF;
	[tilespmem:s20], [sflag:$0x3] =	stream.linear.gather [hbm4b:s2+s4], $0x400, $0x38;
	[tilespmem:$0x10C00] =	vst v63  }
0x107: {  	s2 =	sand.u32 $0xFFFFF80, s14  }
0x108: {  	s6 =	spop (v2sf);
	s2 =	sadd.s32 s5, s2  }
0x109: {  	(v2sf) =	vpush v1, $0xF;
	[tilespmem:s21], [sflag:$0x4] =	stream.linear.gather [hbm4b:s2+s4], $0x400, $0x38;
	[tilespmem:$0x10C00] =	vst v63  }
0x10a: {  	s2 =	sand.u32 $0xFFFFF80, s15  }
0x10b: {  	s2 =	sadd.s32 s5, s2  }
0x10c: {  	[tilespmem:s22], [sflag:$0x3] =	stream.linear.gather [hbm4b:s2+s4], $0x400, $0x38;
	[tilespmem:$0x10C00] =	vst v63  }
0x10d: {  	s2 =	sand.u32 $0xFFFFF80, s6  }
0x10e: {  	s2 =	sadd.s32 s5, s2  }
0x10f: {  	[tilespmem:s25], [sflag:$0x4] =	stream.linear.gather [hbm4b:s2+s4], $0x400, $0x38;
	[tilespmem:$0x10C00] =	vst v63  }
0x110: {  	s7 =	spop (v2sf)  }
0x111: {  	s2 =	sand.u32 $0xFFFFF80, s7  }
0x112: {  	s13 =	spop (v2sf);
	s2 =	sadd.s32 s5, s2  }
0x113: {  	[tilespmem:s26], [sflag:$0x3] =	stream.linear.gather [hbm4b:s2+s4], $0x400, $0x38;
	[tilespmem:$0x10C00] =	vst v63  }
0x114: {  	s2 =	sand.u32 $0xFFFFF80, s13  }
0x115: {  	s14 =	spop (v2sf);
	s2 =	sadd.s32 s5, s2  }
0x116: {  	[tilespmem:s28], [sflag:$0x4] =	stream.linear.gather [hbm4b:s2+s4], $0x400, $0x38;
	[tilespmem:$0x10C00] =	vst v63  }
0x117: {  	s2 =	sand.u32 $0xFFFFF80, s14  }
0x118: {  	s15 =	spop (v2sf);
	s2 =	sadd.s32 s5, s2  }
0x119: {  	[tilespmem:s29], [sflag:$0x3] =	stream.linear.gather [hbm4b:s2+s4], $0x400, $0x38;
	[tilespmem:$0x10C00] =	vst v63  }
0x11a: {  	s2 =	sand.u32 $0xFFFFF80, s15  }
0x11b: {  	s2 =	sadd.s32 s5, s2  }
0x11c: {  	[tilespmem:s30], [sflag:$0x4] =	stream.linear.gather [hbm4b:s2+s4], $0x400, $0x38;
	[tilespmem:$0x10C00] =	vst v63  }
0x11d: {  	s2 =	simm.s32 $0x0  }
.LBB2_2:
0x11e: {  	_ =	swait.ge [sflag:s31], $0x4000  }
0x11f: {  	[sflag:s31] =	ssyncset.done $0x0  }
0x120: {  	[sflag:s31] =	ssyncadd.s32 $0xFFFFC000  }
0x121: {  	_ =	swait.ge [sflag:s0], $0x4000  }
0x122: {  	[sflag:s0] =	ssyncset.done $0x0  }
0x123: {  	s13 =	sshll.u32 s2, $0x5;
	[sflag:s0] =	ssyncadd.s32 $0xFFFFC000  }
0x124: {  	v2 =	vld [tilespmem:s13+$0x400]  }
0x125: {  	v1 =	vld [tilespmem:s13+$0x200];
	_ =	sdelay $0x1  }
0x126: {  	s6 =	simm.s32 $0x0;
	s14 =	simm.s32 $0x1  }
0x127: {  	s15 =	simm.s32 $0x2;
	v3 =	vmov s6;
	v4 =	vmov s14  }
0x128: {  	v5 =	vmov s15;
	v3 =	vand.u32 $0x7C, v3;
	v2 =	vand.u32 $0x7, v2  }
0x129: {  	v3 =	vbroadcast v3, $0x0;
	v1 =	vand.u32 $0x7, v1;
	v2 =	vshll.u32 v2, $0x7  }
0x12a: {  	v4 =	vand.u32 $0x7D, v4;
	v1 =	vshll.u32 v1, $0x7;
	v2 =	vor.u32 v0, v2  }
0x12b: {  	v4 =	vbroadcast v4, $0x0;
	v1 =	vor.u32 v0, v1;
	v6 =	vor.u32 v2, v3  }
0x12c: {  	s7 =	simm.s32 $0x3;
	v5 =	vand.u32 $0x7E, v5;
	v3 =	vor.u32 v1, v3  }
0x12d: {  	v8 =	vmov s7;
	v5 =	vbroadcast v5, $0x0;
	v7 =	vor.u32 v2, v4  }
0x12e: {  	v8 =	vand.u32 $0x7F, v8;
	v4 =	vor.u32 v1, v4  }
0x12f: {  	s14 =	simm.s32 $0x4;
	v8 =	vbroadcast v8, $0x0;
	v9 =	vor.u32 v2, v5  }
0x130: {  	s15 =	simm.s32 $0x5;
	v10 =	vmov s14;
	v5 =	vor.u32 v1, v5;
	v6 =	vld.idx.msk [tilespmem:v6+s19+$0x0], $0xffff  }
0x131: {  	v12 =	vmov s15;
	v10 =	vand.u32 $0x7C, v10;
	v11 =	vor.u32 v2, v8;
	v3 =	vld.idx.msk [tilespmem:v3+s18+$0x0], $0xffff  }
0x132: {  	v12 =	vand.u32 $0x7D, v12;
	v10 =	vbroadcast v10, $0x0;
	v8 =	vor.u32 v1, v8;
	v7 =	vld.idx.msk [tilespmem:v7+s19+$0x0], $0xffff  }
0x133: {  	s7 =	simm.s32 $0x6;
	s14 =	simm.s32 $0x7;
	v12 =	vbroadcast v12, $0x0;
	v4 =	vld.idx.msk [tilespmem:v4+s18+$0x0], $0xffff  }
0x134: {  	v15 =	vmov s7;
	v16 =	vmov s14;
	v14 =	vld.idx.msk [tilespmem:v9+s19+$0x0], $0xffff;
	v9 =	vor.u32 v2, v10  }
0x135: {  	v17 =	vor.u32 v1, v10;
	v18 =	vor.u32 v2, v12;
	v5 =	vld.idx.msk [tilespmem:v5+s18+$0x0], $0xffff;
	v10 =	vand.u32 $0x7E, v15  }
0x136: {  	v15 =	vand.u32 $0x7F, v16;
	v16 =	vbroadcast v10, $0x0;
	v3 =	vmul.f32 v3, v6;
	v6 =	vld.idx.msk [tilespmem:v11+s19+$0x0], $0xffff  }
0x137: {  	v13 =	vimm.f32 $0.0e+00;
	v10 =	vor.u32 v1, v12;
	v12 =	vbroadcast v15, $0x0;
	v11 =	vld.idx.msk [tilespmem:v8+s18+$0x0], $0xffff  }
0x138: {  	s14 =	simm.s32 $0x8;
	v15 =	vmul.f32 v4, v7;
	v8 =	vor.u32 v2, v16;
	v13 =	vadd.f32 v3, v13  }
0x139: {  	v19 =	vmov s14;
	v3 =	vld.idx.msk [tilespmem:v9+s19+$0x0], $0xffff;
	v9 =	vor.u32 v1, v16  }
0x13a: {  	s15 =	simm.s32 $0x9;
	v4 =	vld.idx.msk [tilespmem:v17+s18+$0x0], $0xffff;
	v7 =	vor.u32 v2, v12;
	v14 =	vmul.f32 v5, v14;
	v13 =	vadd.f32 v15, v13  }
0x13b: {  	v5 =	vld.idx.msk [tilespmem:v18+s19+$0x0], $0xffff;
	v12 =	vor.u32 v1, v12;
	v16 =	vand.u32 $0x7C, v19;
	v15 =	vmov s15;
	s15 =	simm.s32 $0xC  }
.LBB2_3:
0x13c: {  	p0 =	sne.s32 s15, $0x3C;
	v16 =	vbroadcast v16, $0x0;
	s6 =	sadd.s32 $0x2, s14;
	s14 =	sadd.s32 $0x3, s14;
	v17 =	vld.idx.msk [tilespmem:v10+s18+$0x0], $0xffff;
	v10 =	vadd.f32 v14, v13;
	v6 =	vmul.f32 v11, v6  }
0x13d: {  	v11 =	vand.u32 $0x7D, v15;
	v13 =	vmov s6;
	v14 =	vmov s14;
	v15 =	vld.idx.msk [tilespmem:v8+s19+$0x0], $0xffff;
	s14 =	smov.u32 s15  }
0x13e: {  	v8 =	vbroadcast v11, $0x0;
	v18 =	vor.u32 v2, v16;
	v19 =	vld.idx.msk [tilespmem:v9+s18+$0x0], $0xffff;
	v9 =	vadd.f32 v6, v10  }
0x13f: {  	v16 =	vor.u32 v1, v16;
	v10 =	vand.u32 $0x7E, v13;
	v13 =	vand.u32 $0x7F, v14;
	v6 =	vld.idx.msk [tilespmem:v7+s19+$0x0], $0xffff  }
0x140: {  	v20 =	vor.u32 v2, v8;
	v7 =	vbroadcast v10, $0x0;
	v3 =	vmul.f32 v4, v3;
	v11 =	vld.idx.msk [tilespmem:v12+s18+$0x0], $0xffff  }
.Ltmp2:
0x141: {  	v10 =	vor.u32 v1, v8;
	v12 =	vbroadcast v13, $0x0;
	(pc) =	sbr.rel @p0 .LBB2_3-.Ltmp2, $4  }
0x142: {  	v8 =	vor.u32 v2, v7;
	v13 =	vadd.f32 v3, v9;
	v5 =	vmul.f32 v17, v5  }
0x143: {  	v17 =	vmov s15;
	v9 =	vor.u32 v1, v7;
	v3 =	vld.idx.msk [tilespmem:v18+s19+$0x0], $0xffff  }
0x144: {  	s6 =	sadd.s32 $0x1, s15;
	v7 =	vor.u32 v2, v12;
	v13 =	vadd.f32 v5, v13;
	v14 =	vmul.f32 v19, v15;
	v4 =	vld.idx.msk [tilespmem:v16+s18+$0x0], $0xffff  }
0x145: {  	s15 =	sadd.s32 $0x4, s15;
	v12 =	vor.u32 v1, v12;
	v15 =	vmov s6;
	v16 =	vand.u32 $0x7C, v17;
	v5 =	vld.idx.msk [tilespmem:v20+s19+$0x0], $0xffff  }
0x146: {  	_ =	sdelay $0x1  }
0x147: {  	v16 =	vbroadcast v16, $0x0  }
0x148: {  	s6 =	sadd.s32 $0x2, s14;
	v13 =	vadd.f32 v14, v13;
	v6 =	vmul.f32 v11, v6;
	v45 =	vand.u32 $0x7D, v15  }
0x149: {  	s15 =	sadd.s32 $0x3, s14;
	v10 =	vld.idx.msk [tilespmem:v10+s18+$0x0], $0xffff;
	v46 =	vmov s6;
	v11 =	vbroadcast v45, $0x0;
	v47 =	vor.u32 v2, v16  }
0x14a: {  	v8 =	vld.idx.msk [tilespmem:v8+s19+$0x0], $0xffff;
	v17 =	vmov s15;
	v16 =	vor.u32 v1, v16;
	v14 =	vand.u32 $0x7E, v46  }
0x14b: {  	v9 =	vld.idx.msk [tilespmem:v9+s18+$0x0], $0xffff;
	v6 =	vadd.f32 v6, v13;
	v48 =	vor.u32 v2, v11;
	v14 =	vbroadcast v14, $0x0  }
0x14c: {  	v7 =	vld.idx.msk [tilespmem:v7+s19+$0x0], $0xffff;
	v17 =	vand.u32 $0x7F, v17;
	v3 =	vmul.f32 v4, v3;
	v49 =	vor.u32 v1, v11  }
0x14d: {  	v50 =	vld.idx.msk [tilespmem:v12+s18+$0x0], $0xffff;
	v51 =	vbroadcast v17, $0x0;
	v52 =	vor.u32 v2, v14  }
0x14e: {  	v3 =	vadd.f32 v3, v6;
	v5 =	vmul.f32 v10, v5;
	v54 =	vor.u32 v1, v14;
	v53 =	vld.idx.msk [tilespmem:v47+s19+$0x0], $0xffff  }
0x14f: {  	v2 =	vor.u32 v2, v51;
	v55 =	vld.idx.msk [tilespmem:v16+s18+$0x0], $0xffff  }
0x150: {  	v56 =	vmul.f32 v9, v8;
	v1 =	vor.u32 v1, v51;
	v3 =	vadd.f32 v5, v3;
	v57 =	vld.idx.msk [tilespmem:v48+s19+$0x0], $0xffff  }
0x151: {  	v4 =	vld.idx.msk [tilespmem:v49+s18+$0x0], $0xffff  }
0x152: {  	v58 =	vmul.f32 v50, v7;
	v3 =	vadd.f32 v56, v3;
	v59 =	vld.idx.msk [tilespmem:v52+s19+$0x0], $0xffff  }
0x153: {  	v60 =	vld.idx.msk [tilespmem:v54+s18+$0x0], $0xffff  }
0x154: {  	v2 =	vld.idx.msk [tilespmem:v2+s19+$0x0], $0xffff;
	v3 =	vadd.f32 v58, v3;
	v61 =	vmul.f32 v55, v53  }
0x155: {  	v1 =	vld.idx.msk [tilespmem:v1+s18+$0x0], $0xffff  }
0x156: {  	v4 =	vmul.f32 v4, v57;
	v3 =	vadd.f32 v61, v3;
	_ =	sdelay $0x1  }
0x157: {  	v62 =	vmul.f32 v60, v59;
	v3 =	vadd.f32 v4, v3  }
0x158: {  	v63 =	vld [tilespmem:s13+$0x10600]  }
0x159: {  	v1 =	vmul.f32 v1, v2;
	v3 =	vadd.f32 v62, v3  }
0x15a: {  	v2 =	vld [tilespmem:s13+$0x10800]  }
0x15b: {  	v1 =	vadd.f32 v1, v3;
	_ =	sdelay $0x1  }
0x15c: {  	v1 =	vsub.f32 v1, v63;
	_ =	sdelay $0x1  }
0x15d: {  	v1 =	vmul.f32 v2, v1;
	_ =	sdelay $0x1  }
0x15e: {  	v1 =	vsub.f32 $0.0e+00, v1;
	_ =	sdelay $0x1  }
0x15f: {  	v1 =	vmul.f32 $1.442695020e+00, v1;
	_ =	sdelay $0x1  }
0x160: {  	(erf) = vpow2.f32 v1;
	_ =	sdelay $0x8  }
0x161: {  	v1 =	vpop (erf)  }
0x162: {  	v1 =	vadd.f32 $1.000000000e+00, v1;
	_ =	sdelay $0x1  }
0x163: {  	(erf) = vrcp.f32 v1;
	_ =	sdelay $0x4  }
0x164: {  	p0 =	seq.s32 s2, $0xF  }
.Ltmp3:
0x165: {  	_ = 	snop;
	(pc) =	sbr.rel @p0 .LBB2_6-.Ltmp3, $3  }
0x166: {  	_ =	sdelay $0x1  }
0x167: {  	v1 =	vpop (erf)  }
0x168: {  	[tilespmem:s13+$0x10A00] =	vst v1  }
0x169: {  	v1 =	vld [tilespmem:s13+$0x220];
	_ =	sdelay $0x1  }
0x16a: {  	v3 =	vld [tilespmem:s13+$0x420];
	_ =	sdelay $0x2  }
0x16b: {  	v2 =	vshll.u32 v1, $0x4  }
0x16c: {  	(v2sf) =	vpush v2, $0x0  }
0x16d: {  	v1 =	vshll.u32 v3, $0x4  }
0x16e: {  	(v2sf) =	vpush v1, $0x0;
	_ =	sdelay $0x2  }
0x16f: {  	(v2sf) =	vpush v2, $0x1;
	_ =	sdelay $0x2  }
0x170: {  	(v2sf) =	vpush v1, $0x1;
	_ =	sdelay $0x6  }
0x171: {  	s6 =	spop (v2sf);
	(v2sf) =	vpush v2, $0x2;
	_ =	sdelay $0x1  }
0x172: {  	s15 =	spop (v2sf);
	(v2sf) =	vpush v1, $0x2;
	_ =	sdelay $0x2  }
0x173: {  	s6 =	sand.u32 $0xFFFFF80, s6;
	s7 =	spop (v2sf);
	(v2sf) =	vpush v2, $0x3  }
0x174: {  	s6 =	sadd.s32 s5, s6  }
0x175: {  	[tilespmem:s18], [sflag:$0x1] =	stream.linear.gather [hbm4b:s6+s4], $0x400, $0x38;
	[tilespmem:$0x10C00] =	vst v63  }
0x176: {  	s6 =	sand.u32 $0xFFFFF80, s15;
	s14 =	spop (v2sf);
	(v2sf) =	vpush v1, $0x3  }
0x177: {  	s6 =	sadd.s32 s5, s6  }
0x178: {  	[tilespmem:s19], [sflag:$0x2] =	stream.linear.gather [hbm4b:s6+s4], $0x400, $0x38;
	[tilespmem:$0x10C00] =	vst v63  }
0x179: {  	s6 =	sand.u32 $0xFFFFF80, s7  }
0x17a: {  	s7 =	simm.s32 $0xA00;
	s6 =	sadd.s32 s5, s6  }
0x17b: {  	[tilespmem:s7], [sflag:$0x1] =	stream.linear.gather [hbm4b:s6+s4], $0x400, $0x38;
	[tilespmem:$0x10C00] =	vst v63  }
0x17c: {  	s6 =	sand.u32 $0xFFFFF80, s14  }
0x17d: {  	s15 =	simm.s32 $0x8A00;
	s6 =	sadd.s32 s5, s6;
	s14 =	spop (v2sf);
	(v2sf) =	vpush v2, $0x4  }
0x17e: {  	[tilespmem:s15], [sflag:$0x2] =	stream.linear.gather [hbm4b:s6+s4], $0x400, $0x38;
	[tilespmem:$0x10C00] =	vst v63  }
0x17f: {  	s6 =	sand.u32 $0xFFFFF80, s14;
	s14 =	spop (v2sf);
	(v2sf) =	vpush v1, $0x4  }
0x180: {  	s15 =	simm.s32 $0xE00;
	s6 =	sadd.s32 s5, s6  }
0x181: {  	[tilespmem:s15], [sflag:$0x1] =	stream.linear.gather [hbm4b:s6+s4], $0x400, $0x38;
	[tilespmem:$0x10C00] =	vst v63  }
0x182: {  	s6 =	sand.u32 $0xFFFFF80, s14;
	s14 =	spop (v2sf);
	(v2sf) =	vpush v2, $0x5  }
0x183: {  	s15 =	simm.s32 $0x8E00;
	s6 =	sadd.s32 s5, s6  }
0x184: {  	[tilespmem:s15], [sflag:$0x2] =	stream.linear.gather [hbm4b:s6+s4], $0x400, $0x38;
	[tilespmem:$0x10C00] =	vst v63  }
0x185: {  	s6 =	sand.u32 $0xFFFFF80, s14;
	s14 =	spop (v2sf);
	(v2sf) =	vpush v1, $0x5;
	_ =	sdelay $0x3  }
0x186: {  	s15 =	simm.s32 $0x1200;
	s6 =	sadd.s32 s5, s6  }
0x187: {  	[tilespmem:s15], [sflag:$0x1] =	stream.linear.gather [hbm4b:s6+s4], $0x400, $0x38;
	[tilespmem:$0x10C00] =	vst v63  }
0x188: {  	s6 =	sand.u32 $0xFFFFF80, s14  }
0x189: {  	s15 =	simm.s32 $0x9200;
	s6 =	sadd.s32 s5, s6;
	s14 =	spop (v2sf);
	(v2sf) =	vpush v2, $0x6  }
0x18a: {  	[tilespmem:s15], [sflag:$0x2] =	stream.linear.gather [hbm4b:s6+s4], $0x400, $0x38;
	[tilespmem:$0x10C00] =	vst v63  }
0x18b: {  	s6 =	sand.u32 $0xFFFFF80, s14;
	s14 =	spop (v2sf);
	(v2sf) =	vpush v1, $0x6  }
0x18c: {  	s15 =	simm.s32 $0x1600;
	s6 =	sadd.s32 s5, s6  }
0x18d: {  	[tilespmem:s15], [sflag:$0x1] =	stream.linear.gather [hbm4b:s6+s4], $0x400, $0x38;
	[tilespmem:$0x10C00] =	vst v63  }
0x18e: {  	s6 =	sand.u32 $0xFFFFF80, s14;
	s14 =	spop (v2sf);
	(v2sf) =	vpush v2, $0x7  }
0x18f: {  	s15 =	simm.s32 $0x9600;
	s6 =	sadd.s32 s5, s6  }
0x190: {  	[tilespmem:s15], [sflag:$0x2] =	stream.linear.gather [hbm4b:s6+s4], $0x400, $0x38;
	[tilespmem:$0x10C00] =	vst v63  }
0x191: {  	s6 =	sand.u32 $0xFFFFF80, s14;
	s14 =	spop (v2sf);
	(v2sf) =	vpush v1, $0x7;
	_ =	sdelay $0x3  }
0x192: {  	s15 =	simm.s32 $0x1A00;
	s6 =	sadd.s32 s5, s6  }
0x193: {  	[tilespmem:s15], [sflag:$0x1] =	stream.linear.gather [hbm4b:s6+s4], $0x400, $0x38;
	[tilespmem:$0x10C00] =	vst v63  }
0x194: {  	s6 =	sand.u32 $0xFFFFF80, s14  }
0x195: {  	s15 =	simm.s32 $0x9A00;
	s6 =	sadd.s32 s5, s6;
	s14 =	spop (v2sf);
	(v2sf) =	vpush v2, $0x8  }
0x196: {  	[tilespmem:s15], [sflag:$0x2] =	stream.linear.gather [hbm4b:s6+s4], $0x400, $0x38;
	[tilespmem:$0x10C00] =	vst v63  }
0x197: {  	s6 =	sand.u32 $0xFFFFF80, s14;
	s14 =	spop (v2sf);
	(v2sf) =	vpush v1, $0x8  }
0x198: {  	s15 =	simm.s32 $0x1E00;
	s6 =	sadd.s32 s5, s6  }
0x199: {  	[tilespmem:s15], [sflag:$0x1] =	stream.linear.gather [hbm4b:s6+s4], $0x400, $0x38;
	[tilespmem:$0x10C00] =	vst v63  }
0x19a: {  	s6 =	sand.u32 $0xFFFFF80, s14;
	s14 =	spop (v2sf);
	(v2sf) =	vpush v2, $0x9  }
0x19b: {  	s15 =	simm.s32 $0x9E00;
	s6 =	sadd.s32 s5, s6  }
0x19c: {  	[tilespmem:s15], [sflag:$0x2] =	stream.linear.gather [hbm4b:s6+s4], $0x400, $0x38;
	[tilespmem:$0x10C00] =	vst v63  }
0x19d: {  	s6 =	sand.u32 $0xFFFFF80, s14;
	s14 =	spop (v2sf);
	(v2sf) =	vpush v1, $0x9;
	_ =	sdelay $0x3  }
0x19e: {  	s15 =	simm.s32 $0x2200;
	s6 =	sadd.s32 s5, s6  }
0x19f: {  	[tilespmem:s15], [sflag:$0x1] =	stream.linear.gather [hbm4b:s6+s4], $0x400, $0x38;
	[tilespmem:$0x10C00] =	vst v63  }
0x1a0: {  	s6 =	sand.u32 $0xFFFFF80, s14  }
0x1a1: {  	s15 =	simm.s32 $0xA200;
	s6 =	sadd.s32 s5, s6;
	s14 =	spop (v2sf);
	(v2sf) =	vpush v2, $0xA  }
0x1a2: {  	[tilespmem:s15], [sflag:$0x2] =	stream.linear.gather [hbm4b:s6+s4], $0x400, $0x38;
	[tilespmem:$0x10C00] =	vst v63  }
0x1a3: {  	s6 =	sand.u32 $0xFFFFF80, s14;
	s14 =	spop (v2sf);
	(v2sf) =	vpush v1, $0xA  }
0x1a4: {  	s15 =	simm.s32 $0x2600;
	s6 =	sadd.s32 s5, s6  }
0x1a5: {  	[tilespmem:s15], [sflag:$0x1] =	stream.linear.gather [hbm4b:s6+s4], $0x400, $0x38;
	[tilespmem:$0x10C00] =	vst v63  }
0x1a6: {  	s6 =	sand.u32 $0xFFFFF80, s14;
	s14 =	spop (v2sf);
	(v2sf) =	vpush v2, $0xB  }
0x1a7: {  	s15 =	simm.s32 $0xA600;
	s6 =	sadd.s32 s5, s6  }
0x1a8: {  	[tilespmem:s15], [sflag:$0x2] =	stream.linear.gather [hbm4b:s6+s4], $0x400, $0x38;
	[tilespmem:$0x10C00] =	vst v63  }
0x1a9: {  	s6 =	sand.u32 $0xFFFFF80, s14;
	s14 =	spop (v2sf);
	(v2sf) =	vpush v1, $0xB;
	_ =	sdelay $0x3  }
0x1aa: {  	s15 =	simm.s32 $0x2A00;
	s6 =	sadd.s32 s5, s6  }
0x1ab: {  	[tilespmem:s15], [sflag:$0x1] =	stream.linear.gather [hbm4b:s6+s4], $0x400, $0x38;
	[tilespmem:$0x10C00] =	vst v63  }
0x1ac: {  	s6 =	sand.u32 $0xFFFFF80, s14  }
0x1ad: {  	s15 =	simm.s32 $0xAA00;
	s6 =	sadd.s32 s5, s6;
	s14 =	spop (v2sf);
	(v2sf) =	vpush v2, $0xC  }
0x1ae: {  	[tilespmem:s15], [sflag:$0x2] =	stream.linear.gather [hbm4b:s6+s4], $0x400, $0x38;
	[tilespmem:$0x10C00] =	vst v63  }
0x1af: {  	s6 =	sand.u32 $0xFFFFF80, s14;
	s14 =	spop (v2sf);
	(v2sf) =	vpush v1, $0xC  }
0x1b0: {  	s15 =	simm.s32 $0x2E00;
	s6 =	sadd.s32 s5, s6  }
0x1b1: {  	[tilespmem:s15], [sflag:$0x1] =	stream.linear.gather [hbm4b:s6+s4], $0x400, $0x38;
	[tilespmem:$0x10C00] =	vst v63  }
0x1b2: {  	s6 =	sand.u32 $0xFFFFF80, s14;
	s14 =	spop (v2sf);
	(v2sf) =	vpush v2, $0xD  }
0x1b3: {  	s15 =	simm.s32 $0xAE00;
	s6 =	sadd.s32 s5, s6  }
0x1b4: {  	[tilespmem:s15], [sflag:$0x2] =	stream.linear.gather [hbm4b:s6+s4], $0x400, $0x38;
	[tilespmem:$0x10C00] =	vst v63  }
0x1b5: {  	s6 =	sand.u32 $0xFFFFF80, s14;
	s14 =	spop (v2sf);
	(v2sf) =	vpush v1, $0xD;
	_ =	sdelay $0x3  }
0x1b6: {  	s15 =	simm.s32 $0x3200;
	s6 =	sadd.s32 s5, s6  }
0x1b7: {  	[tilespmem:s15], [sflag:$0x1] =	stream.linear.gather [hbm4b:s6+s4], $0x400, $0x38;
	[tilespmem:$0x10C00] =	vst v63  }
0x1b8: {  	s6 =	sand.u32 $0xFFFFF80, s14  }
0x1b9: {  	s15 =	simm.s32 $0xB200;
	s6 =	sadd.s32 s5, s6;
	s14 =	spop (v2sf);
	(v2sf) =	vpush v2, $0xE  }
0x1ba: {  	[tilespmem:s15], [sflag:$0x2] =	stream.linear.gather [hbm4b:s6+s4], $0x400, $0x38;
	[tilespmem:$0x10C00] =	vst v63  }
0x1bb: {  	s6 =	sand.u32 $0xFFFFF80, s14;
	s14 =	spop (v2sf);
	(v2sf) =	vpush v1, $0xE  }
0x1bc: {  	s15 =	simm.s32 $0x3600;
	s6 =	sadd.s32 s5, s6  }
0x1bd: {  	[tilespmem:s15], [sflag:$0x1] =	stream.linear.gather [hbm4b:s6+s4], $0x400, $0x38;
	[tilespmem:$0x10C00] =	vst v63  }
0x1be: {  	s6 =	sand.u32 $0xFFFFF80, s14;
	s14 =	spop (v2sf);
	(v2sf) =	vpush v2, $0xF  }
0x1bf: {  	s15 =	simm.s32 $0xB600;
	s6 =	sadd.s32 s5, s6  }
0x1c0: {  	[tilespmem:s15], [sflag:$0x2] =	stream.linear.gather [hbm4b:s6+s4], $0x400, $0x38;
	[tilespmem:$0x10C00] =	vst v63  }
0x1c1: {  	s6 =	sand.u32 $0xFFFFF80, s14;
	s14 =	spop (v2sf);
	(v2sf) =	vpush v1, $0xF;
	_ =	sdelay $0x1  }
0x1c2: {  	s15 =	simm.s32 $0x3A00;
	s6 =	sadd.s32 s5, s6  }
0x1c3: {  	[tilespmem:s15], [sflag:$0x1] =	stream.linear.gather [hbm4b:s6+s4], $0x400, $0x38;
	[tilespmem:$0x10C00] =	vst v63  }
0x1c4: {  	s6 =	sand.u32 $0xFFFFF80, s14  }
0x1c5: {  	s15 =	simm.s32 $0xBA00;
	s6 =	sadd.s32 s5, s6  }
0x1c6: {  	[tilespmem:s15], [sflag:$0x2] =	stream.linear.gather [hbm4b:s6+s4], $0x400, $0x38;
	[tilespmem:$0x10C00] =	vst v63  }
0x1c7: {  	s14 =	spop (v2sf)  }
0x1c8: {  	s6 =	sand.u32 $0xFFFFF80, s14  }
0x1c9: {  	s15 =	simm.s32 $0x3E00;
	s14 =	spop (v2sf);
	s6 =	sadd.s32 s5, s6  }
0x1ca: {  	[tilespmem:s15], [sflag:$0x1] =	stream.linear.gather [hbm4b:s6+s4], $0x400, $0x38;
	[tilespmem:$0x10C00] =	vst v63  }
0x1cb: {  	s6 =	sand.u32 $0xFFFFF80, s14  }
0x1cc: {  	s15 =	simm.s32 $0xBE00;
	s14 =	spop (v2sf);
	s6 =	sadd.s32 s5, s6  }
0x1cd: {  	[tilespmem:s15], [sflag:$0x2] =	stream.linear.gather [hbm4b:s6+s4], $0x400, $0x38;
	[tilespmem:$0x10C00] =	vst v63  }
0x1ce: {  	s6 =	sand.u32 $0xFFFFF80, s14  }
0x1cf: {  	s15 =	simm.s32 $0x4200;
	s14 =	spop (v2sf);
	s6 =	sadd.s32 s5, s6  }
0x1d0: {  	[tilespmem:s15], [sflag:$0x1] =	stream.linear.gather [hbm4b:s6+s4], $0x400, $0x38;
	[tilespmem:$0x10C00] =	vst v63  }
0x1d1: {  	s6 =	sand.u32 $0xFFFFF80, s14  }
0x1d2: {  	s15 =	simm.s32 $0xC200;
	s6 =	sadd.s32 s5, s6  }
0x1d3: {  	[tilespmem:s15], [sflag:$0x2] =	stream.linear.gather [hbm4b:s6+s4], $0x400, $0x38;
	[tilespmem:$0x10C00] =	vst v63  }
.LBB2_6:
0x1d4: {  	_ =	swait.ge [sflag:s3], $0x4000  }
0x1d5: {  	[sflag:s3] =	ssyncset.done $0x0  }
0x1d6: {  	[sflag:s3] =	ssyncadd.s32 $0xFFFFC000  }
0x1d7: {  	_ =	swait.ge [sflag:s1], $0x4000  }
0x1d8: {  	[sflag:s1] =	ssyncset.done $0x0  }
0x1d9: {  	[sflag:s1] =	ssyncadd.s32 $0xFFFFC000  }
0x1da: {  	v2 =	vld [tilespmem:s13+$0x410]  }
0x1db: {  	v1 =	vld [tilespmem:s13+$0x210];
	_ =	sdelay $0x1  }
0x1dc: {  	s6 =	simm.s32 $0x0;
	s7 =	simm.s32 $0x1  }
0x1dd: {  	s14 =	simm.s32 $0x2;
	v3 =	vmov s6;
	v4 =	vmov s7  }
0x1de: {  	v5 =	vmov s14;
	v3 =	vand.u32 $0x7C, v3;
	v2 =	vand.u32 $0x7, v2  }
0x1df: {  	v3 =	vbroadcast v3, $0x0;
	v1 =	vand.u32 $0x7, v1;
	v2 =	vshll.u32 v2, $0x7  }
0x1e0: {  	v4 =	vand.u32 $0x7D, v4;
	v1 =	vshll.u32 v1, $0x7;
	v2 =	vor.u32 v0, v2  }
0x1e1: {  	v4 =	vbroadcast v4, $0x0;
	v1 =	vor.u32 v0, v1;
	v6 =	vor.u32 v2, v3  }
0x1e2: {  	s15 =	simm.s32 $0x3;
	v5 =	vand.u32 $0x7E, v5;
	v3 =	vor.u32 v1, v3  }
0x1e3: {  	v8 =	vmov s15;
	v5 =	vbroadcast v5, $0x0;
	v7 =	vor.u32 v2, v4  }
0x1e4: {  	v8 =	vand.u32 $0x7F, v8;
	v4 =	vor.u32 v1, v4  }
0x1e5: {  	s7 =	simm.s32 $0x4;
	v8 =	vbroadcast v8, $0x0;
	v9 =	vor.u32 v2, v5  }
0x1e6: {  	s14 =	simm.s32 $0x5;
	v10 =	vmov s7;
	v5 =	vor.u32 v1, v5;
	v6 =	vld.idx.msk [tilespmem:v6+s24+$0x0], $0xffff  }
0x1e7: {  	v12 =	vmov s14;
	v10 =	vand.u32 $0x7C, v10;
	v11 =	vor.u32 v2, v8;
	v3 =	vld.idx.msk [tilespmem:v3+s23+$0x0], $0xffff  }
0x1e8: {  	v12 =	vand.u32 $0x7D, v12;
	v10 =	vbroadcast v10, $0x0;
	v8 =	vor.u32 v1, v8;
	v7 =	vld.idx.msk [tilespmem:v7+s24+$0x0], $0xffff  }
0x1e9: {  	s15 =	simm.s32 $0x6;
	s14 =	simm.s32 $0x7;
	v12 =	vbroadcast v12, $0x0;
	v4 =	vld.idx.msk [tilespmem:v4+s23+$0x0], $0xffff  }
0x1ea: {  	v15 =	vmov s15;
	v16 =	vmov s14;
	v14 =	vld.idx.msk [tilespmem:v9+s24+$0x0], $0xffff;
	v9 =	vor.u32 v2, v10  }
0x1eb: {  	v17 =	vor.u32 v1, v10;
	v18 =	vor.u32 v2, v12;
	v5 =	vld.idx.msk [tilespmem:v5+s23+$0x0], $0xffff;
	v10 =	vand.u32 $0x7E, v15  }
0x1ec: {  	v15 =	vand.u32 $0x7F, v16;
	v16 =	vbroadcast v10, $0x0;
	v3 =	vmul.f32 v3, v6;
	v6 =	vld.idx.msk [tilespmem:v11+s24+$0x0], $0xffff  }
0x1ed: {  	v13 =	vimm.f32 $0.0e+00;
	v10 =	vor.u32 v1, v12;
	v12 =	vbroadcast v15, $0x0;
	v11 =	vld.idx.msk [tilespmem:v8+s23+$0x0], $0xffff  }
0x1ee: {  	s15 =	simm.s32 $0x8;
	v15 =	vmul.f32 v4, v7;
	v8 =	vor.u32 v2, v16;
	v13 =	vadd.f32 v3, v13  }
0x1ef: {  	v19 =	vmov s15;
	v3 =	vld.idx.msk [tilespmem:v9+s24+$0x0], $0xffff;
	v9 =	vor.u32 v1, v16  }
0x1f0: {  	s7 =	simm.s32 $0x9;
	v4 =	vld.idx.msk [tilespmem:v17+s23+$0x0], $0xffff;
	v7 =	vor.u32 v2, v12;
	v14 =	vmul.f32 v5, v14;
	v13 =	vadd.f32 v15, v13  }
0x1f1: {  	s6 =	simm.s32 $0xC;
	s14 =	sor.u32 $0x10, s13;
	v5 =	vld.idx.msk [tilespmem:v18+s24+$0x0], $0xffff;
	v12 =	vor.u32 v1, v12;
	v16 =	vand.u32 $0x7C, v19;
	v15 =	vmov s7  }
.LBB2_7:
0x1f2: {  	p1 =	sne.s32 s6, $0x3C;
	v16 =	vbroadcast v16, $0x0;
	s7 =	sadd.s32 $0x2, s15;
	s15 =	sadd.s32 $0x3, s15;
	v17 =	vld.idx.msk [tilespmem:v10+s23+$0x0], $0xffff;
	v10 =	vadd.f32 v14, v13;
	v6 =	vmul.f32 v11, v6  }
0x1f3: {  	v11 =	vand.u32 $0x7D, v15;
	v13 =	vmov s7;
	v14 =	vmov s15;
	v15 =	vld.idx.msk [tilespmem:v8+s24+$0x0], $0xffff;
	s15 =	smov.u32 s6  }
0x1f4: {  	v8 =	vbroadcast v11, $0x0;
	v18 =	vor.u32 v2, v16;
	v19 =	vld.idx.msk [tilespmem:v9+s23+$0x0], $0xffff;
	v9 =	vadd.f32 v6, v10  }
0x1f5: {  	v16 =	vor.u32 v1, v16;
	v10 =	vand.u32 $0x7E, v13;
	v13 =	vand.u32 $0x7F, v14;
	v6 =	vld.idx.msk [tilespmem:v7+s24+$0x0], $0xffff  }
0x1f6: {  	v20 =	vor.u32 v2, v8;
	v7 =	vbroadcast v10, $0x0;
	v3 =	vmul.f32 v4, v3;
	v11 =	vld.idx.msk [tilespmem:v12+s23+$0x0], $0xffff  }
.Ltmp4:
0x1f7: {  	v10 =	vor.u32 v1, v8;
	v12 =	vbroadcast v13, $0x0;
	(pc) =	sbr.rel @p1 .LBB2_7-.Ltmp4, $4  }
0x1f8: {  	v8 =	vor.u32 v2, v7;
	v13 =	vadd.f32 v3, v9;
	v5 =	vmul.f32 v17, v5  }
0x1f9: {  	v17 =	vmov s6;
	v9 =	vor.u32 v1, v7;
	v3 =	vld.idx.msk [tilespmem:v18+s24+$0x0], $0xffff  }
0x1fa: {  	s7 =	sadd.s32 $0x1, s6;
	v7 =	vor.u32 v2, v12;
	v13 =	vadd.f32 v5, v13;
	v14 =	vmul.f32 v19, v15;
	v4 =	vld.idx.msk [tilespmem:v16+s23+$0x0], $0xffff  }
0x1fb: {  	s6 =	sadd.s32 $0x4, s6;
	v12 =	vor.u32 v1, v12;
	v15 =	vmov s7;
	v16 =	vand.u32 $0x7C, v17;
	v5 =	vld.idx.msk [tilespmem:v20+s24+$0x0], $0xffff  }
0x1fc: {  	_ =	sdelay $0x1  }
0x1fd: {  	v16 =	vbroadcast v16, $0x0  }
0x1fe: {  	s6 =	sadd.s32 $0x2, s15;
	v13 =	vadd.f32 v14, v13;
	v6 =	vmul.f32 v11, v6;
	v45 =	vand.u32 $0x7D, v15  }
0x1ff: {  	s7 =	sadd.s32 $0x3, s15;
	v10 =	vld.idx.msk [tilespmem:v10+s23+$0x0], $0xffff;
	v46 =	vmov s6;
	v11 =	vbroadcast v45, $0x0;
	v47 =	vor.u32 v2, v16  }
0x200: {  	v8 =	vld.idx.msk [tilespmem:v8+s24+$0x0], $0xffff;
	v17 =	vmov s7;
	v16 =	vor.u32 v1, v16;
	v14 =	vand.u32 $0x7E, v46  }
0x201: {  	v9 =	vld.idx.msk [tilespmem:v9+s23+$0x0], $0xffff;
	v6 =	vadd.f32 v6, v13;
	v48 =	vor.u32 v2, v11;
	v14 =	vbroadcast v14, $0x0  }
0x202: {  	v7 =	vld.idx.msk [tilespmem:v7+s24+$0x0], $0xffff;
	v17 =	vand.u32 $0x7F, v17;
	v3 =	vmul.f32 v4, v3;
	v49 =	vor.u32 v1, v11  }
0x203: {  	v50 =	vld.idx.msk [tilespmem:v12+s23+$0x0], $0xffff;
	v51 =	vbroadcast v17, $0x0;
	v52 =	vor.u32 v2, v14  }
0x204: {  	v3 =	vadd.f32 v3, v6;
	v5 =	vmul.f32 v10, v5;
	v54 =	vor.u32 v1, v14;
	v53 =	vld.idx.msk [tilespmem:v47+s24+$0x0], $0xffff  }
0x205: {  	v2 =	vor.u32 v2, v51;
	v55 =	vld.idx.msk [tilespmem:v16+s23+$0x0], $0xffff  }
0x206: {  	v56 =	vmul.f32 v9, v8;
	v1 =	vor.u32 v1, v51;
	v3 =	vadd.f32 v5, v3;
	v57 =	vld.idx.msk [tilespmem:v48+s24+$0x0], $0xffff  }
0x207: {  	v4 =	vld.idx.msk [tilespmem:v49+s23+$0x0], $0xffff  }
0x208: {  	v58 =	vmul.f32 v50, v7;
	v3 =	vadd.f32 v56, v3;
	v59 =	vld.idx.msk [tilespmem:v52+s24+$0x0], $0xffff  }
0x209: {  	v60 =	vld.idx.msk [tilespmem:v54+s23+$0x0], $0xffff  }
0x20a: {  	v2 =	vld.idx.msk [tilespmem:v2+s24+$0x0], $0xffff;
	v3 =	vadd.f32 v58, v3;
	v61 =	vmul.f32 v55, v53  }
0x20b: {  	v1 =	vld.idx.msk [tilespmem:v1+s23+$0x0], $0xffff  }
0x20c: {  	v4 =	vmul.f32 v4, v57;
	v3 =	vadd.f32 v61, v3;
	_ =	sdelay $0x1  }
0x20d: {  	v62 =	vmul.f32 v60, v59;
	v3 =	vadd.f32 v4, v3  }
0x20e: {  	v63 =	vld [tilespmem:s14+$0x10600]  }
0x20f: {  	v1 =	vmul.f32 v1, v2;
	v3 =	vadd.f32 v62, v3  }
0x210: {  	v2 =	vld [tilespmem:s14+$0x10800]  }
0x211: {  	v1 =	vadd.f32 v1, v3;
	_ =	sdelay $0x1  }
0x212: {  	v1 =	vsub.f32 v1, v63;
	_ =	sdelay $0x1  }
0x213: {  	v1 =	vmul.f32 v2, v1;
	_ =	sdelay $0x1  }
0x214: {  	v1 =	vsub.f32 $0.0e+00, v1;
	_ =	sdelay $0x1  }
0x215: {  	v1 =	vmul.f32 $1.442695020e+00, v1;
	_ =	sdelay $0x1  }
0x216: {  	(erf) = vpow2.f32 v1;
	_ =	sdelay $0x8  }
0x217: {  	v1 =	vpop (erf)  }
0x218: {  	v1 =	vadd.f32 $1.000000000e+00, v1;
	_ =	sdelay $0x1  }
0x219: {  	(erf) = vrcp.f32 v1;
	_ =	sdelay $0x5  }
.Ltmp5:
0x21a: {  	_ = 	snop;
	(pc) =	sbr.rel @p0 .LBB2_10-.Ltmp5, $3  }
0x21b: {  	_ =	sdelay $0x1  }
0x21c: {  	v1 =	vpop (erf)  }
0x21d: {  	[tilespmem:s14+$0x10A00] =	vst v1  }
0x21e: {  	v1 =	vld [tilespmem:s13+$0x230];
	_ =	sdelay $0x1  }
0x21f: {  	v3 =	vld [tilespmem:s13+$0x430];
	_ =	sdelay $0x2  }
0x220: {  	v2 =	vshll.u32 v1, $0x4  }
0x221: {  	(v2sf) =	vpush v2, $0x0  }
0x222: {  	v1 =	vshll.u32 v3, $0x4  }
0x223: {  	(v2sf) =	vpush v1, $0x0;
	_ =	sdelay $0x2  }
0x224: {  	(v2sf) =	vpush v2, $0x1;
	_ =	sdelay $0x5  }
0x225: {  	(v2sf) =	vpush v1, $0x1;
	_ =	sdelay $0x3  }
0x226: {  	s6 =	spop (v2sf);
	(v2sf) =	vpush v2, $0x2;
	_ =	sdelay $0x1  }
0x227: {  	s6 =	sand.u32 $0xFFFFF80, s6;
	s14 =	spop (v2sf);
	(v2sf) =	vpush v1, $0x2  }
0x228: {  	s6 =	sadd.s32 s5, s6  }
0x229: {  	[tilespmem:s23], [sflag:$0x3] =	stream.linear.gather [hbm4b:s6+s4], $0x400, $0x38;
	[tilespmem:$0x10C00] =	vst v63  }
0x22a: {  	s15 =	spop (v2sf);
	(v2sf) =	vpush v2, $0x3;
	s6 =	sand.u32 $0xFFFFF80, s14  }
0x22b: {  	s6 =	sadd.s32 s5, s6  }
0x22c: {  	[tilespmem:s24], [sflag:$0x4] =	stream.linear.gather [hbm4b:s6+s4], $0x400, $0x38;
	[tilespmem:$0x10C00] =	vst v63  }
0x22d: {  	s6 =	sand.u32 $0xFFFFF80, s15  }
0x22e: {  	s7 =	simm.s32 $0x4A00;
	s6 =	sadd.s32 s5, s6  }
0x22f: {  	[tilespmem:s7], [sflag:$0x3] =	stream.linear.gather [hbm4b:s6+s4], $0x400, $0x38;
	[tilespmem:$0x10C00] =	vst v63  }
0x230: {  	s7 =	spop (v2sf);
	(v2sf) =	vpush v1, $0x3;
	_ =	sdelay $0x3  }
0x231: {  	s14 =	spop (v2sf);
	(v2sf) =	vpush v2, $0x4;
	_ =	sdelay $0x1  }
0x232: {  	s6 =	sand.u32 $0xFFFFF80, s7;
	s7 =	spop (v2sf);
	(v2sf) =	vpush v1, $0x4  }
0x233: {  	s13 =	simm.s32 $0xCA00;
	s6 =	sadd.s32 s5, s6  }
0x234: {  	[tilespmem:s13], [sflag:$0x4] =	stream.linear.gather [hbm4b:s6+s4], $0x400, $0x38;
	[tilespmem:$0x10C00] =	vst v63  }
0x235: {  	s6 =	sand.u32 $0xFFFFF80, s14;
	s14 =	spop (v2sf);
	(v2sf) =	vpush v2, $0x5;
	_ =	sdelay $0x3  }
0x236: {  	s15 =	simm.s32 $0x4E00;
	s6 =	sadd.s32 s5, s6  }
0x237: {  	[tilespmem:s15], [sflag:$0x3] =	stream.linear.gather [hbm4b:s6+s4], $0x400, $0x38;
	[tilespmem:$0x10C00] =	vst v63  }
0x238: {  	s6 =	sand.u32 $0xFFFFF80, s7;
	s7 =	spop (v2sf);
	(v2sf) =	vpush v1, $0x5  }
0x239: {  	s13 =	simm.s32 $0xCE00;
	s6 =	sadd.s32 s5, s6  }
0x23a: {  	[tilespmem:s13], [sflag:$0x4] =	stream.linear.gather [hbm4b:s6+s4], $0x400, $0x38;
	[tilespmem:$0x10C00] =	vst v63  }
0x23b: {  	s6 =	sand.u32 $0xFFFFF80, s14  }
0x23c: {  	s15 =	simm.s32 $0x5200;
	s6 =	sadd.s32 s5, s6;
	s14 =	spop (v2sf);
	(v2sf) =	vpush v2, $0x6  }
0x23d: {  	[tilespmem:s15], [sflag:$0x3] =	stream.linear.gather [hbm4b:s6+s4], $0x400, $0x38;
	[tilespmem:$0x10C00] =	vst v63  }
0x23e: {  	s6 =	sand.u32 $0xFFFFF80, s7;
	s7 =	spop (v2sf);
	(v2sf) =	vpush v1, $0x6  }
0x23f: {  	s13 =	simm.s32 $0xD200;
	s6 =	sadd.s32 s5, s6  }
0x240: {  	[tilespmem:s13], [sflag:$0x4] =	stream.linear.gather [hbm4b:s6+s4], $0x400, $0x38;
	[tilespmem:$0x10C00] =	vst v63  }
0x241: {  	s6 =	sand.u32 $0xFFFFF80, s14;
	s14 =	spop (v2sf);
	(v2sf) =	vpush v2, $0x7;
	_ =	sdelay $0x3  }
0x242: {  	s15 =	simm.s32 $0x5600;
	s6 =	sadd.s32 s5, s6  }
0x243: {  	[tilespmem:s15], [sflag:$0x3] =	stream.linear.gather [hbm4b:s6+s4], $0x400, $0x38;
	[tilespmem:$0x10C00] =	vst v63  }
0x244: {  	s6 =	sand.u32 $0xFFFFF80, s7;
	s7 =	spop (v2sf);
	(v2sf) =	vpush v1, $0x7  }
0x245: {  	s13 =	simm.s32 $0xD600;
	s6 =	sadd.s32 s5, s6  }
0x246: {  	[tilespmem:s13], [sflag:$0x4] =	stream.linear.gather [hbm4b:s6+s4], $0x400, $0x38;
	[tilespmem:$0x10C00] =	vst v63  }
0x247: {  	s6 =	sand.u32 $0xFFFFF80, s14  }
0x248: {  	s15 =	simm.s32 $0x5A00;
	s6 =	sadd.s32 s5, s6;
	s14 =	spop (v2sf);
	(v2sf) =	vpush v2, $0x8  }
0x249: {  	[tilespmem:s15], [sflag:$0x3] =	stream.linear.gather [hbm4b:s6+s4], $0x400, $0x38;
	[tilespmem:$0x10C00] =	vst v63  }
0x24a: {  	s6 =	sand.u32 $0xFFFFF80, s7;
	s7 =	spop (v2sf);
	(v2sf) =	vpush v1, $0x8  }
0x24b: {  	s13 =	simm.s32 $0xDA00;
	s6 =	sadd.s32 s5, s6  }
0x24c: {  	[tilespmem:s13], [sflag:$0x4] =	stream.linear.gather [hbm4b:s6+s4], $0x400, $0x38;
	[tilespmem:$0x10C00] =	vst v63  }
0x24d: {  	s6 =	sand.u32 $0xFFFFF80, s14;
	s14 =	spop (v2sf);
	(v2sf) =	vpush v2, $0x9  }
0x24e: {  	s15 =	simm.s32 $0x5E00;
	s6 =	sadd.s32 s5, s6  }
0x24f: {  	[tilespmem:s15], [sflag:$0x3] =	stream.linear.gather [hbm4b:s6+s4], $0x400, $0x38;
	[tilespmem:$0x10C00] =	vst v63  }
0x250: {  	s6 =	sand.u32 $0xFFFFF80, s7  }
0x251: {  	s13 =	simm.s32 $0xDE00;
	s6 =	sadd.s32 s5, s6  }
0x252: {  	[tilespmem:s13], [sflag:$0x4] =	stream.linear.gather [hbm4b:s6+s4], $0x400, $0x38;
	[tilespmem:$0x10C00] =	vst v63  }
0x253: {  	s6 =	sand.u32 $0xFFFFF80, s14;
	s7 =	spop (v2sf);
	(v2sf) =	vpush v1, $0x9  }
0x254: {  	s15 =	simm.s32 $0x6200;
	s6 =	sadd.s32 s5, s6  }
0x255: {  	[tilespmem:s15], [sflag:$0x3] =	stream.linear.gather [hbm4b:s6+s4], $0x400, $0x38;
	[tilespmem:$0x10C00] =	vst v63  }
0x256: {  	s6 =	sand.u32 $0xFFFFF80, s7  }
0x257: {  	s13 =	simm.s32 $0xE200;
	s6 =	sadd.s32 s5, s6;
	s14 =	spop (v2sf);
	(v2sf) =	vpush v2, $0xA  }
0x258: {  	[tilespmem:s13], [sflag:$0x4] =	stream.linear.gather [hbm4b:s6+s4], $0x400, $0x38;
	[tilespmem:$0x10C00] =	vst v63  }
0x259: {  	s13 =	spop (v2sf);
	(v2sf) =	vpush v1, $0xA;
	_ =	sdelay $0x2  }
0x25a: {  	s6 =	sand.u32 $0xFFFFF80, s14;
	s14 =	spop (v2sf);
	(v2sf) =	vpush v2, $0xB;
	_ =	sdelay $0x3  }
0x25b: {  	s15 =	simm.s32 $0x6600;
	s6 =	sadd.s32 s5, s6  }
0x25c: {  	[tilespmem:s15], [sflag:$0x3] =	stream.linear.gather [hbm4b:s6+s4], $0x400, $0x38;
	[tilespmem:$0x10C00] =	vst v63  }
0x25d: {  	s6 =	sand.u32 $0xFFFFF80, s13;
	s15 =	spop (v2sf);
	(v2sf) =	vpush v1, $0xB  }
0x25e: {  	s6 =	sadd.s32 s5, s6  }
0x25f: {  	[tilespmem:s8], [sflag:$0x4] =	stream.linear.gather [hbm4b:s6+s4], $0x400, $0x38;
	[tilespmem:$0x10C00] =	vst v63  }
0x260: {  	s6 =	sand.u32 $0xFFFFF80, s14  }
0x261: {  	s6 =	sadd.s32 s5, s6;
	s7 =	spop (v2sf);
	(v2sf) =	vpush v2, $0xC  }
0x262: {  	[tilespmem:s9], [sflag:$0x3] =	stream.linear.gather [hbm4b:s6+s4], $0x400, $0x38;
	[tilespmem:$0x10C00] =	vst v63  }
0x263: {  	s6 =	sand.u32 $0xFFFFF80, s15;
	s13 =	spop (v2sf);
	(v2sf) =	vpush v1, $0xC  }
0x264: {  	s6 =	sadd.s32 s5, s6  }
0x265: {  	[tilespmem:s10], [sflag:$0x4] =	stream.linear.gather [hbm4b:s6+s4], $0x400, $0x38;
	[tilespmem:$0x10C00] =	vst v63  }
0x266: {  	s6 =	sand.u32 $0xFFFFF80, s7;
	s14 =	spop (v2sf);
	(v2sf) =	vpush v2, $0xD  }
0x267: {  	s6 =	sadd.s32 s5, s6  }
0x268: {  	[tilespmem:s11], [sflag:$0x3] =	stream.linear.gather [hbm4b:s6+s4], $0x400, $0x38;
	[tilespmem:$0x10C00] =	vst v63  }
0x269: {  	s6 =	sand.u32 $0xFFFFF80, s13  }
0x26a: {  	s6 =	sadd.s32 s5, s6  }
0x26b: {  	[tilespmem:s16], [sflag:$0x4] =	stream.linear.gather [hbm4b:s6+s4], $0x400, $0x38;
	[tilespmem:$0x10C00] =	vst v63  }
0x26c: {  	s6 =	sand.u32 $0xFFFFF80, s14;
	s15 =	spop (v2sf);
	(v2sf) =	vpush v1, $0xD  }
0x26d: {  	s6 =	sadd.s32 s5, s6  }
0x26e: {  	[tilespmem:s17], [sflag:$0x3] =	stream.linear.gather [hbm4b:s6+s4], $0x400, $0x38;
	[tilespmem:$0x10C00] =	vst v63  }
0x26f: {  	s6 =	sand.u32 $0xFFFFF80, s15  }
0x270: {  	s6 =	sadd.s32 s5, s6;
	s7 =	spop (v2sf);
	(v2sf) =	vpush v2, $0xE  }
0x271: {  	[tilespmem:s12], [sflag:$0x4] =	stream.linear.gather [hbm4b:s6+s4], $0x400, $0x38;
	[tilespmem:$0x10C00] =	vst v63  }
0x272: {  	s6 =	sand.u32 $0xFFFFF80, s7;
	s13 =	spop (v2sf);
	(v2sf) =	vpush v1, $0xE  }
0x273: {  	s6 =	sadd.s32 s5, s6  }
0x274: {  	[tilespmem:s20], [sflag:$0x3] =	stream.linear.gather [hbm4b:s6+s4], $0x400, $0x38;
	[tilespmem:$0x10C00] =	vst v63  }
0x275: {  	s14 =	spop (v2sf);
	(v2sf) =	vpush v2, $0xF;
	s6 =	sand.u32 $0xFFFFF80, s13  }
0x276: {  	s6 =	sadd.s32 s5, s6  }
0x277: {  	[tilespmem:s21], [sflag:$0x4] =	stream.linear.gather [hbm4b:s6+s4], $0x400, $0x38;
	[tilespmem:$0x10C00] =	vst v63  }
0x278: {  	s6 =	sand.u32 $0xFFFFF80, s14  }
0x279: {  	s6 =	sadd.s32 s5, s6  }
0x27a: {  	[tilespmem:s22], [sflag:$0x3] =	stream.linear.gather [hbm4b:s6+s4], $0x400, $0x38;
	[tilespmem:$0x10C00] =	vst v63  }
0x27b: {  	s15 =	spop (v2sf);
	(v2sf) =	vpush v1, $0xF  }
0x27c: {  	s6 =	sand.u32 $0xFFFFF80, s15  }
0x27d: {  	s6 =	sadd.s32 s5, s6  }
0x27e: {  	[tilespmem:s25], [sflag:$0x4] =	stream.linear.gather [hbm4b:s6+s4], $0x400, $0x38;
	[tilespmem:$0x10C00] =	vst v63  }
0x27f: {  	s7 =	spop (v2sf)  }
0x280: {  	s6 =	sand.u32 $0xFFFFF80, s7  }
0x281: {  	s13 =	spop (v2sf);
	s6 =	sadd.s32 s5, s6  }
0x282: {  	[tilespmem:s26], [sflag:$0x3] =	stream.linear.gather [hbm4b:s6+s4], $0x400, $0x38;
	[tilespmem:$0x10C00] =	vst v63  }
0x283: {  	s6 =	sand.u32 $0xFFFFF80, s13  }
0x284: {  	s14 =	spop (v2sf);
	s6 =	sadd.s32 s5, s6  }
0x285: {  	[tilespmem:s28], [sflag:$0x4] =	stream.linear.gather [hbm4b:s6+s4], $0x400, $0x38;
	[tilespmem:$0x10C00] =	vst v63  }
0x286: {  	s6 =	sand.u32 $0xFFFFF80, s14  }
0x287: {  	s6 =	sadd.s32 s5, s6  }
0x288: {  	[tilespmem:s29], [sflag:$0x3] =	stream.linear.gather [hbm4b:s6+s4], $0x400, $0x38;
	[tilespmem:$0x10C00] =	vst v63  }
.Ltmp6:
0x289: {  	_ = 	snop;
	(pc) =	sbr.rel .LBB2_2-.Ltmp6, $4  }
0x28a: {  	s15 =	spop (v2sf)  }
0x28b: {  	s6 =	sand.u32 $0xFFFFF80, s15  }
0x28c: {  	s2 =	sadd.s32 $0x1, s2;
	s6 =	sadd.s32 s5, s6  }
0x28d: {  	[tilespmem:s30], [sflag:$0x4] =	stream.linear.gather [hbm4b:s6+s4], $0x400, $0x38;
	[tilespmem:$0x10C00] =	vst v63  }
.LBB2_11:
0x28e: {  	_ =	sfence.sel $0x180000  }
0x28f: {  	[bflag:$0x0] =	sbarrier.arrive $0xFFFF  }
0x290: {  	_ =	strace $0x90000047  }
0x291: {  	s0 =	stileid.u32;
	[bflag:$0x2] =	sbarrier.arrive $0xFFFF  }
0x292: {  	p0 =	sne.s32 s0, $0x0;
	s0 =	rddreg [dreg:$0x7]  }
0x293: {  	s0 =	sadd.s32 @!p0 $0x100000, s0  }
0x294: {  	[sflag:s0] =	ssyncadd.tile.s32 @!p0 $0x1;
	_ =	shalt  }
.Lfunc_end2:
_tile_overlayer_lowered:
.L_overlay_start_2:
0x295: {  	(tag) =	ssettag $0x2  }
0x296: {  	s0 =	rddreg [dreg:$0x0];
	s2 =	stileid.u32  }
0x297: {  	s1 =	rddreg [dreg:$0x1];
	p0 =	sne.s32 s2, $0x0  }
0x298: {  	s3 =	rddreg [dreg:$0x2];
	[bflag:$0x3] =	sbarrier.arrive $0xFFFF;
	s2 =	simm.s32 @!p0 $0x1C07  }
0x299: {  	[timem:s3], [sflag:s2] =	dma.local @!p0 [hbm:s0], s1  }
0x29a: {  	s0 =	simm.s32 @!p0 $0x7  }
0x29b: {  	_ =	swait.ge @!p0 [sflag:s0], s1  }
0x29c: {  	s1 =	ssub.s32 @!p0 $0x0, s1;
	[sflag:s0] =	ssyncset.done @!p0 $0x0  }
0x29d: {  	[sflag:s0] =	ssyncadd.s32 @!p0 s1  }
0x29e: {  	[bflag:$0x3] =	sbarrier.arrive $0xFFFF  }
0x29f: {  	_ =	shalt  }

</sc_bundles>
